<compile_context>
chip_gen: v7x
topology: tpu7x:2x2x1
jax: 0.10.2.dev20260603
libtpu: 0.0.44.dev20260713+nightly
codegen_flags: <defaults>
</compile_context>

<pallas_src>
import functools

import jax
import jax.numpy as jnp
from jax import lax
from jax.experimental import pallas as pl
from jax.experimental.pallas import tpu as pltpu
from jax.experimental.pallas import tpu_sc as plsc

DIM = 128
HALF = 64
L_SIZE = 10000
C_SIZE = 5000
N_EDGES = 320000
N_ITER = 4

L_PAD = 10240
C_PAD = 5120
NC = 2
NS = 16
K = 256
E_PAD = 327680
EPS = E_PAD // NS
CHUNKS = EPS // K
SUPER = 2
NSUP = CHUNKS // SUPER

_f32 = jnp.float32


def _dot(x, w):
    return lax.dot_general(x, w, (((1,), (1,)), ((), ())),
                           preferred_element_type=_f32)



def _pre_body(x_ref, w1_ref, b1_ref, w2_ref, b2_ref, msg_ref):
    x = x_ref[...]
    h = jnp.maximum(_dot(x, w1_ref[...]) + b1_ref[...], 0.0)
    y = _dot(h, w2_ref[...]) + b2_ref[...]
    msg_ref[0] = y[:, :HALF]
    msg_ref[1] = y[:, HALF:]


def _gru_gates(gi, gh, h):
    ir, iz, inn = gi[:, :DIM], gi[:, DIM:2 * DIM], gi[:, 2 * DIM:]
    hr, hz, hn = gh[:, :DIM], gh[:, DIM:2 * DIM], gh[:, 2 * DIM:]
    r = jax.nn.sigmoid(ir + hr)
    z = jax.nn.sigmoid(iz + hz)
    n = jnp.tanh(inn + r * hn)
    return (1.0 - z) * n + z * h


def _gru_c_body(agg_ref, h_ref, wih_ref, whh_ref, bih_ref, bhh_ref, out_ref):
    x = jnp.concatenate([agg_ref[0], agg_ref[1]], axis=1)
    h = h_ref[...]
    gi = _dot(x, wih_ref[...]) + bih_ref[...]
    gh = _dot(h, whh_ref[...]) + bhh_ref[...]
    out_ref[...] = _gru_gates(gi, gh, h)


def _gru_l_body(agg_ref, h_ref, v1_ref, vb1_ref, v2_ref, vb2_ref,
                wih_ref, whh_ref, bih_ref, bhh_ref, out_ref):
    h = h_ref[...]
    xs = h.reshape(-1, 2, DIM)
    xsw = jnp.concatenate([xs[:, 1:2, :], xs[:, 0:1, :]], axis=1)
    xsw = xsw.reshape(h.shape)
    h2 = jnp.maximum(_dot(xsw, v1_ref[...]) + vb1_ref[...], 0.0)
    l2l = _dot(h2, v2_ref[...]) + vb2_ref[...]
    x = jnp.concatenate([agg_ref[0], agg_ref[1], l2l], axis=1)
    gi = _dot(x, wih_ref[...]) + bih_ref[...]
    gh = _dot(h, whh_ref[...]) + bhh_ref[...]
    out_ref[...] = _gru_gates(gi, gh, h)


def _full(shape):
    return pl.BlockSpec(shape, lambda i: tuple(0 for _ in shape))


def _rows(block, width=DIM):
    return pl.BlockSpec((block, width), lambda i: (i, 0))


def _agg_spec(blk):
    return pl.BlockSpec((2, blk, HALF), lambda i: (0, i, 0))


_BLK = 1024


def _pre(x, w1, b1, w2, b2, n_pad, blk):
    return pl.pallas_call(
        _pre_body,
        grid=(n_pad // blk,),
        in_specs=[_rows(blk), _full((DIM, DIM)), _full((1, DIM)),
                  _full((DIM, DIM)), _full((1, DIM))],
        out_specs=_agg_spec(blk),
        out_shape=jax.ShapeDtypeStruct((2, n_pad, HALF), _f32),
    )(x, w1, b1.reshape(1, DIM), w2, b2.reshape(1, DIM))


def _gru_c(agg, h, wih, whh, bih, bhh):
    blk = 2560
    return pl.pallas_call(
        _gru_c_body,
        grid=(C_PAD // blk,),
        in_specs=[_agg_spec(blk), _rows(blk), _full((3 * DIM, DIM)),
                  _full((3 * DIM, DIM)), _full((1, 3 * DIM)),
                  _full((1, 3 * DIM))],
        out_specs=_rows(blk),
        out_shape=jax.ShapeDtypeStruct((C_PAD, DIM), _f32),
    )(agg, h, wih, whh, bih.reshape(1, 3 * DIM), bhh.reshape(1, 3 * DIM))


def _gru_l(agg, h, v1, vb1, v2, vb2, wih, whh, bih, bhh):
    blk = 2560
    return pl.pallas_call(
        _gru_l_body,
        grid=(L_PAD // blk,),
        in_specs=[_agg_spec(blk), _rows(blk),
                  _full((DIM, DIM)), _full((1, DIM)),
                  _full((DIM, DIM)), _full((1, DIM)),
                  _full((3 * DIM, 2 * DIM)), _full((3 * DIM, DIM)),
                  _full((1, 3 * DIM)), _full((1, 3 * DIM))],
        out_specs=_rows(blk),
        out_shape=jax.ShapeDtypeStruct((L_PAD, DIM), _f32),
    )(agg, h, v1, vb1.reshape(1, DIM), v2, vb2.reshape(1, DIM),
      wih, whh, bih.reshape(1, 3 * DIM), bhh.reshape(1, 3 * DIM))



_ZR = 64
_C_STRIPE = C_PAD // NS
_L_STRIPE = L_PAD // NS


def _sc_body(l_idx, c_idx, l_tab, c_tab, out_c, out_l,
             lidx_blk, cidx_blk, lrows_v, crows_v, cacc, lacc,
             semg_a, semg_b, sems_a, sems_b, sem_i):
    cid = lax.axis_index("c")
    sid = lax.axis_index("s")

    zeros16 = jnp.zeros((16,), _f32)

    def _zrow(i, carry):
        for j in range(HALF // 16):
            lrows_v[0, i, pl.ds(j * 16, 16)] = zeros16
        return carry

    lax.fori_loop(0, _ZR, _zrow, 0)
    zsrc = lrows_v.at[0, pl.ds(0, _ZR)]

    def _zc(j, carry):
        base = pl.multiple_of(sid * _C_STRIPE + j * _ZR, _ZR)
        pltpu.sync_copy(zsrc, cacc.at[pl.ds(base, _ZR)])
        return carry

    lax.fori_loop(0, _C_STRIPE // _ZR, _zc, 0)

    def _zl(j, carry):
        base = pl.multiple_of(sid * _L_STRIPE + j * _ZR, _ZR)
        pltpu.sync_copy(zsrc, lacc.at[pl.ds(base, _ZR)])
        return carry

    lax.fori_loop(0, _L_STRIPE // _ZR, _zl, 0)
    plsc.subcore_barrier()

    def _idx_src(sup):
        base = pl.multiple_of(sid * CHUNKS + sup * SUPER, 8)
        return (l_idx.at[pl.ds(base, SUPER)], c_idx.at[pl.ds(base, SUPER)])

    def _fire_g(qq, u, buf, sem):
        pltpu.async_copy(l_tab.at[cid].at[lidx_blk.at[qq, u]],
                         lrows_v.at[buf], sem)
        pltpu.async_copy(c_tab.at[cid].at[cidx_blk.at[qq, u]],
                         crows_v.at[buf], sem)

    def _wait_g(qq, u, buf, sem):
        pltpu.make_async_copy(l_tab.at[cid].at[lidx_blk.at[qq, u]],
                              lrows_v.at[buf], sem).wait()
        pltpu.make_async_copy(c_tab.at[cid].at[cidx_blk.at[qq, u]],
                              crows_v.at[buf], sem).wait()

    def _fire_s(qq, u, buf, sem):
        pltpu.async_copy(lrows_v.at[buf], cacc.at[cidx_blk.at[qq, u]],
                         sem, add=True)
        pltpu.async_copy(crows_v.at[buf], lacc.at[lidx_blk.at[qq, u]],
                         sem, add=True)

    def _wait_s(qq, u, buf, sem):
        pltpu.make_async_copy(lrows_v.at[buf],
                              cacc.at[cidx_blk.at[qq, u]], sem).wait()
        pltpu.make_async_copy(crows_v.at[buf],
                              lacc.at[lidx_blk.at[qq, u]], sem).wait()

    lsrc0, csrc0 = _idx_src(0)
    pltpu.sync_copy(lsrc0, lidx_blk.at[0])
    pltpu.sync_copy(csrc0, cidx_blk.at[0])
    _fire_g(0, 0, 0, semg_a)

    def _sup_body(s, carry):
        q = lax.rem(s, 2)
        nq = 1 - q

        @pl.when(s > 0)
        def _():
            _wait_s(nq, 1, 1, sems_b)

        @pl.when(s < NSUP - 1)
        def _():
            lsrc, csrc = _idx_src(s + 1)
            pltpu.async_copy(lsrc, lidx_blk.at[nq], sem_i)
            pltpu.async_copy(csrc, cidx_blk.at[nq], sem_i)

        _fire_g(q, 1, 1, semg_b)
        _wait_g(q, 0, 0, semg_a)
        _fire_s(q, 0, 0, sems_a)

        _wait_s(q, 0, 0, sems_a)

        @pl.when(s < NSUP - 1)
        def _():
            lsrc, csrc = _idx_src(s + 1)
            pltpu.make_async_copy(lsrc, lidx_blk.at[nq], sem_i).wait()
            pltpu.make_async_copy(csrc, cidx_blk.at[nq], sem_i).wait()
            _fire_g(nq, 0, 0, semg_a)
        _wait_g(q, 1, 1, semg_b)
        _fire_s(q, 1, 1, sems_b)
        return carry

    lax.fori_loop(0, NSUP, _sup_body, 0)
    _wait_s(lax.rem(NSUP - 1, 2), 1, 1, sems_b)
    plsc.subcore_barrier()

    cbase = pl.multiple_of(sid * _C_STRIPE, _C_STRIPE)
    pltpu.sync_copy(cacc.at[pl.ds(cbase, _C_STRIPE)],
                    out_c.at[cid, pl.ds(cbase, _C_STRIPE)])
    lbase = pl.multiple_of(sid * _L_STRIPE, _L_STRIPE)
    pltpu.sync_copy(lacc.at[pl.ds(lbase, _L_STRIPE)],
                    out_l.at[cid, pl.ds(lbase, _L_STRIPE)])


_sc_agg = functools.partial(
    pl.kernel,
    out_type=(jax.ShapeDtypeStruct((NC, C_PAD, HALF), _f32),
              jax.ShapeDtypeStruct((NC, L_PAD, HALF), _f32)),
    mesh=plsc.VectorSubcoreMesh(core_axis_name="c", subcore_axis_name="s"),
    compiler_params=pltpu.CompilerParams(use_tc_tiling_on_sc=False),
    scratch_types=[
        pltpu.VMEM((2, SUPER, K), jnp.int32),
        pltpu.VMEM((2, SUPER, K), jnp.int32),
        pltpu.VMEM((2, K, HALF), _f32),
        pltpu.VMEM((2, K, HALF), _f32),
        pltpu.VMEM_SHARED((C_PAD, HALF), _f32),
        pltpu.VMEM_SHARED((L_PAD, HALF), _f32),
        pltpu.SemaphoreType.DMA,
        pltpu.SemaphoreType.DMA,
        pltpu.SemaphoreType.DMA,
        pltpu.SemaphoreType.DMA,
        pltpu.SemaphoreType.DMA,
    ],
)(_sc_body)



def kernel(l_size, c_size, l_edge_index, c_edge_index, l_emb, c_emb,
           l2c_W1, l2c_b1, l2c_W2, l2c_b2, c2l_W1, c2l_b1, c2l_W2, c2l_b2,
           l2l_W1, l2l_b1, l2l_W2, l2l_b2, cu_Wih, cu_Whh, cu_bih, cu_bhh,
           lu_Wih, lu_Whh, lu_bih, lu_bhh):
    pad_e = E_PAD - N_EDGES
    l_idx = jnp.concatenate(
        [l_edge_index.astype(jnp.int32),
         jnp.full((pad_e,), L_SIZE, jnp.int32)])
    c_idx = jnp.concatenate(
        [c_edge_index.astype(jnp.int32),
         jnp.full((pad_e,), C_SIZE, jnp.int32)])

    l_emb_p = jnp.pad(l_emb, ((0, L_PAD - L_SIZE), (0, 0)))
    c_emb_p = jnp.pad(c_emb, ((0, C_PAD - C_SIZE), (0, 0)))

    l_embs = [l_emb]
    c_embs = [c_emb]
    l_idx2 = l_idx.reshape(E_PAD // K, K)
    c_idx2 = c_idx.reshape(E_PAD // K, K)
    for _ in range(N_ITER):
        l_msg = _pre(l_emb_p, l2c_W1, l2c_b1, l2c_W2, l2c_b2, L_PAD, 2560)
        c_msg = _pre(c_emb_p, c2l_W1, c2l_b1, c2l_W2, c2l_b2, C_PAD, 2560)
        agg_c, agg_l = _sc_agg(l_idx2, c_idx2, l_msg, c_msg)
        c_emb_p = _gru_c(agg_c, c_emb_p, cu_Wih, cu_Whh, cu_bih, cu_bhh)
        l_emb_p = _gru_l(agg_l, l_emb_p, l2l_W1, l2l_b1, l2l_W2, l2l_b2,
                         lu_Wih, lu_Whh, lu_bih, lu_bhh)
        l_embs.append(l_emb_p[:L_SIZE])
        c_embs.append(c_emb_p[:C_SIZE])

    return (jnp.stack(l_embs), jnp.stack(c_embs))

# --- scband reference (transcript-rebuilt; emitter-appended) ---
"""Pipeline reference for scband-ggnn-lcg-84370337563244 (READ-ONLY COPY).

The authoritative reference and input builder live on the scoring server;
editing this copy changes nothing except your own understanding.
"""

import jax, jax.numpy as jnp
import numpy as np

DIM = 128
L_SIZE = 10000
C_SIZE = 5000
N_EDGES = 320000
N_ITER = 4

def _mlp(x, W1, b1, W2, b2):
    return jax.nn.relu(x @ W1.T + b1) @ W2.T + b2

def _gru(x, h, Wih, Whh, bih, bhh):
    gi = x @ Wih.T + bih
    gh = h @ Whh.T + bhh
    ir, iz, inn = jnp.split(gi, 3, axis=1)
    hr, hz, hn = jnp.split(gh, 3, axis=1)
    r = jax.nn.sigmoid(ir + hr)
    z = jax.nn.sigmoid(iz + hz)
    n = jnp.tanh(inn + r * hn)
    return (1.0 - z) * n + z * h

def setup_inputs(seed: int = 0):
    key = jax.random.key(seed)
    ks = jax.random.split(key, 30)
    s = 1.0 / np.sqrt(DIM)
    inp = {}
    inp['l_size'] = L_SIZE
    inp['c_size'] = C_SIZE
    inp['l_edge_index'] = jax.random.randint(ks[0], (N_EDGES,), 0, L_SIZE)
    inp['c_edge_index'] = jax.random.randint(ks[1], (N_EDGES,), 0, C_SIZE)
    inp['l_emb'] = jax.random.normal(ks[2], (L_SIZE, DIM), dtype=jnp.float32)
    inp['c_emb'] = jax.random.normal(ks[3], (C_SIZE, DIM), dtype=jnp.float32)
    i = 4
    for name in ['l2c', 'c2l', 'l2l']:
        inp[name + '_W1'] = jax.random.normal(ks[i], (DIM, DIM), dtype=jnp.float32) * s; i += 1
        inp[name + '_b1'] = jnp.zeros((DIM,), dtype=jnp.float32)
        inp[name + '_W2'] = jax.random.normal(ks[i], (DIM, DIM), dtype=jnp.float32) * s; i += 1
        inp[name + '_b2'] = jnp.zeros((DIM,), dtype=jnp.float32)
    inp['cu_Wih'] = jax.random.normal(ks[i], (3 * DIM, DIM), dtype=jnp.float32) * s; i += 1
    inp['cu_Whh'] = jax.random.normal(ks[i], (3 * DIM, DIM), dtype=jnp.float32) * s; i += 1
    inp['cu_bih'] = jnp.zeros((3 * DIM,), dtype=jnp.float32)
    inp['cu_bhh'] = jnp.zeros((3 * DIM,), dtype=jnp.float32)
    inp['lu_Wih'] = jax.random.normal(ks[i], (3 * DIM, 2 * DIM), dtype=jnp.float32) * s; i += 1
    inp['lu_Whh'] = jax.random.normal(ks[i], (3 * DIM, DIM), dtype=jnp.float32) * s; i += 1
    inp['lu_bih'] = jnp.zeros((3 * DIM,), dtype=jnp.float32)
    inp['lu_bhh'] = jnp.zeros((3 * DIM,), dtype=jnp.float32)
    return inp

def reference(l_size, c_size, l_edge_index, c_edge_index, l_emb, c_emb, l2c_W1, l2c_b1, l2c_W2, l2c_b2, c2l_W1, c2l_b1, c2l_W2, c2l_b2, l2l_W1, l2l_b1, l2l_W2, l2l_b2, cu_Wih, cu_Whh, cu_bih, cu_bhh, lu_Wih, lu_Whh, lu_bih, lu_bhh):
    L = l_emb.shape[0]
    C = c_emb.shape[0]
    l_emb = l_emb + (0 * jnp.asarray(l_size)).astype(l_emb.dtype)
    c_emb = c_emb + (0 * jnp.asarray(c_size)).astype(c_emb.dtype)
    l_embs = [l_emb]
    c_embs = [c_emb]
    for _ in range(N_ITER):
        l_msg_feat = _mlp(l_emb, l2c_W1, l2c_b1, l2c_W2, l2c_b2)
        l2c_msg = l_msg_feat[l_edge_index]
        c_msg_feat = _mlp(c_emb, c2l_W1, c2l_b1, c2l_W2, c2l_b2)
        c2l_msg = c_msg_feat[c_edge_index]
        half = l_emb.reshape(L // 2, -1)
        pl_emb, ul_emb = jnp.split(half, 2, axis=1)
        l2l_msg_feat = jnp.concatenate([ul_emb, pl_emb], axis=1).reshape(L, -1)
        l2l_msg = _mlp(l2l_msg_feat, l2l_W1, l2l_b1, l2l_W2, l2l_b2)
        l2c_aggr = jax.ops.segment_sum(l2c_msg, c_edge_index, num_segments=C)
        c_emb = _gru(l2c_aggr, c_emb, cu_Wih, cu_Whh, cu_bih, cu_bhh)
        c_embs.append(c_emb)
        c2l_aggr = jax.ops.segment_sum(c2l_msg, l_edge_index, num_segments=L)
        l_emb = _gru(jnp.concatenate([c2l_aggr, l2l_msg], axis=1), l_emb, lu_Wih, lu_Whh, lu_bih, lu_bhh)
        l_embs.append(l_emb)
    return (jnp.stack(l_embs), jnp.stack(c_embs))

if __name__ == "__main__":
    import jax
    _d = setup_inputs()
    print(jax.jit(kernel)(*tuple(_d.values())))

</pallas_src>

<mosaic_0001>
#map = affine_map<(d0, d1) -> (0, 0)>
#map1 = affine_map<(d0, d1) -> (0, 0, 0)>
module attributes {stable_mosaic.version = 14 : i64} {
  func.func @_sc_body(%arg0: i32, %arg1: i32, %arg2: memref<1280x256xi32, #tpu.memory_space<hbm>>, %arg3: memref<1280x256xi32, #tpu.memory_space<hbm>>, %arg4: memref<2x10240x64xf32, #tpu.memory_space<hbm>>, %arg5: memref<2x5120x64xf32, #tpu.memory_space<hbm>>, %arg6: memref<2x5120x64xf32, #tpu.memory_space<hbm>>, %arg7: memref<2x10240x64xf32, #tpu.memory_space<hbm>>, %arg8: memref<2x2x256xi32, #tpu.memory_space<vmem>>, %arg9: memref<2x2x256xi32, #tpu.memory_space<vmem>>, %arg10: memref<2x256x64xf32, #tpu.memory_space<vmem>>, %arg11: memref<2x256x64xf32, #tpu.memory_space<vmem>>, %arg12: memref<5120x64xf32, #tpu.memory_space<vmem_shared>>, %arg13: memref<10240x64xf32, #tpu.memory_space<vmem_shared>>, %arg14: memref<!tpu.dma_semaphore, #tpu.memory_space<semaphore_mem>>, %arg15: memref<!tpu.dma_semaphore, #tpu.memory_space<semaphore_mem>>, %arg16: memref<!tpu.dma_semaphore, #tpu.memory_space<semaphore_mem>>, %arg17: memref<!tpu.dma_semaphore, #tpu.memory_space<semaphore_mem>>, %arg18: memref<!tpu.dma_semaphore, #tpu.memory_space<semaphore_mem>>) attributes {dimension_semantics = [#tpu.dimension_semantics<core_parallel>, #tpu.dimension_semantics<subcore_parallel>], iteration_bounds = array<i64: 2, 16>, scalar_prefetch = 0 : i64, scratch_operands = 11 : i64, tpu.core_type = #tpu.core_type<sc_vector_subcore>, window_params = [{transform_indices = #map}, {transform_indices = #map}, {transform_indices = #map1}, {transform_indices = #map1}, {transform_indices = #map1}, {transform_indices = #map1}]} {
    %broadcast_in_dim3A = arith.constant 0.000000e+00 : f32
    %broadcast_in_dim3A_0 = vector.broadcast %broadcast_in_dim3A : f32 to vector<16xf32>
    %scan3A = arith.constant 0 : i32
    %scan3A_1 = arith.constant 0 : i32
    %scan3A_2 = arith.constant 64 : i32
    %scan3A_3 = arith.addi %scan3A_1, %scan3A_2 : i32
    %scan3A_4 = arith.constant 1 : i32
    scf.for %scan3A_94 = %scan3A_1 to %scan3A_3 step %scan3A_4  : i32 {
      %swap3A = arith.constant 0 : i32
      %swap3A_95 = arith.index_cast %swap3A : i32 to index
      %swap3A_96 = arith.index_cast %scan3A_94 : i32 to index
      %swap3A_97 = arith.constant 0 : index
      %swap3A_98 = tpu.vector_load %arg10[%swap3A_95, %swap3A_96, %swap3A_97] {strides = array<i32>} : memref<2x256x64xf32, #tpu.memory_space<vmem>>, vector<1x1x16xf32>,
      %swap3A_99 = vector.shape_cast %swap3A_98 : vector<1x1x16xf32> to vector<16xf32>
      %swap3A_100 = vector.shape_cast %broadcast_in_dim3A_0 : vector<16xf32> to vector<1x1x16xf32>
      tpu.vector_store %arg10[%swap3A_95, %swap3A_96, %swap3A_97], %swap3A_100 {strides = array<i32>} : memref<2x256x64xf32, #tpu.memory_space<vmem>>, vector<1x1x16xf32>,
      %swap3A_101 = arith.constant 0 : i32
      %swap3A_102 = arith.index_cast %swap3A_101 : i32 to index
      %swap3A_103 = arith.index_cast %scan3A_94 : i32 to index
      %swap3A_104 = arith.constant 16 : index
      %swap3A_105 = tpu.vector_load %arg10[%swap3A_102, %swap3A_103, %swap3A_104] {strides = array<i32>} : memref<2x256x64xf32, #tpu.memory_space<vmem>>, vector<1x1x16xf32>,
      %swap3A_106 = vector.shape_cast %swap3A_105 : vector<1x1x16xf32> to vector<16xf32>
      %swap3A_107 = vector.shape_cast %broadcast_in_dim3A_0 : vector<16xf32> to vector<1x1x16xf32>
      tpu.vector_store %arg10[%swap3A_102, %swap3A_103, %swap3A_104], %swap3A_107 {strides = array<i32>} : memref<2x256x64xf32, #tpu.memory_space<vmem>>, vector<1x1x16xf32>,
      %swap3A_108 = arith.constant 0 : i32
      %swap3A_109 = arith.index_cast %swap3A_108 : i32 to index
      %swap3A_110 = arith.index_cast %scan3A_94 : i32 to index
      %swap3A_111 = arith.constant 32 : index
      %swap3A_112 = tpu.vector_load %arg10[%swap3A_109, %swap3A_110, %swap3A_111] {strides = array<i32>} : memref<2x256x64xf32, #tpu.memory_space<vmem>>, vector<1x1x16xf32>,
      %swap3A_113 = vector.shape_cast %swap3A_112 : vector<1x1x16xf32> to vector<16xf32>
      %swap3A_114 = vector.shape_cast %broadcast_in_dim3A_0 : vector<16xf32> to vector<1x1x16xf32>
      tpu.vector_store %arg10[%swap3A_109, %swap3A_110, %swap3A_111], %swap3A_114 {strides = array<i32>} : memref<2x256x64xf32, #tpu.memory_space<vmem>>, vector<1x1x16xf32>,
      %swap3A_115 = arith.constant 0 : i32
      %swap3A_116 = arith.index_cast %swap3A_115 : i32 to index
      %swap3A_117 = arith.index_cast %scan3A_94 : i32 to index
      %swap3A_118 = arith.constant 48 : index
      %swap3A_119 = tpu.vector_load %arg10[%swap3A_116, %swap3A_117, %swap3A_118] {strides = array<i32>} : memref<2x256x64xf32, #tpu.memory_space<vmem>>, vector<1x1x16xf32>,
      %swap3A_120 = vector.shape_cast %swap3A_119 : vector<1x1x16xf32> to vector<16xf32>
      %swap3A_121 = vector.shape_cast %broadcast_in_dim3A_0 : vector<16xf32> to vector<1x1x16xf32>
      tpu.vector_store %arg10[%swap3A_116, %swap3A_117, %swap3A_118], %swap3A_121 {strides = array<i32>} : memref<2x256x64xf32, #tpu.memory_space<vmem>>, vector<1x1x16xf32>,
    }
    %scan3A_5 = arith.constant 64 : i32
    %scan3A_6 = arith.constant 0 : i32
    %scan3A_7 = arith.constant 0 : i32
    %scan3A_8 = arith.constant 0 : i32
    %scan3A_9 = arith.constant 5 : i32
    %scan3A_10 = arith.addi %scan3A_8, %scan3A_9 : i32
    %scan3A_11 = arith.constant 1 : i32
    scf.for %scan3A_94 = %scan3A_8 to %scan3A_10 step %scan3A_11  : i32 {
      %mul3A_95 = arith.constant 320 : i32
      %mul3A_96 = arith.muli %arg1, %mul3A_95 : i32
      %mul3A_97 = arith.constant 64 : i32
      %mul3A_98 = arith.muli %scan3A_94, %mul3A_97 : i32
      %add3A_99 = arith.addi %mul3A_96, %mul3A_98 : i32
      %multiple_of3A_100 = tpu.assume_multiple %add3A_99, 64 : i32
      "tpu.region"() ({
        %run_scoped3A_101 = tpu.sem_alloc : memref<!tpu.dma_semaphore, #tpu.memory_space<semaphore_mem>>
        %dma_start3A_102 = arith.constant 0 : i32
        %dma_start3A_103 = arith.constant 0 : i32
        %dma_start3A_104 = tpu.memref_slice %arg10[%scan3A_7, %dma_start3A_102, %dma_start3A_103] : memref<2x256x64xf32, #tpu.memory_space<vmem>> -> memref<1x64x64xf32, #tpu.memory_space<vmem>>
        %dma_start3A_105 = tpu.memref_squeeze %dma_start3A_104 : memref<1x64x64xf32, #tpu.memory_space<vmem>> -> memref<64x64xf32, #tpu.memory_space<vmem>>
        %dma_start3A_106 = arith.constant 0 : i32
        %dma_start3A_107 = tpu.memref_slice %arg12[%multiple_of3A_100, %dma_start3A_106] : memref<5120x64xf32, #tpu.memory_space<vmem_shared>> -> memref<64x64xf32, #tpu.memory_space<vmem_shared>>
        %dma_start3A_108 = arith.constant 0 : i32
        %dma_start3A_109 = tpu.memref_slice %arg12[%multiple_of3A_100, %dma_start3A_108] : memref<5120x64xf32, #tpu.memory_space<vmem_shared>> -> memref<64x64xf32, #tpu.memory_space<vmem_shared>>
        %dma_start3A_110 = arith.constant 0 : i32
        %dma_start3A_111 = arith.constant 0 : i32
        %dma_start3A_112 = tpu.memref_slice %arg10[%scan3A_7, %dma_start3A_110, %dma_start3A_111] : memref<2x256x64xf32, #tpu.memory_space<vmem>> -> memref<1x64x64xf32, #tpu.memory_space<vmem>>
        %dma_start3A_113 = tpu.memref_squeeze %dma_start3A_112 : memref<1x64x64xf32, #tpu.memory_space<vmem>> -> memref<64x64xf32, #tpu.memory_space<vmem>>
        tpu.enqueue_dma source(%dma_start3A_113 : memref<64x64xf32, #tpu.memory_space<vmem>>) target(%dma_start3A_109 : memref<64x64xf32, #tpu.memory_space<vmem_shared>>) target_semaphore(%run_scoped3A_101 : memref<!tpu.dma_semaphore, #tpu.memory_space<semaphore_mem>>)
        %dma_wait3A_114 = arith.constant 0 : i32
        %dma_wait3A_115 = arith.constant 0 : i32
        %dma_wait3A_116 = tpu.memref_slice %arg10[%scan3A_7, %dma_wait3A_114, %dma_wait3A_115] : memref<2x256x64xf32, #tpu.memory_space<vmem>> -> memref<1x64x64xf32, #tpu.memory_space<vmem>>
        %dma_wait3A_117 = tpu.memref_squeeze %dma_wait3A_116 : memref<1x64x64xf32, #tpu.memory_space<vmem>> -> memref<64x64xf32, #tpu.memory_space<vmem>>
        %dma_wait3A_118 = arith.constant 0 : i32
        %dma_wait3A_119 = tpu.memref_slice %arg12[%multiple_of3A_100, %dma_wait3A_118] : memref<5120x64xf32, #tpu.memory_space<vmem_shared>> -> memref<64x64xf32, #tpu.memory_space<vmem_shared>>
        %dma_wait3A_120 = arith.constant 0 : i32
        %dma_wait3A_121 = tpu.memref_slice %arg12[%multiple_of3A_100, %dma_wait3A_120] : memref<5120x64xf32, #tpu.memory_space<vmem_shared>> -> memref<64x64xf32, #tpu.memory_space<vmem_shared>>
        %dma_wait3A_122 = arith.constant 0 : i32
        %dma_wait3A_123 = arith.constant 0 : i32
        %dma_wait3A_124 = tpu.memref_slice %arg10[%scan3A_7, %dma_wait3A_122, %dma_wait3A_123] : memref<2x256x64xf32, #tpu.memory_space<vmem>> -> memref<1x64x64xf32, #tpu.memory_space<vmem>>
        %dma_wait3A_125 = tpu.memref_squeeze %dma_wait3A_124 : memref<1x64x64xf32, #tpu.memory_space<vmem>> -> memref<64x64xf32, #tpu.memory_space<vmem>>
        tpu.wait_dma2 semaphore(%run_scoped3A_101 : memref<!tpu.dma_semaphore, #tpu.memory_space<semaphore_mem>>) src(%dma_wait3A_125 : memref<64x64xf32, #tpu.memory_space<vmem>>) dst(%dma_wait3A_121 : memref<64x64xf32, #tpu.memory_space<vmem_shared>>)
        tpu.yield
      }) : () -> ()
    }
    %scan3A_12 = arith.constant 5 : i32
    %scan3A_13 = arith.constant 0 : i32
    %scan3A_14 = arith.constant 0 : i32
    %scan3A_15 = arith.constant 0 : i32
    %scan3A_16 = arith.constant 10 : i32
    %scan3A_17 = arith.addi %scan3A_15, %scan3A_16 : i32
    %scan3A_18 = arith.constant 1 : i32
    scf.for %scan3A_94 = %scan3A_15 to %scan3A_17 step %scan3A_18  : i32 {
      %mul3A_95 = arith.constant 640 : i32
      %mul3A_96 = arith.muli %arg1, %mul3A_95 : i32
      %mul3A_97 = arith.constant 64 : i32
      %mul3A_98 = arith.muli %scan3A_94, %mul3A_97 : i32
      %add3A_99 = arith.addi %mul3A_96, %mul3A_98 : i32
      %multiple_of3A_100 = tpu.assume_multiple %add3A_99, 64 : i32
      "tpu.region"() ({
        %run_scoped3A_101 = tpu.sem_alloc : memref<!tpu.dma_semaphore, #tpu.memory_space<semaphore_mem>>
        %dma_start3A_102 = arith.constant 0 : i32
        %dma_start3A_103 = arith.constant 0 : i32
        %dma_start3A_104 = tpu.memref_slice %arg10[%scan3A_14, %dma_start3A_102, %dma_start3A_103] : memref<2x256x64xf32, #tpu.memory_space<vmem>> -> memref<1x64x64xf32, #tpu.memory_space<vmem>>
        %dma_start3A_105 = tpu.memref_squeeze %dma_start3A_104 : memref<1x64x64xf32, #tpu.memory_space<vmem>> -> memref<64x64xf32, #tpu.memory_space<vmem>>
        %dma_start3A_106 = arith.constant 0 : i32
        %dma_start3A_107 = tpu.memref_slice %arg13[%multiple_of3A_100, %dma_start3A_106] : memref<10240x64xf32, #tpu.memory_space<vmem_shared>> -> memref<64x64xf32, #tpu.memory_space<vmem_shared>>
        %dma_start3A_108 = arith.constant 0 : i32
        %dma_start3A_109 = tpu.memref_slice %arg13[%multiple_of3A_100, %dma_start3A_108] : memref<10240x64xf32, #tpu.memory_space<vmem_shared>> -> memref<64x64xf32, #tpu.memory_space<vmem_shared>>
        %dma_start3A_110 = arith.constant 0 : i32
        %dma_start3A_111 = arith.constant 0 : i32
        %dma_start3A_112 = tpu.memref_slice %arg10[%scan3A_14, %dma_start3A_110, %dma_start3A_111] : memref<2x256x64xf32, #tpu.memory_space<vmem>> -> memref<1x64x64xf32, #tpu.memory_space<vmem>>
        %dma_start3A_113 = tpu.memref_squeeze %dma_start3A_112 : memref<1x64x64xf32, #tpu.memory_space<vmem>> -> memref<64x64xf32, #tpu.memory_space<vmem>>
        tpu.enqueue_dma source(%dma_start3A_113 : memref<64x64xf32, #tpu.memory_space<vmem>>) target(%dma_start3A_109 : memref<64x64xf32, #tpu.memory_space<vmem_shared>>) target_semaphore(%run_scoped3A_101 : memref<!tpu.dma_semaphore, #tpu.memory_space<semaphore_mem>>)
        %dma_wait3A_114 = arith.constant 0 : i32
        %dma_wait3A_115 = arith.constant 0 : i32
        %dma_wait3A_116 = tpu.memref_slice %arg10[%scan3A_14, %dma_wait3A_114, %dma_wait3A_115] : memref<2x256x64xf32, #tpu.memory_space<vmem>> -> memref<1x64x64xf32, #tpu.memory_space<vmem>>
        %dma_wait3A_117 = tpu.memref_squeeze %dma_wait3A_116 : memref<1x64x64xf32, #tpu.memory_space<vmem>> -> memref<64x64xf32, #tpu.memory_space<vmem>>
        %dma_wait3A_118 = arith.constant 0 : i32
        %dma_wait3A_119 = tpu.memref_slice %arg13[%multiple_of3A_100, %dma_wait3A_118] : memref<10240x64xf32, #tpu.memory_space<vmem_shared>> -> memref<64x64xf32, #tpu.memory_space<vmem_shared>>
        %dma_wait3A_120 = arith.constant 0 : i32
        %dma_wait3A_121 = tpu.memref_slice %arg13[%multiple_of3A_100, %dma_wait3A_120] : memref<10240x64xf32, #tpu.memory_space<vmem_shared>> -> memref<64x64xf32, #tpu.memory_space<vmem_shared>>
        %dma_wait3A_122 = arith.constant 0 : i32
        %dma_wait3A_123 = arith.constant 0 : i32
        %dma_wait3A_124 = tpu.memref_slice %arg10[%scan3A_14, %dma_wait3A_122, %dma_wait3A_123] : memref<2x256x64xf32, #tpu.memory_space<vmem>> -> memref<1x64x64xf32, #tpu.memory_space<vmem>>
        %dma_wait3A_125 = tpu.memref_squeeze %dma_wait3A_124 : memref<1x64x64xf32, #tpu.memory_space<vmem>> -> memref<64x64xf32, #tpu.memory_space<vmem>>
        tpu.wait_dma2 semaphore(%run_scoped3A_101 : memref<!tpu.dma_semaphore, #tpu.memory_space<semaphore_mem>>) src(%dma_wait3A_125 : memref<64x64xf32, #tpu.memory_space<vmem>>) dst(%dma_wait3A_121 : memref<64x64xf32, #tpu.memory_space<vmem_shared>>)
        tpu.yield
      }) : () -> ()
    }
    %scan3A_19 = arith.constant 10 : i32
    %barrier3A = arith.constant 0 : index
    tpu.barrier barrier_id(%barrier3A)
    %mul3A = arith.constant 80 : i32
    %mul3A_20 = arith.muli %arg1, %mul3A : i32
    %add3A = arith.constant 0 : i32
    %add3A_21 = arith.addi %mul3A_20, %add3A : i32
    %multiple_of3A = tpu.assume_multiple %add3A_21, 8 : i32
    %run_scoped3A = arith.constant 0 : i32
    "tpu.region"() ({
      %run_scoped3A_94 = tpu.sem_alloc : memref<!tpu.dma_semaphore, #tpu.memory_space<semaphore_mem>>
      %dma_start3A_95 = arith.constant 0 : i32
      %dma_start3A_96 = arith.constant 0 : i32
      %dma_start3A_97 = tpu.memref_slice %arg8[%run_scoped3A, %dma_start3A_95, %dma_start3A_96] : memref<2x2x256xi32, #tpu.memory_space<vmem>> -> memref<1x2x256xi32, #tpu.memory_space<vmem>>
      %dma_start3A_98 = tpu.memref_squeeze %dma_start3A_97 : memref<1x2x256xi32, #tpu.memory_space<vmem>> -> memref<2x256xi32, #tpu.memory_space<vmem>>
      %dma_start3A_99 = arith.constant 0 : i32
      %dma_start3A_100 = tpu.memref_slice %arg2[%multiple_of3A, %dma_start3A_99] : memref<1280x256xi32, #tpu.memory_space<hbm>> -> memref<2x256xi32, #tpu.memory_space<hbm>>
      %dma_start3A_101 = arith.constant 0 : i32
      %dma_start3A_102 = arith.constant 0 : i32
      %dma_start3A_103 = tpu.memref_slice %arg8[%run_scoped3A, %dma_start3A_101, %dma_start3A_102] : memref<2x2x256xi32, #tpu.memory_space<vmem>> -> memref<1x2x256xi32, #tpu.memory_space<vmem>>
      %dma_start3A_104 = tpu.memref_squeeze %dma_start3A_103 : memref<1x2x256xi32, #tpu.memory_space<vmem>> -> memref<2x256xi32, #tpu.memory_space<vmem>>
      %dma_start3A_105 = arith.constant 0 : i32
      %dma_start3A_106 = tpu.memref_slice %arg2[%multiple_of3A, %dma_start3A_105] : memref<1280x256xi32, #tpu.memory_space<hbm>> -> memref<2x256xi32, #tpu.memory_space<hbm>>
      tpu.enqueue_dma source(%dma_start3A_106 : memref<2x256xi32, #tpu.memory_space<hbm>>) target(%dma_start3A_104 : memref<2x256xi32, #tpu.memory_space<vmem>>) target_semaphore(%run_scoped3A_94 : memref<!tpu.dma_semaphore, #tpu.memory_space<semaphore_mem>>)
      %dma_wait3A_107 = arith.constant 0 : i32
      %dma_wait3A_108 = arith.constant 0 : i32
      %dma_wait3A_109 = tpu.memref_slice %arg8[%run_scoped3A, %dma_wait3A_107, %dma_wait3A_108] : memref<2x2x256xi32, #tpu.memory_space<vmem>> -> memref<1x2x256xi32, #tpu.memory_space<vmem>>
      %dma_wait3A_110 = tpu.memref_squeeze %dma_wait3A_109 : memref<1x2x256xi32, #tpu.memory_space<vmem>> -> memref<2x256xi32, #tpu.memory_space<vmem>>
      %dma_wait3A_111 = arith.constant 0 : i32
      %dma_wait3A_112 = tpu.memref_slice %arg2[%multiple_of3A, %dma_wait3A_111] : memref<1280x256xi32, #tpu.memory_space<hbm>> -> memref<2x256xi32, #tpu.memory_space<hbm>>
      %dma_wait3A_113 = arith.constant 0 : i32
      %dma_wait3A_114 = arith.constant 0 : i32
      %dma_wait3A_115 = tpu.memref_slice %arg8[%run_scoped3A, %dma_wait3A_113, %dma_wait3A_114] : memref<2x2x256xi32, #tpu.memory_space<vmem>> -> memref<1x2x256xi32, #tpu.memory_space<vmem>>
      %dma_wait3A_116 = tpu.memref_squeeze %dma_wait3A_115 : memref<1x2x256xi32, #tpu.memory_space<vmem>> -> memref<2x256xi32, #tpu.memory_space<vmem>>
      %dma_wait3A_117 = arith.constant 0 : i32
      %dma_wait3A_118 = tpu.memref_slice %arg2[%multiple_of3A, %dma_wait3A_117] : memref<1280x256xi32, #tpu.memory_space<hbm>> -> memref<2x256xi32, #tpu.memory_space<hbm>>
      tpu.wait_dma2 semaphore(%run_scoped3A_94 : memref<!tpu.dma_semaphore, #tpu.memory_space<semaphore_mem>>) src(%dma_wait3A_118 : memref<2x256xi32, #tpu.memory_space<hbm>>) dst(%dma_wait3A_116 : memref<2x256xi32, #tpu.memory_space<vmem>>)
      tpu.yield
    }) : () -> ()
    %run_scoped3A_22 = arith.constant 0 : i32
    "tpu.region"() ({
      %run_scoped3A_94 = tpu.sem_alloc : memref<!tpu.dma_semaphore, #tpu.memory_space<semaphore_mem>>
      %dma_start3A_95 = arith.constant 0 : i32
      %dma_start3A_96 = arith.constant 0 : i32
      %dma_start3A_97 = tpu.memref_slice %arg9[%run_scoped3A_22, %dma_start3A_95, %dma_start3A_96] : memref<2x2x256xi32, #tpu.memory_space<vmem>> -> memref<1x2x256xi32, #tpu.memory_space<vmem>>
      %dma_start3A_98 = tpu.memref_squeeze %dma_start3A_97 : memref<1x2x256xi32, #tpu.memory_space<vmem>> -> memref<2x256xi32, #tpu.memory_space<vmem>>
      %dma_start3A_99 = arith.constant 0 : i32
      %dma_start3A_100 = tpu.memref_slice %arg3[%multiple_of3A, %dma_start3A_99] : memref<1280x256xi32, #tpu.memory_space<hbm>> -> memref<2x256xi32, #tpu.memory_space<hbm>>
      %dma_start3A_101 = arith.constant 0 : i32
      %dma_start3A_102 = arith.constant 0 : i32
      %dma_start3A_103 = tpu.memref_slice %arg9[%run_scoped3A_22, %dma_start3A_101, %dma_start3A_102] : memref<2x2x256xi32, #tpu.memory_space<vmem>> -> memref<1x2x256xi32, #tpu.memory_space<vmem>>
      %dma_start3A_104 = tpu.memref_squeeze %dma_start3A_103 : memref<1x2x256xi32, #tpu.memory_space<vmem>> -> memref<2x256xi32, #tpu.memory_space<vmem>>
      %dma_start3A_105 = arith.constant 0 : i32
      %dma_start3A_106 = tpu.memref_slice %arg3[%multiple_of3A, %dma_start3A_105] : memref<1280x256xi32, #tpu.memory_space<hbm>> -> memref<2x256xi32, #tpu.memory_space<hbm>>
      tpu.enqueue_dma source(%dma_start3A_106 : memref<2x256xi32, #tpu.memory_space<hbm>>) target(%dma_start3A_104 : memref<2x256xi32, #tpu.memory_space<vmem>>) target_semaphore(%run_scoped3A_94 : memref<!tpu.dma_semaphore, #tpu.memory_space<semaphore_mem>>)
      %dma_wait3A_107 = arith.constant 0 : i32
      %dma_wait3A_108 = arith.constant 0 : i32
      %dma_wait3A_109 = tpu.memref_slice %arg9[%run_scoped3A_22, %dma_wait3A_107, %dma_wait3A_108] : memref<2x2x256xi32, #tpu.memory_space<vmem>> -> memref<1x2x256xi32, #tpu.memory_space<vmem>>
      %dma_wait3A_110 = tpu.memref_squeeze %dma_wait3A_109 : memref<1x2x256xi32, #tpu.memory_space<vmem>> -> memref<2x256xi32, #tpu.memory_space<vmem>>
      %dma_wait3A_111 = arith.constant 0 : i32
      %dma_wait3A_112 = tpu.memref_slice %arg3[%multiple_of3A, %dma_wait3A_111] : memref<1280x256xi32, #tpu.memory_space<hbm>> -> memref<2x256xi32, #tpu.memory_space<hbm>>
      %dma_wait3A_113 = arith.constant 0 : i32
      %dma_wait3A_114 = arith.constant 0 : i32
      %dma_wait3A_115 = tpu.memref_slice %arg9[%run_scoped3A_22, %dma_wait3A_113, %dma_wait3A_114] : memref<2x2x256xi32, #tpu.memory_space<vmem>> -> memref<1x2x256xi32, #tpu.memory_space<vmem>>
      %dma_wait3A_116 = tpu.memref_squeeze %dma_wait3A_115 : memref<1x2x256xi32, #tpu.memory_space<vmem>> -> memref<2x256xi32, #tpu.memory_space<vmem>>
      %dma_wait3A_117 = arith.constant 0 : i32
      %dma_wait3A_118 = tpu.memref_slice %arg3[%multiple_of3A, %dma_wait3A_117] : memref<1280x256xi32, #tpu.memory_space<hbm>> -> memref<2x256xi32, #tpu.memory_space<hbm>>
      tpu.wait_dma2 semaphore(%run_scoped3A_94 : memref<!tpu.dma_semaphore, #tpu.memory_space<semaphore_mem>>) src(%dma_wait3A_118 : memref<2x256xi32, #tpu.memory_space<hbm>>) dst(%dma_wait3A_116 : memref<2x256xi32, #tpu.memory_space<vmem>>)
      tpu.yield
    }) : () -> ()
    %dma_start3A = arith.constant 0 : i32
    %dma_start3A_23 = arith.constant 0 : i32
    %dma_start3A_24 = arith.constant 0 : i32
    %dma_start3A_25 = arith.constant 0 : i32
    %dma_start3A_26 = arith.constant 0 : i32
    %dma_start3A_27 = tpu.memref_slice %arg10[%dma_start3A_24, %dma_start3A_25, %dma_start3A_26] : memref<2x256x64xf32, #tpu.memory_space<vmem>> -> memref<1x256x64xf32, #tpu.memory_space<vmem>>
    %dma_start3A_28 = tpu.memref_squeeze %dma_start3A_27 : memref<1x256x64xf32, #tpu.memory_space<vmem>> -> memref<256x64xf32, #tpu.memory_space<vmem>>
    %dma_start3A_29 = arith.constant 0 : i32
    %dma_start3A_30 = tpu.memref_slice %arg8[%dma_start3A, %dma_start3A_23, %dma_start3A_29] : memref<2x2x256xi32, #tpu.memory_space<vmem>> -> memref<1x1x256xi32, #tpu.memory_space<vmem>>
    %dma_start3A_31 = tpu.memref_squeeze %dma_start3A_30 : memref<1x1x256xi32, #tpu.memory_space<vmem>> -> memref<256xi32, #tpu.memory_space<vmem>>
    %dma_start3A_32 = arith.constant 0 : i32
    %dma_start3A_33 = arith.constant 0 : i32
    %dma_start3A_34 = tpu.memref_slice %arg4[%arg0, %dma_start3A_32, %dma_start3A_33] : memref<2x10240x64xf32, #tpu.memory_space<hbm>> -> memref<1x10240x64xf32, #tpu.memory_space<hbm>>
    %dma_start3A_35 = tpu.memref_squeeze %dma_start3A_34 : memref<1x10240x64xf32, #tpu.memory_space<hbm>> -> memref<10240x64xf32, #tpu.memory_space<hbm>>
    %dma_start3A_36 = arith.constant 0 : i32
    %dma_start3A_37 = arith.constant 0 : i32
    %dma_start3A_38 = tpu.memref_slice %dma_start3A_35[%dma_start3A_36, %dma_start3A_37] : memref<10240x64xf32, #tpu.memory_space<hbm>> -> memref<10240x64xf32, #tpu.memory_space<hbm>>
    tpu.enqueue_indirect_dma source(%dma_start3A_38 : memref<10240x64xf32, #tpu.memory_space<hbm>>) target(%dma_start3A_28 : memref<256x64xf32, #tpu.memory_space<vmem>>) offsets(%dma_start3A_31 : memref<256xi32, #tpu.memory_space<vmem>>) semaphore(%arg14 : memref<!tpu.dma_semaphore, #tpu.memory_space<semaphore_mem>>)
    %dma_start3A_39 = arith.constant 0 : i32
    %dma_start3A_40 = arith.constant 0 : i32
    %dma_start3A_41 = arith.constant 0 : i32
    %dma_start3A_42 = arith.constant 0 : i32
    %dma_start3A_43 = arith.constant 0 : i32
    %dma_start3A_44 = tpu.memref_slice %arg11[%dma_start3A_41, %dma_start3A_42, %dma_start3A_43] : memref<2x256x64xf32, #tpu.memory_space<vmem>> -> memref<1x256x64xf32, #tpu.memory_space<vmem>>
    %dma_start3A_45 = tpu.memref_squeeze %dma_start3A_44 : memref<1x256x64xf32, #tpu.memory_space<vmem>> -> memref<256x64xf32, #tpu.memory_space<vmem>>
    %dma_start3A_46 = arith.constant 0 : i32
    %dma_start3A_47 = tpu.memref_slice %arg9[%dma_start3A_39, %dma_start3A_40, %dma_start3A_46] : memref<2x2x256xi32, #tpu.memory_space<vmem>> -> memref<1x1x256xi32, #tpu.memory_space<vmem>>
    %dma_start3A_48 = tpu.memref_squeeze %dma_start3A_47 : memref<1x1x256xi32, #tpu.memory_space<vmem>> -> memref<256xi32, #tpu.memory_space<vmem>>
    %dma_start3A_49 = arith.constant 0 : i32
    %dma_start3A_50 = arith.constant 0 : i32
    %dma_start3A_51 = tpu.memref_slice %arg5[%arg0, %dma_start3A_49, %dma_start3A_50] : memref<2x5120x64xf32, #tpu.memory_space<hbm>> -> memref<1x5120x64xf32, #tpu.memory_space<hbm>>
    %dma_start3A_52 = tpu.memref_squeeze %dma_start3A_51 : memref<1x5120x64xf32, #tpu.memory_space<hbm>> -> memref<5120x64xf32, #tpu.memory_space<hbm>>
    %dma_start3A_53 = arith.constant 0 : i32
    %dma_start3A_54 = arith.constant 0 : i32
    %dma_start3A_55 = tpu.memref_slice %dma_start3A_52[%dma_start3A_53, %dma_start3A_54] : memref<5120x64xf32, #tpu.memory_space<hbm>> -> memref<5120x64xf32, #tpu.memory_space<hbm>>
    tpu.enqueue_indirect_dma source(%dma_start3A_55 : memref<5120x64xf32, #tpu.memory_space<hbm>>) target(%dma_start3A_45 : memref<256x64xf32, #tpu.memory_space<vmem>>) offsets(%dma_start3A_48 : memref<256xi32, #tpu.memory_space<vmem>>) semaphore(%arg14 : memref<!tpu.dma_semaphore, #tpu.memory_space<semaphore_mem>>)
    %scan3A_56 = arith.constant 0 : i32
    %scan3A_57 = arith.constant 0 : i32
    %scan3A_58 = arith.constant 40 : i32
    %scan3A_59 = arith.addi %scan3A_57, %scan3A_58 : i32
    %scan3A_60 = arith.constant 1 : i32
    scf.for %scan3A_94 = %scan3A_57 to %scan3A_59 step %scan3A_60  : i32 {
      %rem3A_95 = arith.constant 2 : i32
      %rem3A_96 = arith.remsi %scan3A_94, %rem3A_95 : i32
      %sub3A = arith.constant 1 : i32
      %sub3A_97 = arith.subi %sub3A, %rem3A_96 : i32
      %gt3A = arith.constant 0 : i32
      %gt3A_98 = arith.cmpi sgt, %scan3A_94, %gt3A : i32
      %convert_element_type3A = arith.extui %gt3A_98 : i1 to i32
      %cond3A = arith.constant 0 : i32
      %cond3A_99 = arith.cmpi ne, %convert_element_type3A, %cond3A : i32
      scf.if %cond3A_99 {
        %dma_wait3A_277 = arith.constant 1 : i32
        %dma_wait3A_278 = arith.constant 1 : i32
        %dma_wait3A_279 = arith.constant 0 : i32
        %dma_wait3A_280 = arith.constant 0 : i32
        %dma_wait3A_281 = tpu.memref_slice %arg10[%dma_wait3A_277, %dma_wait3A_279, %dma_wait3A_280] : memref<2x256x64xf32, #tpu.memory_space<vmem>> -> memref<1x256x64xf32, #tpu.memory_space<vmem>>
        %dma_wait3A_282 = tpu.memref_squeeze %dma_wait3A_281 : memref<1x256x64xf32, #tpu.memory_space<vmem>> -> memref<256x64xf32, #tpu.memory_space<vmem>>
        %dma_wait3A_283 = arith.constant 0 : i32
        %dma_wait3A_284 = tpu.memref_slice %arg9[%sub3A_97, %dma_wait3A_278, %dma_wait3A_283] : memref<2x2x256xi32, #tpu.memory_space<vmem>> -> memref<1x1x256xi32, #tpu.memory_space<vmem>>
        %dma_wait3A_285 = tpu.memref_squeeze %dma_wait3A_284 : memref<1x1x256xi32, #tpu.memory_space<vmem>> -> memref<256xi32, #tpu.memory_space<vmem>>
        %dma_wait3A_286 = arith.constant 0 : i32
        %dma_wait3A_287 = arith.constant 0 : i32
        %dma_wait3A_288 = tpu.memref_slice %arg12[%dma_wait3A_286, %dma_wait3A_287] : memref<5120x64xf32, #tpu.memory_space<vmem_shared>> -> memref<5120x64xf32, #tpu.memory_space<vmem_shared>>
        tpu.wait_indirect_dma semaphore(%arg17 : memref<!tpu.dma_semaphore, #tpu.memory_space<semaphore_mem>>) src(%dma_wait3A_282 : memref<256x64xf32, #tpu.memory_space<vmem>>) dst(%dma_wait3A_288 : memref<5120x64xf32, #tpu.memory_space<vmem_shared>>)
        %dma_wait3A_289 = arith.constant 1 : i32
        %dma_wait3A_290 = arith.constant 1 : i32
        %dma_wait3A_291 = arith.constant 0 : i32
        %dma_wait3A_292 = arith.constant 0 : i32
        %dma_wait3A_293 = tpu.memref_slice %arg11[%dma_wait3A_289, %dma_wait3A_291, %dma_wait3A_292] : memref<2x256x64xf32, #tpu.memory_space<vmem>> -> memref<1x256x64xf32, #tpu.memory_space<vmem>>
        %dma_wait3A_294 = tpu.memref_squeeze %dma_wait3A_293 : memref<1x256x64xf32, #tpu.memory_space<vmem>> -> memref<256x64xf32, #tpu.memory_space<vmem>>
        %dma_wait3A_295 = arith.constant 0 : i32
        %dma_wait3A_296 = tpu.memref_slice %arg8[%sub3A_97, %dma_wait3A_290, %dma_wait3A_295] : memref<2x2x256xi32, #tpu.memory_space<vmem>> -> memref<1x1x256xi32, #tpu.memory_space<vmem>>
        %dma_wait3A_297 = tpu.memref_squeeze %dma_wait3A_296 : memref<1x1x256xi32, #tpu.memory_space<vmem>> -> memref<256xi32, #tpu.memory_space<vmem>>
        %dma_wait3A_298 = arith.constant 0 : i32
        %dma_wait3A_299 = arith.constant 0 : i32
        %dma_wait3A_300 = tpu.memref_slice %arg13[%dma_wait3A_298, %dma_wait3A_299] : memref<10240x64xf32, #tpu.memory_space<vmem_shared>> -> memref<10240x64xf32, #tpu.memory_space<vmem_shared>>
        tpu.wait_indirect_dma semaphore(%arg17 : memref<!tpu.dma_semaphore, #tpu.memory_space<semaphore_mem>>) src(%dma_wait3A_294 : memref<256x64xf32, #tpu.memory_space<vmem>>) dst(%dma_wait3A_300 : memref<10240x64xf32, #tpu.memory_space<vmem_shared>>)
      } else {
      }
      %lt3A = arith.constant 39 : i32
      %lt3A_100 = arith.cmpi slt, %scan3A_94, %lt3A : i32
      %convert_element_type3A_101 = arith.extui %lt3A_100 : i1 to i32
      %cond3A_102 = arith.constant 0 : i32
      %cond3A_103 = arith.cmpi ne, %convert_element_type3A_101, %cond3A_102 : i32
      scf.if %cond3A_103 {
        %add3A_277 = arith.constant 1 : i32
        %add3A_278 = arith.addi %scan3A_94, %add3A_277 : i32
        %mul3A_279 = arith.constant 80 : i32
        %mul3A_280 = arith.muli %arg1, %mul3A_279 : i32
        %mul3A_281 = arith.constant 2 : i32
        %mul3A_282 = arith.muli %add3A_278, %mul3A_281 : i32
        %add3A_283 = arith.addi %mul3A_280, %mul3A_282 : i32
        %multiple_of3A_284 = tpu.assume_multiple %add3A_283, 8 : i32
        %dma_start3A_285 = arith.constant 0 : i32
        %dma_start3A_286 = arith.constant 0 : i32
        %dma_start3A_287 = tpu.memref_slice %arg8[%sub3A_97, %dma_start3A_285, %dma_start3A_286] : memref<2x2x256xi32, #tpu.memory_space<vmem>> -> memref<1x2x256xi32, #tpu.memory_space<vmem>>
        %dma_start3A_288 = tpu.memref_squeeze %dma_start3A_287 : memref<1x2x256xi32, #tpu.memory_space<vmem>> -> memref<2x256xi32, #tpu.memory_space<vmem>>
        %dma_start3A_289 = arith.constant 0 : i32
        %dma_start3A_290 = tpu.memref_slice %arg2[%multiple_of3A_284, %dma_start3A_289] : memref<1280x256xi32, #tpu.memory_space<hbm>> -> memref<2x256xi32, #tpu.memory_space<hbm>>
        %dma_start3A_291 = arith.constant 0 : i32
        %dma_start3A_292 = arith.constant 0 : i32
        %dma_start3A_293 = tpu.memref_slice %arg8[%sub3A_97, %dma_start3A_291, %dma_start3A_292] : memref<2x2x256xi32, #tpu.memory_space<vmem>> -> memref<1x2x256xi32, #tpu.memory_space<vmem>>
        %dma_start3A_294 = tpu.memref_squeeze %dma_start3A_293 : memref<1x2x256xi32, #tpu.memory_space<vmem>> -> memref<2x256xi32, #tpu.memory_space<vmem>>
        %dma_start3A_295 = arith.constant 0 : i32
        %dma_start3A_296 = tpu.memref_slice %arg2[%multiple_of3A_284, %dma_start3A_295] : memref<1280x256xi32, #tpu.memory_space<hbm>> -> memref<2x256xi32, #tpu.memory_space<hbm>>
        tpu.enqueue_dma source(%dma_start3A_296 : memref<2x256xi32, #tpu.memory_space<hbm>>) target(%dma_start3A_294 : memref<2x256xi32, #tpu.memory_space<vmem>>) target_semaphore(%arg18 : memref<!tpu.dma_semaphore, #tpu.memory_space<semaphore_mem>>)
        %dma_start3A_297 = arith.constant 0 : i32
        %dma_start3A_298 = arith.constant 0 : i32
        %dma_start3A_299 = tpu.memref_slice %arg9[%sub3A_97, %dma_start3A_297, %dma_start3A_298] : memref<2x2x256xi32, #tpu.memory_space<vmem>> -> memref<1x2x256xi32, #tpu.memory_space<vmem>>
        %dma_start3A_300 = tpu.memref_squeeze %dma_start3A_299 : memref<1x2x256xi32, #tpu.memory_space<vmem>> -> memref<2x256xi32, #tpu.memory_space<vmem>>
        %dma_start3A_301 = arith.constant 0 : i32
        %dma_start3A_302 = tpu.memref_slice %arg3[%multiple_of3A_284, %dma_start3A_301] : memref<1280x256xi32, #tpu.memory_space<hbm>> -> memref<2x256xi32, #tpu.memory_space<hbm>>
        %dma_start3A_303 = arith.constant 0 : i32
        %dma_start3A_304 = arith.constant 0 : i32
        %dma_start3A_305 = tpu.memref_slice %arg9[%sub3A_97, %dma_start3A_303, %dma_start3A_304] : memref<2x2x256xi32, #tpu.memory_space<vmem>> -> memref<1x2x256xi32, #tpu.memory_space<vmem>>
        %dma_start3A_306 = tpu.memref_squeeze %dma_start3A_305 : memref<1x2x256xi32, #tpu.memory_space<vmem>> -> memref<2x256xi32, #tpu.memory_space<vmem>>
        %dma_start3A_307 = arith.constant 0 : i32
        %dma_start3A_308 = tpu.memref_slice %arg3[%multiple_of3A_284, %dma_start3A_307] : memref<1280x256xi32, #tpu.memory_space<hbm>> -> memref<2x256xi32, #tpu.memory_space<hbm>>
        tpu.enqueue_dma source(%dma_start3A_308 : memref<2x256xi32, #tpu.memory_space<hbm>>) target(%dma_start3A_306 : memref<2x256xi32, #tpu.memory_space<vmem>>) target_semaphore(%arg18 : memref<!tpu.dma_semaphore, #tpu.memory_space<semaphore_mem>>)
      } else {
      }
      %dma_start3A_104 = arith.constant 1 : i32
      %dma_start3A_105 = arith.constant 1 : i32
      %dma_start3A_106 = arith.constant 0 : i32
      %dma_start3A_107 = arith.constant 0 : i32
      %dma_start3A_108 = tpu.memref_slice %arg10[%dma_start3A_105, %dma_start3A_106, %dma_start3A_107] : memref<2x256x64xf32, #tpu.memory_space<vmem>> -> memref<1x256x64xf32, #tpu.memory_space<vmem>>
      %dma_start3A_109 = tpu.memref_squeeze %dma_start3A_108 : memref<1x256x64xf32, #tpu.memory_space<vmem>> -> memref<256x64xf32, #tpu.memory_space<vmem>>
      %dma_start3A_110 = arith.constant 0 : i32
      %dma_start3A_111 = tpu.memref_slice %arg8[%rem3A_96, %dma_start3A_104, %dma_start3A_110] : memref<2x2x256xi32, #tpu.memory_space<vmem>> -> memref<1x1x256xi32, #tpu.memory_space<vmem>>
      %dma_start3A_112 = tpu.memref_squeeze %dma_start3A_111 : memref<1x1x256xi32, #tpu.memory_space<vmem>> -> memref<256xi32, #tpu.memory_space<vmem>>
      %dma_start3A_113 = arith.constant 0 : i32
      %dma_start3A_114 = arith.constant 0 : i32
      %dma_start3A_115 = tpu.memref_slice %arg4[%arg0, %dma_start3A_113, %dma_start3A_114] : memref<2x10240x64xf32, #tpu.memory_space<hbm>> -> memref<1x10240x64xf32, #tpu.memory_space<hbm>>
      %dma_start3A_116 = tpu.memref_squeeze %dma_start3A_115 : memref<1x10240x64xf32, #tpu.memory_space<hbm>> -> memref<10240x64xf32, #tpu.memory_space<hbm>>
      %dma_start3A_117 = arith.constant 0 : i32
      %dma_start3A_118 = arith.constant 0 : i32
      %dma_start3A_119 = tpu.memref_slice %dma_start3A_116[%dma_start3A_117, %dma_start3A_118] : memref<10240x64xf32, #tpu.memory_space<hbm>> -> memref<10240x64xf32, #tpu.memory_space<hbm>>
      tpu.enqueue_indirect_dma source(%dma_start3A_119 : memref<10240x64xf32, #tpu.memory_space<hbm>>) target(%dma_start3A_109 : memref<256x64xf32, #tpu.memory_space<vmem>>) offsets(%dma_start3A_112 : memref<256xi32, #tpu.memory_space<vmem>>) semaphore(%arg15 : memref<!tpu.dma_semaphore, #tpu.memory_space<semaphore_mem>>)
      %dma_start3A_120 = arith.constant 1 : i32
      %dma_start3A_121 = arith.constant 1 : i32
      %dma_start3A_122 = arith.constant 0 : i32
      %dma_start3A_123 = arith.constant 0 : i32
      %dma_start3A_124 = tpu.memref_slice %arg11[%dma_start3A_121, %dma_start3A_122, %dma_start3A_123] : memref<2x256x64xf32, #tpu.memory_space<vmem>> -> memref<1x256x64xf32, #tpu.memory_space<vmem>>
      %dma_start3A_125 = tpu.memref_squeeze %dma_start3A_124 : memref<1x256x64xf32, #tpu.memory_space<vmem>> -> memref<256x64xf32, #tpu.memory_space<vmem>>
      %dma_start3A_126 = arith.constant 0 : i32
      %dma_start3A_127 = tpu.memref_slice %arg9[%rem3A_96, %dma_start3A_120, %dma_start3A_126] : memref<2x2x256xi32, #tpu.memory_space<vmem>> -> memref<1x1x256xi32, #tpu.memory_space<vmem>>
      %dma_start3A_128 = tpu.memref_squeeze %dma_start3A_127 : memref<1x1x256xi32, #tpu.memory_space<vmem>> -> memref<256xi32, #tpu.memory_space<vmem>>
      %dma_start3A_129 = arith.constant 0 : i32
      %dma_start3A_130 = arith.constant 0 : i32
      %dma_start3A_131 = tpu.memref_slice %arg5[%arg0, %dma_start3A_129, %dma_start3A_130] : memref<2x5120x64xf32, #tpu.memory_space<hbm>> -> memref<1x5120x64xf32, #tpu.memory_space<hbm>>
      %dma_start3A_132 = tpu.memref_squeeze %dma_start3A_131 : memref<1x5120x64xf32, #tpu.memory_space<hbm>> -> memref<5120x64xf32, #tpu.memory_space<hbm>>
      %dma_start3A_133 = arith.constant 0 : i32
      %dma_start3A_134 = arith.constant 0 : i32
      %dma_start3A_135 = tpu.memref_slice %dma_start3A_132[%dma_start3A_133, %dma_start3A_134] : memref<5120x64xf32, #tpu.memory_space<hbm>> -> memref<5120x64xf32, #tpu.memory_space<hbm>>
      tpu.enqueue_indirect_dma source(%dma_start3A_135 : memref<5120x64xf32, #tpu.memory_space<hbm>>) target(%dma_start3A_125 : memref<256x64xf32, #tpu.memory_space<vmem>>) offsets(%dma_start3A_128 : memref<256xi32, #tpu.memory_space<vmem>>) semaphore(%arg15 : memref<!tpu.dma_semaphore, #tpu.memory_space<semaphore_mem>>)
      %dma_wait3A_136 = arith.constant 0 : i32
      %dma_wait3A_137 = arith.constant 0 : i32
      %dma_wait3A_138 = arith.constant 0 : i32
      %dma_wait3A_139 = arith.constant 0 : i32
      %dma_wait3A_140 = tpu.memref_slice %arg10[%dma_wait3A_137, %dma_wait3A_138, %dma_wait3A_139] : memref<2x256x64xf32, #tpu.memory_space<vmem>> -> memref<1x256x64xf32, #tpu.memory_space<vmem>>
      %dma_wait3A_141 = tpu.memref_squeeze %dma_wait3A_140 : memref<1x256x64xf32, #tpu.memory_space<vmem>> -> memref<256x64xf32, #tpu.memory_space<vmem>>
      %dma_wait3A_142 = arith.constant 0 : i32
      %dma_wait3A_143 = tpu.memref_slice %arg8[%rem3A_96, %dma_wait3A_136, %dma_wait3A_142] : memref<2x2x256xi32, #tpu.memory_space<vmem>> -> memref<1x1x256xi32, #tpu.memory_space<vmem>>
      %dma_wait3A_144 = tpu.memref_squeeze %dma_wait3A_143 : memref<1x1x256xi32, #tpu.memory_space<vmem>> -> memref<256xi32, #tpu.memory_space<vmem>>
      %dma_wait3A_145 = arith.constant 0 : i32
      %dma_wait3A_146 = arith.constant 0 : i32
      %dma_wait3A_147 = tpu.memref_slice %arg4[%arg0, %dma_wait3A_145, %dma_wait3A_146] : memref<2x10240x64xf32, #tpu.memory_space<hbm>> -> memref<1x10240x64xf32, #tpu.memory_space<hbm>>
      %dma_wait3A_148 = tpu.memref_squeeze %dma_wait3A_147 : memref<1x10240x64xf32, #tpu.memory_space<hbm>> -> memref<10240x64xf32, #tpu.memory_space<hbm>>
      %dma_wait3A_149 = arith.constant 0 : i32
      %dma_wait3A_150 = arith.constant 0 : i32
      %dma_wait3A_151 = tpu.memref_slice %dma_wait3A_148[%dma_wait3A_149, %dma_wait3A_150] : memref<10240x64xf32, #tpu.memory_space<hbm>> -> memref<10240x64xf32, #tpu.memory_space<hbm>>
      tpu.wait_indirect_dma semaphore(%arg14 : memref<!tpu.dma_semaphore, #tpu.memory_space<semaphore_mem>>) src(%dma_wait3A_151 : memref<10240x64xf32, #tpu.memory_space<hbm>>) dst(%dma_wait3A_141 : memref<256x64xf32, #tpu.memory_space<vmem>>)
      %dma_wait3A_152 = arith.constant 0 : i32
      %dma_wait3A_153 = arith.constant 0 : i32
      %dma_wait3A_154 = arith.constant 0 : i32
      %dma_wait3A_155 = arith.constant 0 : i32
      %dma_wait3A_156 = tpu.memref_slice %arg11[%dma_wait3A_153, %dma_wait3A_154, %dma_wait3A_155] : memref<2x256x64xf32, #tpu.memory_space<vmem>> -> memref<1x256x64xf32, #tpu.memory_space<vmem>>
      %dma_wait3A_157 = tpu.memref_squeeze %dma_wait3A_156 : memref<1x256x64xf32, #tpu.memory_space<vmem>> -> memref<256x64xf32, #tpu.memory_space<vmem>>
      %dma_wait3A_158 = arith.constant 0 : i32
      %dma_wait3A_159 = tpu.memref_slice %arg9[%rem3A_96, %dma_wait3A_152, %dma_wait3A_158] : memref<2x2x256xi32, #tpu.memory_space<vmem>> -> memref<1x1x256xi32, #tpu.memory_space<vmem>>
      %dma_wait3A_160 = tpu.memref_squeeze %dma_wait3A_159 : memref<1x1x256xi32, #tpu.memory_space<vmem>> -> memref<256xi32, #tpu.memory_space<vmem>>
      %dma_wait3A_161 = arith.constant 0 : i32
      %dma_wait3A_162 = arith.constant 0 : i32
      %dma_wait3A_163 = tpu.memref_slice %arg5[%arg0, %dma_wait3A_161, %dma_wait3A_162] : memref<2x5120x64xf32, #tpu.memory_space<hbm>> -> memref<1x5120x64xf32, #tpu.memory_space<hbm>>
      %dma_wait3A_164 = tpu.memref_squeeze %dma_wait3A_163 : memref<1x5120x64xf32, #tpu.memory_space<hbm>> -> memref<5120x64xf32, #tpu.memory_space<hbm>>
      %dma_wait3A_165 = arith.constant 0 : i32
      %dma_wait3A_166 = arith.constant 0 : i32
      %dma_wait3A_167 = tpu.memref_slice %dma_wait3A_164[%dma_wait3A_165, %dma_wait3A_166] : memref<5120x64xf32, #tpu.memory_space<hbm>> -> memref<5120x64xf32, #tpu.memory_space<hbm>>
      tpu.wait_indirect_dma semaphore(%arg14 : memref<!tpu.dma_semaphore, #tpu.memory_space<semaphore_mem>>) src(%dma_wait3A_167 : memref<5120x64xf32, #tpu.memory_space<hbm>>) dst(%dma_wait3A_157 : memref<256x64xf32, #tpu.memory_space<vmem>>)
      %dma_start3A_168 = arith.constant 0 : i32
      %dma_start3A_169 = arith.constant 0 : i32
      %dma_start3A_170 = arith.constant 0 : i32
      %dma_start3A_171 = arith.constant 0 : i32
      %dma_start3A_172 = tpu.memref_slice %arg10[%dma_start3A_168, %dma_start3A_170, %dma_start3A_171] : memref<2x256x64xf32, #tpu.memory_space<vmem>> -> memref<1x256x64xf32, #tpu.memory_space<vmem>>
      %dma_start3A_173 = tpu.memref_squeeze %dma_start3A_172 : memref<1x256x64xf32, #tpu.memory_space<vmem>> -> memref<256x64xf32, #tpu.memory_space<vmem>>
      %dma_start3A_174 = arith.constant 0 : i32
      %dma_start3A_175 = tpu.memref_slice %arg9[%rem3A_96, %dma_start3A_169, %dma_start3A_174] : memref<2x2x256xi32, #tpu.memory_space<vmem>> -> memref<1x1x256xi32, #tpu.memory_space<vmem>>
      %dma_start3A_176 = tpu.memref_squeeze %dma_start3A_175 : memref<1x1x256xi32, #tpu.memory_space<vmem>> -> memref<256xi32, #tpu.memory_space<vmem>>
      %dma_start3A_177 = arith.constant 0 : i32
      %dma_start3A_178 = arith.constant 0 : i32
      %dma_start3A_179 = tpu.memref_slice %arg12[%dma_start3A_177, %dma_start3A_178] : memref<5120x64xf32, #tpu.memory_space<vmem_shared>> -> memref<5120x64xf32, #tpu.memory_space<vmem_shared>>
      tpu.enqueue_indirect_dma source(%dma_start3A_173 : memref<256x64xf32, #tpu.memory_space<vmem>>) target(%dma_start3A_179 : memref<5120x64xf32, #tpu.memory_space<vmem_shared>>) offsets(%dma_start3A_176 : memref<256xi32, #tpu.memory_space<vmem>>) semaphore(%arg16 : memref<!tpu.dma_semaphore, #tpu.memory_space<semaphore_mem>>) {add = true}
      %dma_start3A_180 = arith.constant 0 : i32
      %dma_start3A_181 = arith.constant 0 : i32
      %dma_start3A_182 = arith.constant 0 : i32
      %dma_start3A_183 = arith.constant 0 : i32
      %dma_start3A_184 = tpu.memref_slice %arg11[%dma_start3A_180, %dma_start3A_182, %dma_start3A_183] : memref<2x256x64xf32, #tpu.memory_space<vmem>> -> memref<1x256x64xf32, #tpu.memory_space<vmem>>
      %dma_start3A_185 = tpu.memref_squeeze %dma_start3A_184 : memref<1x256x64xf32, #tpu.memory_space<vmem>> -> memref<256x64xf32, #tpu.memory_space<vmem>>
      %dma_start3A_186 = arith.constant 0 : i32
      %dma_start3A_187 = tpu.memref_slice %arg8[%rem3A_96, %dma_start3A_181, %dma_start3A_186] : memref<2x2x256xi32, #tpu.memory_space<vmem>> -> memref<1x1x256xi32, #tpu.memory_space<vmem>>
      %dma_start3A_188 = tpu.memref_squeeze %dma_start3A_187 : memref<1x1x256xi32, #tpu.memory_space<vmem>> -> memref<256xi32, #tpu.memory_space<vmem>>
      %dma_start3A_189 = arith.constant 0 : i32
      %dma_start3A_190 = arith.constant 0 : i32
      %dma_start3A_191 = tpu.memref_slice %arg13[%dma_start3A_189, %dma_start3A_190] : memref<10240x64xf32, #tpu.memory_space<vmem_shared>> -> memref<10240x64xf32, #tpu.memory_space<vmem_shared>>
      tpu.enqueue_indirect_dma source(%dma_start3A_185 : memref<256x64xf32, #tpu.memory_space<vmem>>) target(%dma_start3A_191 : memref<10240x64xf32, #tpu.memory_space<vmem_shared>>) offsets(%dma_start3A_188 : memref<256xi32, #tpu.memory_space<vmem>>) semaphore(%arg16 : memref<!tpu.dma_semaphore, #tpu.memory_space<semaphore_mem>>) {add = true}
      %dma_wait3A_192 = arith.constant 0 : i32
      %dma_wait3A_193 = arith.constant 0 : i32
      %dma_wait3A_194 = arith.constant 0 : i32
      %dma_wait3A_195 = arith.constant 0 : i32
      %dma_wait3A_196 = tpu.memref_slice %arg10[%dma_wait3A_192, %dma_wait3A_194, %dma_wait3A_195] : memref<2x256x64xf32, #tpu.memory_space<vmem>> -> memref<1x256x64xf32, #tpu.memory_space<vmem>>
      %dma_wait3A_197 = tpu.memref_squeeze %dma_wait3A_196 : memref<1x256x64xf32, #tpu.memory_space<vmem>> -> memref<256x64xf32, #tpu.memory_space<vmem>>
      %dma_wait3A_198 = arith.constant 0 : i32
      %dma_wait3A_199 = tpu.memref_slice %arg9[%rem3A_96, %dma_wait3A_193, %dma_wait3A_198] : memref<2x2x256xi32, #tpu.memory_space<vmem>> -> memref<1x1x256xi32, #tpu.memory_space<vmem>>
      %dma_wait3A_200 = tpu.memref_squeeze %dma_wait3A_199 : memref<1x1x256xi32, #tpu.memory_space<vmem>> -> memref<256xi32, #tpu.memory_space<vmem>>
      %dma_wait3A_201 = arith.constant 0 : i32
      %dma_wait3A_202 = arith.constant 0 : i32
      %dma_wait3A_203 = tpu.memref_slice %arg12[%dma_wait3A_201, %dma_wait3A_202] : memref<5120x64xf32, #tpu.memory_space<vmem_shared>> -> memref<5120x64xf32, #tpu.memory_space<vmem_shared>>
      tpu.wait_indirect_dma semaphore(%arg16 : memref<!tpu.dma_semaphore, #tpu.memory_space<semaphore_mem>>) src(%dma_wait3A_197 : memref<256x64xf32, #tpu.memory_space<vmem>>) dst(%dma_wait3A_203 : memref<5120x64xf32, #tpu.memory_space<vmem_shared>>)
      %dma_wait3A_204 = arith.constant 0 : i32
      %dma_wait3A_205 = arith.constant 0 : i32
      %dma_wait3A_206 = arith.constant 0 : i32
      %dma_wait3A_207 = arith.constant 0 : i32
      %dma_wait3A_208 = tpu.memref_slice %arg11[%dma_wait3A_204, %dma_wait3A_206, %dma_wait3A_207] : memref<2x256x64xf32, #tpu.memory_space<vmem>> -> memref<1x256x64xf32, #tpu.memory_space<vmem>>
      %dma_wait3A_209 = tpu.memref_squeeze %dma_wait3A_208 : memref<1x256x64xf32, #tpu.memory_space<vmem>> -> memref<256x64xf32, #tpu.memory_space<vmem>>
      %dma_wait3A_210 = arith.constant 0 : i32
      %dma_wait3A_211 = tpu.memref_slice %arg8[%rem3A_96, %dma_wait3A_205, %dma_wait3A_210] : memref<2x2x256xi32, #tpu.memory_space<vmem>> -> memref<1x1x256xi32, #tpu.memory_space<vmem>>
      %dma_wait3A_212 = tpu.memref_squeeze %dma_wait3A_211 : memref<1x1x256xi32, #tpu.memory_space<vmem>> -> memref<256xi32, #tpu.memory_space<vmem>>
      %dma_wait3A_213 = arith.constant 0 : i32
      %dma_wait3A_214 = arith.constant 0 : i32
      %dma_wait3A_215 = tpu.memref_slice %arg13[%dma_wait3A_213, %dma_wait3A_214] : memref<10240x64xf32, #tpu.memory_space<vmem_shared>> -> memref<10240x64xf32, #tpu.memory_space<vmem_shared>>
      tpu.wait_indirect_dma semaphore(%arg16 : memref<!tpu.dma_semaphore, #tpu.memory_space<semaphore_mem>>) src(%dma_wait3A_209 : memref<256x64xf32, #tpu.memory_space<vmem>>) dst(%dma_wait3A_215 : memref<10240x64xf32, #tpu.memory_space<vmem_shared>>)
      %lt3A_216 = arith.constant 39 : i32
      %lt3A_217 = arith.cmpi slt, %scan3A_94, %lt3A_216 : i32
      %convert_element_type3A_218 = arith.extui %lt3A_217 : i1 to i32
      %cond3A_219 = arith.constant 0 : i32
      %cond3A_220 = arith.cmpi ne, %convert_element_type3A_218, %cond3A_219 : i32
      scf.if %cond3A_220 {
        %add3A_277 = arith.constant 1 : i32
        %add3A_278 = arith.addi %scan3A_94, %add3A_277 : i32
        %mul3A_279 = arith.constant 80 : i32
        %mul3A_280 = arith.muli %arg1, %mul3A_279 : i32
        %mul3A_281 = arith.constant 2 : i32
        %mul3A_282 = arith.muli %add3A_278, %mul3A_281 : i32
        %add3A_283 = arith.addi %mul3A_280, %mul3A_282 : i32
        %multiple_of3A_284 = tpu.assume_multiple %add3A_283, 8 : i32
        %dma_wait3A_285 = arith.constant 0 : i32
        %dma_wait3A_286 = arith.constant 0 : i32
        %dma_wait3A_287 = tpu.memref_slice %arg8[%sub3A_97, %dma_wait3A_285, %dma_wait3A_286] : memref<2x2x256xi32, #tpu.memory_space<vmem>> -> memref<1x2x256xi32, #tpu.memory_space<vmem>>
        %dma_wait3A_288 = tpu.memref_squeeze %dma_wait3A_287 : memref<1x2x256xi32, #tpu.memory_space<vmem>> -> memref<2x256xi32, #tpu.memory_space<vmem>>
        %dma_wait3A_289 = arith.constant 0 : i32
        %dma_wait3A_290 = tpu.memref_slice %arg2[%multiple_of3A_284, %dma_wait3A_289] : memref<1280x256xi32, #tpu.memory_space<hbm>> -> memref<2x256xi32, #tpu.memory_space<hbm>>
        %dma_wait3A_291 = arith.constant 0 : i32
        %dma_wait3A_292 = arith.constant 0 : i32
        %dma_wait3A_293 = tpu.memref_slice %arg8[%sub3A_97, %dma_wait3A_291, %dma_wait3A_292] : memref<2x2x256xi32, #tpu.memory_space<vmem>> -> memref<1x2x256xi32, #tpu.memory_space<vmem>>
        %dma_wait3A_294 = tpu.memref_squeeze %dma_wait3A_293 : memref<1x2x256xi32, #tpu.memory_space<vmem>> -> memref<2x256xi32, #tpu.memory_space<vmem>>
        %dma_wait3A_295 = arith.constant 0 : i32
        %dma_wait3A_296 = tpu.memref_slice %arg2[%multiple_of3A_284, %dma_wait3A_295] : memref<1280x256xi32, #tpu.memory_space<hbm>> -> memref<2x256xi32, #tpu.memory_space<hbm>>
        tpu.wait_dma2 semaphore(%arg18 : memref<!tpu.dma_semaphore, #tpu.memory_space<semaphore_mem>>) src(%dma_wait3A_296 : memref<2x256xi32, #tpu.memory_space<hbm>>) dst(%dma_wait3A_294 : memref<2x256xi32, #tpu.memory_space<vmem>>)
        %dma_wait3A_297 = arith.constant 0 : i32
        %dma_wait3A_298 = arith.constant 0 : i32
        %dma_wait3A_299 = tpu.memref_slice %arg9[%sub3A_97, %dma_wait3A_297, %dma_wait3A_298] : memref<2x2x256xi32, #tpu.memory_space<vmem>> -> memref<1x2x256xi32, #tpu.memory_space<vmem>>
        %dma_wait3A_300 = tpu.memref_squeeze %dma_wait3A_299 : memref<1x2x256xi32, #tpu.memory_space<vmem>> -> memref<2x256xi32, #tpu.memory_space<vmem>>
        %dma_wait3A_301 = arith.constant 0 : i32
        %dma_wait3A_302 = tpu.memref_slice %arg3[%multiple_of3A_284, %dma_wait3A_301] : memref<1280x256xi32, #tpu.memory_space<hbm>> -> memref<2x256xi32, #tpu.memory_space<hbm>>
        %dma_wait3A_303 = arith.constant 0 : i32
        %dma_wait3A_304 = arith.constant 0 : i32
        %dma_wait3A_305 = tpu.memref_slice %arg9[%sub3A_97, %dma_wait3A_303, %dma_wait3A_304] : memref<2x2x256xi32, #tpu.memory_space<vmem>> -> memref<1x2x256xi32, #tpu.memory_space<vmem>>
        %dma_wait3A_306 = tpu.memref_squeeze %dma_wait3A_305 : memref<1x2x256xi32, #tpu.memory_space<vmem>> -> memref<2x256xi32, #tpu.memory_space<vmem>>
        %dma_wait3A_307 = arith.constant 0 : i32
        %dma_wait3A_308 = tpu.memref_slice %arg3[%multiple_of3A_284, %dma_wait3A_307] : memref<1280x256xi32, #tpu.memory_space<hbm>> -> memref<2x256xi32, #tpu.memory_space<hbm>>
        tpu.wait_dma2 semaphore(%arg18 : memref<!tpu.dma_semaphore, #tpu.memory_space<semaphore_mem>>) src(%dma_wait3A_308 : memref<2x256xi32, #tpu.memory_space<hbm>>) dst(%dma_wait3A_306 : memref<2x256xi32, #tpu.memory_space<vmem>>)
        %dma_start3A_309 = arith.constant 0 : i32
        %dma_start3A_310 = arith.constant 0 : i32
        %dma_start3A_311 = arith.constant 0 : i32
        %dma_start3A_312 = arith.constant 0 : i32
        %dma_start3A_313 = tpu.memref_slice %arg10[%dma_start3A_310, %dma_start3A_311, %dma_start3A_312] : memref<2x256x64xf32, #tpu.memory_space<vmem>> -> memref<1x256x64xf32, #tpu.memory_space<vmem>>
        %dma_start3A_314 = tpu.memref_squeeze %dma_start3A_313 : memref<1x256x64xf32, #tpu.memory_space<vmem>> -> memref<256x64xf32, #tpu.memory_space<vmem>>
        %dma_start3A_315 = arith.constant 0 : i32
        %dma_start3A_316 = tpu.memref_slice %arg8[%sub3A_97, %dma_start3A_309, %dma_start3A_315] : memref<2x2x256xi32, #tpu.memory_space<vmem>> -> memref<1x1x256xi32, #tpu.memory_space<vmem>>
        %dma_start3A_317 = tpu.memref_squeeze %dma_start3A_316 : memref<1x1x256xi32, #tpu.memory_space<vmem>> -> memref<256xi32, #tpu.memory_space<vmem>>
        %dma_start3A_318 = arith.constant 0 : i32
        %dma_start3A_319 = arith.constant 0 : i32
        %dma_start3A_320 = tpu.memref_slice %arg4[%arg0, %dma_start3A_318, %dma_start3A_319] : memref<2x10240x64xf32, #tpu.memory_space<hbm>> -> memref<1x10240x64xf32, #tpu.memory_space<hbm>>
        %dma_start3A_321 = tpu.memref_squeeze %dma_start3A_320 : memref<1x10240x64xf32, #tpu.memory_space<hbm>> -> memref<10240x64xf32, #tpu.memory_space<hbm>>
        %dma_start3A_322 = arith.constant 0 : i32
        %dma_start3A_323 = arith.constant 0 : i32
        %dma_start3A_324 = tpu.memref_slice %dma_start3A_321[%dma_start3A_322, %dma_start3A_323] : memref<10240x64xf32, #tpu.memory_space<hbm>> -> memref<10240x64xf32, #tpu.memory_space<hbm>>
        tpu.enqueue_indirect_dma source(%dma_start3A_324 : memref<10240x64xf32, #tpu.memory_space<hbm>>) target(%dma_start3A_314 : memref<256x64xf32, #tpu.memory_space<vmem>>) offsets(%dma_start3A_317 : memref<256xi32, #tpu.memory_space<vmem>>) semaphore(%arg14 : memref<!tpu.dma_semaphore, #tpu.memory_space<semaphore_mem>>)
        %dma_start3A_325 = arith.constant 0 : i32
        %dma_start3A_326 = arith.constant 0 : i32
        %dma_start3A_327 = arith.constant 0 : i32
        %dma_start3A_328 = arith.constant 0 : i32
        %dma_start3A_329 = tpu.memref_slice %arg11[%dma_start3A_326, %dma_start3A_327, %dma_start3A_328] : memref<2x256x64xf32, #tpu.memory_space<vmem>> -> memref<1x256x64xf32, #tpu.memory_space<vmem>>
        %dma_start3A_330 = tpu.memref_squeeze %dma_start3A_329 : memref<1x256x64xf32, #tpu.memory_space<vmem>> -> memref<256x64xf32, #tpu.memory_space<vmem>>
        %dma_start3A_331 = arith.constant 0 : i32
        %dma_start3A_332 = tpu.memref_slice %arg9[%sub3A_97, %dma_start3A_325, %dma_start3A_331] : memref<2x2x256xi32, #tpu.memory_space<vmem>> -> memref<1x1x256xi32, #tpu.memory_space<vmem>>
        %dma_start3A_333 = tpu.memref_squeeze %dma_start3A_332 : memref<1x1x256xi32, #tpu.memory_space<vmem>> -> memref<256xi32, #tpu.memory_space<vmem>>
        %dma_start3A_334 = arith.constant 0 : i32
        %dma_start3A_335 = arith.constant 0 : i32
        %dma_start3A_336 = tpu.memref_slice %arg5[%arg0, %dma_start3A_334, %dma_start3A_335] : memref<2x5120x64xf32, #tpu.memory_space<hbm>> -> memref<1x5120x64xf32, #tpu.memory_space<hbm>>
        %dma_start3A_337 = tpu.memref_squeeze %dma_start3A_336 : memref<1x5120x64xf32, #tpu.memory_space<hbm>> -> memref<5120x64xf32, #tpu.memory_space<hbm>>
        %dma_start3A_338 = arith.constant 0 : i32
        %dma_start3A_339 = arith.constant 0 : i32
        %dma_start3A_340 = tpu.memref_slice %dma_start3A_337[%dma_start3A_338, %dma_start3A_339] : memref<5120x64xf32, #tpu.memory_space<hbm>> -> memref<5120x64xf32, #tpu.memory_space<hbm>>
        tpu.enqueue_indirect_dma source(%dma_start3A_340 : memref<5120x64xf32, #tpu.memory_space<hbm>>) target(%dma_start3A_330 : memref<256x64xf32, #tpu.memory_space<vmem>>) offsets(%dma_start3A_333 : memref<256xi32, #tpu.memory_space<vmem>>) semaphore(%arg14 : memref<!tpu.dma_semaphore, #tpu.memory_space<semaphore_mem>>)
      } else {
      }
      %dma_wait3A_221 = arith.constant 1 : i32
      %dma_wait3A_222 = arith.constant 1 : i32
      %dma_wait3A_223 = arith.constant 0 : i32
      %dma_wait3A_224 = arith.constant 0 : i32
      %dma_wait3A_225 = tpu.memref_slice %arg10[%dma_wait3A_222, %dma_wait3A_223, %dma_wait3A_224] : memref<2x256x64xf32, #tpu.memory_space<vmem>> -> memref<1x256x64xf32, #tpu.memory_space<vmem>>
      %dma_wait3A_226 = tpu.memref_squeeze %dma_wait3A_225 : memref<1x256x64xf32, #tpu.memory_space<vmem>> -> memref<256x64xf32, #tpu.memory_space<vmem>>
      %dma_wait3A_227 = arith.constant 0 : i32
      %dma_wait3A_228 = tpu.memref_slice %arg8[%rem3A_96, %dma_wait3A_221, %dma_wait3A_227] : memref<2x2x256xi32, #tpu.memory_space<vmem>> -> memref<1x1x256xi32, #tpu.memory_space<vmem>>
      %dma_wait3A_229 = tpu.memref_squeeze %dma_wait3A_228 : memref<1x1x256xi32, #tpu.memory_space<vmem>> -> memref<256xi32, #tpu.memory_space<vmem>>
      %dma_wait3A_230 = arith.constant 0 : i32
      %dma_wait3A_231 = arith.constant 0 : i32
      %dma_wait3A_232 = tpu.memref_slice %arg4[%arg0, %dma_wait3A_230, %dma_wait3A_231] : memref<2x10240x64xf32, #tpu.memory_space<hbm>> -> memref<1x10240x64xf32, #tpu.memory_space<hbm>>
      %dma_wait3A_233 = tpu.memref_squeeze %dma_wait3A_232 : memref<1x10240x64xf32, #tpu.memory_space<hbm>> -> memref<10240x64xf32, #tpu.memory_space<hbm>>
      %dma_wait3A_234 = arith.constant 0 : i32
      %dma_wait3A_235 = arith.constant 0 : i32
      %dma_wait3A_236 = tpu.memref_slice %dma_wait3A_233[%dma_wait3A_234, %dma_wait3A_235] : memref<10240x64xf32, #tpu.memory_space<hbm>> -> memref<10240x64xf32, #tpu.memory_space<hbm>>
      tpu.wait_indirect_dma semaphore(%arg15 : memref<!tpu.dma_semaphore, #tpu.memory_space<semaphore_mem>>) src(%dma_wait3A_236 : memref<10240x64xf32, #tpu.memory_space<hbm>>) dst(%dma_wait3A_226 : memref<256x64xf32, #tpu.memory_space<vmem>>)
      %dma_wait3A_237 = arith.constant 1 : i32
      %dma_wait3A_238 = arith.constant 1 : i32
      %dma_wait3A_239 = arith.constant 0 : i32
      %dma_wait3A_240 = arith.constant 0 : i32
      %dma_wait3A_241 = tpu.memref_slice %arg11[%dma_wait3A_238, %dma_wait3A_239, %dma_wait3A_240] : memref<2x256x64xf32, #tpu.memory_space<vmem>> -> memref<1x256x64xf32, #tpu.memory_space<vmem>>
      %dma_wait3A_242 = tpu.memref_squeeze %dma_wait3A_241 : memref<1x256x64xf32, #tpu.memory_space<vmem>> -> memref<256x64xf32, #tpu.memory_space<vmem>>
      %dma_wait3A_243 = arith.constant 0 : i32
      %dma_wait3A_244 = tpu.memref_slice %arg9[%rem3A_96, %dma_wait3A_237, %dma_wait3A_243] : memref<2x2x256xi32, #tpu.memory_space<vmem>> -> memref<1x1x256xi32, #tpu.memory_space<vmem>>
      %dma_wait3A_245 = tpu.memref_squeeze %dma_wait3A_244 : memref<1x1x256xi32, #tpu.memory_space<vmem>> -> memref<256xi32, #tpu.memory_space<vmem>>
      %dma_wait3A_246 = arith.constant 0 : i32
      %dma_wait3A_247 = arith.constant 0 : i32
      %dma_wait3A_248 = tpu.memref_slice %arg5[%arg0, %dma_wait3A_246, %dma_wait3A_247] : memref<2x5120x64xf32, #tpu.memory_space<hbm>> -> memref<1x5120x64xf32, #tpu.memory_space<hbm>>
      %dma_wait3A_249 = tpu.memref_squeeze %dma_wait3A_248 : memref<1x5120x64xf32, #tpu.memory_space<hbm>> -> memref<5120x64xf32, #tpu.memory_space<hbm>>
      %dma_wait3A_250 = arith.constant 0 : i32
      %dma_wait3A_251 = arith.constant 0 : i32
      %dma_wait3A_252 = tpu.memref_slice %dma_wait3A_249[%dma_wait3A_250, %dma_wait3A_251] : memref<5120x64xf32, #tpu.memory_space<hbm>> -> memref<5120x64xf32, #tpu.memory_space<hbm>>
      tpu.wait_indirect_dma semaphore(%arg15 : memref<!tpu.dma_semaphore, #tpu.memory_space<semaphore_mem>>) src(%dma_wait3A_252 : memref<5120x64xf32, #tpu.memory_space<hbm>>) dst(%dma_wait3A_242 : memref<256x64xf32, #tpu.memory_space<vmem>>)
      %dma_start3A_253 = arith.constant 1 : i32
      %dma_start3A_254 = arith.constant 1 : i32
      %dma_start3A_255 = arith.constant 0 : i32
      %dma_start3A_256 = arith.constant 0 : i32
      %dma_start3A_257 = tpu.memref_slice %arg10[%dma_start3A_253, %dma_start3A_255, %dma_start3A_256] : memref<2x256x64xf32, #tpu.memory_space<vmem>> -> memref<1x256x64xf32, #tpu.memory_space<vmem>>
      %dma_start3A_258 = tpu.memref_squeeze %dma_start3A_257 : memref<1x256x64xf32, #tpu.memory_space<vmem>> -> memref<256x64xf32, #tpu.memory_space<vmem>>
      %dma_start3A_259 = arith.constant 0 : i32
      %dma_start3A_260 = tpu.memref_slice %arg9[%rem3A_96, %dma_start3A_254, %dma_start3A_259] : memref<2x2x256xi32, #tpu.memory_space<vmem>> -> memref<1x1x256xi32, #tpu.memory_space<vmem>>
      %dma_start3A_261 = tpu.memref_squeeze %dma_start3A_260 : memref<1x1x256xi32, #tpu.memory_space<vmem>> -> memref<256xi32, #tpu.memory_space<vmem>>
      %dma_start3A_262 = arith.constant 0 : i32
      %dma_start3A_263 = arith.constant 0 : i32
      %dma_start3A_264 = tpu.memref_slice %arg12[%dma_start3A_262, %dma_start3A_263] : memref<5120x64xf32, #tpu.memory_space<vmem_shared>> -> memref<5120x64xf32, #tpu.memory_space<vmem_shared>>
      tpu.enqueue_indirect_dma source(%dma_start3A_258 : memref<256x64xf32, #tpu.memory_space<vmem>>) target(%dma_start3A_264 : memref<5120x64xf32, #tpu.memory_space<vmem_shared>>) offsets(%dma_start3A_261 : memref<256xi32, #tpu.memory_space<vmem>>) semaphore(%arg17 : memref<!tpu.dma_semaphore, #tpu.memory_space<semaphore_mem>>) {add = true}
      %dma_start3A_265 = arith.constant 1 : i32
      %dma_start3A_266 = arith.constant 1 : i32
      %dma_start3A_267 = arith.constant 0 : i32
      %dma_start3A_268 = arith.constant 0 : i32
      %dma_start3A_269 = tpu.memref_slice %arg11[%dma_start3A_265, %dma_start3A_267, %dma_start3A_268] : memref<2x256x64xf32, #tpu.memory_space<vmem>> -> memref<1x256x64xf32, #tpu.memory_space<vmem>>
      %dma_start3A_270 = tpu.memref_squeeze %dma_start3A_269 : memref<1x256x64xf32, #tpu.memory_space<vmem>> -> memref<256x64xf32, #tpu.memory_space<vmem>>
      %dma_start3A_271 = arith.constant 0 : i32
      %dma_start3A_272 = tpu.memref_slice %arg8[%rem3A_96, %dma_start3A_266, %dma_start3A_271] : memref<2x2x256xi32, #tpu.memory_space<vmem>> -> memref<1x1x256xi32, #tpu.memory_space<vmem>>
      %dma_start3A_273 = tpu.memref_squeeze %dma_start3A_272 : memref<1x1x256xi32, #tpu.memory_space<vmem>> -> memref<256xi32, #tpu.memory_space<vmem>>
      %dma_start3A_274 = arith.constant 0 : i32
      %dma_start3A_275 = arith.constant 0 : i32
      %dma_start3A_276 = tpu.memref_slice %arg13[%dma_start3A_274, %dma_start3A_275] : memref<10240x64xf32, #tpu.memory_space<vmem_shared>> -> memref<10240x64xf32, #tpu.memory_space<vmem_shared>>
      tpu.enqueue_indirect_dma source(%dma_start3A_270 : memref<256x64xf32, #tpu.memory_space<vmem>>) target(%dma_start3A_276 : memref<10240x64xf32, #tpu.memory_space<vmem_shared>>) offsets(%dma_start3A_273 : memref<256xi32, #tpu.memory_space<vmem>>) semaphore(%arg17 : memref<!tpu.dma_semaphore, #tpu.memory_space<semaphore_mem>>) {add = true}
    }
    %scan3A_61 = arith.constant 40 : i32
    %rem3A = arith.constant 39 : i32
    %rem3A_62 = arith.constant 2 : i32
    %rem3A_63 = arith.remsi %rem3A, %rem3A_62 : i32
    %dma_wait3A = arith.constant 1 : i32
    %dma_wait3A_64 = arith.constant 1 : i32
    %dma_wait3A_65 = arith.constant 0 : i32
    %dma_wait3A_66 = arith.constant 0 : i32
    %dma_wait3A_67 = tpu.memref_slice %arg10[%dma_wait3A, %dma_wait3A_65, %dma_wait3A_66] : memref<2x256x64xf32, #tpu.memory_space<vmem>> -> memref<1x256x64xf32, #tpu.memory_space<vmem>>
    %dma_wait3A_68 = tpu.memref_squeeze %dma_wait3A_67 : memref<1x256x64xf32, #tpu.memory_space<vmem>> -> memref<256x64xf32, #tpu.memory_space<vmem>>
    %dma_wait3A_69 = arith.constant 0 : i32
    %dma_wait3A_70 = tpu.memref_slice %arg9[%rem3A_63, %dma_wait3A_64, %dma_wait3A_69] : memref<2x2x256xi32, #tpu.memory_space<vmem>> -> memref<1x1x256xi32, #tpu.memory_space<vmem>>
    %dma_wait3A_71 = tpu.memref_squeeze %dma_wait3A_70 : memref<1x1x256xi32, #tpu.memory_space<vmem>> -> memref<256xi32, #tpu.memory_space<vmem>>
    %dma_wait3A_72 = arith.constant 0 : i32
    %dma_wait3A_73 = arith.constant 0 : i32
    %dma_wait3A_74 = tpu.memref_slice %arg12[%dma_wait3A_72, %dma_wait3A_73] : memref<5120x64xf32, #tpu.memory_space<vmem_shared>> -> memref<5120x64xf32, #tpu.memory_space<vmem_shared>>
    tpu.wait_indirect_dma semaphore(%arg17 : memref<!tpu.dma_semaphore, #tpu.memory_space<semaphore_mem>>) src(%dma_wait3A_68 : memref<256x64xf32, #tpu.memory_space<vmem>>) dst(%dma_wait3A_74 : memref<5120x64xf32, #tpu.memory_space<vmem_shared>>)
    %dma_wait3A_75 = arith.constant 1 : i32
    %dma_wait3A_76 = arith.constant 1 : i32
    %dma_wait3A_77 = arith.constant 0 : i32
    %dma_wait3A_78 = arith.constant 0 : i32
    %dma_wait3A_79 = tpu.memref_slice %arg11[%dma_wait3A_75, %dma_wait3A_77, %dma_wait3A_78] : memref<2x256x64xf32, #tpu.memory_space<vmem>> -> memref<1x256x64xf32, #tpu.memory_space<vmem>>
    %dma_wait3A_80 = tpu.memref_squeeze %dma_wait3A_79 : memref<1x256x64xf32, #tpu.memory_space<vmem>> -> memref<256x64xf32, #tpu.memory_space<vmem>>
    %dma_wait3A_81 = arith.constant 0 : i32
    %dma_wait3A_82 = tpu.memref_slice %arg8[%rem3A_63, %dma_wait3A_76, %dma_wait3A_81] : memref<2x2x256xi32, #tpu.memory_space<vmem>> -> memref<1x1x256xi32, #tpu.memory_space<vmem>>
    %dma_wait3A_83 = tpu.memref_squeeze %dma_wait3A_82 : memref<1x1x256xi32, #tpu.memory_space<vmem>> -> memref<256xi32, #tpu.memory_space<vmem>>
    %dma_wait3A_84 = arith.constant 0 : i32
    %dma_wait3A_85 = arith.constant 0 : i32
    %dma_wait3A_86 = tpu.memref_slice %arg13[%dma_wait3A_84, %dma_wait3A_85] : memref<10240x64xf32, #tpu.memory_space<vmem_shared>> -> memref<10240x64xf32, #tpu.memory_space<vmem_shared>>
    tpu.wait_indirect_dma semaphore(%arg17 : memref<!tpu.dma_semaphore, #tpu.memory_space<semaphore_mem>>) src(%dma_wait3A_80 : memref<256x64xf32, #tpu.memory_space<vmem>>) dst(%dma_wait3A_86 : memref<10240x64xf32, #tpu.memory_space<vmem_shared>>)
    %barrier3A_87 = arith.constant 0 : index
    tpu.barrier barrier_id(%barrier3A_87)
    %mul3A_88 = arith.constant 320 : i32
    %mul3A_89 = arith.muli %arg1, %mul3A_88 : i32
    %multiple_of3A_90 = tpu.assume_multiple %mul3A_89, 320 : i32
    "tpu.region"() ({
      %run_scoped3A_94 = tpu.sem_alloc : memref<!tpu.dma_semaphore, #tpu.memory_space<semaphore_mem>>
      %dma_start3A_95 = arith.constant 0 : i32
      %dma_start3A_96 = tpu.memref_slice %arg6[%arg0, %multiple_of3A_90, %dma_start3A_95] : memref<2x5120x64xf32, #tpu.memory_space<hbm>> -> memref<1x320x64xf32, #tpu.memory_space<hbm>>
      %dma_start3A_97 = tpu.memref_squeeze %dma_start3A_96 : memref<1x320x64xf32, #tpu.memory_space<hbm>> -> memref<320x64xf32, #tpu.memory_space<hbm>>
      %dma_start3A_98 = arith.constant 0 : i32
      %dma_start3A_99 = tpu.memref_slice %arg12[%multiple_of3A_90, %dma_start3A_98] : memref<5120x64xf32, #tpu.memory_space<vmem_shared>> -> memref<320x64xf32, #tpu.memory_space<vmem_shared>>
      tpu.enqueue_dma source(%dma_start3A_99 : memref<320x64xf32, #tpu.memory_space<vmem_shared>>) target(%dma_start3A_97 : memref<320x64xf32, #tpu.memory_space<hbm>>) target_semaphore(%run_scoped3A_94 : memref<!tpu.dma_semaphore, #tpu.memory_space<semaphore_mem>>)
      %dma_wait3A_100 = arith.constant 0 : i32
      %dma_wait3A_101 = tpu.memref_slice %arg6[%arg0, %multiple_of3A_90, %dma_wait3A_100] : memref<2x5120x64xf32, #tpu.memory_space<hbm>> -> memref<1x320x64xf32, #tpu.memory_space<hbm>>
      %dma_wait3A_102 = tpu.memref_squeeze %dma_wait3A_101 : memref<1x320x64xf32, #tpu.memory_space<hbm>> -> memref<320x64xf32, #tpu.memory_space<hbm>>
      %dma_wait3A_103 = arith.constant 0 : i32
      %dma_wait3A_104 = tpu.memref_slice %arg12[%multiple_of3A_90, %dma_wait3A_103] : memref<5120x64xf32, #tpu.memory_space<vmem_shared>> -> memref<320x64xf32, #tpu.memory_space<vmem_shared>>
      tpu.wait_dma2 semaphore(%run_scoped3A_94 : memref<!tpu.dma_semaphore, #tpu.memory_space<semaphore_mem>>) src(%dma_wait3A_104 : memref<320x64xf32, #tpu.memory_space<vmem_shared>>) dst(%dma_wait3A_102 : memref<320x64xf32, #tpu.memory_space<hbm>>)
      tpu.yield
    }) : () -> ()
    %mul3A_91 = arith.constant 640 : i32
    %mul3A_92 = arith.muli %arg1, %mul3A_91 : i32
    %multiple_of3A_93 = tpu.assume_multiple %mul3A_92, 640 : i32
    "tpu.region"() ({
      %run_scoped3A_94 = tpu.sem_alloc : memref<!tpu.dma_semaphore, #tpu.memory_space<semaphore_mem>>
      %dma_start3A_95 = arith.constant 0 : i32
      %dma_start3A_96 = tpu.memref_slice %arg7[%arg0, %multiple_of3A_93, %dma_start3A_95] : memref<2x10240x64xf32, #tpu.memory_space<hbm>> -> memref<1x640x64xf32, #tpu.memory_space<hbm>>
      %dma_start3A_97 = tpu.memref_squeeze %dma_start3A_96 : memref<1x640x64xf32, #tpu.memory_space<hbm>> -> memref<640x64xf32, #tpu.memory_space<hbm>>
      %dma_start3A_98 = arith.constant 0 : i32
      %dma_start3A_99 = tpu.memref_slice %arg13[%multiple_of3A_93, %dma_start3A_98] : memref<10240x64xf32, #tpu.memory_space<vmem_shared>> -> memref<640x64xf32, #tpu.memory_space<vmem_shared>>
      tpu.enqueue_dma source(%dma_start3A_99 : memref<640x64xf32, #tpu.memory_space<vmem_shared>>) target(%dma_start3A_97 : memref<640x64xf32, #tpu.memory_space<hbm>>) target_semaphore(%run_scoped3A_94 : memref<!tpu.dma_semaphore, #tpu.memory_space<semaphore_mem>>)
      %dma_wait3A_100 = arith.constant 0 : i32
      %dma_wait3A_101 = tpu.memref_slice %arg7[%arg0, %multiple_of3A_93, %dma_wait3A_100] : memref<2x10240x64xf32, #tpu.memory_space<hbm>> -> memref<1x640x64xf32, #tpu.memory_space<hbm>>
      %dma_wait3A_102 = tpu.memref_squeeze %dma_wait3A_101 : memref<1x640x64xf32, #tpu.memory_space<hbm>> -> memref<640x64xf32, #tpu.memory_space<hbm>>
      %dma_wait3A_103 = arith.constant 0 : i32
      %dma_wait3A_104 = tpu.memref_slice %arg13[%multiple_of3A_93, %dma_wait3A_103] : memref<10240x64xf32, #tpu.memory_space<vmem_shared>> -> memref<640x64xf32, #tpu.memory_space<vmem_shared>>
      tpu.wait_dma2 semaphore(%run_scoped3A_94 : memref<!tpu.dma_semaphore, #tpu.memory_space<semaphore_mem>>) src(%dma_wait3A_104 : memref<640x64xf32, #tpu.memory_space<vmem_shared>>) dst(%dma_wait3A_102 : memref<640x64xf32, #tpu.memory_space<hbm>>)
      tpu.yield
    }) : () -> ()
    return
  }
}

#map = affine_map<(d0, d1) -> (0, 0)>
#map1 = affine_map<(d0, d1) -> (0, 0, 0)>
module attributes {stable_mosaic.version = 14 : i64} {
  func.func @_sc_body(%arg0: i32, %arg1: i32, %arg2: memref<1280x256xi32, #tpu.memory_space<hbm>>, %arg3: memref<1280x256xi32, #tpu.memory_space<hbm>>, %arg4: memref<2x10240x64xf32, #tpu.memory_space<hbm>>, %arg5: memref<2x5120x64xf32, #tpu.memory_space<hbm>>, %arg6: memref<2x5120x64xf32, #tpu.memory_space<hbm>>, %arg7: memref<2x10240x64xf32, #tpu.memory_space<hbm>>, %arg8: memref<2x2x256xi32, #tpu.memory_space<vmem>>, %arg9: memref<2x2x256xi32, #tpu.memory_space<vmem>>, %arg10: memref<2x256x64xf32, #tpu.memory_space<vmem>>, %arg11: memref<2x256x64xf32, #tpu.memory_space<vmem>>, %arg12: memref<5120x64xf32, #tpu.memory_space<vmem_shared>>, %arg13: memref<10240x64xf32, #tpu.memory_space<vmem_shared>>, %arg14: memref<!tpu.dma_semaphore, #tpu.memory_space<semaphore_mem>>, %arg15: memref<!tpu.dma_semaphore, #tpu.memory_space<semaphore_mem>>, %arg16: memref<!tpu.dma_semaphore, #tpu.memory_space<semaphore_mem>>, %arg17: memref<!tpu.dma_semaphore, #tpu.memory_space<semaphore_mem>>, %arg18: memref<!tpu.dma_semaphore, #tpu.memory_space<semaphore_mem>>) attributes {dimension_semantics = [#tpu.dimension_semantics<core_parallel>, #tpu.dimension_semantics<subcore_parallel>], iteration_bounds = array<i64: 2, 16>, scalar_prefetch = 0 : i64, scratch_operands = 11 : i64, tpu.core_type = #tpu.core_type<sc_vector_subcore>, window_params = [{transform_indices = #map}, {transform_indices = #map}, {transform_indices = #map1}, {transform_indices = #map1}, {transform_indices = #map1}, {transform_indices = #map1}]} {
    %broadcast_in_dim3A = arith.constant 0.000000e+00 : f32
    %broadcast_in_dim3A_0 = vector.broadcast %broadcast_in_dim3A : f32 to vector<16xf32>
    %scan3A = arith.constant 0 : i32
    %scan3A_1 = arith.constant 0 : i32
    %scan3A_2 = arith.constant 64 : i32
    %scan3A_3 = arith.addi %scan3A_1, %scan3A_2 : i32
    %scan3A_4 = arith.constant 1 : i32
    scf.for %scan3A_94 = %scan3A_1 to %scan3A_3 step %scan3A_4  : i32 {
      %swap3A = arith.constant 0 : i32
      %swap3A_95 = arith.index_cast %swap3A : i32 to index
      %swap3A_96 = arith.index_cast %scan3A_94 : i32 to index
      %swap3A_97 = arith.constant 0 : index
      %swap3A_98 = tpu.vector_load %arg10[%swap3A_95, %swap3A_96, %swap3A_97] {strides = array<i32>} : memref<2x256x64xf32, #tpu.memory_space<vmem>>, vector<1x1x16xf32>,
      %swap3A_99 = vector.shape_cast %swap3A_98 : vector<1x1x16xf32> to vector<16xf32>
      %swap3A_100 = vector.shape_cast %broadcast_in_dim3A_0 : vector<16xf32> to vector<1x1x16xf32>
      tpu.vector_store %arg10[%swap3A_95, %swap3A_96, %swap3A_97], %swap3A_100 {strides = array<i32>} : memref<2x256x64xf32, #tpu.memory_space<vmem>>, vector<1x1x16xf32>,
      %swap3A_101 = arith.constant 0 : i32
      %swap3A_102 = arith.index_cast %swap3A_101 : i32 to index
      %swap3A_103 = arith.index_cast %scan3A_94 : i32 to index
      %swap3A_104 = arith.constant 16 : index
      %swap3A_105 = tpu.vector_load %arg10[%swap3A_102, %swap3A_103, %swap3A_104] {strides = array<i32>} : memref<2x256x64xf32, #tpu.memory_space<vmem>>, vector<1x1x16xf32>,
      %swap3A_106 = vector.shape_cast %swap3A_105 : vector<1x1x16xf32> to vector<16xf32>
      %swap3A_107 = vector.shape_cast %broadcast_in_dim3A_0 : vector<16xf32> to vector<1x1x16xf32>
      tpu.vector_store %arg10[%swap3A_102, %swap3A_103, %swap3A_104], %swap3A_107 {strides = array<i32>} : memref<2x256x64xf32, #tpu.memory_space<vmem>>, vector<1x1x16xf32>,
      %swap3A_108 = arith.constant 0 : i32
      %swap3A_109 = arith.index_cast %swap3A_108 : i32 to index
      %swap3A_110 = arith.index_cast %scan3A_94 : i32 to index
      %swap3A_111 = arith.constant 32 : index
      %swap3A_112 = tpu.vector_load %arg10[%swap3A_109, %swap3A_110, %swap3A_111] {strides = array<i32>} : memref<2x256x64xf32, #tpu.memory_space<vmem>>, vector<1x1x16xf32>,
      %swap3A_113 = vector.shape_cast %swap3A_112 : vector<1x1x16xf32> to vector<16xf32>
      %swap3A_114 = vector.shape_cast %broadcast_in_dim3A_0 : vector<16xf32> to vector<1x1x16xf32>
      tpu.vector_store %arg10[%swap3A_109, %swap3A_110, %swap3A_111], %swap3A_114 {strides = array<i32>} : memref<2x256x64xf32, #tpu.memory_space<vmem>>, vector<1x1x16xf32>,
      %swap3A_115 = arith.constant 0 : i32
      %swap3A_116 = arith.index_cast %swap3A_115 : i32 to index
      %swap3A_117 = arith.index_cast %scan3A_94 : i32 to index
      %swap3A_118 = arith.constant 48 : index
      %swap3A_119 = tpu.vector_load %arg10[%swap3A_116, %swap3A_117, %swap3A_118] {strides = array<i32>} : memref<2x256x64xf32, #tpu.memory_space<vmem>>, vector<1x1x16xf32>,
      %swap3A_120 = vector.shape_cast %swap3A_119 : vector<1x1x16xf32> to vector<16xf32>
      %swap3A_121 = vector.shape_cast %broadcast_in_dim3A_0 : vector<16xf32> to vector<1x1x16xf32>
      tpu.vector_store %arg10[%swap3A_116, %swap3A_117, %swap3A_118], %swap3A_121 {strides = array<i32>} : memref<2x256x64xf32, #tpu.memory_space<vmem>>, vector<1x1x16xf32>,
    }
    %scan3A_5 = arith.constant 64 : i32
    %scan3A_6 = arith.constant 0 : i32
    %scan3A_7 = arith.constant 0 : i32
    %scan3A_8 = arith.constant 0 : i32
    %scan3A_9 = arith.constant 5 : i32
    %scan3A_10 = arith.addi %scan3A_8, %scan3A_9 : i32
    %scan3A_11 = arith.constant 1 : i32
    scf.for %scan3A_94 = %scan3A_8 to %scan3A_10 step %scan3A_11  : i32 {
      %mul3A_95 = arith.constant 320 : i32
      %mul3A_96 = arith.muli %arg1, %mul3A_95 : i32
      %mul3A_97 = arith.constant 64 : i32
      %mul3A_98 = arith.muli %scan3A_94, %mul3A_97 : i32
      %add3A_99 = arith.addi %mul3A_96, %mul3A_98 : i32
      %multiple_of3A_100 = tpu.assume_multiple %add3A_99, 64 : i32
      "tpu.region"() ({
        %run_scoped3A_101 = tpu.sem_alloc : memref<!tpu.dma_semaphore, #tpu.memory_space<semaphore_mem>>
        %dma_start3A_102 = arith.constant 0 : i32
        %dma_start3A_103 = arith.constant 0 : i32
        %dma_start3A_104 = tpu.memref_slice %arg10[%scan3A_7, %dma_start3A_102, %dma_start3A_103] : memref<2x256x64xf32, #tpu.memory_space<vmem>> -> memref<1x64x64xf32, #tpu.memory_space<vmem>>
        %dma_start3A_105 = tpu.memref_squeeze %dma_start3A_104 : memref<1x64x64xf32, #tpu.memory_space<vmem>> -> memref<64x64xf32, #tpu.memory_space<vmem>>
        %dma_start3A_106 = arith.constant 0 : i32
        %dma_start3A_107 = tpu.memref_slice %arg12[%multiple_of3A_100, %dma_start3A_106] : memref<5120x64xf32, #tpu.memory_space<vmem_shared>> -> memref<64x64xf32, #tpu.memory_space<vmem_shared>>
        %dma_start3A_108 = arith.constant 0 : i32
        %dma_start3A_109 = tpu.memref_slice %arg12[%multiple_of3A_100, %dma_start3A_108] : memref<5120x64xf32, #tpu.memory_space<vmem_shared>> -> memref<64x64xf32, #tpu.memory_space<vmem_shared>>
        %dma_start3A_110 = arith.constant 0 : i32
        %dma_start3A_111 = arith.constant 0 : i32
        %dma_start3A_112 = tpu.memref_slice %arg10[%scan3A_7, %dma_start3A_110, %dma_start3A_111] : memref<2x256x64xf32, #tpu.memory_space<vmem>> -> memref<1x64x64xf32, #tpu.memory_space<vmem>>
        %dma_start3A_113 = tpu.memref_squeeze %dma_start3A_112 : memref<1x64x64xf32, #tpu.memory_space<vmem>> -> memref<64x64xf32, #tpu.memory_space<vmem>>
        tpu.enqueue_dma source(%dma_start3A_113 : memref<64x64xf32, #tpu.memory_space<vmem>>) target(%dma_start3A_109 : memref<64x64xf32, #tpu.memory_space<vmem_shared>>) target_semaphore(%run_scoped3A_101 : memref<!tpu.dma_semaphore, #tpu.memory_space<semaphore_mem>>)
        %dma_wait3A_114 = arith.constant 0 : i32
        %dma_wait3A_115 = arith.constant 0 : i32
        %dma_wait3A_116 = tpu.memref_slice %arg10[%scan3A_7, %dma_wait3A_114, %dma_wait3A_115] : memref<2x256x64xf32, #tpu.memory_space<vmem>> -> memref<1x64x64xf32, #tpu.memory_space<vmem>>
        %dma_wait3A_117 = tpu.memref_squeeze %dma_wait3A_116 : memref<1x64x64xf32, #tpu.memory_space<vmem>> -> memref<64x64xf32, #tpu.memory_space<vmem>>
        %dma_wait3A_118 = arith.constant 0 : i32
        %dma_wait3A_119 = tpu.memref_slice %arg12[%multiple_of3A_100, %dma_wait3A_118] : memref<5120x64xf32, #tpu.memory_space<vmem_shared>> -> memref<64x64xf32, #tpu.memory_space<vmem_shared>>
        %dma_wait3A_120 = arith.constant 0 : i32
        %dma_wait3A_121 = tpu.memref_slice %arg12[%multiple_of3A_100, %dma_wait3A_120] : memref<5120x64xf32, #tpu.memory_space<vmem_shared>> -> memref<64x64xf32, #tpu.memory_space<vmem_shared>>
        %dma_wait3A_122 = arith.constant 0 : i32
        %dma_wait3A_123 = arith.constant 0 : i32
        %dma_wait3A_124 = tpu.memref_slice %arg10[%scan3A_7, %dma_wait3A_122, %dma_wait3A_123] : memref<2x256x64xf32, #tpu.memory_space<vmem>> -> memref<1x64x64xf32, #tpu.memory_space<vmem>>
        %dma_wait3A_125 = tpu.memref_squeeze %dma_wait3A_124 : memref<1x64x64xf32, #tpu.memory_space<vmem>> -> memref<64x64xf32, #tpu.memory_space<vmem>>
        tpu.wait_dma2 semaphore(%run_scoped3A_101 : memref<!tpu.dma_semaphore, #tpu.memory_space<semaphore_mem>>) src(%dma_wait3A_125 : memref<64x64xf32, #tpu.memory_space<vmem>>) dst(%dma_wait3A_121 : memref<64x64xf32, #tpu.memory_space<vmem_shared>>)
        tpu.yield
      }) : () -> ()
    }
    %scan3A_12 = arith.constant 5 : i32
    %scan3A_13 = arith.constant 0 : i32
    %scan3A_14 = arith.constant 0 : i32
    %scan3A_15 = arith.constant 0 : i32
    %scan3A_16 = arith.constant 10 : i32
    %scan3A_17 = arith.addi %scan3A_15, %scan3A_16 : i32
    %scan3A_18 = arith.constant 1 : i32
    scf.for %scan3A_94 = %scan3A_15 to %scan3A_17 step %scan3A_18  : i32 {
      %mul3A_95 = arith.constant 640 : i32
      %mul3A_96 = arith.muli %arg1, %mul3A_95 : i32
      %mul3A_97 = arith.constant 64 : i32
      %mul3A_98 = arith.muli %scan3A_94, %mul3A_97 : i32
      %add3A_99 = arith.addi %mul3A_96, %mul3A_98 : i32
      %multiple_of3A_100 = tpu.assume_multiple %add3A_99, 64 : i32
      "tpu.region"() ({
        %run_scoped3A_101 = tpu.sem_alloc : memref<!tpu.dma_semaphore, #tpu.memory_space<semaphore_mem>>
        %dma_start3A_102 = arith.constant 0 : i32
        %dma_start3A_103 = arith.constant 0 : i32
        %dma_start3A_104 = tpu.memref_slice %arg10[%scan3A_14, %dma_start3A_102, %dma_start3A_103] : memref<2x256x64xf32, #tpu.memory_space<vmem>> -> memref<1x64x64xf32, #tpu.memory_space<vmem>>
        %dma_start3A_105 = tpu.memref_squeeze %dma_start3A_104 : memref<1x64x64xf32, #tpu.memory_space<vmem>> -> memref<64x64xf32, #tpu.memory_space<vmem>>
        %dma_start3A_106 = arith.constant 0 : i32
        %dma_start3A_107 = tpu.memref_slice %arg13[%multiple_of3A_100, %dma_start3A_106] : memref<10240x64xf32, #tpu.memory_space<vmem_shared>> -> memref<64x64xf32, #tpu.memory_space<vmem_shared>>
        %dma_start3A_108 = arith.constant 0 : i32
        %dma_start3A_109 = tpu.memref_slice %arg13[%multiple_of3A_100, %dma_start3A_108] : memref<10240x64xf32, #tpu.memory_space<vmem_shared>> -> memref<64x64xf32, #tpu.memory_space<vmem_shared>>
        %dma_start3A_110 = arith.constant 0 : i32
        %dma_start3A_111 = arith.constant 0 : i32
        %dma_start3A_112 = tpu.memref_slice %arg10[%scan3A_14, %dma_start3A_110, %dma_start3A_111] : memref<2x256x64xf32, #tpu.memory_space<vmem>> -> memref<1x64x64xf32, #tpu.memory_space<vmem>>
        %dma_start3A_113 = tpu.memref_squeeze %dma_start3A_112 : memref<1x64x64xf32, #tpu.memory_space<vmem>> -> memref<64x64xf32, #tpu.memory_space<vmem>>
        tpu.enqueue_dma source(%dma_start3A_113 : memref<64x64xf32, #tpu.memory_space<vmem>>) target(%dma_start3A_109 : memref<64x64xf32, #tpu.memory_space<vmem_shared>>) target_semaphore(%run_scoped3A_101 : memref<!tpu.dma_semaphore, #tpu.memory_space<semaphore_mem>>)
        %dma_wait3A_114 = arith.constant 0 : i32
        %dma_wait3A_115 = arith.constant 0 : i32
        %dma_wait3A_116 = tpu.memref_slice %arg10[%scan3A_14, %dma_wait3A_114, %dma_wait3A_115] : memref<2x256x64xf32, #tpu.memory_space<vmem>> -> memref<1x64x64xf32, #tpu.memory_space<vmem>>
        %dma_wait3A_117 = tpu.memref_squeeze %dma_wait3A_116 : memref<1x64x64xf32, #tpu.memory_space<vmem>> -> memref<64x64xf32, #tpu.memory_space<vmem>>
        %dma_wait3A_118 = arith.constant 0 : i32
        %dma_wait3A_119 = tpu.memref_slice %arg13[%multiple_of3A_100, %dma_wait3A_118] : memref<10240x64xf32, #tpu.memory_space<vmem_shared>> -> memref<64x64xf32, #tpu.memory_space<vmem_shared>>
        %dma_wait3A_120 = arith.constant 0 : i32
        %dma_wait3A_121 = tpu.memref_slice %arg13[%multiple_of3A_100, %dma_wait3A_120] : memref<10240x64xf32, #tpu.memory_space<vmem_shared>> -> memref<64x64xf32, #tpu.memory_space<vmem_shared>>
        %dma_wait3A_122 = arith.constant 0 : i32
        %dma_wait3A_123 = arith.constant 0 : i32
        %dma_wait3A_124 = tpu.memref_slice %arg10[%scan3A_14, %dma_wait3A_122, %dma_wait3A_123] : memref<2x256x64xf32, #tpu.memory_space<vmem>> -> memref<1x64x64xf32, #tpu.memory_space<vmem>>
        %dma_wait3A_125 = tpu.memref_squeeze %dma_wait3A_124 : memref<1x64x64xf32, #tpu.memory_space<vmem>> -> memref<64x64xf32, #tpu.memory_space<vmem>>
        tpu.wait_dma2 semaphore(%run_scoped3A_101 : memref<!tpu.dma_semaphore, #tpu.memory_space<semaphore_mem>>) src(%dma_wait3A_125 : memref<64x64xf32, #tpu.memory_space<vmem>>) dst(%dma_wait3A_121 : memref<64x64xf32, #tpu.memory_space<vmem_shared>>)
        tpu.yield
      }) : () -> ()
    }
    %scan3A_19 = arith.constant 10 : i32
    %barrier3A = arith.constant 0 : index
    tpu.barrier barrier_id(%barrier3A)
    %mul3A = arith.constant 80 : i32
    %mul3A_20 = arith.muli %arg1, %mul3A : i32
    %add3A = arith.constant 0 : i32
    %add3A_21 = arith.addi %mul3A_20, %add3A : i32
    %multiple_of3A = tpu.assume_multiple %add3A_21, 8 : i32
    %run_scoped3A = arith.constant 0 : i32
    "tpu.region"() ({
      %run_scoped3A_94 = tpu.sem_alloc : memref<!tpu.dma_semaphore, #tpu.memory_space<semaphore_mem>>
      %dma_start3A_95 = arith.constant 0 : i32
      %dma_start3A_96 = arith.constant 0 : i32
      %dma_start3A_97 = tpu.memref_slice %arg8[%run_scoped3A, %dma_start3A_95, %dma_start3A_96] : memref<2x2x256xi32, #tpu.memory_space<vmem>> -> memref<1x2x256xi32, #tpu.memory_space<vmem>>
      %dma_start3A_98 = tpu.memref_squeeze %dma_start3A_97 : memref<1x2x256xi32, #tpu.memory_space<vmem>> -> memref<2x256xi32, #tpu.memory_space<vmem>>
      %dma_start3A_99 = arith.constant 0 : i32
      %dma_start3A_100 = tpu.memref_slice %arg2[%multiple_of3A, %dma_start3A_99] : memref<1280x256xi32, #tpu.memory_space<hbm>> -> memref<2x256xi32, #tpu.memory_space<hbm>>
      %dma_start3A_101 = arith.constant 0 : i32
      %dma_start3A_102 = arith.constant 0 : i32
      %dma_start3A_103 = tpu.memref_slice %arg8[%run_scoped3A, %dma_start3A_101, %dma_start3A_102] : memref<2x2x256xi32, #tpu.memory_space<vmem>> -> memref<1x2x256xi32, #tpu.memory_space<vmem>>
      %dma_start3A_104 = tpu.memref_squeeze %dma_start3A_103 : memref<1x2x256xi32, #tpu.memory_space<vmem>> -> memref<2x256xi32, #tpu.memory_space<vmem>>
      %dma_start3A_105 = arith.constant 0 : i32
      %dma_start3A_106 = tpu.memref_slice %arg2[%multiple_of3A, %dma_start3A_105] : memref<1280x256xi32, #tpu.memory_space<hbm>> -> memref<2x256xi32, #tpu.memory_space<hbm>>
      tpu.enqueue_dma source(%dma_start3A_106 : memref<2x256xi32, #tpu.memory_space<hbm>>) target(%dma_start3A_104 : memref<2x256xi32, #tpu.memory_space<vmem>>) target_semaphore(%run_scoped3A_94 : memref<!tpu.dma_semaphore, #tpu.memory_space<semaphore_mem>>)
      %dma_wait3A_107 = arith.constant 0 : i32
      %dma_wait3A_108 = arith.constant 0 : i32
      %dma_wait3A_109 = tpu.memref_slice %arg8[%run_scoped3A, %dma_wait3A_107, %dma_wait3A_108] : memref<2x2x256xi32, #tpu.memory_space<vmem>> -> memref<1x2x256xi32, #tpu.memory_space<vmem>>
      %dma_wait3A_110 = tpu.memref_squeeze %dma_wait3A_109 : memref<1x2x256xi32, #tpu.memory_space<vmem>> -> memref<2x256xi32, #tpu.memory_space<vmem>>
      %dma_wait3A_111 = arith.constant 0 : i32
      %dma_wait3A_112 = tpu.memref_slice %arg2[%multiple_of3A, %dma_wait3A_111] : memref<1280x256xi32, #tpu.memory_space<hbm>> -> memref<2x256xi32, #tpu.memory_space<hbm>>
      %dma_wait3A_113 = arith.constant 0 : i32
      %dma_wait3A_114 = arith.constant 0 : i32
      %dma_wait3A_115 = tpu.memref_slice %arg8[%run_scoped3A, %dma_wait3A_113, %dma_wait3A_114] : memref<2x2x256xi32, #tpu.memory_space<vmem>> -> memref<1x2x256xi32, #tpu.memory_space<vmem>>
      %dma_wait3A_116 = tpu.memref_squeeze %dma_wait3A_115 : memref<1x2x256xi32, #tpu.memory_space<vmem>> -> memref<2x256xi32, #tpu.memory_space<vmem>>
      %dma_wait3A_117 = arith.constant 0 : i32
      %dma_wait3A_118 = tpu.memref_slice %arg2[%multiple_of3A, %dma_wait3A_117] : memref<1280x256xi32, #tpu.memory_space<hbm>> -> memref<2x256xi32, #tpu.memory_space<hbm>>
      tpu.wait_dma2 semaphore(%run_scoped3A_94 : memref<!tpu.dma_semaphore, #tpu.memory_space<semaphore_mem>>) src(%dma_wait3A_118 : memref<2x256xi32, #tpu.memory_space<hbm>>) dst(%dma_wait3A_116 : memref<2x256xi32, #tpu.memory_space<vmem>>)
      tpu.yield
    }) : () -> ()
    %run_scoped3A_22 = arith.constant 0 : i32
    "tpu.region"() ({
      %run_scoped3A_94 = tpu.sem_alloc : memref<!tpu.dma_semaphore, #tpu.memory_space<semaphore_mem>>
      %dma_start3A_95 = arith.constant 0 : i32
      %dma_start3A_96 = arith.constant 0 : i32
      %dma_start3A_97 = tpu.memref_slice %arg9[%run_scoped3A_22, %dma_start3A_95, %dma_start3A_96] : memref<2x2x256xi32, #tpu.memory_space<vmem>> -> memref<1x2x256xi32, #tpu.memory_space<vmem>>
      %dma_start3A_98 = tpu.memref_squeeze %dma_start3A_97 : memref<1x2x256xi32, #tpu.memory_space<vmem>> -> memref<2x256xi32, #tpu.memory_space<vmem>>
      %dma_start3A_99 = arith.constant 0 : i32
      %dma_start3A_100 = tpu.memref_slice %arg3[%multiple_of3A, %dma_start3A_99] : memref<1280x256xi32, #tpu.memory_space<hbm>> -> memref<2x256xi32, #tpu.memory_space<hbm>>
      %dma_start3A_101 = arith.constant 0 : i32
      %dma_start3A_102 = arith.constant 0 : i32
      %dma_start3A_103 = tpu.memref_slice %arg9[%run_scoped3A_22, %dma_start3A_101, %dma_start3A_102] : memref<2x2x256xi32, #tpu.memory_space<vmem>> -> memref<1x2x256xi32, #tpu.memory_space<vmem>>
      %dma_start3A_104 = tpu.memref_squeeze %dma_start3A_103 : memref<1x2x256xi32, #tpu.memory_space<vmem>> -> memref<2x256xi32, #tpu.memory_space<vmem>>
      %dma_start3A_105 = arith.constant 0 : i32
      %dma_start3A_106 = tpu.memref_slice %arg3[%multiple_of3A, %dma_start3A_105] : memref<1280x256xi32, #tpu.memory_space<hbm>> -> memref<2x256xi32, #tpu.memory_space<hbm>>
      tpu.enqueue_dma source(%dma_start3A_106 : memref<2x256xi32, #tpu.memory_space<hbm>>) target(%dma_start3A_104 : memref<2x256xi32, #tpu.memory_space<vmem>>) target_semaphore(%run_scoped3A_94 : memref<!tpu.dma_semaphore, #tpu.memory_space<semaphore_mem>>)
      %dma_wait3A_107 = arith.constant 0 : i32
      %dma_wait3A_108 = arith.constant 0 : i32
      %dma_wait3A_109 = tpu.memref_slice %arg9[%run_scoped3A_22, %dma_wait3A_107, %dma_wait3A_108] : memref<2x2x256xi32, #tpu.memory_space<vmem>> -> memref<1x2x256xi32, #tpu.memory_space<vmem>>
      %dma_wait3A_110 = tpu.memref_squeeze %dma_wait3A_109 : memref<1x2x256xi32, #tpu.memory_space<vmem>> -> memref<2x256xi32, #tpu.memory_space<vmem>>
      %dma_wait3A_111 = arith.constant 0 : i32
      %dma_wait3A_112 = tpu.memref_slice %arg3[%multiple_of3A, %dma_wait3A_111] : memref<1280x256xi32, #tpu.memory_space<hbm>> -> memref<2x256xi32, #tpu.memory_space<hbm>>
      %dma_wait3A_113 = arith.constant 0 : i32
      %dma_wait3A_114 = arith.constant 0 : i32
      %dma_wait3A_115 = tpu.memref_slice %arg9[%run_scoped3A_22, %dma_wait3A_113, %dma_wait3A_114] : memref<2x2x256xi32, #tpu.memory_space<vmem>> -> memref<1x2x256xi32, #tpu.memory_space<vmem>>
      %dma_wait3A_116 = tpu.memref_squeeze %dma_wait3A_115 : memref<1x2x256xi32, #tpu.memory_space<vmem>> -> memref<2x256xi32, #tpu.memory_space<vmem>>
      %dma_wait3A_117 = arith.constant 0 : i32
      %dma_wait3A_118 = tpu.memref_slice %arg3[%multiple_of3A, %dma_wait3A_117] : memref<1280x256xi32, #tpu.memory_space<hbm>> -> memref<2x256xi32, #tpu.memory_space<hbm>>
      tpu.wait_dma2 semaphore(%run_scoped3A_94 : memref<!tpu.dma_semaphore, #tpu.memory_space<semaphore_mem>>) src(%dma_wait3A_118 : memref<2x256xi32, #tpu.memory_space<hbm>>) dst(%dma_wait3A_116 : memref<2x256xi32, #tpu.memory_space<vmem>>)
      tpu.yield
    }) : () -> ()
    %dma_start3A = arith.constant 0 : i32
    %dma_start3A_23 = arith.constant 0 : i32
    %dma_start3A_24 = arith.constant 0 : i32
    %dma_start3A_25 = arith.constant 0 : i32
    %dma_start3A_26 = arith.constant 0 : i32
    %dma_start3A_27 = tpu.memref_slice %arg10[%dma_start3A_24, %dma_start3A_25, %dma_start3A_26] : memref<2x256x64xf32, #tpu.memory_space<vmem>> -> memref<1x256x64xf32, #tpu.memory_space<vmem>>
    %dma_start3A_28 = tpu.memref_squeeze %dma_start3A_27 : memref<1x256x64xf32, #tpu.memory_space<vmem>> -> memref<256x64xf32, #tpu.memory_space<vmem>>
    %dma_start3A_29 = arith.constant 0 : i32
    %dma_start3A_30 = tpu.memref_slice %arg8[%dma_start3A, %dma_start3A_23, %dma_start3A_29] : memref<2x2x256xi32, #tpu.memory_space<vmem>> -> memref<1x1x256xi32, #tpu.memory_space<vmem>>
    %dma_start3A_31 = tpu.memref_squeeze %dma_start3A_30 : memref<1x1x256xi32, #tpu.memory_space<vmem>> -> memref<256xi32, #tpu.memory_space<vmem>>
    %dma_start3A_32 = arith.constant 0 : i32
    %dma_start3A_33 = arith.constant 0 : i32
    %dma_start3A_34 = tpu.memref_slice %arg4[%arg0, %dma_start3A_32, %dma_start3A_33] : memref<2x10240x64xf32, #tpu.memory_space<hbm>> -> memref<1x10240x64xf32, #tpu.memory_space<hbm>>
    %dma_start3A_35 = tpu.memref_squeeze %dma_start3A_34 : memref<1x10240x64xf32, #tpu.memory_space<hbm>> -> memref<10240x64xf32, #tpu.memory_space<hbm>>
    %dma_start3A_36 = arith.constant 0 : i32
    %dma_start3A_37 = arith.constant 0 : i32
    %dma_start3A_38 = tpu.memref_slice %dma_start3A_35[%dma_start3A_36, %dma_start3A_37] : memref<10240x64xf32, #tpu.memory_space<hbm>> -> memref<10240x64xf32, #tpu.memory_space<hbm>>
    tpu.enqueue_indirect_dma source(%dma_start3A_38 : memref<10240x64xf32, #tpu.memory_space<hbm>>) target(%dma_start3A_28 : memref<256x64xf32, #tpu.memory_space<vmem>>) offsets(%dma_start3A_31 : memref<256xi32, #tpu.memory_space<vmem>>) semaphore(%arg14 : memref<!tpu.dma_semaphore, #tpu.memory_space<semaphore_mem>>)
    %dma_start3A_39 = arith.constant 0 : i32
    %dma_start3A_40 = arith.constant 0 : i32
    %dma_start3A_41 = arith.constant 0 : i32
    %dma_start3A_42 = arith.constant 0 : i32
    %dma_start3A_43 = arith.constant 0 : i32
    %dma_start3A_44 = tpu.memref_slice %arg11[%dma_start3A_41, %dma_start3A_42, %dma_start3A_43] : memref<2x256x64xf32, #tpu.memory_space<vmem>> -> memref<1x256x64xf32, #tpu.memory_space<vmem>>
    %dma_start3A_45 = tpu.memref_squeeze %dma_start3A_44 : memref<1x256x64xf32, #tpu.memory_space<vmem>> -> memref<256x64xf32, #tpu.memory_space<vmem>>
    %dma_start3A_46 = arith.constant 0 : i32
    %dma_start3A_47 = tpu.memref_slice %arg9[%dma_start3A_39, %dma_start3A_40, %dma_start3A_46] : memref<2x2x256xi32, #tpu.memory_space<vmem>> -> memref<1x1x256xi32, #tpu.memory_space<vmem>>
    %dma_start3A_48 = tpu.memref_squeeze %dma_start3A_47 : memref<1x1x256xi32, #tpu.memory_space<vmem>> -> memref<256xi32, #tpu.memory_space<vmem>>
    %dma_start3A_49 = arith.constant 0 : i32
    %dma_start3A_50 = arith.constant 0 : i32
    %dma_start3A_51 = tpu.memref_slice %arg5[%arg0, %dma_start3A_49, %dma_start3A_50] : memref<2x5120x64xf32, #tpu.memory_space<hbm>> -> memref<1x5120x64xf32, #tpu.memory_space<hbm>>
    %dma_start3A_52 = tpu.memref_squeeze %dma_start3A_51 : memref<1x5120x64xf32, #tpu.memory_space<hbm>> -> memref<5120x64xf32, #tpu.memory_space<hbm>>
    %dma_start3A_53 = arith.constant 0 : i32
    %dma_start3A_54 = arith.constant 0 : i32
    %dma_start3A_55 = tpu.memref_slice %dma_start3A_52[%dma_start3A_53, %dma_start3A_54] : memref<5120x64xf32, #tpu.memory_space<hbm>> -> memref<5120x64xf32, #tpu.memory_space<hbm>>
    tpu.enqueue_indirect_dma source(%dma_start3A_55 : memref<5120x64xf32, #tpu.memory_space<hbm>>) target(%dma_start3A_45 : memref<256x64xf32, #tpu.memory_space<vmem>>) offsets(%dma_start3A_48 : memref<256xi32, #tpu.memory_space<vmem>>) semaphore(%arg14 : memref<!tpu.dma_semaphore, #tpu.memory_space<semaphore_mem>>)
    %scan3A_56 = arith.constant 0 : i32
    %scan3A_57 = arith.constant 0 : i32
    %scan3A_58 = arith.constant 40 : i32
    %scan3A_59 = arith.addi %scan3A_57, %scan3A_58 : i32
    %scan3A_60 = arith.constant 1 : i32
    scf.for %scan3A_94 = %scan3A_57 to %scan3A_59 step %scan3A_60  : i32 {
      %rem3A_95 = arith.constant 2 : i32
      %rem3A_96 = arith.remsi %scan3A_94, %rem3A_95 : i32
      %sub3A = arith.constant 1 : i32
      %sub3A_97 = arith.subi %sub3A, %rem3A_96 : i32
      %gt3A = arith.constant 0 : i32
      %gt3A_98 = arith.cmpi sgt, %scan3A_94, %gt3A : i32
      %convert_element_type3A = arith.extui %gt3A_98 : i1 to i32
      %cond3A = arith.constant 0 : i32
      %cond3A_99 = arith.cmpi ne, %convert_element_type3A, %cond3A : i32
      scf.if %cond3A_99 {
        %dma_wait3A_277 = arith.constant 1 : i32
        %dma_wait3A_278 = arith.constant 1 : i32
        %dma_wait3A_279 = arith.constant 0 : i32
        %dma_wait3A_280 = arith.constant 0 : i32
        %dma_wait3A_281 = tpu.memref_slice %arg10[%dma_wait3A_277, %dma_wait3A_279, %dma_wait3A_280] : memref<2x256x64xf32, #tpu.memory_space<vmem>> -> memref<1x256x64xf32, #tpu.memory_space<vmem>>
        %dma_wait3A_282 = tpu.memref_squeeze %dma_wait3A_281 : memref<1x256x64xf32, #tpu.memory_space<vmem>> -> memref<256x64xf32, #tpu.memory_space<vmem>>
        %dma_wait3A_283 = arith.constant 0 : i32
        %dma_wait3A_284 = tpu.memref_slice %arg9[%sub3A_97, %dma_wait3A_278, %dma_wait3A_283] : memref<2x2x256xi32, #tpu.memory_space<vmem>> -> memref<1x1x256xi32, #tpu.memory_space<vmem>>
        %dma_wait3A_285 = tpu.memref_squeeze %dma_wait3A_284 : memref<1x1x256xi32, #tpu.memory_space<vmem>> -> memref<256xi32, #tpu.memory_space<vmem>>
        %dma_wait3A_286 = arith.constant 0 : i32
        %dma_wait3A_287 = arith.constant 0 : i32
        %dma_wait3A_288 = tpu.memref_slice %arg12[%dma_wait3A_286, %dma_wait3A_287] : memref<5120x64xf32, #tpu.memory_space<vmem_shared>> -> memref<5120x64xf32, #tpu.memory_space<vmem_shared>>
        tpu.wait_indirect_dma semaphore(%arg17 : memref<!tpu.dma_semaphore, #tpu.memory_space<semaphore_mem>>) src(%dma_wait3A_282 : memref<256x64xf32, #tpu.memory_space<vmem>>) dst(%dma_wait3A_288 : memref<5120x64xf32, #tpu.memory_space<vmem_shared>>)
        %dma_wait3A_289 = arith.constant 1 : i32
        %dma_wait3A_290 = arith.constant 1 : i32
        %dma_wait3A_291 = arith.constant 0 : i32
        %dma_wait3A_292 = arith.constant 0 : i32
        %dma_wait3A_293 = tpu.memref_slice %arg11[%dma_wait3A_289, %dma_wait3A_291, %dma_wait3A_292] : memref<2x256x64xf32, #tpu.memory_space<vmem>> -> memref<1x256x64xf32, #tpu.memory_space<vmem>>
        %dma_wait3A_294 = tpu.memref_squeeze %dma_wait3A_293 : memref<1x256x64xf32, #tpu.memory_space<vmem>> -> memref<256x64xf32, #tpu.memory_space<vmem>>
        %dma_wait3A_295 = arith.constant 0 : i32
        %dma_wait3A_296 = tpu.memref_slice %arg8[%sub3A_97, %dma_wait3A_290, %dma_wait3A_295] : memref<2x2x256xi32, #tpu.memory_space<vmem>> -> memref<1x1x256xi32, #tpu.memory_space<vmem>>
        %dma_wait3A_297 = tpu.memref_squeeze %dma_wait3A_296 : memref<1x1x256xi32, #tpu.memory_space<vmem>> -> memref<256xi32, #tpu.memory_space<vmem>>
        %dma_wait3A_298 = arith.constant 0 : i32
        %dma_wait3A_299 = arith.constant 0 : i32
        %dma_wait3A_300 = tpu.memref_slice %arg13[%dma_wait3A_298, %dma_wait3A_299] : memref<10240x64xf32, #tpu.memory_space<vmem_shared>> -> memref<10240x64xf32, #tpu.memory_space<vmem_shared>>
        tpu.wait_indirect_dma semaphore(%arg17 : memref<!tpu.dma_semaphore, #tpu.memory_space<semaphore_mem>>) src(%dma_wait3A_294 : memref<256x64xf32, #tpu.memory_space<vmem>>) dst(%dma_wait3A_300 : memref<10240x64xf32, #tpu.memory_space<vmem_shared>>)
      } else {
      }
      %lt3A = arith.constant 39 : i32
      %lt3A_100 = arith.cmpi slt, %scan3A_94, %lt3A : i32
      %convert_element_type3A_101 = arith.extui %lt3A_100 : i1 to i32
      %cond3A_102 = arith.constant 0 : i32
      %cond3A_103 = arith.cmpi ne, %convert_element_type3A_101, %cond3A_102 : i32
      scf.if %cond3A_103 {
        %add3A_277 = arith.constant 1 : i32
        %add3A_278 = arith.addi %scan3A_94, %add3A_277 : i32
        %mul3A_279 = arith.constant 80 : i32
        %mul3A_280 = arith.muli %arg1, %mul3A_279 : i32
        %mul3A_281 = arith.constant 2 : i32
        %mul3A_282 = arith.muli %add3A_278, %mul3A_281 : i32
        %add3A_283 = arith.addi %mul3A_280, %mul3A_282 : i32
        %multiple_of3A_284 = tpu.assume_multiple %add3A_283, 8 : i32
        %dma_start3A_285 = arith.constant 0 : i32
        %dma_start3A_286 = arith.constant 0 : i32
        %dma_start3A_287 = tpu.memref_slice %arg8[%sub3A_97, %dma_start3A_285, %dma_start3A_286] : memref<2x2x256xi32, #tpu.memory_space<vmem>> -> memref<1x2x256xi32, #tpu.memory_space<vmem>>
        %dma_start3A_288 = tpu.memref_squeeze %dma_start3A_287 : memref<1x2x256xi32, #tpu.memory_space<vmem>> -> memref<2x256xi32, #tpu.memory_space<vmem>>
        %dma_start3A_289 = arith.constant 0 : i32
        %dma_start3A_290 = tpu.memref_slice %arg2[%multiple_of3A_284, %dma_start3A_289] : memref<1280x256xi32, #tpu.memory_space<hbm>> -> memref<2x256xi32, #tpu.memory_space<hbm>>
        %dma_start3A_291 = arith.constant 0 : i32
        %dma_start3A_292 = arith.constant 0 : i32
        %dma_start3A_293 = tpu.memref_slice %arg8[%sub3A_97, %dma_start3A_291, %dma_start3A_292] : memref<2x2x256xi32, #tpu.memory_space<vmem>> -> memref<1x2x256xi32, #tpu.memory_space<vmem>>
        %dma_start3A_294 = tpu.memref_squeeze %dma_start3A_293 : memref<1x2x256xi32, #tpu.memory_space<vmem>> -> memref<2x256xi32, #tpu.memory_space<vmem>>
        %dma_start3A_295 = arith.constant 0 : i32
        %dma_start3A_296 = tpu.memref_slice %arg2[%multiple_of3A_284, %dma_start3A_295] : memref<1280x256xi32, #tpu.memory_space<hbm>> -> memref<2x256xi32, #tpu.memory_space<hbm>>
        tpu.enqueue_dma source(%dma_start3A_296 : memref<2x256xi32, #tpu.memory_space<hbm>>) target(%dma_start3A_294 : memref<2x256xi32, #tpu.memory_space<vmem>>) target_semaphore(%arg18 : memref<!tpu.dma_semaphore, #tpu.memory_space<semaphore_mem>>)
        %dma_start3A_297 = arith.constant 0 : i32
        %dma_start3A_298 = arith.constant 0 : i32
        %dma_start3A_299 = tpu.memref_slice %arg9[%sub3A_97, %dma_start3A_297, %dma_start3A_298] : memref<2x2x256xi32, #tpu.memory_space<vmem>> -> memref<1x2x256xi32, #tpu.memory_space<vmem>>
        %dma_start3A_300 = tpu.memref_squeeze %dma_start3A_299 : memref<1x2x256xi32, #tpu.memory_space<vmem>> -> memref<2x256xi32, #tpu.memory_space<vmem>>
        %dma_start3A_301 = arith.constant 0 : i32
        %dma_start3A_302 = tpu.memref_slice %arg3[%multiple_of3A_284, %dma_start3A_301] : memref<1280x256xi32, #tpu.memory_space<hbm>> -> memref<2x256xi32, #tpu.memory_space<hbm>>
        %dma_start3A_303 = arith.constant 0 : i32
        %dma_start3A_304 = arith.constant 0 : i32
        %dma_start3A_305 = tpu.memref_slice %arg9[%sub3A_97, %dma_start3A_303, %dma_start3A_304] : memref<2x2x256xi32, #tpu.memory_space<vmem>> -> memref<1x2x256xi32, #tpu.memory_space<vmem>>
        %dma_start3A_306 = tpu.memref_squeeze %dma_start3A_305 : memref<1x2x256xi32, #tpu.memory_space<vmem>> -> memref<2x256xi32, #tpu.memory_space<vmem>>
        %dma_start3A_307 = arith.constant 0 : i32
        %dma_start3A_308 = tpu.memref_slice %arg3[%multiple_of3A_284, %dma_start3A_307] : memref<1280x256xi32, #tpu.memory_space<hbm>> -> memref<2x256xi32, #tpu.memory_space<hbm>>
        tpu.enqueue_dma source(%dma_start3A_308 : memref<2x256xi32, #tpu.memory_space<hbm>>) target(%dma_start3A_306 : memref<2x256xi32, #tpu.memory_space<vmem>>) target_semaphore(%arg18 : memref<!tpu.dma_semaphore, #tpu.memory_space<semaphore_mem>>)
      } else {
      }
      %dma_start3A_104 = arith.constant 1 : i32
      %dma_start3A_105 = arith.constant 1 : i32
      %dma_start3A_106 = arith.constant 0 : i32
      %dma_start3A_107 = arith.constant 0 : i32
      %dma_start3A_108 = tpu.memref_slice %arg10[%dma_start3A_105, %dma_start3A_106, %dma_start3A_107] : memref<2x256x64xf32, #tpu.memory_space<vmem>> -> memref<1x256x64xf32, #tpu.memory_space<vmem>>
      %dma_start3A_109 = tpu.memref_squeeze %dma_start3A_108 : memref<1x256x64xf32, #tpu.memory_space<vmem>> -> memref<256x64xf32, #tpu.memory_space<vmem>>
      %dma_start3A_110 = arith.constant 0 : i32
      %dma_start3A_111 = tpu.memref_slice %arg8[%rem3A_96, %dma_start3A_104, %dma_start3A_110] : memref<2x2x256xi32, #tpu.memory_space<vmem>> -> memref<1x1x256xi32, #tpu.memory_space<vmem>>
      %dma_start3A_112 = tpu.memref_squeeze %dma_start3A_111 : memref<1x1x256xi32, #tpu.memory_space<vmem>> -> memref<256xi32, #tpu.memory_space<vmem>>
      %dma_start3A_113 = arith.constant 0 : i32
      %dma_start3A_114 = arith.constant 0 : i32
      %dma_start3A_115 = tpu.memref_slice %arg4[%arg0, %dma_start3A_113, %dma_start3A_114] : memref<2x10240x64xf32, #tpu.memory_space<hbm>> -> memref<1x10240x64xf32, #tpu.memory_space<hbm>>
      %dma_start3A_116 = tpu.memref_squeeze %dma_start3A_115 : memref<1x10240x64xf32, #tpu.memory_space<hbm>> -> memref<10240x64xf32, #tpu.memory_space<hbm>>
      %dma_start3A_117 = arith.constant 0 : i32
      %dma_start3A_118 = arith.constant 0 : i32
      %dma_start3A_119 = tpu.memref_slice %dma_start3A_116[%dma_start3A_117, %dma_start3A_118] : memref<10240x64xf32, #tpu.memory_space<hbm>> -> memref<10240x64xf32, #tpu.memory_space<hbm>>
      tpu.enqueue_indirect_dma source(%dma_start3A_119 : memref<10240x64xf32, #tpu.memory_space<hbm>>) target(%dma_start3A_109 : memref<256x64xf32, #tpu.memory_space<vmem>>) offsets(%dma_start3A_112 : memref<256xi32, #tpu.memory_space<vmem>>) semaphore(%arg15 : memref<!tpu.dma_semaphore, #tpu.memory_space<semaphore_mem>>)
      %dma_start3A_120 = arith.constant 1 : i32
      %dma_start3A_121 = arith.constant 1 : i32
      %dma_start3A_122 = arith.constant 0 : i32
      %dma_start3A_123 = arith.constant 0 : i32
      %dma_start3A_124 = tpu.memref_slice %arg11[%dma_start3A_121, %dma_start3A_122, %dma_start3A_123] : memref<2x256x64xf32, #tpu.memory_space<vmem>> -> memref<1x256x64xf32, #tpu.memory_space<vmem>>
      %dma_start3A_125 = tpu.memref_squeeze %dma_start3A_124 : memref<1x256x64xf32, #tpu.memory_space<vmem>> -> memref<256x64xf32, #tpu.memory_space<vmem>>
      %dma_start3A_126 = arith.constant 0 : i32
      %dma_start3A_127 = tpu.memref_slice %arg9[%rem3A_96, %dma_start3A_120, %dma_start3A_126] : memref<2x2x256xi32, #tpu.memory_space<vmem>> -> memref<1x1x256xi32, #tpu.memory_space<vmem>>
      %dma_start3A_128 = tpu.memref_squeeze %dma_start3A_127 : memref<1x1x256xi32, #tpu.memory_space<vmem>> -> memref<256xi32, #tpu.memory_space<vmem>>
      %dma_start3A_129 = arith.constant 0 : i32
      %dma_start3A_130 = arith.constant 0 : i32
      %dma_start3A_131 = tpu.memref_slice %arg5[%arg0, %dma_start3A_129, %dma_start3A_130] : memref<2x5120x64xf32, #tpu.memory_space<hbm>> -> memref<1x5120x64xf32, #tpu.memory_space<hbm>>
      %dma_start3A_132 = tpu.memref_squeeze %dma_start3A_131 : memref<1x5120x64xf32, #tpu.memory_space<hbm>> -> memref<5120x64xf32, #tpu.memory_space<hbm>>
      %dma_start3A_133 = arith.constant 0 : i32
      %dma_start3A_134 = arith.constant 0 : i32
      %dma_start3A_135 = tpu.memref_slice %dma_start3A_132[%dma_start3A_133, %dma_start3A_134] : memref<5120x64xf32, #tpu.memory_space<hbm>> -> memref<5120x64xf32, #tpu.memory_space<hbm>>
      tpu.enqueue_indirect_dma source(%dma_start3A_135 : memref<5120x64xf32, #tpu.memory_space<hbm>>) target(%dma_start3A_125 : memref<256x64xf32, #tpu.memory_space<vmem>>) offsets(%dma_start3A_128 : memref<256xi32, #tpu.memory_space<vmem>>) semaphore(%arg15 : memref<!tpu.dma_semaphore, #tpu.memory_space<semaphore_mem>>)
      %dma_wait3A_136 = arith.constant 0 : i32
      %dma_wait3A_137 = arith.constant 0 : i32
      %dma_wait3A_138 = arith.constant 0 : i32
      %dma_wait3A_139 = arith.constant 0 : i32
      %dma_wait3A_140 = tpu.memref_slice %arg10[%dma_wait3A_137, %dma_wait3A_138, %dma_wait3A_139] : memref<2x256x64xf32, #tpu.memory_space<vmem>> -> memref<1x256x64xf32, #tpu.memory_space<vmem>>
      %dma_wait3A_141 = tpu.memref_squeeze %dma_wait3A_140 : memref<1x256x64xf32, #tpu.memory_space<vmem>> -> memref<256x64xf32, #tpu.memory_space<vmem>>
      %dma_wait3A_142 = arith.constant 0 : i32
      %dma_wait3A_143 = tpu.memref_slice %arg8[%rem3A_96, %dma_wait3A_136, %dma_wait3A_142] : memref<2x2x256xi32, #tpu.memory_space<vmem>> -> memref<1x1x256xi32, #tpu.memory_space<vmem>>
      %dma_wait3A_144 = tpu.memref_squeeze %dma_wait3A_143 : memref<1x1x256xi32, #tpu.memory_space<vmem>> -> memref<256xi32, #tpu.memory_space<vmem>>
      %dma_wait3A_145 = arith.constant 0 : i32
      %dma_wait3A_146 = arith.constant 0 : i32
      %dma_wait3A_147 = tpu.memref_slice %arg4[%arg0, %dma_wait3A_145, %dma_wait3A_146] : memref<2x10240x64xf32, #tpu.memory_space<hbm>> -> memref<1x10240x64xf32, #tpu.memory_space<hbm>>
      %dma_wait3A_148 = tpu.memref_squeeze %dma_wait3A_147 : memref<1x10240x64xf32, #tpu.memory_space<hbm>> -> memref<10240x64xf32, #tpu.memory_space<hbm>>
      %dma_wait3A_149 = arith.constant 0 : i32
      %dma_wait3A_150 = arith.constant 0 : i32
      %dma_wait3A_151 = tpu.memref_slice %dma_wait3A_148[%dma_wait3A_149, %dma_wait3A_150] : memref<10240x64xf32, #tpu.memory_space<hbm>> -> memref<10240x64xf32, #tpu.memory_space<hbm>>
      tpu.wait_indirect_dma semaphore(%arg14 : memref<!tpu.dma_semaphore, #tpu.memory_space<semaphore_mem>>) src(%dma_wait3A_151 : memref<10240x64xf32, #tpu.memory_space<hbm>>) dst(%dma_wait3A_141 : memref<256x64xf32, #tpu.memory_space<vmem>>)
      %dma_wait3A_152 = arith.constant 0 : i32
      %dma_wait3A_153 = arith.constant 0 : i32
      %dma_wait3A_154 = arith.constant 0 : i32
      %dma_wait3A_155 = arith.constant 0 : i32
      %dma_wait3A_156 = tpu.memref_slice %arg11[%dma_wait3A_153, %dma_wait3A_154, %dma_wait3A_155] : memref<2x256x64xf32, #tpu.memory_space<vmem>> -> memref<1x256x64xf32, #tpu.memory_space<vmem>>
      %dma_wait3A_157 = tpu.memref_squeeze %dma_wait3A_156 : memref<1x256x64xf32, #tpu.memory_space<vmem>> -> memref<256x64xf32, #tpu.memory_space<vmem>>
      %dma_wait3A_158 = arith.constant 0 : i32
      %dma_wait3A_159 = tpu.memref_slice %arg9[%rem3A_96, %dma_wait3A_152, %dma_wait3A_158] : memref<2x2x256xi32, #tpu.memory_space<vmem>> -> memref<1x1x256xi32, #tpu.memory_space<vmem>>
      %dma_wait3A_160 = tpu.memref_squeeze %dma_wait3A_159 : memref<1x1x256xi32, #tpu.memory_space<vmem>> -> memref<256xi32, #tpu.memory_space<vmem>>
      %dma_wait3A_161 = arith.constant 0 : i32
      %dma_wait3A_162 = arith.constant 0 : i32
      %dma_wait3A_163 = tpu.memref_slice %arg5[%arg0, %dma_wait3A_161, %dma_wait3A_162] : memref<2x5120x64xf32, #tpu.memory_space<hbm>> -> memref<1x5120x64xf32, #tpu.memory_space<hbm>>
      %dma_wait3A_164 = tpu.memref_squeeze %dma_wait3A_163 : memref<1x5120x64xf32, #tpu.memory_space<hbm>> -> memref<5120x64xf32, #tpu.memory_space<hbm>>
      %dma_wait3A_165 = arith.constant 0 : i32
      %dma_wait3A_166 = arith.constant 0 : i32
      %dma_wait3A_167 = tpu.memref_slice %dma_wait3A_164[%dma_wait3A_165, %dma_wait3A_166] : memref<5120x64xf32, #tpu.memory_space<hbm>> -> memref<5120x64xf32, #tpu.memory_space<hbm>>
      tpu.wait_indirect_dma semaphore(%arg14 : memref<!tpu.dma_semaphore, #tpu.memory_space<semaphore_mem>>) src(%dma_wait3A_167 : memref<5120x64xf32, #tpu.memory_space<hbm>>) dst(%dma_wait3A_157 : memref<256x64xf32, #tpu.memory_space<vmem>>)
      %dma_start3A_168 = arith.constant 0 : i32
      %dma_start3A_169 = arith.constant 0 : i32
      %dma_start3A_170 = arith.constant 0 : i32
      %dma_start3A_171 = arith.constant 0 : i32
      %dma_start3A_172 = tpu.memref_slice %arg10[%dma_start3A_168, %dma_start3A_170, %dma_start3A_171] : memref<2x256x64xf32, #tpu.memory_space<vmem>> -> memref<1x256x64xf32, #tpu.memory_space<vmem>>
      %dma_start3A_173 = tpu.memref_squeeze %dma_start3A_172 : memref<1x256x64xf32, #tpu.memory_space<vmem>> -> memref<256x64xf32, #tpu.memory_space<vmem>>
      %dma_start3A_174 = arith.constant 0 : i32
      %dma_start3A_175 = tpu.memref_slice %arg9[%rem3A_96, %dma_start3A_169, %dma_start3A_174] : memref<2x2x256xi32, #tpu.memory_space<vmem>> -> memref<1x1x256xi32, #tpu.memory_space<vmem>>
      %dma_start3A_176 = tpu.memref_squeeze %dma_start3A_175 : memref<1x1x256xi32, #tpu.memory_space<vmem>> -> memref<256xi32, #tpu.memory_space<vmem>>
      %dma_start3A_177 = arith.constant 0 : i32
      %dma_start3A_178 = arith.constant 0 : i32
      %dma_start3A_179 = tpu.memref_slice %arg12[%dma_start3A_177, %dma_start3A_178] : memref<5120x64xf32, #tpu.memory_space<vmem_shared>> -> memref<5120x64xf32, #tpu.memory_space<vmem_shared>>
      tpu.enqueue_indirect_dma source(%dma_start3A_173 : memref<256x64xf32, #tpu.memory_space<vmem>>) target(%dma_start3A_179 : memref<5120x64xf32, #tpu.memory_space<vmem_shared>>) offsets(%dma_start3A_176 : memref<256xi32, #tpu.memory_space<vmem>>) semaphore(%arg16 : memref<!tpu.dma_semaphore, #tpu.memory_space<semaphore_mem>>) {add = true}
      %dma_start3A_180 = arith.constant 0 : i32
      %dma_start3A_181 = arith.constant 0 : i32
      %dma_start3A_182 = arith.constant 0 : i32
      %dma_start3A_183 = arith.constant 0 : i32
      %dma_start3A_184 = tpu.memref_slice %arg11[%dma_start3A_180, %dma_start3A_182, %dma_start3A_183] : memref<2x256x64xf32, #tpu.memory_space<vmem>> -> memref<1x256x64xf32, #tpu.memory_space<vmem>>
      %dma_start3A_185 = tpu.memref_squeeze %dma_start3A_184 : memref<1x256x64xf32, #tpu.memory_space<vmem>> -> memref<256x64xf32, #tpu.memory_space<vmem>>
      %dma_start3A_186 = arith.constant 0 : i32
      %dma_start3A_187 = tpu.memref_slice %arg8[%rem3A_96, %dma_start3A_181, %dma_start3A_186] : memref<2x2x256xi32, #tpu.memory_space<vmem>> -> memref<1x1x256xi32, #tpu.memory_space<vmem>>
      %dma_start3A_188 = tpu.memref_squeeze %dma_start3A_187 : memref<1x1x256xi32, #tpu.memory_space<vmem>> -> memref<256xi32, #tpu.memory_space<vmem>>
      %dma_start3A_189 = arith.constant 0 : i32
      %dma_start3A_190 = arith.constant 0 : i32
      %dma_start3A_191 = tpu.memref_slice %arg13[%dma_start3A_189, %dma_start3A_190] : memref<10240x64xf32, #tpu.memory_space<vmem_shared>> -> memref<10240x64xf32, #tpu.memory_space<vmem_shared>>
      tpu.enqueue_indirect_dma source(%dma_start3A_185 : memref<256x64xf32, #tpu.memory_space<vmem>>) target(%dma_start3A_191 : memref<10240x64xf32, #tpu.memory_space<vmem_shared>>) offsets(%dma_start3A_188 : memref<256xi32, #tpu.memory_space<vmem>>) semaphore(%arg16 : memref<!tpu.dma_semaphore, #tpu.memory_space<semaphore_mem>>) {add = true}
      %dma_wait3A_192 = arith.constant 0 : i32
      %dma_wait3A_193 = arith.constant 0 : i32
      %dma_wait3A_194 = arith.constant 0 : i32
      %dma_wait3A_195 = arith.constant 0 : i32
      %dma_wait3A_196 = tpu.memref_slice %arg10[%dma_wait3A_192, %dma_wait3A_194, %dma_wait3A_195] : memref<2x256x64xf32, #tpu.memory_space<vmem>> -> memref<1x256x64xf32, #tpu.memory_space<vmem>>
      %dma_wait3A_197 = tpu.memref_squeeze %dma_wait3A_196 : memref<1x256x64xf32, #tpu.memory_space<vmem>> -> memref<256x64xf32, #tpu.memory_space<vmem>>
      %dma_wait3A_198 = arith.constant 0 : i32
      %dma_wait3A_199 = tpu.memref_slice %arg9[%rem3A_96, %dma_wait3A_193, %dma_wait3A_198] : memref<2x2x256xi32, #tpu.memory_space<vmem>> -> memref<1x1x256xi32, #tpu.memory_space<vmem>>
      %dma_wait3A_200 = tpu.memref_squeeze %dma_wait3A_199 : memref<1x1x256xi32, #tpu.memory_space<vmem>> -> memref<256xi32, #tpu.memory_space<vmem>>
      %dma_wait3A_201 = arith.constant 0 : i32
      %dma_wait3A_202 = arith.constant 0 : i32
      %dma_wait3A_203 = tpu.memref_slice %arg12[%dma_wait3A_201, %dma_wait3A_202] : memref<5120x64xf32, #tpu.memory_space<vmem_shared>> -> memref<5120x64xf32, #tpu.memory_space<vmem_shared>>
      tpu.wait_indirect_dma semaphore(%arg16 : memref<!tpu.dma_semaphore, #tpu.memory_space<semaphore_mem>>) src(%dma_wait3A_197 : memref<256x64xf32, #tpu.memory_space<vmem>>) dst(%dma_wait3A_203 : memref<5120x64xf32, #tpu.memory_space<vmem_shared>>)
      %dma_wait3A_204 = arith.constant 0 : i32
      %dma_wait3A_205 = arith.constant 0 : i32
      %dma_wait3A_206 = arith.constant 0 : i32
      %dma_wait3A_207 = arith.constant 0 : i32
      %dma_wait3A_208 = tpu.memref_slice %arg11[%dma_wait3A_204, %dma_wait3A_206, %dma_wait3A_207] : memref<2x256x64xf32, #tpu.memory_space<vmem>> -> memref<1x256x64xf32, #tpu.memory_space<vmem>>
      %dma_wait3A_209 = tpu.memref_squeeze %dma_wait3A_208 : memref<1x256x64xf32, #tpu.memory_space<vmem>> -> memref<256x64xf32, #tpu.memory_space<vmem>>
      %dma_wait3A_210 = arith.constant 0 : i32
      %dma_wait3A_211 = tpu.memref_slice %arg8[%rem3A_96, %dma_wait3A_205, %dma_wait3A_210] : memref<2x2x256xi32, #tpu.memory_space<vmem>> -> memref<1x1x256xi32, #tpu.memory_space<vmem>>
      %dma_wait3A_212 = tpu.memref_squeeze %dma_wait3A_211 : memref<1x1x256xi32, #tpu.memory_space<vmem>> -> memref<256xi32, #tpu.memory_space<vmem>>
      %dma_wait3A_213 = arith.constant 0 : i32
      %dma_wait3A_214 = arith.constant 0 : i32
      %dma_wait3A_215 = tpu.memref_slice %arg13[%dma_wait3A_213, %dma_wait3A_214] : memref<10240x64xf32, #tpu.memory_space<vmem_shared>> -> memref<10240x64xf32, #tpu.memory_space<vmem_shared>>
      tpu.wait_indirect_dma semaphore(%arg16 : memref<!tpu.dma_semaphore, #tpu.memory_space<semaphore_mem>>) src(%dma_wait3A_209 : memref<256x64xf32, #tpu.memory_space<vmem>>) dst(%dma_wait3A_215 : memref<10240x64xf32, #tpu.memory_space<vmem_shared>>)
      %lt3A_216 = arith.constant 39 : i32
      %lt3A_217 = arith.cmpi slt, %scan3A_94, %lt3A_216 : i32
      %convert_element_type3A_218 = arith.extui %lt3A_217 : i1 to i32
      %cond3A_219 = arith.constant 0 : i32
      %cond3A_220 = arith.cmpi ne, %convert_element_type3A_218, %cond3A_219 : i32
      scf.if %cond3A_220 {
        %add3A_277 = arith.constant 1 : i32
        %add3A_278 = arith.addi %scan3A_94, %add3A_277 : i32
        %mul3A_279 = arith.constant 80 : i32
        %mul3A_280 = arith.muli %arg1, %mul3A_279 : i32
        %mul3A_281 = arith.constant 2 : i32
        %mul3A_282 = arith.muli %add3A_278, %mul3A_281 : i32
        %add3A_283 = arith.addi %mul3A_280, %mul3A_282 : i32
        %multiple_of3A_284 = tpu.assume_multiple %add3A_283, 8 : i32
        %dma_wait3A_285 = arith.constant 0 : i32
        %dma_wait3A_286 = arith.constant 0 : i32
        %dma_wait3A_287 = tpu.memref_slice %arg8[%sub3A_97, %dma_wait3A_285, %dma_wait3A_286] : memref<2x2x256xi32, #tpu.memory_space<vmem>> -> memref<1x2x256xi32, #tpu.memory_space<vmem>>
        %dma_wait3A_288 = tpu.memref_squeeze %dma_wait3A_287 : memref<1x2x256xi32, #tpu.memory_space<vmem>> -> memref<2x256xi32, #tpu.memory_space<vmem>>
        %dma_wait3A_289 = arith.constant 0 : i32
        %dma_wait3A_290 = tpu.memref_slice %arg2[%multiple_of3A_284, %dma_wait3A_289] : memref<1280x256xi32, #tpu.memory_space<hbm>> -> memref<2x256xi32, #tpu.memory_space<hbm>>
        %dma_wait3A_291 = arith.constant 0 : i32
        %dma_wait3A_292 = arith.constant 0 : i32
        %dma_wait3A_293 = tpu.memref_slice %arg8[%sub3A_97, %dma_wait3A_291, %dma_wait3A_292] : memref<2x2x256xi32, #tpu.memory_space<vmem>> -> memref<1x2x256xi32, #tpu.memory_space<vmem>>
        %dma_wait3A_294 = tpu.memref_squeeze %dma_wait3A_293 : memref<1x2x256xi32, #tpu.memory_space<vmem>> -> memref<2x256xi32, #tpu.memory_space<vmem>>
        %dma_wait3A_295 = arith.constant 0 : i32
        %dma_wait3A_296 = tpu.memref_slice %arg2[%multiple_of3A_284, %dma_wait3A_295] : memref<1280x256xi32, #tpu.memory_space<hbm>> -> memref<2x256xi32, #tpu.memory_space<hbm>>
        tpu.wait_dma2 semaphore(%arg18 : memref<!tpu.dma_semaphore, #tpu.memory_space<semaphore_mem>>) src(%dma_wait3A_296 : memref<2x256xi32, #tpu.memory_space<hbm>>) dst(%dma_wait3A_294 : memref<2x256xi32, #tpu.memory_space<vmem>>)
        %dma_wait3A_297 = arith.constant 0 : i32
        %dma_wait3A_298 = arith.constant 0 : i32
        %dma_wait3A_299 = tpu.memref_slice %arg9[%sub3A_97, %dma_wait3A_297, %dma_wait3A_298] : memref<2x2x256xi32, #tpu.memory_space<vmem>> -> memref<1x2x256xi32, #tpu.memory_space<vmem>>
        %dma_wait3A_300 = tpu.memref_squeeze %dma_wait3A_299 : memref<1x2x256xi32, #tpu.memory_space<vmem>> -> memref<2x256xi32, #tpu.memory_space<vmem>>
        %dma_wait3A_301 = arith.constant 0 : i32
        %dma_wait3A_302 = tpu.memref_slice %arg3[%multiple_of3A_284, %dma_wait3A_301] : memref<1280x256xi32, #tpu.memory_space<hbm>> -> memref<2x256xi32, #tpu.memory_space<hbm>>
        %dma_wait3A_303 = arith.constant 0 : i32
        %dma_wait3A_304 = arith.constant 0 : i32
        %dma_wait3A_305 = tpu.memref_slice %arg9[%sub3A_97, %dma_wait3A_303, %dma_wait3A_304] : memref<2x2x256xi32, #tpu.memory_space<vmem>> -> memref<1x2x256xi32, #tpu.memory_space<vmem>>
        %dma_wait3A_306 = tpu.memref_squeeze %dma_wait3A_305 : memref<1x2x256xi32, #tpu.memory_space<vmem>> -> memref<2x256xi32, #tpu.memory_space<vmem>>
        %dma_wait3A_307 = arith.constant 0 : i32
        %dma_wait3A_308 = tpu.memref_slice %arg3[%multiple_of3A_284, %dma_wait3A_307] : memref<1280x256xi32, #tpu.memory_space<hbm>> -> memref<2x256xi32, #tpu.memory_space<hbm>>
        tpu.wait_dma2 semaphore(%arg18 : memref<!tpu.dma_semaphore, #tpu.memory_space<semaphore_mem>>) src(%dma_wait3A_308 : memref<2x256xi32, #tpu.memory_space<hbm>>) dst(%dma_wait3A_306 : memref<2x256xi32, #tpu.memory_space<vmem>>)
        %dma_start3A_309 = arith.constant 0 : i32
        %dma_start3A_310 = arith.constant 0 : i32
        %dma_start3A_311 = arith.constant 0 : i32
        %dma_start3A_312 = arith.constant 0 : i32
        %dma_start3A_313 = tpu.memref_slice %arg10[%dma_start3A_310, %dma_start3A_311, %dma_start3A_312] : memref<2x256x64xf32, #tpu.memory_space<vmem>> -> memref<1x256x64xf32, #tpu.memory_space<vmem>>
        %dma_start3A_314 = tpu.memref_squeeze %dma_start3A_313 : memref<1x256x64xf32, #tpu.memory_space<vmem>> -> memref<256x64xf32, #tpu.memory_space<vmem>>
        %dma_start3A_315 = arith.constant 0 : i32
        %dma_start3A_316 = tpu.memref_slice %arg8[%sub3A_97, %dma_start3A_309, %dma_start3A_315] : memref<2x2x256xi32, #tpu.memory_space<vmem>> -> memref<1x1x256xi32, #tpu.memory_space<vmem>>
        %dma_start3A_317 = tpu.memref_squeeze %dma_start3A_316 : memref<1x1x256xi32, #tpu.memory_space<vmem>> -> memref<256xi32, #tpu.memory_space<vmem>>
        %dma_start3A_318 = arith.constant 0 : i32
        %dma_start3A_319 = arith.constant 0 : i32
        %dma_start3A_320 = tpu.memref_slice %arg4[%arg0, %dma_start3A_318, %dma_start3A_319] : memref<2x10240x64xf32, #tpu.memory_space<hbm>> -> memref<1x10240x64xf32, #tpu.memory_space<hbm>>
        %dma_start3A_321 = tpu.memref_squeeze %dma_start3A_320 : memref<1x10240x64xf32, #tpu.memory_space<hbm>> -> memref<10240x64xf32, #tpu.memory_space<hbm>>
        %dma_start3A_322 = arith.constant 0 : i32
        %dma_start3A_323 = arith.constant 0 : i32
        %dma_start3A_324 = tpu.memref_slice %dma_start3A_321[%dma_start3A_322, %dma_start3A_323] : memref<10240x64xf32, #tpu.memory_space<hbm>> -> memref<10240x64xf32, #tpu.memory_space<hbm>>
        tpu.enqueue_indirect_dma source(%dma_start3A_324 : memref<10240x64xf32, #tpu.memory_space<hbm>>) target(%dma_start3A_314 : memref<256x64xf32, #tpu.memory_space<vmem>>) offsets(%dma_start3A_317 : memref<256xi32, #tpu.memory_space<vmem>>) semaphore(%arg14 : memref<!tpu.dma_semaphore, #tpu.memory_space<semaphore_mem>>)
        %dma_start3A_325 = arith.constant 0 : i32
        %dma_start3A_326 = arith.constant 0 : i32
        %dma_start3A_327 = arith.constant 0 : i32
        %dma_start3A_328 = arith.constant 0 : i32
        %dma_start3A_329 = tpu.memref_slice %arg11[%dma_start3A_326, %dma_start3A_327, %dma_start3A_328] : memref<2x256x64xf32, #tpu.memory_space<vmem>> -> memref<1x256x64xf32, #tpu.memory_space<vmem>>
        %dma_start3A_330 = tpu.memref_squeeze %dma_start3A_329 : memref<1x256x64xf32, #tpu.memory_space<vmem>> -> memref<256x64xf32, #tpu.memory_space<vmem>>
        %dma_start3A_331 = arith.constant 0 : i32
        %dma_start3A_332 = tpu.memref_slice %arg9[%sub3A_97, %dma_start3A_325, %dma_start3A_331] : memref<2x2x256xi32, #tpu.memory_space<vmem>> -> memref<1x1x256xi32, #tpu.memory_space<vmem>>
        %dma_start3A_333 = tpu.memref_squeeze %dma_start3A_332 : memref<1x1x256xi32, #tpu.memory_space<vmem>> -> memref<256xi32, #tpu.memory_space<vmem>>
        %dma_start3A_334 = arith.constant 0 : i32
        %dma_start3A_335 = arith.constant 0 : i32
        %dma_start3A_336 = tpu.memref_slice %arg5[%arg0, %dma_start3A_334, %dma_start3A_335] : memref<2x5120x64xf32, #tpu.memory_space<hbm>> -> memref<1x5120x64xf32, #tpu.memory_space<hbm>>
        %dma_start3A_337 = tpu.memref_squeeze %dma_start3A_336 : memref<1x5120x64xf32, #tpu.memory_space<hbm>> -> memref<5120x64xf32, #tpu.memory_space<hbm>>
        %dma_start3A_338 = arith.constant 0 : i32
        %dma_start3A_339 = arith.constant 0 : i32
        %dma_start3A_340 = tpu.memref_slice %dma_start3A_337[%dma_start3A_338, %dma_start3A_339] : memref<5120x64xf32, #tpu.memory_space<hbm>> -> memref<5120x64xf32, #tpu.memory_space<hbm>>
        tpu.enqueue_indirect_dma source(%dma_start3A_340 : memref<5120x64xf32, #tpu.memory_space<hbm>>) target(%dma_start3A_330 : memref<256x64xf32, #tpu.memory_space<vmem>>) offsets(%dma_start3A_333 : memref<256xi32, #tpu.memory_space<vmem>>) semaphore(%arg14 : memref<!tpu.dma_semaphore, #tpu.memory_space<semaphore_mem>>)
      } else {
      }
      %dma_wait3A_221 = arith.constant 1 : i32
      %dma_wait3A_222 = arith.constant 1 : i32
      %dma_wait3A_223 = arith.constant 0 : i32
      %dma_wait3A_224 = arith.constant 0 : i32
      %dma_wait3A_225 = tpu.memref_slice %arg10[%dma_wait3A_222, %dma_wait3A_223, %dma_wait3A_224] : memref<2x256x64xf32, #tpu.memory_space<vmem>> -> memref<1x256x64xf32, #tpu.memory_space<vmem>>
      %dma_wait3A_226 = tpu.memref_squeeze %dma_wait3A_225 : memref<1x256x64xf32, #tpu.memory_space<vmem>> -> memref<256x64xf32, #tpu.memory_space<vmem>>
      %dma_wait3A_227 = arith.constant 0 : i32
      %dma_wait3A_228 = tpu.memref_slice %arg8[%rem3A_96, %dma_wait3A_221, %dma_wait3A_227] : memref<2x2x256xi32, #tpu.memory_space<vmem>> -> memref<1x1x256xi32, #tpu.memory_space<vmem>>
      %dma_wait3A_229 = tpu.memref_squeeze %dma_wait3A_228 : memref<1x1x256xi32, #tpu.memory_space<vmem>> -> memref<256xi32, #tpu.memory_space<vmem>>
      %dma_wait3A_230 = arith.constant 0 : i32
      %dma_wait3A_231 = arith.constant 0 : i32
      %dma_wait3A_232 = tpu.memref_slice %arg4[%arg0, %dma_wait3A_230, %dma_wait3A_231] : memref<2x10240x64xf32, #tpu.memory_space<hbm>> -> memref<1x10240x64xf32, #tpu.memory_space<hbm>>
      %dma_wait3A_233 = tpu.memref_squeeze %dma_wait3A_232 : memref<1x10240x64xf32, #tpu.memory_space<hbm>> -> memref<10240x64xf32, #tpu.memory_space<hbm>>
      %dma_wait3A_234 = arith.constant 0 : i32
      %dma_wait3A_235 = arith.constant 0 : i32
      %dma_wait3A_236 = tpu.memref_slice %dma_wait3A_233[%dma_wait3A_234, %dma_wait3A_235] : memref<10240x64xf32, #tpu.memory_space<hbm>> -> memref<10240x64xf32, #tpu.memory_space<hbm>>
      tpu.wait_indirect_dma semaphore(%arg15 : memref<!tpu.dma_semaphore, #tpu.memory_space<semaphore_mem>>) src(%dma_wait3A_236 : memref<10240x64xf32, #tpu.memory_space<hbm>>) dst(%dma_wait3A_226 : memref<256x64xf32, #tpu.memory_space<vmem>>)
      %dma_wait3A_237 = arith.constant 1 : i32
      %dma_wait3A_238 = arith.constant 1 : i32
      %dma_wait3A_239 = arith.constant 0 : i32
      %dma_wait3A_240 = arith.constant 0 : i32
      %dma_wait3A_241 = tpu.memref_slice %arg11[%dma_wait3A_238, %dma_wait3A_239, %dma_wait3A_240] : memref<2x256x64xf32, #tpu.memory_space<vmem>> -> memref<1x256x64xf32, #tpu.memory_space<vmem>>
      %dma_wait3A_242 = tpu.memref_squeeze %dma_wait3A_241 : memref<1x256x64xf32, #tpu.memory_space<vmem>> -> memref<256x64xf32, #tpu.memory_space<vmem>>
      %dma_wait3A_243 = arith.constant 0 : i32
      %dma_wait3A_244 = tpu.memref_slice %arg9[%rem3A_96, %dma_wait3A_237, %dma_wait3A_243] : memref<2x2x256xi32, #tpu.memory_space<vmem>> -> memref<1x1x256xi32, #tpu.memory_space<vmem>>
      %dma_wait3A_245 = tpu.memref_squeeze %dma_wait3A_244 : memref<1x1x256xi32, #tpu.memory_space<vmem>> -> memref<256xi32, #tpu.memory_space<vmem>>
      %dma_wait3A_246 = arith.constant 0 : i32
      %dma_wait3A_247 = arith.constant 0 : i32
      %dma_wait3A_248 = tpu.memref_slice %arg5[%arg0, %dma_wait3A_246, %dma_wait3A_247] : memref<2x5120x64xf32, #tpu.memory_space<hbm>> -> memref<1x5120x64xf32, #tpu.memory_space<hbm>>
      %dma_wait3A_249 = tpu.memref_squeeze %dma_wait3A_248 : memref<1x5120x64xf32, #tpu.memory_space<hbm>> -> memref<5120x64xf32, #tpu.memory_space<hbm>>
      %dma_wait3A_250 = arith.constant 0 : i32
      %dma_wait3A_251 = arith.constant 0 : i32
      %dma_wait3A_252 = tpu.memref_slice %dma_wait3A_249[%dma_wait3A_250, %dma_wait3A_251] : memref<5120x64xf32, #tpu.memory_space<hbm>> -> memref<5120x64xf32, #tpu.memory_space<hbm>>
      tpu.wait_indirect_dma semaphore(%arg15 : memref<!tpu.dma_semaphore, #tpu.memory_space<semaphore_mem>>) src(%dma_wait3A_252 : memref<5120x64xf32, #tpu.memory_space<hbm>>) dst(%dma_wait3A_242 : memref<256x64xf32, #tpu.memory_space<vmem>>)
      %dma_start3A_253 = arith.constant 1 : i32
      %dma_start3A_254 = arith.constant 1 : i32
      %dma_start3A_255 = arith.constant 0 : i32
      %dma_start3A_256 = arith.constant 0 : i32
      %dma_start3A_257 = tpu.memref_slice %arg10[%dma_start3A_253, %dma_start3A_255, %dma_start3A_256] : memref<2x256x64xf32, #tpu.memory_space<vmem>> -> memref<1x256x64xf32, #tpu.memory_space<vmem>>
      %dma_start3A_258 = tpu.memref_squeeze %dma_start3A_257 : memref<1x256x64xf32, #tpu.memory_space<vmem>> -> memref<256x64xf32, #tpu.memory_space<vmem>>
      %dma_start3A_259 = arith.constant 0 : i32
      %dma_start3A_260 = tpu.memref_slice %arg9[%rem3A_96, %dma_start3A_254, %dma_start3A_259] : memref<2x2x256xi32, #tpu.memory_space<vmem>> -> memref<1x1x256xi32, #tpu.memory_space<vmem>>
      %dma_start3A_261 = tpu.memref_squeeze %dma_start3A_260 : memref<1x1x256xi32, #tpu.memory_space<vmem>> -> memref<256xi32, #tpu.memory_space<vmem>>
      %dma_start3A_262 = arith.constant 0 : i32
      %dma_start3A_263 = arith.constant 0 : i32
      %dma_start3A_264 = tpu.memref_slice %arg12[%dma_start3A_262, %dma_start3A_263] : memref<5120x64xf32, #tpu.memory_space<vmem_shared>> -> memref<5120x64xf32, #tpu.memory_space<vmem_shared>>
      tpu.enqueue_indirect_dma source(%dma_start3A_258 : memref<256x64xf32, #tpu.memory_space<vmem>>) target(%dma_start3A_264 : memref<5120x64xf32, #tpu.memory_space<vmem_shared>>) offsets(%dma_start3A_261 : memref<256xi32, #tpu.memory_space<vmem>>) semaphore(%arg17 : memref<!tpu.dma_semaphore, #tpu.memory_space<semaphore_mem>>) {add = true}
      %dma_start3A_265 = arith.constant 1 : i32
      %dma_start3A_266 = arith.constant 1 : i32
      %dma_start3A_267 = arith.constant 0 : i32
      %dma_start3A_268 = arith.constant 0 : i32
      %dma_start3A_269 = tpu.memref_slice %arg11[%dma_start3A_265, %dma_start3A_267, %dma_start3A_268] : memref<2x256x64xf32, #tpu.memory_space<vmem>> -> memref<1x256x64xf32, #tpu.memory_space<vmem>>
      %dma_start3A_270 = tpu.memref_squeeze %dma_start3A_269 : memref<1x256x64xf32, #tpu.memory_space<vmem>> -> memref<256x64xf32, #tpu.memory_space<vmem>>
      %dma_start3A_271 = arith.constant 0 : i32
      %dma_start3A_272 = tpu.memref_slice %arg8[%rem3A_96, %dma_start3A_266, %dma_start3A_271] : memref<2x2x256xi32, #tpu.memory_space<vmem>> -> memref<1x1x256xi32, #tpu.memory_space<vmem>>
      %dma_start3A_273 = tpu.memref_squeeze %dma_start3A_272 : memref<1x1x256xi32, #tpu.memory_space<vmem>> -> memref<256xi32, #tpu.memory_space<vmem>>
      %dma_start3A_274 = arith.constant 0 : i32
      %dma_start3A_275 = arith.constant 0 : i32
      %dma_start3A_276 = tpu.memref_slice %arg13[%dma_start3A_274, %dma_start3A_275] : memref<10240x64xf32, #tpu.memory_space<vmem_shared>> -> memref<10240x64xf32, #tpu.memory_space<vmem_shared>>
      tpu.enqueue_indirect_dma source(%dma_start3A_270 : memref<256x64xf32, #tpu.memory_space<vmem>>) target(%dma_start3A_276 : memref<10240x64xf32, #tpu.memory_space<vmem_shared>>) offsets(%dma_start3A_273 : memref<256xi32, #tpu.memory_space<vmem>>) semaphore(%arg17 : memref<!tpu.dma_semaphore, #tpu.memory_space<semaphore_mem>>) {add = true}
    }
    %scan3A_61 = arith.constant 40 : i32
    %rem3A = arith.constant 39 : i32
    %rem3A_62 = arith.constant 2 : i32
    %rem3A_63 = arith.remsi %rem3A, %rem3A_62 : i32
    %dma_wait3A = arith.constant 1 : i32
    %dma_wait3A_64 = arith.constant 1 : i32
    %dma_wait3A_65 = arith.constant 0 : i32
    %dma_wait3A_66 = arith.constant 0 : i32
    %dma_wait3A_67 = tpu.memref_slice %arg10[%dma_wait3A, %dma_wait3A_65, %dma_wait3A_66] : memref<2x256x64xf32, #tpu.memory_space<vmem>> -> memref<1x256x64xf32, #tpu.memory_space<vmem>>
    %dma_wait3A_68 = tpu.memref_squeeze %dma_wait3A_67 : memref<1x256x64xf32, #tpu.memory_space<vmem>> -> memref<256x64xf32, #tpu.memory_space<vmem>>
    %dma_wait3A_69 = arith.constant 0 : i32
    %dma_wait3A_70 = tpu.memref_slice %arg9[%rem3A_63, %dma_wait3A_64, %dma_wait3A_69] : memref<2x2x256xi32, #tpu.memory_space<vmem>> -> memref<1x1x256xi32, #tpu.memory_space<vmem>>
    %dma_wait3A_71 = tpu.memref_squeeze %dma_wait3A_70 : memref<1x1x256xi32, #tpu.memory_space<vmem>> -> memref<256xi32, #tpu.memory_space<vmem>>
    %dma_wait3A_72 = arith.constant 0 : i32
    %dma_wait3A_73 = arith.constant 0 : i32
    %dma_wait3A_74 = tpu.memref_slice %arg12[%dma_wait3A_72, %dma_wait3A_73] : memref<5120x64xf32, #tpu.memory_space<vmem_shared>> -> memref<5120x64xf32, #tpu.memory_space<vmem_shared>>
    tpu.wait_indirect_dma semaphore(%arg17 : memref<!tpu.dma_semaphore, #tpu.memory_space<semaphore_mem>>) src(%dma_wait3A_68 : memref<256x64xf32, #tpu.memory_space<vmem>>) dst(%dma_wait3A_74 : memref<5120x64xf32, #tpu.memory_space<vmem_shared>>)
    %dma_wait3A_75 = arith.constant 1 : i32
    %dma_wait3A_76 = arith.constant 1 : i32
    %dma_wait3A_77 = arith.constant 0 : i32
    %dma_wait3A_78 = arith.constant 0 : i32
    %dma_wait3A_79 = tpu.memref_slice %arg11[%dma_wait3A_75, %dma_wait3A_77, %dma_wait3A_78] : memref<2x256x64xf32, #tpu.memory_space<vmem>> -> memref<1x256x64xf32, #tpu.memory_space<vmem>>
    %dma_wait3A_80 = tpu.memref_squeeze %dma_wait3A_79 : memref<1x256x64xf32, #tpu.memory_space<vmem>> -> memref<256x64xf32, #tpu.memory_space<vmem>>
    %dma_wait3A_81 = arith.constant 0 : i32
    %dma_wait3A_82 = tpu.memref_slice %arg8[%rem3A_63, %dma_wait3A_76, %dma_wait3A_81] : memref<2x2x256xi32, #tpu.memory_space<vmem>> -> memref<1x1x256xi32, #tpu.memory_space<vmem>>
    %dma_wait3A_83 = tpu.memref_squeeze %dma_wait3A_82 : memref<1x1x256xi32, #tpu.memory_space<vmem>> -> memref<256xi32, #tpu.memory_space<vmem>>
    %dma_wait3A_84 = arith.constant 0 : i32
    %dma_wait3A_85 = arith.constant 0 : i32
    %dma_wait3A_86 = tpu.memref_slice %arg13[%dma_wait3A_84, %dma_wait3A_85] : memref<10240x64xf32, #tpu.memory_space<vmem_shared>> -> memref<10240x64xf32, #tpu.memory_space<vmem_shared>>
    tpu.wait_indirect_dma semaphore(%arg17 : memref<!tpu.dma_semaphore, #tpu.memory_space<semaphore_mem>>) src(%dma_wait3A_80 : memref<256x64xf32, #tpu.memory_space<vmem>>) dst(%dma_wait3A_86 : memref<10240x64xf32, #tpu.memory_space<vmem_shared>>)
    %barrier3A_87 = arith.constant 0 : index
    tpu.barrier barrier_id(%barrier3A_87)
    %mul3A_88 = arith.constant 320 : i32
    %mul3A_89 = arith.muli %arg1, %mul3A_88 : i32
    %multiple_of3A_90 = tpu.assume_multiple %mul3A_89, 320 : i32
    "tpu.region"() ({
      %run_scoped3A_94 = tpu.sem_alloc : memref<!tpu.dma_semaphore, #tpu.memory_space<semaphore_mem>>
      %dma_start3A_95 = arith.constant 0 : i32
      %dma_start3A_96 = tpu.memref_slice %arg6[%arg0, %multiple_of3A_90, %dma_start3A_95] : memref<2x5120x64xf32, #tpu.memory_space<hbm>> -> memref<1x320x64xf32, #tpu.memory_space<hbm>>
      %dma_start3A_97 = tpu.memref_squeeze %dma_start3A_96 : memref<1x320x64xf32, #tpu.memory_space<hbm>> -> memref<320x64xf32, #tpu.memory_space<hbm>>
      %dma_start3A_98 = arith.constant 0 : i32
      %dma_start3A_99 = tpu.memref_slice %arg12[%multiple_of3A_90, %dma_start3A_98] : memref<5120x64xf32, #tpu.memory_space<vmem_shared>> -> memref<320x64xf32, #tpu.memory_space<vmem_shared>>
      tpu.enqueue_dma source(%dma_start3A_99 : memref<320x64xf32, #tpu.memory_space<vmem_shared>>) target(%dma_start3A_97 : memref<320x64xf32, #tpu.memory_space<hbm>>) target_semaphore(%run_scoped3A_94 : memref<!tpu.dma_semaphore, #tpu.memory_space<semaphore_mem>>)
      %dma_wait3A_100 = arith.constant 0 : i32
      %dma_wait3A_101 = tpu.memref_slice %arg6[%arg0, %multiple_of3A_90, %dma_wait3A_100] : memref<2x5120x64xf32, #tpu.memory_space<hbm>> -> memref<1x320x64xf32, #tpu.memory_space<hbm>>
      %dma_wait3A_102 = tpu.memref_squeeze %dma_wait3A_101 : memref<1x320x64xf32, #tpu.memory_space<hbm>> -> memref<320x64xf32, #tpu.memory_space<hbm>>
      %dma_wait3A_103 = arith.constant 0 : i32
      %dma_wait3A_104 = tpu.memref_slice %arg12[%multiple_of3A_90, %dma_wait3A_103] : memref<5120x64xf32, #tpu.memory_space<vmem_shared>> -> memref<320x64xf32, #tpu.memory_space<vmem_shared>>
      tpu.wait_dma2 semaphore(%run_scoped3A_94 : memref<!tpu.dma_semaphore, #tpu.memory_space<semaphore_mem>>) src(%dma_wait3A_104 : memref<320x64xf32, #tpu.memory_space<vmem_shared>>) dst(%dma_wait3A_102 : memref<320x64xf32, #tpu.memory_space<hbm>>)
      tpu.yield
    }) : () -> ()
    %mul3A_91 = arith.constant 640 : i32
    %mul3A_92 = arith.muli %arg1, %mul3A_91 : i32
    %multiple_of3A_93 = tpu.assume_multiple %mul3A_92, 640 : i32
    "tpu.region"() ({
      %run_scoped3A_94 = tpu.sem_alloc : memref<!tpu.dma_semaphore, #tpu.memory_space<semaphore_mem>>
      %dma_start3A_95 = arith.constant 0 : i32
      %dma_start3A_96 = tpu.memref_slice %arg7[%arg0, %multiple_of3A_93, %dma_start3A_95] : memref<2x10240x64xf32, #tpu.memory_space<hbm>> -> memref<1x640x64xf32, #tpu.memory_space<hbm>>
      %dma_start3A_97 = tpu.memref_squeeze %dma_start3A_96 : memref<1x640x64xf32, #tpu.memory_space<hbm>> -> memref<640x64xf32, #tpu.memory_space<hbm>>
      %dma_start3A_98 = arith.constant 0 : i32
      %dma_start3A_99 = tpu.memref_slice %arg13[%multiple_of3A_93, %dma_start3A_98] : memref<10240x64xf32, #tpu.memory_space<vmem_shared>> -> memref<640x64xf32, #tpu.memory_space<vmem_shared>>
      tpu.enqueue_dma source(%dma_start3A_99 : memref<640x64xf32, #tpu.memory_space<vmem_shared>>) target(%dma_start3A_97 : memref<640x64xf32, #tpu.memory_space<hbm>>) target_semaphore(%run_scoped3A_94 : memref<!tpu.dma_semaphore, #tpu.memory_space<semaphore_mem>>)
      %dma_wait3A_100 = arith.constant 0 : i32
      %dma_wait3A_101 = tpu.memref_slice %arg7[%arg0, %multiple_of3A_93, %dma_wait3A_100] : memref<2x10240x64xf32, #tpu.memory_space<hbm>> -> memref<1x640x64xf32, #tpu.memory_space<hbm>>
      %dma_wait3A_102 = tpu.memref_squeeze %dma_wait3A_101 : memref<1x640x64xf32, #tpu.memory_space<hbm>> -> memref<640x64xf32, #tpu.memory_space<hbm>>
      %dma_wait3A_103 = arith.constant 0 : i32
      %dma_wait3A_104 = tpu.memref_slice %arg13[%multiple_of3A_93, %dma_wait3A_103] : memref<10240x64xf32, #tpu.memory_space<vmem_shared>> -> memref<640x64xf32, #tpu.memory_space<vmem_shared>>
      tpu.wait_dma2 semaphore(%run_scoped3A_94 : memref<!tpu.dma_semaphore, #tpu.memory_space<semaphore_mem>>) src(%dma_wait3A_104 : memref<640x64xf32, #tpu.memory_space<vmem_shared>>) dst(%dma_wait3A_102 : memref<640x64xf32, #tpu.memory_space<hbm>>)
      tpu.yield
    }) : () -> ()
    return
  }
}

#map = affine_map<(d0, d1) -> (0, 0)>
#map1 = affine_map<(d0, d1) -> (0, 0, 0)>
module attributes {stable_mosaic.version = 14 : i64} {
  func.func @_sc_body(%arg0: i32, %arg1: i32, %arg2: memref<1280x256xi32, #tpu.memory_space<hbm>>, %arg3: memref<1280x256xi32, #tpu.memory_space<hbm>>, %arg4: memref<2x10240x64xf32, #tpu.memory_space<hbm>>, %arg5: memref<2x5120x64xf32, #tpu.memory_space<hbm>>, %arg6: memref<2x5120x64xf32, #tpu.memory_space<hbm>>, %arg7: memref<2x10240x64xf32, #tpu.memory_space<hbm>>, %arg8: memref<2x2x256xi32, #tpu.memory_space<vmem>>, %arg9: memref<2x2x256xi32, #tpu.memory_space<vmem>>, %arg10: memref<2x256x64xf32, #tpu.memory_space<vmem>>, %arg11: memref<2x256x64xf32, #tpu.memory_space<vmem>>, %arg12: memref<5120x64xf32, #tpu.memory_space<vmem_shared>>, %arg13: memref<10240x64xf32, #tpu.memory_space<vmem_shared>>, %arg14: memref<!tpu.dma_semaphore, #tpu.memory_space<semaphore_mem>>, %arg15: memref<!tpu.dma_semaphore, #tpu.memory_space<semaphore_mem>>, %arg16: memref<!tpu.dma_semaphore, #tpu.memory_space<semaphore_mem>>, %arg17: memref<!tpu.dma_semaphore, #tpu.memory_space<semaphore_mem>>, %arg18: memref<!tpu.dma_semaphore, #tpu.memory_space<semaphore_mem>>) attributes {dimension_semantics = [#tpu.dimension_semantics<core_parallel>, #tpu.dimension_semantics<subcore_parallel>], iteration_bounds = array<i64: 2, 16>, scalar_prefetch = 0 : i64, scratch_operands = 11 : i64, tpu.core_type = #tpu.core_type<sc_vector_subcore>, window_params = [{transform_indices = #map}, {transform_indices = #map}, {transform_indices = #map1}, {transform_indices = #map1}, {transform_indices = #map1}, {transform_indices = #map1}]} {
    %broadcast_in_dim3A = arith.constant 0.000000e+00 : f32
    %broadcast_in_dim3A_0 = vector.broadcast %broadcast_in_dim3A : f32 to vector<16xf32>
    %scan3A = arith.constant 0 : i32
    %scan3A_1 = arith.constant 0 : i32
    %scan3A_2 = arith.constant 64 : i32
    %scan3A_3 = arith.addi %scan3A_1, %scan3A_2 : i32
    %scan3A_4 = arith.constant 1 : i32
    scf.for %scan3A_94 = %scan3A_1 to %scan3A_3 step %scan3A_4  : i32 {
      %swap3A = arith.constant 0 : i32
      %swap3A_95 = arith.index_cast %swap3A : i32 to index
      %swap3A_96 = arith.index_cast %scan3A_94 : i32 to index
      %swap3A_97 = arith.constant 0 : index
      %swap3A_98 = tpu.vector_load %arg10[%swap3A_95, %swap3A_96, %swap3A_97] {strides = array<i32>} : memref<2x256x64xf32, #tpu.memory_space<vmem>>, vector<1x1x16xf32>,
      %swap3A_99 = vector.shape_cast %swap3A_98 : vector<1x1x16xf32> to vector<16xf32>
      %swap3A_100 = vector.shape_cast %broadcast_in_dim3A_0 : vector<16xf32> to vector<1x1x16xf32>
      tpu.vector_store %arg10[%swap3A_95, %swap3A_96, %swap3A_97], %swap3A_100 {strides = array<i32>} : memref<2x256x64xf32, #tpu.memory_space<vmem>>, vector<1x1x16xf32>,
      %swap3A_101 = arith.constant 0 : i32
      %swap3A_102 = arith.index_cast %swap3A_101 : i32 to index
      %swap3A_103 = arith.index_cast %scan3A_94 : i32 to index
      %swap3A_104 = arith.constant 16 : index
      %swap3A_105 = tpu.vector_load %arg10[%swap3A_102, %swap3A_103, %swap3A_104] {strides = array<i32>} : memref<2x256x64xf32, #tpu.memory_space<vmem>>, vector<1x1x16xf32>,
      %swap3A_106 = vector.shape_cast %swap3A_105 : vector<1x1x16xf32> to vector<16xf32>
      %swap3A_107 = vector.shape_cast %broadcast_in_dim3A_0 : vector<16xf32> to vector<1x1x16xf32>
      tpu.vector_store %arg10[%swap3A_102, %swap3A_103, %swap3A_104], %swap3A_107 {strides = array<i32>} : memref<2x256x64xf32, #tpu.memory_space<vmem>>, vector<1x1x16xf32>,
      %swap3A_108 = arith.constant 0 : i32
      %swap3A_109 = arith.index_cast %swap3A_108 : i32 to index
      %swap3A_110 = arith.index_cast %scan3A_94 : i32 to index
      %swap3A_111 = arith.constant 32 : index
      %swap3A_112 = tpu.vector_load %arg10[%swap3A_109, %swap3A_110, %swap3A_111] {strides = array<i32>} : memref<2x256x64xf32, #tpu.memory_space<vmem>>, vector<1x1x16xf32>,
      %swap3A_113 = vector.shape_cast %swap3A_112 : vector<1x1x16xf32> to vector<16xf32>
      %swap3A_114 = vector.shape_cast %broadcast_in_dim3A_0 : vector<16xf32> to vector<1x1x16xf32>
      tpu.vector_store %arg10[%swap3A_109, %swap3A_110, %swap3A_111], %swap3A_114 {strides = array<i32>} : memref<2x256x64xf32, #tpu.memory_space<vmem>>, vector<1x1x16xf32>,
      %swap3A_115 = arith.constant 0 : i32
      %swap3A_116 = arith.index_cast %swap3A_115 : i32 to index
      %swap3A_117 = arith.index_cast %scan3A_94 : i32 to index
      %swap3A_118 = arith.constant 48 : index
      %swap3A_119 = tpu.vector_load %arg10[%swap3A_116, %swap3A_117, %swap3A_118] {strides = array<i32>} : memref<2x256x64xf32, #tpu.memory_space<vmem>>, vector<1x1x16xf32>,
      %swap3A_120 = vector.shape_cast %swap3A_119 : vector<1x1x16xf32> to vector<16xf32>
      %swap3A_121 = vector.shape_cast %broadcast_in_dim3A_0 : vector<16xf32> to vector<1x1x16xf32>
      tpu.vector_store %arg10[%swap3A_116, %swap3A_117, %swap3A_118], %swap3A_121 {strides = array<i32>} : memref<2x256x64xf32, #tpu.memory_space<vmem>>, vector<1x1x16xf32>,
    }
    %scan3A_5 = arith.constant 64 : i32
    %scan3A_6 = arith.constant 0 : i32
    %scan3A_7 = arith.constant 0 : i32
    %scan3A_8 = arith.constant 0 : i32
    %scan3A_9 = arith.constant 5 : i32
    %scan3A_10 = arith.addi %scan3A_8, %scan3A_9 : i32
    %scan3A_11 = arith.constant 1 : i32
    scf.for %scan3A_94 = %scan3A_8 to %scan3A_10 step %scan3A_11  : i32 {
      %mul3A_95 = arith.constant 320 : i32
      %mul3A_96 = arith.muli %arg1, %mul3A_95 : i32
      %mul3A_97 = arith.constant 64 : i32
      %mul3A_98 = arith.muli %scan3A_94, %mul3A_97 : i32
      %add3A_99 = arith.addi %mul3A_96, %mul3A_98 : i32
      %multiple_of3A_100 = tpu.assume_multiple %add3A_99, 64 : i32
      "tpu.region"() ({
        %run_scoped3A_101 = tpu.sem_alloc : memref<!tpu.dma_semaphore, #tpu.memory_space<semaphore_mem>>
        %dma_start3A_102 = arith.constant 0 : i32
        %dma_start3A_103 = arith.constant 0 : i32
        %dma_start3A_104 = tpu.memref_slice %arg10[%scan3A_7, %dma_start3A_102, %dma_start3A_103] : memref<2x256x64xf32, #tpu.memory_space<vmem>> -> memref<1x64x64xf32, #tpu.memory_space<vmem>>
        %dma_start3A_105 = tpu.memref_squeeze %dma_start3A_104 : memref<1x64x64xf32, #tpu.memory_space<vmem>> -> memref<64x64xf32, #tpu.memory_space<vmem>>
        %dma_start3A_106 = arith.constant 0 : i32
        %dma_start3A_107 = tpu.memref_slice %arg12[%multiple_of3A_100, %dma_start3A_106] : memref<5120x64xf32, #tpu.memory_space<vmem_shared>> -> memref<64x64xf32, #tpu.memory_space<vmem_shared>>
        %dma_start3A_108 = arith.constant 0 : i32
        %dma_start3A_109 = tpu.memref_slice %arg12[%multiple_of3A_100, %dma_start3A_108] : memref<5120x64xf32, #tpu.memory_space<vmem_shared>> -> memref<64x64xf32, #tpu.memory_space<vmem_shared>>
        %dma_start3A_110 = arith.constant 0 : i32
        %dma_start3A_111 = arith.constant 0 : i32
        %dma_start3A_112 = tpu.memref_slice %arg10[%scan3A_7, %dma_start3A_110, %dma_start3A_111] : memref<2x256x64xf32, #tpu.memory_space<vmem>> -> memref<1x64x64xf32, #tpu.memory_space<vmem>>
        %dma_start3A_113 = tpu.memref_squeeze %dma_start3A_112 : memref<1x64x64xf32, #tpu.memory_space<vmem>> -> memref<64x64xf32, #tpu.memory_space<vmem>>
        tpu.enqueue_dma source(%dma_start3A_113 : memref<64x64xf32, #tpu.memory_space<vmem>>) target(%dma_start3A_109 : memref<64x64xf32, #tpu.memory_space<vmem_shared>>) target_semaphore(%run_scoped3A_101 : memref<!tpu.dma_semaphore, #tpu.memory_space<semaphore_mem>>)
        %dma_wait3A_114 = arith.constant 0 : i32
        %dma_wait3A_115 = arith.constant 0 : i32
        %dma_wait3A_116 = tpu.memref_slice %arg10[%scan3A_7, %dma_wait3A_114, %dma_wait3A_115] : memref<2x256x64xf32, #tpu.memory_space<vmem>> -> memref<1x64x64xf32, #tpu.memory_space<vmem>>
        %dma_wait3A_117 = tpu.memref_squeeze %dma_wait3A_116 : memref<1x64x64xf32, #tpu.memory_space<vmem>> -> memref<64x64xf32, #tpu.memory_space<vmem>>
        %dma_wait3A_118 = arith.constant 0 : i32
        %dma_wait3A_119 = tpu.memref_slice %arg12[%multiple_of3A_100, %dma_wait3A_118] : memref<5120x64xf32, #tpu.memory_space<vmem_shared>> -> memref<64x64xf32, #tpu.memory_space<vmem_shared>>
        %dma_wait3A_120 = arith.constant 0 : i32
        %dma_wait3A_121 = tpu.memref_slice %arg12[%multiple_of3A_100, %dma_wait3A_120] : memref<5120x64xf32, #tpu.memory_space<vmem_shared>> -> memref<64x64xf32, #tpu.memory_space<vmem_shared>>
        %dma_wait3A_122 = arith.constant 0 : i32
        %dma_wait3A_123 = arith.constant 0 : i32
        %dma_wait3A_124 = tpu.memref_slice %arg10[%scan3A_7, %dma_wait3A_122, %dma_wait3A_123] : memref<2x256x64xf32, #tpu.memory_space<vmem>> -> memref<1x64x64xf32, #tpu.memory_space<vmem>>
        %dma_wait3A_125 = tpu.memref_squeeze %dma_wait3A_124 : memref<1x64x64xf32, #tpu.memory_space<vmem>> -> memref<64x64xf32, #tpu.memory_space<vmem>>
        tpu.wait_dma2 semaphore(%run_scoped3A_101 : memref<!tpu.dma_semaphore, #tpu.memory_space<semaphore_mem>>) src(%dma_wait3A_125 : memref<64x64xf32, #tpu.memory_space<vmem>>) dst(%dma_wait3A_121 : memref<64x64xf32, #tpu.memory_space<vmem_shared>>)
        tpu.yield
      }) : () -> ()
    }
    %scan3A_12 = arith.constant 5 : i32
    %scan3A_13 = arith.constant 0 : i32
    %scan3A_14 = arith.constant 0 : i32
    %scan3A_15 = arith.constant 0 : i32
    %scan3A_16 = arith.constant 10 : i32
    %scan3A_17 = arith.addi %scan3A_15, %scan3A_16 : i32
    %scan3A_18 = arith.constant 1 : i32
    scf.for %scan3A_94 = %scan3A_15 to %scan3A_17 step %scan3A_18  : i32 {
      %mul3A_95 = arith.constant 640 : i32
      %mul3A_96 = arith.muli %arg1, %mul3A_95 : i32
      %mul3A_97 = arith.constant 64 : i32
      %mul3A_98 = arith.muli %scan3A_94, %mul3A_97 : i32
      %add3A_99 = arith.addi %mul3A_96, %mul3A_98 : i32
      %multiple_of3A_100 = tpu.assume_multiple %add3A_99, 64 : i32
      "tpu.region"() ({
        %run_scoped3A_101 = tpu.sem_alloc : memref<!tpu.dma_semaphore, #tpu.memory_space<semaphore_mem>>
        %dma_start3A_102 = arith.constant 0 : i32
        %dma_start3A_103 = arith.constant 0 : i32
        %dma_start3A_104 = tpu.memref_slice %arg10[%scan3A_14, %dma_start3A_102, %dma_start3A_103] : memref<2x256x64xf32, #tpu.memory_space<vmem>> -> memref<1x64x64xf32, #tpu.memory_space<vmem>>
        %dma_start3A_105 = tpu.memref_squeeze %dma_start3A_104 : memref<1x64x64xf32, #tpu.memory_space<vmem>> -> memref<64x64xf32, #tpu.memory_space<vmem>>
        %dma_start3A_106 = arith.constant 0 : i32
        %dma_start3A_107 = tpu.memref_slice %arg13[%multiple_of3A_100, %dma_start3A_106] : memref<10240x64xf32, #tpu.memory_space<vmem_shared>> -> memref<64x64xf32, #tpu.memory_space<vmem_shared>>
        %dma_start3A_108 = arith.constant 0 : i32
        %dma_start3A_109 = tpu.memref_slice %arg13[%multiple_of3A_100, %dma_start3A_108] : memref<10240x64xf32, #tpu.memory_space<vmem_shared>> -> memref<64x64xf32, #tpu.memory_space<vmem_shared>>
        %dma_start3A_110 = arith.constant 0 : i32
        %dma_start3A_111 = arith.constant 0 : i32
        %dma_start3A_112 = tpu.memref_slice %arg10[%scan3A_14, %dma_start3A_110, %dma_start3A_111] : memref<2x256x64xf32, #tpu.memory_space<vmem>> -> memref<1x64x64xf32, #tpu.memory_space<vmem>>
        %dma_start3A_113 = tpu.memref_squeeze %dma_start3A_112 : memref<1x64x64xf32, #tpu.memory_space<vmem>> -> memref<64x64xf32, #tpu.memory_space<vmem>>
        tpu.enqueue_dma source(%dma_start3A_113 : memref<64x64xf32, #tpu.memory_space<vmem>>) target(%dma_start3A_109 : memref<64x64xf32, #tpu.memory_space<vmem_shared>>) target_semaphore(%run_scoped3A_101 : memref<!tpu.dma_semaphore, #tpu.memory_space<semaphore_mem>>)
        %dma_wait3A_114 = arith.constant 0 : i32
        %dma_wait3A_115 = arith.constant 0 : i32
        %dma_wait3A_116 = tpu.memref_slice %arg10[%scan3A_14, %dma_wait3A_114, %dma_wait3A_115] : memref<2x256x64xf32, #tpu.memory_space<vmem>> -> memref<1x64x64xf32, #tpu.memory_space<vmem>>
        %dma_wait3A_117 = tpu.memref_squeeze %dma_wait3A_116 : memref<1x64x64xf32, #tpu.memory_space<vmem>> -> memref<64x64xf32, #tpu.memory_space<vmem>>
        %dma_wait3A_118 = arith.constant 0 : i32
        %dma_wait3A_119 = tpu.memref_slice %arg13[%multiple_of3A_100, %dma_wait3A_118] : memref<10240x64xf32, #tpu.memory_space<vmem_shared>> -> memref<64x64xf32, #tpu.memory_space<vmem_shared>>
        %dma_wait3A_120 = arith.constant 0 : i32
        %dma_wait3A_121 = tpu.memref_slice %arg13[%multiple_of3A_100, %dma_wait3A_120] : memref<10240x64xf32, #tpu.memory_space<vmem_shared>> -> memref<64x64xf32, #tpu.memory_space<vmem_shared>>
        %dma_wait3A_122 = arith.constant 0 : i32
        %dma_wait3A_123 = arith.constant 0 : i32
        %dma_wait3A_124 = tpu.memref_slice %arg10[%scan3A_14, %dma_wait3A_122, %dma_wait3A_123] : memref<2x256x64xf32, #tpu.memory_space<vmem>> -> memref<1x64x64xf32, #tpu.memory_space<vmem>>
        %dma_wait3A_125 = tpu.memref_squeeze %dma_wait3A_124 : memref<1x64x64xf32, #tpu.memory_space<vmem>> -> memref<64x64xf32, #tpu.memory_space<vmem>>
        tpu.wait_dma2 semaphore(%run_scoped3A_101 : memref<!tpu.dma_semaphore, #tpu.memory_space<semaphore_mem>>) src(%dma_wait3A_125 : memref<64x64xf32, #tpu.memory_space<vmem>>) dst(%dma_wait3A_121 : memref<64x64xf32, #tpu.memory_space<vmem_shared>>)
        tpu.yield
      }) : () -> ()
    }
    %scan3A_19 = arith.constant 10 : i32
    %barrier3A = arith.constant 0 : index
    tpu.barrier barrier_id(%barrier3A)
    %mul3A = arith.constant 80 : i32
    %mul3A_20 = arith.muli %arg1, %mul3A : i32
    %add3A = arith.constant 0 : i32
    %add3A_21 = arith.addi %mul3A_20, %add3A : i32
    %multiple_of3A = tpu.assume_multiple %add3A_21, 8 : i32
    %run_scoped3A = arith.constant 0 : i32
    "tpu.region"() ({
      %run_scoped3A_94 = tpu.sem_alloc : memref<!tpu.dma_semaphore, #tpu.memory_space<semaphore_mem>>
      %dma_start3A_95 = arith.constant 0 : i32
      %dma_start3A_96 = arith.constant 0 : i32
      %dma_start3A_97 = tpu.memref_slice %arg8[%run_scoped3A, %dma_start3A_95, %dma_start3A_96] : memref<2x2x256xi32, #tpu.memory_space<vmem>> -> memref<1x2x256xi32, #tpu.memory_space<vmem>>
      %dma_start3A_98 = tpu.memref_squeeze %dma_start3A_97 : memref<1x2x256xi32, #tpu.memory_space<vmem>> -> memref<2x256xi32, #tpu.memory_space<vmem>>
      %dma_start3A_99 = arith.constant 0 : i32
      %dma_start3A_100 = tpu.memref_slice %arg2[%multiple_of3A, %dma_start3A_99] : memref<1280x256xi32, #tpu.memory_space<hbm>> -> memref<2x256xi32, #tpu.memory_space<hbm>>
      %dma_start3A_101 = arith.constant 0 : i32
      %dma_start3A_102 = arith.constant 0 : i32
      %dma_start3A_103 = tpu.memref_slice %arg8[%run_scoped3A, %dma_start3A_101, %dma_start3A_102] : memref<2x2x256xi32, #tpu.memory_space<vmem>> -> memref<1x2x256xi32, #tpu.memory_space<vmem>>
      %dma_start3A_104 = tpu.memref_squeeze %dma_start3A_103 : memref<1x2x256xi32, #tpu.memory_space<vmem>> -> memref<2x256xi32, #tpu.memory_space<vmem>>
      %dma_start3A_105 = arith.constant 0 : i32
      %dma_start3A_106 = tpu.memref_slice %arg2[%multiple_of3A, %dma_start3A_105] : memref<1280x256xi32, #tpu.memory_space<hbm>> -> memref<2x256xi32, #tpu.memory_space<hbm>>
      tpu.enqueue_dma source(%dma_start3A_106 : memref<2x256xi32, #tpu.memory_space<hbm>>) target(%dma_start3A_104 : memref<2x256xi32, #tpu.memory_space<vmem>>) target_semaphore(%run_scoped3A_94 : memref<!tpu.dma_semaphore, #tpu.memory_space<semaphore_mem>>)
      %dma_wait3A_107 = arith.constant 0 : i32
      %dma_wait3A_108 = arith.constant 0 : i32
      %dma_wait3A_109 = tpu.memref_slice %arg8[%run_scoped3A, %dma_wait3A_107, %dma_wait3A_108] : memref<2x2x256xi32, #tpu.memory_space<vmem>> -> memref<1x2x256xi32, #tpu.memory_space<vmem>>
      %dma_wait3A_110 = tpu.memref_squeeze %dma_wait3A_109 : memref<1x2x256xi32, #tpu.memory_space<vmem>> -> memref<2x256xi32, #tpu.memory_space<vmem>>
      %dma_wait3A_111 = arith.constant 0 : i32
      %dma_wait3A_112 = tpu.memref_slice %arg2[%multiple_of3A, %dma_wait3A_111] : memref<1280x256xi32, #tpu.memory_space<hbm>> -> memref<2x256xi32, #tpu.memory_space<hbm>>
      %dma_wait3A_113 = arith.constant 0 : i32
      %dma_wait3A_114 = arith.constant 0 : i32
      %dma_wait3A_115 = tpu.memref_slice %arg8[%run_scoped3A, %dma_wait3A_113, %dma_wait3A_114] : memref<2x2x256xi32, #tpu.memory_space<vmem>> -> memref<1x2x256xi32, #tpu.memory_space<vmem>>
      %dma_wait3A_116 = tpu.memref_squeeze %dma_wait3A_115 : memref<1x2x256xi32, #tpu.memory_space<vmem>> -> memref<2x256xi32, #tpu.memory_space<vmem>>
      %dma_wait3A_117 = arith.constant 0 : i32
      %dma_wait3A_118 = tpu.memref_slice %arg2[%multiple_of3A, %dma_wait3A_117] : memref<1280x256xi32, #tpu.memory_space<hbm>> -> memref<2x256xi32, #tpu.memory_space<hbm>>
      tpu.wait_dma2 semaphore(%run_scoped3A_94 : memref<!tpu.dma_semaphore, #tpu.memory_space<semaphore_mem>>) src(%dma_wait3A_118 : memref<2x256xi32, #tpu.memory_space<hbm>>) dst(%dma_wait3A_116 : memref<2x256xi32, #tpu.memory_space<vmem>>)
      tpu.yield
    }) : () -> ()
    %run_scoped3A_22 = arith.constant 0 : i32
    "tpu.region"() ({
      %run_scoped3A_94 = tpu.sem_alloc : memref<!tpu.dma_semaphore, #tpu.memory_space<semaphore_mem>>
      %dma_start3A_95 = arith.constant 0 : i32
      %dma_start3A_96 = arith.constant 0 : i32
      %dma_start3A_97 = tpu.memref_slice %arg9[%run_scoped3A_22, %dma_start3A_95, %dma_start3A_96] : memref<2x2x256xi32, #tpu.memory_space<vmem>> -> memref<1x2x256xi32, #tpu.memory_space<vmem>>
      %dma_start3A_98 = tpu.memref_squeeze %dma_start3A_97 : memref<1x2x256xi32, #tpu.memory_space<vmem>> -> memref<2x256xi32, #tpu.memory_space<vmem>>
      %dma_start3A_99 = arith.constant 0 : i32
      %dma_start3A_100 = tpu.memref_slice %arg3[%multiple_of3A, %dma_start3A_99] : memref<1280x256xi32, #tpu.memory_space<hbm>> -> memref<2x256xi32, #tpu.memory_space<hbm>>
      %dma_start3A_101 = arith.constant 0 : i32
      %dma_start3A_102 = arith.constant 0 : i32
      %dma_start3A_103 = tpu.memref_slice %arg9[%run_scoped3A_22, %dma_start3A_101, %dma_start3A_102] : memref<2x2x256xi32, #tpu.memory_space<vmem>> -> memref<1x2x256xi32, #tpu.memory_space<vmem>>
      %dma_start3A_104 = tpu.memref_squeeze %dma_start3A_103 : memref<1x2x256xi32, #tpu.memory_space<vmem>> -> memref<2x256xi32, #tpu.memory_space<vmem>>
      %dma_start3A_105 = arith.constant 0 : i32
      %dma_start3A_106 = tpu.memref_slice %arg3[%multiple_of3A, %dma_start3A_105] : memref<1280x256xi32, #tpu.memory_space<hbm>> -> memref<2x256xi32, #tpu.memory_space<hbm>>
      tpu.enqueue_dma source(%dma_start3A_106 : memref<2x256xi32, #tpu.memory_space<hbm>>) target(%dma_start3A_104 : memref<2x256xi32, #tpu.memory_space<vmem>>) target_semaphore(%run_scoped3A_94 : memref<!tpu.dma_semaphore, #tpu.memory_space<semaphore_mem>>)
      %dma_wait3A_107 = arith.constant 0 : i32
      %dma_wait3A_108 = arith.constant 0 : i32
      %dma_wait3A_109 = tpu.memref_slice %arg9[%run_scoped3A_22, %dma_wait3A_107, %dma_wait3A_108] : memref<2x2x256xi32, #tpu.memory_space<vmem>> -> memref<1x2x256xi32, #tpu.memory_space<vmem>>
      %dma_wait3A_110 = tpu.memref_squeeze %dma_wait3A_109 : memref<1x2x256xi32, #tpu.memory_space<vmem>> -> memref<2x256xi32, #tpu.memory_space<vmem>>
      %dma_wait3A_111 = arith.constant 0 : i32
      %dma_wait3A_112 = tpu.memref_slice %arg3[%multiple_of3A, %dma_wait3A_111] : memref<1280x256xi32, #tpu.memory_space<hbm>> -> memref<2x256xi32, #tpu.memory_space<hbm>>
      %dma_wait3A_113 = arith.constant 0 : i32
      %dma_wait3A_114 = arith.constant 0 : i32
      %dma_wait3A_115 = tpu.memref_slice %arg9[%run_scoped3A_22, %dma_wait3A_113, %dma_wait3A_114] : memref<2x2x256xi32, #tpu.memory_space<vmem>> -> memref<1x2x256xi32, #tpu.memory_space<vmem>>
      %dma_wait3A_116 = tpu.memref_squeeze %dma_wait3A_115 : memref<1x2x256xi32, #tpu.memory_space<vmem>> -> memref<2x256xi32, #tpu.memory_space<vmem>>
      %dma_wait3A_117 = arith.constant 0 : i32
      %dma_wait3A_118 = tpu.memref_slice %arg3[%multiple_of3A, %dma_wait3A_117] : memref<1280x256xi32, #tpu.memory_space<hbm>> -> memref<2x256xi32, #tpu.memory_space<hbm>>
      tpu.wait_dma2 semaphore(%run_scoped3A_94 : memref<!tpu.dma_semaphore, #tpu.memory_space<semaphore_mem>>) src(%dma_wait3A_118 : memref<2x256xi32, #tpu.memory_space<hbm>>) dst(%dma_wait3A_116 : memref<2x256xi32, #tpu.memory_space<vmem>>)
      tpu.yield
    }) : () -> ()
    %dma_start3A = arith.constant 0 : i32
    %dma_start3A_23 = arith.constant 0 : i32
    %dma_start3A_24 = arith.constant 0 : i32
    %dma_start3A_25 = arith.constant 0 : i32
    %dma_start3A_26 = arith.constant 0 : i32
    %dma_start3A_27 = tpu.memref_slice %arg10[%dma_start3A_24, %dma_start3A_25, %dma_start3A_26] : memref<2x256x64xf32, #tpu.memory_space<vmem>> -> memref<1x256x64xf32, #tpu.memory_space<vmem>>
    %dma_start3A_28 = tpu.memref_squeeze %dma_start3A_27 : memref<1x256x64xf32, #tpu.memory_space<vmem>> -> memref<256x64xf32, #tpu.memory_space<vmem>>
    %dma_start3A_29 = arith.constant 0 : i32
    %dma_start3A_30 = tpu.memref_slice %arg8[%dma_start3A, %dma_start3A_23, %dma_start3A_29] : memref<2x2x256xi32, #tpu.memory_space<vmem>> -> memref<1x1x256xi32, #tpu.memory_space<vmem>>
    %dma_start3A_31 = tpu.memref_squeeze %dma_start3A_30 : memref<1x1x256xi32, #tpu.memory_space<vmem>> -> memref<256xi32, #tpu.memory_space<vmem>>
    %dma_start3A_32 = arith.constant 0 : i32
    %dma_start3A_33 = arith.constant 0 : i32
    %dma_start3A_34 = tpu.memref_slice %arg4[%arg0, %dma_start3A_32, %dma_start3A_33] : memref<2x10240x64xf32, #tpu.memory_space<hbm>> -> memref<1x10240x64xf32, #tpu.memory_space<hbm>>
    %dma_start3A_35 = tpu.memref_squeeze %dma_start3A_34 : memref<1x10240x64xf32, #tpu.memory_space<hbm>> -> memref<10240x64xf32, #tpu.memory_space<hbm>>
    %dma_start3A_36 = arith.constant 0 : i32
    %dma_start3A_37 = arith.constant 0 : i32
    %dma_start3A_38 = tpu.memref_slice %dma_start3A_35[%dma_start3A_36, %dma_start3A_37] : memref<10240x64xf32, #tpu.memory_space<hbm>> -> memref<10240x64xf32, #tpu.memory_space<hbm>>
    tpu.enqueue_indirect_dma source(%dma_start3A_38 : memref<10240x64xf32, #tpu.memory_space<hbm>>) target(%dma_start3A_28 : memref<256x64xf32, #tpu.memory_space<vmem>>) offsets(%dma_start3A_31 : memref<256xi32, #tpu.memory_space<vmem>>) semaphore(%arg14 : memref<!tpu.dma_semaphore, #tpu.memory_space<semaphore_mem>>)
    %dma_start3A_39 = arith.constant 0 : i32
    %dma_start3A_40 = arith.constant 0 : i32
    %dma_start3A_41 = arith.constant 0 : i32
    %dma_start3A_42 = arith.constant 0 : i32
    %dma_start3A_43 = arith.constant 0 : i32
    %dma_start3A_44 = tpu.memref_slice %arg11[%dma_start3A_41, %dma_start3A_42, %dma_start3A_43] : memref<2x256x64xf32, #tpu.memory_space<vmem>> -> memref<1x256x64xf32, #tpu.memory_space<vmem>>
    %dma_start3A_45 = tpu.memref_squeeze %dma_start3A_44 : memref<1x256x64xf32, #tpu.memory_space<vmem>> -> memref<256x64xf32, #tpu.memory_space<vmem>>
    %dma_start3A_46 = arith.constant 0 : i32
    %dma_start3A_47 = tpu.memref_slice %arg9[%dma_start3A_39, %dma_start3A_40, %dma_start3A_46] : memref<2x2x256xi32, #tpu.memory_space<vmem>> -> memref<1x1x256xi32, #tpu.memory_space<vmem>>
    %dma_start3A_48 = tpu.memref_squeeze %dma_start3A_47 : memref<1x1x256xi32, #tpu.memory_space<vmem>> -> memref<256xi32, #tpu.memory_space<vmem>>
    %dma_start3A_49 = arith.constant 0 : i32
    %dma_start3A_50 = arith.constant 0 : i32
    %dma_start3A_51 = tpu.memref_slice %arg5[%arg0, %dma_start3A_49, %dma_start3A_50] : memref<2x5120x64xf32, #tpu.memory_space<hbm>> -> memref<1x5120x64xf32, #tpu.memory_space<hbm>>
    %dma_start3A_52 = tpu.memref_squeeze %dma_start3A_51 : memref<1x5120x64xf32, #tpu.memory_space<hbm>> -> memref<5120x64xf32, #tpu.memory_space<hbm>>
    %dma_start3A_53 = arith.constant 0 : i32
    %dma_start3A_54 = arith.constant 0 : i32
    %dma_start3A_55 = tpu.memref_slice %dma_start3A_52[%dma_start3A_53, %dma_start3A_54] : memref<5120x64xf32, #tpu.memory_space<hbm>> -> memref<5120x64xf32, #tpu.memory_space<hbm>>
    tpu.enqueue_indirect_dma source(%dma_start3A_55 : memref<5120x64xf32, #tpu.memory_space<hbm>>) target(%dma_start3A_45 : memref<256x64xf32, #tpu.memory_space<vmem>>) offsets(%dma_start3A_48 : memref<256xi32, #tpu.memory_space<vmem>>) semaphore(%arg14 : memref<!tpu.dma_semaphore, #tpu.memory_space<semaphore_mem>>)
    %scan3A_56 = arith.constant 0 : i32
    %scan3A_57 = arith.constant 0 : i32
    %scan3A_58 = arith.constant 40 : i32
    %scan3A_59 = arith.addi %scan3A_57, %scan3A_58 : i32
    %scan3A_60 = arith.constant 1 : i32
    scf.for %scan3A_94 = %scan3A_57 to %scan3A_59 step %scan3A_60  : i32 {
      %rem3A_95 = arith.constant 2 : i32
      %rem3A_96 = arith.remsi %scan3A_94, %rem3A_95 : i32
      %sub3A = arith.constant 1 : i32
      %sub3A_97 = arith.subi %sub3A, %rem3A_96 : i32
      %gt3A = arith.constant 0 : i32
      %gt3A_98 = arith.cmpi sgt, %scan3A_94, %gt3A : i32
      %convert_element_type3A = arith.extui %gt3A_98 : i1 to i32
      %cond3A = arith.constant 0 : i32
      %cond3A_99 = arith.cmpi ne, %convert_element_type3A, %cond3A : i32
      scf.if %cond3A_99 {
        %dma_wait3A_277 = arith.constant 1 : i32
        %dma_wait3A_278 = arith.constant 1 : i32
        %dma_wait3A_279 = arith.constant 0 : i32
        %dma_wait3A_280 = arith.constant 0 : i32
        %dma_wait3A_281 = tpu.memref_slice %arg10[%dma_wait3A_277, %dma_wait3A_279, %dma_wait3A_280] : memref<2x256x64xf32, #tpu.memory_space<vmem>> -> memref<1x256x64xf32, #tpu.memory_space<vmem>>
        %dma_wait3A_282 = tpu.memref_squeeze %dma_wait3A_281 : memref<1x256x64xf32, #tpu.memory_space<vmem>> -> memref<256x64xf32, #tpu.memory_space<vmem>>
        %dma_wait3A_283 = arith.constant 0 : i32
        %dma_wait3A_284 = tpu.memref_slice %arg9[%sub3A_97, %dma_wait3A_278, %dma_wait3A_283] : memref<2x2x256xi32, #tpu.memory_space<vmem>> -> memref<1x1x256xi32, #tpu.memory_space<vmem>>
        %dma_wait3A_285 = tpu.memref_squeeze %dma_wait3A_284 : memref<1x1x256xi32, #tpu.memory_space<vmem>> -> memref<256xi32, #tpu.memory_space<vmem>>
        %dma_wait3A_286 = arith.constant 0 : i32
        %dma_wait3A_287 = arith.constant 0 : i32
        %dma_wait3A_288 = tpu.memref_slice %arg12[%dma_wait3A_286, %dma_wait3A_287] : memref<5120x64xf32, #tpu.memory_space<vmem_shared>> -> memref<5120x64xf32, #tpu.memory_space<vmem_shared>>
        tpu.wait_indirect_dma semaphore(%arg17 : memref<!tpu.dma_semaphore, #tpu.memory_space<semaphore_mem>>) src(%dma_wait3A_282 : memref<256x64xf32, #tpu.memory_space<vmem>>) dst(%dma_wait3A_288 : memref<5120x64xf32, #tpu.memory_space<vmem_shared>>)
        %dma_wait3A_289 = arith.constant 1 : i32
        %dma_wait3A_290 = arith.constant 1 : i32
        %dma_wait3A_291 = arith.constant 0 : i32
        %dma_wait3A_292 = arith.constant 0 : i32
        %dma_wait3A_293 = tpu.memref_slice %arg11[%dma_wait3A_289, %dma_wait3A_291, %dma_wait3A_292] : memref<2x256x64xf32, #tpu.memory_space<vmem>> -> memref<1x256x64xf32, #tpu.memory_space<vmem>>
        %dma_wait3A_294 = tpu.memref_squeeze %dma_wait3A_293 : memref<1x256x64xf32, #tpu.memory_space<vmem>> -> memref<256x64xf32, #tpu.memory_space<vmem>>
        %dma_wait3A_295 = arith.constant 0 : i32
        %dma_wait3A_296 = tpu.memref_slice %arg8[%sub3A_97, %dma_wait3A_290, %dma_wait3A_295] : memref<2x2x256xi32, #tpu.memory_space<vmem>> -> memref<1x1x256xi32, #tpu.memory_space<vmem>>
        %dma_wait3A_297 = tpu.memref_squeeze %dma_wait3A_296 : memref<1x1x256xi32, #tpu.memory_space<vmem>> -> memref<256xi32, #tpu.memory_space<vmem>>
        %dma_wait3A_298 = arith.constant 0 : i32
        %dma_wait3A_299 = arith.constant 0 : i32
        %dma_wait3A_300 = tpu.memref_slice %arg13[%dma_wait3A_298, %dma_wait3A_299] : memref<10240x64xf32, #tpu.memory_space<vmem_shared>> -> memref<10240x64xf32, #tpu.memory_space<vmem_shared>>
        tpu.wait_indirect_dma semaphore(%arg17 : memref<!tpu.dma_semaphore, #tpu.memory_space<semaphore_mem>>) src(%dma_wait3A_294 : memref<256x64xf32, #tpu.memory_space<vmem>>) dst(%dma_wait3A_300 : memref<10240x64xf32, #tpu.memory_space<vmem_shared>>)
      } else {
      }
      %lt3A = arith.constant 39 : i32
      %lt3A_100 = arith.cmpi slt, %scan3A_94, %lt3A : i32
      %convert_element_type3A_101 = arith.extui %lt3A_100 : i1 to i32
      %cond3A_102 = arith.constant 0 : i32
      %cond3A_103 = arith.cmpi ne, %convert_element_type3A_101, %cond3A_102 : i32
      scf.if %cond3A_103 {
        %add3A_277 = arith.constant 1 : i32
        %add3A_278 = arith.addi %scan3A_94, %add3A_277 : i32
        %mul3A_279 = arith.constant 80 : i32
        %mul3A_280 = arith.muli %arg1, %mul3A_279 : i32
        %mul3A_281 = arith.constant 2 : i32
        %mul3A_282 = arith.muli %add3A_278, %mul3A_281 : i32
        %add3A_283 = arith.addi %mul3A_280, %mul3A_282 : i32
        %multiple_of3A_284 = tpu.assume_multiple %add3A_283, 8 : i32
        %dma_start3A_285 = arith.constant 0 : i32
        %dma_start3A_286 = arith.constant 0 : i32
        %dma_start3A_287 = tpu.memref_slice %arg8[%sub3A_97, %dma_start3A_285, %dma_start3A_286] : memref<2x2x256xi32, #tpu.memory_space<vmem>> -> memref<1x2x256xi32, #tpu.memory_space<vmem>>
        %dma_start3A_288 = tpu.memref_squeeze %dma_start3A_287 : memref<1x2x256xi32, #tpu.memory_space<vmem>> -> memref<2x256xi32, #tpu.memory_space<vmem>>
        %dma_start3A_289 = arith.constant 0 : i32
        %dma_start3A_290 = tpu.memref_slice %arg2[%multiple_of3A_284, %dma_start3A_289] : memref<1280x256xi32, #tpu.memory_space<hbm>> -> memref<2x256xi32, #tpu.memory_space<hbm>>
        %dma_start3A_291 = arith.constant 0 : i32
        %dma_start3A_292 = arith.constant 0 : i32
        %dma_start3A_293 = tpu.memref_slice %arg8[%sub3A_97, %dma_start3A_291, %dma_start3A_292] : memref<2x2x256xi32, #tpu.memory_space<vmem>> -> memref<1x2x256xi32, #tpu.memory_space<vmem>>
        %dma_start3A_294 = tpu.memref_squeeze %dma_start3A_293 : memref<1x2x256xi32, #tpu.memory_space<vmem>> -> memref<2x256xi32, #tpu.memory_space<vmem>>
        %dma_start3A_295 = arith.constant 0 : i32
        %dma_start3A_296 = tpu.memref_slice %arg2[%multiple_of3A_284, %dma_start3A_295] : memref<1280x256xi32, #tpu.memory_space<hbm>> -> memref<2x256xi32, #tpu.memory_space<hbm>>
        tpu.enqueue_dma source(%dma_start3A_296 : memref<2x256xi32, #tpu.memory_space<hbm>>) target(%dma_start3A_294 : memref<2x256xi32, #tpu.memory_space<vmem>>) target_semaphore(%arg18 : memref<!tpu.dma_semaphore, #tpu.memory_space<semaphore_mem>>)
        %dma_start3A_297 = arith.constant 0 : i32
        %dma_start3A_298 = arith.constant 0 : i32
        %dma_start3A_299 = tpu.memref_slice %arg9[%sub3A_97, %dma_start3A_297, %dma_start3A_298] : memref<2x2x256xi32, #tpu.memory_space<vmem>> -> memref<1x2x256xi32, #tpu.memory_space<vmem>>
        %dma_start3A_300 = tpu.memref_squeeze %dma_start3A_299 : memref<1x2x256xi32, #tpu.memory_space<vmem>> -> memref<2x256xi32, #tpu.memory_space<vmem>>
        %dma_start3A_301 = arith.constant 0 : i32
        %dma_start3A_302 = tpu.memref_slice %arg3[%multiple_of3A_284, %dma_start3A_301] : memref<1280x256xi32, #tpu.memory_space<hbm>> -> memref<2x256xi32, #tpu.memory_space<hbm>>
        %dma_start3A_303 = arith.constant 0 : i32
        %dma_start3A_304 = arith.constant 0 : i32
        %dma_start3A_305 = tpu.memref_slice %arg9[%sub3A_97, %dma_start3A_303, %dma_start3A_304] : memref<2x2x256xi32, #tpu.memory_space<vmem>> -> memref<1x2x256xi32, #tpu.memory_space<vmem>>
        %dma_start3A_306 = tpu.memref_squeeze %dma_start3A_305 : memref<1x2x256xi32, #tpu.memory_space<vmem>> -> memref<2x256xi32, #tpu.memory_space<vmem>>
        %dma_start3A_307 = arith.constant 0 : i32
        %dma_start3A_308 = tpu.memref_slice %arg3[%multiple_of3A_284, %dma_start3A_307] : memref<1280x256xi32, #tpu.memory_space<hbm>> -> memref<2x256xi32, #tpu.memory_space<hbm>>
        tpu.enqueue_dma source(%dma_start3A_308 : memref<2x256xi32, #tpu.memory_space<hbm>>) target(%dma_start3A_306 : memref<2x256xi32, #tpu.memory_space<vmem>>) target_semaphore(%arg18 : memref<!tpu.dma_semaphore, #tpu.memory_space<semaphore_mem>>)
      } else {
      }
      %dma_start3A_104 = arith.constant 1 : i32
      %dma_start3A_105 = arith.constant 1 : i32
      %dma_start3A_106 = arith.constant 0 : i32
      %dma_start3A_107 = arith.constant 0 : i32
      %dma_start3A_108 = tpu.memref_slice %arg10[%dma_start3A_105, %dma_start3A_106, %dma_start3A_107] : memref<2x256x64xf32, #tpu.memory_space<vmem>> -> memref<1x256x64xf32, #tpu.memory_space<vmem>>
      %dma_start3A_109 = tpu.memref_squeeze %dma_start3A_108 : memref<1x256x64xf32, #tpu.memory_space<vmem>> -> memref<256x64xf32, #tpu.memory_space<vmem>>
      %dma_start3A_110 = arith.constant 0 : i32
      %dma_start3A_111 = tpu.memref_slice %arg8[%rem3A_96, %dma_start3A_104, %dma_start3A_110] : memref<2x2x256xi32, #tpu.memory_space<vmem>> -> memref<1x1x256xi32, #tpu.memory_space<vmem>>
      %dma_start3A_112 = tpu.memref_squeeze %dma_start3A_111 : memref<1x1x256xi32, #tpu.memory_space<vmem>> -> memref<256xi32, #tpu.memory_space<vmem>>
      %dma_start3A_113 = arith.constant 0 : i32
      %dma_start3A_114 = arith.constant 0 : i32
      %dma_start3A_115 = tpu.memref_slice %arg4[%arg0, %dma_start3A_113, %dma_start3A_114] : memref<2x10240x64xf32, #tpu.memory_space<hbm>> -> memref<1x10240x64xf32, #tpu.memory_space<hbm>>
      %dma_start3A_116 = tpu.memref_squeeze %dma_start3A_115 : memref<1x10240x64xf32, #tpu.memory_space<hbm>> -> memref<10240x64xf32, #tpu.memory_space<hbm>>
      %dma_start3A_117 = arith.constant 0 : i32
      %dma_start3A_118 = arith.constant 0 : i32
      %dma_start3A_119 = tpu.memref_slice %dma_start3A_116[%dma_start3A_117, %dma_start3A_118] : memref<10240x64xf32, #tpu.memory_space<hbm>> -> memref<10240x64xf32, #tpu.memory_space<hbm>>
      tpu.enqueue_indirect_dma source(%dma_start3A_119 : memref<10240x64xf32, #tpu.memory_space<hbm>>) target(%dma_start3A_109 : memref<256x64xf32, #tpu.memory_space<vmem>>) offsets(%dma_start3A_112 : memref<256xi32, #tpu.memory_space<vmem>>) semaphore(%arg15 : memref<!tpu.dma_semaphore, #tpu.memory_space<semaphore_mem>>)
      %dma_start3A_120 = arith.constant 1 : i32
      %dma_start3A_121 = arith.constant 1 : i32
      %dma_start3A_122 = arith.constant 0 : i32
      %dma_start3A_123 = arith.constant 0 : i32
      %dma_start3A_124 = tpu.memref_slice %arg11[%dma_start3A_121, %dma_start3A_122, %dma_start3A_123] : memref<2x256x64xf32, #tpu.memory_space<vmem>> -> memref<1x256x64xf32, #tpu.memory_space<vmem>>
      %dma_start3A_125 = tpu.memref_squeeze %dma_start3A_124 : memref<1x256x64xf32, #tpu.memory_space<vmem>> -> memref<256x64xf32, #tpu.memory_space<vmem>>
      %dma_start3A_126 = arith.constant 0 : i32
      %dma_start3A_127 = tpu.memref_slice %arg9[%rem3A_96, %dma_start3A_120, %dma_start3A_126] : memref<2x2x256xi32, #tpu.memory_space<vmem>> -> memref<1x1x256xi32, #tpu.memory_space<vmem>>
      %dma_start3A_128 = tpu.memref_squeeze %dma_start3A_127 : memref<1x1x256xi32, #tpu.memory_space<vmem>> -> memref<256xi32, #tpu.memory_space<vmem>>
      %dma_start3A_129 = arith.constant 0 : i32
      %dma_start3A_130 = arith.constant 0 : i32
      %dma_start3A_131 = tpu.memref_slice %arg5[%arg0, %dma_start3A_129, %dma_start3A_130] : memref<2x5120x64xf32, #tpu.memory_space<hbm>> -> memref<1x5120x64xf32, #tpu.memory_space<hbm>>
      %dma_start3A_132 = tpu.memref_squeeze %dma_start3A_131 : memref<1x5120x64xf32, #tpu.memory_space<hbm>> -> memref<5120x64xf32, #tpu.memory_space<hbm>>
      %dma_start3A_133 = arith.constant 0 : i32
      %dma_start3A_134 = arith.constant 0 : i32
      %dma_start3A_135 = tpu.memref_slice %dma_start3A_132[%dma_start3A_133, %dma_start3A_134] : memref<5120x64xf32, #tpu.memory_space<hbm>> -> memref<5120x64xf32, #tpu.memory_space<hbm>>
      tpu.enqueue_indirect_dma source(%dma_start3A_135 : memref<5120x64xf32, #tpu.memory_space<hbm>>) target(%dma_start3A_125 : memref<256x64xf32, #tpu.memory_space<vmem>>) offsets(%dma_start3A_128 : memref<256xi32, #tpu.memory_space<vmem>>) semaphore(%arg15 : memref<!tpu.dma_semaphore, #tpu.memory_space<semaphore_mem>>)
      %dma_wait3A_136 = arith.constant 0 : i32
      %dma_wait3A_137 = arith.constant 0 : i32
      %dma_wait3A_138 = arith.constant 0 : i32
      %dma_wait3A_139 = arith.constant 0 : i32
      %dma_wait3A_140 = tpu.memref_slice %arg10[%dma_wait3A_137, %dma_wait3A_138, %dma_wait3A_139] : memref<2x256x64xf32, #tpu.memory_space<vmem>> -> memref<1x256x64xf32, #tpu.memory_space<vmem>>
      %dma_wait3A_141 = tpu.memref_squeeze %dma_wait3A_140 : memref<1x256x64xf32, #tpu.memory_space<vmem>> -> memref<256x64xf32, #tpu.memory_space<vmem>>
      %dma_wait3A_142 = arith.constant 0 : i32
      %dma_wait3A_143 = tpu.memref_slice %arg8[%rem3A_96, %dma_wait3A_136, %dma_wait3A_142] : memref<2x2x256xi32, #tpu.memory_space<vmem>> -> memref<1x1x256xi32, #tpu.memory_space<vmem>>
      %dma_wait3A_144 = tpu.memref_squeeze %dma_wait3A_143 : memref<1x1x256xi32, #tpu.memory_space<vmem>> -> memref<256xi32, #tpu.memory_space<vmem>>
      %dma_wait3A_145 = arith.constant 0 : i32
      %dma_wait3A_146 = arith.constant 0 : i32
      %dma_wait3A_147 = tpu.memref_slice %arg4[%arg0, %dma_wait3A_145, %dma_wait3A_146] : memref<2x10240x64xf32, #tpu.memory_space<hbm>> -> memref<1x10240x64xf32, #tpu.memory_space<hbm>>
      %dma_wait3A_148 = tpu.memref_squeeze %dma_wait3A_147 : memref<1x10240x64xf32, #tpu.memory_space<hbm>> -> memref<10240x64xf32, #tpu.memory_space<hbm>>
      %dma_wait3A_149 = arith.constant 0 : i32
      %dma_wait3A_150 = arith.constant 0 : i32
      %dma_wait3A_151 = tpu.memref_slice %dma_wait3A_148[%dma_wait3A_149, %dma_wait3A_150] : memref<10240x64xf32, #tpu.memory_space<hbm>> -> memref<10240x64xf32, #tpu.memory_space<hbm>>
      tpu.wait_indirect_dma semaphore(%arg14 : memref<!tpu.dma_semaphore, #tpu.memory_space<semaphore_mem>>) src(%dma_wait3A_151 : memref<10240x64xf32, #tpu.memory_space<hbm>>) dst(%dma_wait3A_141 : memref<256x64xf32, #tpu.memory_space<vmem>>)
      %dma_wait3A_152 = arith.constant 0 : i32
      %dma_wait3A_153 = arith.constant 0 : i32
      %dma_wait3A_154 = arith.constant 0 : i32
      %dma_wait3A_155 = arith.constant 0 : i32
      %dma_wait3A_156 = tpu.memref_slice %arg11[%dma_wait3A_153, %dma_wait3A_154, %dma_wait3A_155] : memref<2x256x64xf32, #tpu.memory_space<vmem>> -> memref<1x256x64xf32, #tpu.memory_space<vmem>>
      %dma_wait3A_157 = tpu.memref_squeeze %dma_wait3A_156 : memref<1x256x64xf32, #tpu.memory_space<vmem>> -> memref<256x64xf32, #tpu.memory_space<vmem>>
      %dma_wait3A_158 = arith.constant 0 : i32
      %dma_wait3A_159 = tpu.memref_slice %arg9[%rem3A_96, %dma_wait3A_152, %dma_wait3A_158] : memref<2x2x256xi32, #tpu.memory_space<vmem>> -> memref<1x1x256xi32, #tpu.memory_space<vmem>>
      %dma_wait3A_160 = tpu.memref_squeeze %dma_wait3A_159 : memref<1x1x256xi32, #tpu.memory_space<vmem>> -> memref<256xi32, #tpu.memory_space<vmem>>
      %dma_wait3A_161 = arith.constant 0 : i32
      %dma_wait3A_162 = arith.constant 0 : i32
      %dma_wait3A_163 = tpu.memref_slice %arg5[%arg0, %dma_wait3A_161, %dma_wait3A_162] : memref<2x5120x64xf32, #tpu.memory_space<hbm>> -> memref<1x5120x64xf32, #tpu.memory_space<hbm>>
      %dma_wait3A_164 = tpu.memref_squeeze %dma_wait3A_163 : memref<1x5120x64xf32, #tpu.memory_space<hbm>> -> memref<5120x64xf32, #tpu.memory_space<hbm>>
      %dma_wait3A_165 = arith.constant 0 : i32
      %dma_wait3A_166 = arith.constant 0 : i32
      %dma_wait3A_167 = tpu.memref_slice %dma_wait3A_164[%dma_wait3A_165, %dma_wait3A_166] : memref<5120x64xf32, #tpu.memory_space<hbm>> -> memref<5120x64xf32, #tpu.memory_space<hbm>>
      tpu.wait_indirect_dma semaphore(%arg14 : memref<!tpu.dma_semaphore, #tpu.memory_space<semaphore_mem>>) src(%dma_wait3A_167 : memref<5120x64xf32, #tpu.memory_space<hbm>>) dst(%dma_wait3A_157 : memref<256x64xf32, #tpu.memory_space<vmem>>)
      %dma_start3A_168 = arith.constant 0 : i32
      %dma_start3A_169 = arith.constant 0 : i32
      %dma_start3A_170 = arith.constant 0 : i32
      %dma_start3A_171 = arith.constant 0 : i32
      %dma_start3A_172 = tpu.memref_slice %arg10[%dma_start3A_168, %dma_start3A_170, %dma_start3A_171] : memref<2x256x64xf32, #tpu.memory_space<vmem>> -> memref<1x256x64xf32, #tpu.memory_space<vmem>>
      %dma_start3A_173 = tpu.memref_squeeze %dma_start3A_172 : memref<1x256x64xf32, #tpu.memory_space<vmem>> -> memref<256x64xf32, #tpu.memory_space<vmem>>
      %dma_start3A_174 = arith.constant 0 : i32
      %dma_start3A_175 = tpu.memref_slice %arg9[%rem3A_96, %dma_start3A_169, %dma_start3A_174] : memref<2x2x256xi32, #tpu.memory_space<vmem>> -> memref<1x1x256xi32, #tpu.memory_space<vmem>>
      %dma_start3A_176 = tpu.memref_squeeze %dma_start3A_175 : memref<1x1x256xi32, #tpu.memory_space<vmem>> -> memref<256xi32, #tpu.memory_space<vmem>>
      %dma_start3A_177 = arith.constant 0 : i32
      %dma_start3A_178 = arith.constant 0 : i32
      %dma_start3A_179 = tpu.memref_slice %arg12[%dma_start3A_177, %dma_start3A_178] : memref<5120x64xf32, #tpu.memory_space<vmem_shared>> -> memref<5120x64xf32, #tpu.memory_space<vmem_shared>>
      tpu.enqueue_indirect_dma source(%dma_start3A_173 : memref<256x64xf32, #tpu.memory_space<vmem>>) target(%dma_start3A_179 : memref<5120x64xf32, #tpu.memory_space<vmem_shared>>) offsets(%dma_start3A_176 : memref<256xi32, #tpu.memory_space<vmem>>) semaphore(%arg16 : memref<!tpu.dma_semaphore, #tpu.memory_space<semaphore_mem>>) {add = true}
      %dma_start3A_180 = arith.constant 0 : i32
      %dma_start3A_181 = arith.constant 0 : i32
      %dma_start3A_182 = arith.constant 0 : i32
      %dma_start3A_183 = arith.constant 0 : i32
      %dma_start3A_184 = tpu.memref_slice %arg11[%dma_start3A_180, %dma_start3A_182, %dma_start3A_183] : memref<2x256x64xf32, #tpu.memory_space<vmem>> -> memref<1x256x64xf32, #tpu.memory_space<vmem>>
      %dma_start3A_185 = tpu.memref_squeeze %dma_start3A_184 : memref<1x256x64xf32, #tpu.memory_space<vmem>> -> memref<256x64xf32, #tpu.memory_space<vmem>>
      %dma_start3A_186 = arith.constant 0 : i32
      %dma_start3A_187 = tpu.memref_slice %arg8[%rem3A_96, %dma_start3A_181, %dma_start3A_186] : memref<2x2x256xi32, #tpu.memory_space<vmem>> -> memref<1x1x256xi32, #tpu.memory_space<vmem>>
      %dma_start3A_188 = tpu.memref_squeeze %dma_start3A_187 : memref<1x1x256xi32, #tpu.memory_space<vmem>> -> memref<256xi32, #tpu.memory_space<vmem>>
      %dma_start3A_189 = arith.constant 0 : i32
      %dma_start3A_190 = arith.constant 0 : i32
      %dma_start3A_191 = tpu.memref_slice %arg13[%dma_start3A_189, %dma_start3A_190] : memref<10240x64xf32, #tpu.memory_space<vmem_shared>> -> memref<10240x64xf32, #tpu.memory_space<vmem_shared>>
      tpu.enqueue_indirect_dma source(%dma_start3A_185 : memref<256x64xf32, #tpu.memory_space<vmem>>) target(%dma_start3A_191 : memref<10240x64xf32, #tpu.memory_space<vmem_shared>>) offsets(%dma_start3A_188 : memref<256xi32, #tpu.memory_space<vmem>>) semaphore(%arg16 : memref<!tpu.dma_semaphore, #tpu.memory_space<semaphore_mem>>) {add = true}
      %dma_wait3A_192 = arith.constant 0 : i32
      %dma_wait3A_193 = arith.constant 0 : i32
      %dma_wait3A_194 = arith.constant 0 : i32
      %dma_wait3A_195 = arith.constant 0 : i32
      %dma_wait3A_196 = tpu.memref_slice %arg10[%dma_wait3A_192, %dma_wait3A_194, %dma_wait3A_195] : memref<2x256x64xf32, #tpu.memory_space<vmem>> -> memref<1x256x64xf32, #tpu.memory_space<vmem>>
      %dma_wait3A_197 = tpu.memref_squeeze %dma_wait3A_196 : memref<1x256x64xf32, #tpu.memory_space<vmem>> -> memref<256x64xf32, #tpu.memory_space<vmem>>
      %dma_wait3A_198 = arith.constant 0 : i32
      %dma_wait3A_199 = tpu.memref_slice %arg9[%rem3A_96, %dma_wait3A_193, %dma_wait3A_198] : memref<2x2x256xi32, #tpu.memory_space<vmem>> -> memref<1x1x256xi32, #tpu.memory_space<vmem>>
      %dma_wait3A_200 = tpu.memref_squeeze %dma_wait3A_199 : memref<1x1x256xi32, #tpu.memory_space<vmem>> -> memref<256xi32, #tpu.memory_space<vmem>>
      %dma_wait3A_201 = arith.constant 0 : i32
      %dma_wait3A_202 = arith.constant 0 : i32
      %dma_wait3A_203 = tpu.memref_slice %arg12[%dma_wait3A_201, %dma_wait3A_202] : memref<5120x64xf32, #tpu.memory_space<vmem_shared>> -> memref<5120x64xf32, #tpu.memory_space<vmem_shared>>
      tpu.wait_indirect_dma semaphore(%arg16 : memref<!tpu.dma_semaphore, #tpu.memory_space<semaphore_mem>>) src(%dma_wait3A_197 : memref<256x64xf32, #tpu.memory_space<vmem>>) dst(%dma_wait3A_203 : memref<5120x64xf32, #tpu.memory_space<vmem_shared>>)
      %dma_wait3A_204 = arith.constant 0 : i32
      %dma_wait3A_205 = arith.constant 0 : i32
      %dma_wait3A_206 = arith.constant 0 : i32
      %dma_wait3A_207 = arith.constant 0 : i32
      %dma_wait3A_208 = tpu.memref_slice %arg11[%dma_wait3A_204, %dma_wait3A_206, %dma_wait3A_207] : memref<2x256x64xf32, #tpu.memory_space<vmem>> -> memref<1x256x64xf32, #tpu.memory_space<vmem>>
      %dma_wait3A_209 = tpu.memref_squeeze %dma_wait3A_208 : memref<1x256x64xf32, #tpu.memory_space<vmem>> -> memref<256x64xf32, #tpu.memory_space<vmem>>
      %dma_wait3A_210 = arith.constant 0 : i32
      %dma_wait3A_211 = tpu.memref_slice %arg8[%rem3A_96, %dma_wait3A_205, %dma_wait3A_210] : memref<2x2x256xi32, #tpu.memory_space<vmem>> -> memref<1x1x256xi32, #tpu.memory_space<vmem>>
      %dma_wait3A_212 = tpu.memref_squeeze %dma_wait3A_211 : memref<1x1x256xi32, #tpu.memory_space<vmem>> -> memref<256xi32, #tpu.memory_space<vmem>>
      %dma_wait3A_213 = arith.constant 0 : i32
      %dma_wait3A_214 = arith.constant 0 : i32
      %dma_wait3A_215 = tpu.memref_slice %arg13[%dma_wait3A_213, %dma_wait3A_214] : memref<10240x64xf32, #tpu.memory_space<vmem_shared>> -> memref<10240x64xf32, #tpu.memory_space<vmem_shared>>
      tpu.wait_indirect_dma semaphore(%arg16 : memref<!tpu.dma_semaphore, #tpu.memory_space<semaphore_mem>>) src(%dma_wait3A_209 : memref<256x64xf32, #tpu.memory_space<vmem>>) dst(%dma_wait3A_215 : memref<10240x64xf32, #tpu.memory_space<vmem_shared>>)
      %lt3A_216 = arith.constant 39 : i32
      %lt3A_217 = arith.cmpi slt, %scan3A_94, %lt3A_216 : i32
      %convert_element_type3A_218 = arith.extui %lt3A_217 : i1 to i32
      %cond3A_219 = arith.constant 0 : i32
      %cond3A_220 = arith.cmpi ne, %convert_element_type3A_218, %cond3A_219 : i32
      scf.if %cond3A_220 {
        %add3A_277 = arith.constant 1 : i32
        %add3A_278 = arith.addi %scan3A_94, %add3A_277 : i32
        %mul3A_279 = arith.constant 80 : i32
        %mul3A_280 = arith.muli %arg1, %mul3A_279 : i32
        %mul3A_281 = arith.constant 2 : i32
        %mul3A_282 = arith.muli %add3A_278, %mul3A_281 : i32
        %add3A_283 = arith.addi %mul3A_280, %mul3A_282 : i32
        %multiple_of3A_284 = tpu.assume_multiple %add3A_283, 8 : i32
        %dma_wait3A_285 = arith.constant 0 : i32
        %dma_wait3A_286 = arith.constant 0 : i32
        %dma_wait3A_287 = tpu.memref_slice %arg8[%sub3A_97, %dma_wait3A_285, %dma_wait3A_286] : memref<2x2x256xi32, #tpu.memory_space<vmem>> -> memref<1x2x256xi32, #tpu.memory_space<vmem>>
        %dma_wait3A_288 = tpu.memref_squeeze %dma_wait3A_287 : memref<1x2x256xi32, #tpu.memory_space<vmem>> -> memref<2x256xi32, #tpu.memory_space<vmem>>
        %dma_wait3A_289 = arith.constant 0 : i32
        %dma_wait3A_290 = tpu.memref_slice %arg2[%multiple_of3A_284, %dma_wait3A_289] : memref<1280x256xi32, #tpu.memory_space<hbm>> -> memref<2x256xi32, #tpu.memory_space<hbm>>
        %dma_wait3A_291 = arith.constant 0 : i32
        %dma_wait3A_292 = arith.constant 0 : i32
        %dma_wait3A_293 = tpu.memref_slice %arg8[%sub3A_97, %dma_wait3A_291, %dma_wait3A_292] : memref<2x2x256xi32, #tpu.memory_space<vmem>> -> memref<1x2x256xi32, #tpu.memory_space<vmem>>
        %dma_wait3A_294 = tpu.memref_squeeze %dma_wait3A_293 : memref<1x2x256xi32, #tpu.memory_space<vmem>> -> memref<2x256xi32, #tpu.memory_space<vmem>>
        %dma_wait3A_295 = arith.constant 0 : i32
        %dma_wait3A_296 = tpu.memref_slice %arg2[%multiple_of3A_284, %dma_wait3A_295] : memref<1280x256xi32, #tpu.memory_space<hbm>> -> memref<2x256xi32, #tpu.memory_space<hbm>>
        tpu.wait_dma2 semaphore(%arg18 : memref<!tpu.dma_semaphore, #tpu.memory_space<semaphore_mem>>) src(%dma_wait3A_296 : memref<2x256xi32, #tpu.memory_space<hbm>>) dst(%dma_wait3A_294 : memref<2x256xi32, #tpu.memory_space<vmem>>)
        %dma_wait3A_297 = arith.constant 0 : i32
        %dma_wait3A_298 = arith.constant 0 : i32
        %dma_wait3A_299 = tpu.memref_slice %arg9[%sub3A_97, %dma_wait3A_297, %dma_wait3A_298] : memref<2x2x256xi32, #tpu.memory_space<vmem>> -> memref<1x2x256xi32, #tpu.memory_space<vmem>>
        %dma_wait3A_300 = tpu.memref_squeeze %dma_wait3A_299 : memref<1x2x256xi32, #tpu.memory_space<vmem>> -> memref<2x256xi32, #tpu.memory_space<vmem>>
        %dma_wait3A_301 = arith.constant 0 : i32
        %dma_wait3A_302 = tpu.memref_slice %arg3[%multiple_of3A_284, %dma_wait3A_301] : memref<1280x256xi32, #tpu.memory_space<hbm>> -> memref<2x256xi32, #tpu.memory_space<hbm>>
        %dma_wait3A_303 = arith.constant 0 : i32
        %dma_wait3A_304 = arith.constant 0 : i32
        %dma_wait3A_305 = tpu.memref_slice %arg9[%sub3A_97, %dma_wait3A_303, %dma_wait3A_304] : memref<2x2x256xi32, #tpu.memory_space<vmem>> -> memref<1x2x256xi32, #tpu.memory_space<vmem>>
        %dma_wait3A_306 = tpu.memref_squeeze %dma_wait3A_305 : memref<1x2x256xi32, #tpu.memory_space<vmem>> -> memref<2x256xi32, #tpu.memory_space<vmem>>
        %dma_wait3A_307 = arith.constant 0 : i32
        %dma_wait3A_308 = tpu.memref_slice %arg3[%multiple_of3A_284, %dma_wait3A_307] : memref<1280x256xi32, #tpu.memory_space<hbm>> -> memref<2x256xi32, #tpu.memory_space<hbm>>
        tpu.wait_dma2 semaphore(%arg18 : memref<!tpu.dma_semaphore, #tpu.memory_space<semaphore_mem>>) src(%dma_wait3A_308 : memref<2x256xi32, #tpu.memory_space<hbm>>) dst(%dma_wait3A_306 : memref<2x256xi32, #tpu.memory_space<vmem>>)
        %dma_start3A_309 = arith.constant 0 : i32
        %dma_start3A_310 = arith.constant 0 : i32
        %dma_start3A_311 = arith.constant 0 : i32
        %dma_start3A_312 = arith.constant 0 : i32
        %dma_start3A_313 = tpu.memref_slice %arg10[%dma_start3A_310, %dma_start3A_311, %dma_start3A_312] : memref<2x256x64xf32, #tpu.memory_space<vmem>> -> memref<1x256x64xf32, #tpu.memory_space<vmem>>
        %dma_start3A_314 = tpu.memref_squeeze %dma_start3A_313 : memref<1x256x64xf32, #tpu.memory_space<vmem>> -> memref<256x64xf32, #tpu.memory_space<vmem>>
        %dma_start3A_315 = arith.constant 0 : i32
        %dma_start3A_316 = tpu.memref_slice %arg8[%sub3A_97, %dma_start3A_309, %dma_start3A_315] : memref<2x2x256xi32, #tpu.memory_space<vmem>> -> memref<1x1x256xi32, #tpu.memory_space<vmem>>
        %dma_start3A_317 = tpu.memref_squeeze %dma_start3A_316 : memref<1x1x256xi32, #tpu.memory_space<vmem>> -> memref<256xi32, #tpu.memory_space<vmem>>
        %dma_start3A_318 = arith.constant 0 : i32
        %dma_start3A_319 = arith.constant 0 : i32
        %dma_start3A_320 = tpu.memref_slice %arg4[%arg0, %dma_start3A_318, %dma_start3A_319] : memref<2x10240x64xf32, #tpu.memory_space<hbm>> -> memref<1x10240x64xf32, #tpu.memory_space<hbm>>
        %dma_start3A_321 = tpu.memref_squeeze %dma_start3A_320 : memref<1x10240x64xf32, #tpu.memory_space<hbm>> -> memref<10240x64xf32, #tpu.memory_space<hbm>>
        %dma_start3A_322 = arith.constant 0 : i32
        %dma_start3A_323 = arith.constant 0 : i32
        %dma_start3A_324 = tpu.memref_slice %dma_start3A_321[%dma_start3A_322, %dma_start3A_323] : memref<10240x64xf32, #tpu.memory_space<hbm>> -> memref<10240x64xf32, #tpu.memory_space<hbm>>
        tpu.enqueue_indirect_dma source(%dma_start3A_324 : memref<10240x64xf32, #tpu.memory_space<hbm>>) target(%dma_start3A_314 : memref<256x64xf32, #tpu.memory_space<vmem>>) offsets(%dma_start3A_317 : memref<256xi32, #tpu.memory_space<vmem>>) semaphore(%arg14 : memref<!tpu.dma_semaphore, #tpu.memory_space<semaphore_mem>>)
        %dma_start3A_325 = arith.constant 0 : i32
        %dma_start3A_326 = arith.constant 0 : i32
        %dma_start3A_327 = arith.constant 0 : i32
        %dma_start3A_328 = arith.constant 0 : i32
        %dma_start3A_329 = tpu.memref_slice %arg11[%dma_start3A_326, %dma_start3A_327, %dma_start3A_328] : memref<2x256x64xf32, #tpu.memory_space<vmem>> -> memref<1x256x64xf32, #tpu.memory_space<vmem>>
        %dma_start3A_330 = tpu.memref_squeeze %dma_start3A_329 : memref<1x256x64xf32, #tpu.memory_space<vmem>> -> memref<256x64xf32, #tpu.memory_space<vmem>>
        %dma_start3A_331 = arith.constant 0 : i32
        %dma_start3A_332 = tpu.memref_slice %arg9[%sub3A_97, %dma_start3A_325, %dma_start3A_331] : memref<2x2x256xi32, #tpu.memory_space<vmem>> -> memref<1x1x256xi32, #tpu.memory_space<vmem>>
        %dma_start3A_333 = tpu.memref_squeeze %dma_start3A_332 : memref<1x1x256xi32, #tpu.memory_space<vmem>> -> memref<256xi32, #tpu.memory_space<vmem>>
        %dma_start3A_334 = arith.constant 0 : i32
        %dma_start3A_335 = arith.constant 0 : i32
        %dma_start3A_336 = tpu.memref_slice %arg5[%arg0, %dma_start3A_334, %dma_start3A_335] : memref<2x5120x64xf32, #tpu.memory_space<hbm>> -> memref<1x5120x64xf32, #tpu.memory_space<hbm>>
        %dma_start3A_337 = tpu.memref_squeeze %dma_start3A_336 : memref<1x5120x64xf32, #tpu.memory_space<hbm>> -> memref<5120x64xf32, #tpu.memory_space<hbm>>
        %dma_start3A_338 = arith.constant 0 : i32
        %dma_start3A_339 = arith.constant 0 : i32
        %dma_start3A_340 = tpu.memref_slice %dma_start3A_337[%dma_start3A_338, %dma_start3A_339] : memref<5120x64xf32, #tpu.memory_space<hbm>> -> memref<5120x64xf32, #tpu.memory_space<hbm>>
        tpu.enqueue_indirect_dma source(%dma_start3A_340 : memref<5120x64xf32, #tpu.memory_space<hbm>>) target(%dma_start3A_330 : memref<256x64xf32, #tpu.memory_space<vmem>>) offsets(%dma_start3A_333 : memref<256xi32, #tpu.memory_space<vmem>>) semaphore(%arg14 : memref<!tpu.dma_semaphore, #tpu.memory_space<semaphore_mem>>)
      } else {
      }
      %dma_wait3A_221 = arith.constant 1 : i32
      %dma_wait3A_222 = arith.constant 1 : i32
      %dma_wait3A_223 = arith.constant 0 : i32
      %dma_wait3A_224 = arith.constant 0 : i32
      %dma_wait3A_225 = tpu.memref_slice %arg10[%dma_wait3A_222, %dma_wait3A_223, %dma_wait3A_224] : memref<2x256x64xf32, #tpu.memory_space<vmem>> -> memref<1x256x64xf32, #tpu.memory_space<vmem>>
      %dma_wait3A_226 = tpu.memref_squeeze %dma_wait3A_225 : memref<1x256x64xf32, #tpu.memory_space<vmem>> -> memref<256x64xf32, #tpu.memory_space<vmem>>
      %dma_wait3A_227 = arith.constant 0 : i32
      %dma_wait3A_228 = tpu.memref_slice %arg8[%rem3A_96, %dma_wait3A_221, %dma_wait3A_227] : memref<2x2x256xi32, #tpu.memory_space<vmem>> -> memref<1x1x256xi32, #tpu.memory_space<vmem>>
      %dma_wait3A_229 = tpu.memref_squeeze %dma_wait3A_228 : memref<1x1x256xi32, #tpu.memory_space<vmem>> -> memref<256xi32, #tpu.memory_space<vmem>>
      %dma_wait3A_230 = arith.constant 0 : i32
      %dma_wait3A_231 = arith.constant 0 : i32
      %dma_wait3A_232 = tpu.memref_slice %arg4[%arg0, %dma_wait3A_230, %dma_wait3A_231] : memref<2x10240x64xf32, #tpu.memory_space<hbm>> -> memref<1x10240x64xf32, #tpu.memory_space<hbm>>
      %dma_wait3A_233 = tpu.memref_squeeze %dma_wait3A_232 : memref<1x10240x64xf32, #tpu.memory_space<hbm>> -> memref<10240x64xf32, #tpu.memory_space<hbm>>
      %dma_wait3A_234 = arith.constant 0 : i32
      %dma_wait3A_235 = arith.constant 0 : i32
      %dma_wait3A_236 = tpu.memref_slice %dma_wait3A_233[%dma_wait3A_234, %dma_wait3A_235] : memref<10240x64xf32, #tpu.memory_space<hbm>> -> memref<10240x64xf32, #tpu.memory_space<hbm>>
      tpu.wait_indirect_dma semaphore(%arg15 : memref<!tpu.dma_semaphore, #tpu.memory_space<semaphore_mem>>) src(%dma_wait3A_236 : memref<10240x64xf32, #tpu.memory_space<hbm>>) dst(%dma_wait3A_226 : memref<256x64xf32, #tpu.memory_space<vmem>>)
      %dma_wait3A_237 = arith.constant 1 : i32
      %dma_wait3A_238 = arith.constant 1 : i32
      %dma_wait3A_239 = arith.constant 0 : i32
      %dma_wait3A_240 = arith.constant 0 : i32
      %dma_wait3A_241 = tpu.memref_slice %arg11[%dma_wait3A_238, %dma_wait3A_239, %dma_wait3A_240] : memref<2x256x64xf32, #tpu.memory_space<vmem>> -> memref<1x256x64xf32, #tpu.memory_space<vmem>>
      %dma_wait3A_242 = tpu.memref_squeeze %dma_wait3A_241 : memref<1x256x64xf32, #tpu.memory_space<vmem>> -> memref<256x64xf32, #tpu.memory_space<vmem>>
      %dma_wait3A_243 = arith.constant 0 : i32
      %dma_wait3A_244 = tpu.memref_slice %arg9[%rem3A_96, %dma_wait3A_237, %dma_wait3A_243] : memref<2x2x256xi32, #tpu.memory_space<vmem>> -> memref<1x1x256xi32, #tpu.memory_space<vmem>>
      %dma_wait3A_245 = tpu.memref_squeeze %dma_wait3A_244 : memref<1x1x256xi32, #tpu.memory_space<vmem>> -> memref<256xi32, #tpu.memory_space<vmem>>
      %dma_wait3A_246 = arith.constant 0 : i32
      %dma_wait3A_247 = arith.constant 0 : i32
      %dma_wait3A_248 = tpu.memref_slice %arg5[%arg0, %dma_wait3A_246, %dma_wait3A_247] : memref<2x5120x64xf32, #tpu.memory_space<hbm>> -> memref<1x5120x64xf32, #tpu.memory_space<hbm>>
      %dma_wait3A_249 = tpu.memref_squeeze %dma_wait3A_248 : memref<1x5120x64xf32, #tpu.memory_space<hbm>> -> memref<5120x64xf32, #tpu.memory_space<hbm>>
      %dma_wait3A_250 = arith.constant 0 : i32
      %dma_wait3A_251 = arith.constant 0 : i32
      %dma_wait3A_252 = tpu.memref_slice %dma_wait3A_249[%dma_wait3A_250, %dma_wait3A_251] : memref<5120x64xf32, #tpu.memory_space<hbm>> -> memref<5120x64xf32, #tpu.memory_space<hbm>>
      tpu.wait_indirect_dma semaphore(%arg15 : memref<!tpu.dma_semaphore, #tpu.memory_space<semaphore_mem>>) src(%dma_wait3A_252 : memref<5120x64xf32, #tpu.memory_space<hbm>>) dst(%dma_wait3A_242 : memref<256x64xf32, #tpu.memory_space<vmem>>)
      %dma_start3A_253 = arith.constant 1 : i32
      %dma_start3A_254 = arith.constant 1 : i32
      %dma_start3A_255 = arith.constant 0 : i32
      %dma_start3A_256 = arith.constant 0 : i32
      %dma_start3A_257 = tpu.memref_slice %arg10[%dma_start3A_253, %dma_start3A_255, %dma_start3A_256] : memref<2x256x64xf32, #tpu.memory_space<vmem>> -> memref<1x256x64xf32, #tpu.memory_space<vmem>>
      %dma_start3A_258 = tpu.memref_squeeze %dma_start3A_257 : memref<1x256x64xf32, #tpu.memory_space<vmem>> -> memref<256x64xf32, #tpu.memory_space<vmem>>
      %dma_start3A_259 = arith.constant 0 : i32
      %dma_start3A_260 = tpu.memref_slice %arg9[%rem3A_96, %dma_start3A_254, %dma_start3A_259] : memref<2x2x256xi32, #tpu.memory_space<vmem>> -> memref<1x1x256xi32, #tpu.memory_space<vmem>>
      %dma_start3A_261 = tpu.memref_squeeze %dma_start3A_260 : memref<1x1x256xi32, #tpu.memory_space<vmem>> -> memref<256xi32, #tpu.memory_space<vmem>>
      %dma_start3A_262 = arith.constant 0 : i32
      %dma_start3A_263 = arith.constant 0 : i32
      %dma_start3A_264 = tpu.memref_slice %arg12[%dma_start3A_262, %dma_start3A_263] : memref<5120x64xf32, #tpu.memory_space<vmem_shared>> -> memref<5120x64xf32, #tpu.memory_space<vmem_shared>>
      tpu.enqueue_indirect_dma source(%dma_start3A_258 : memref<256x64xf32, #tpu.memory_space<vmem>>) target(%dma_start3A_264 : memref<5120x64xf32, #tpu.memory_space<vmem_shared>>) offsets(%dma_start3A_261 : memref<256xi32, #tpu.memory_space<vmem>>) semaphore(%arg17 : memref<!tpu.dma_semaphore, #tpu.memory_space<semaphore_mem>>) {add = true}
      %dma_start3A_265 = arith.constant 1 : i32
      %dma_start3A_266 = arith.constant 1 : i32
      %dma_start3A_267 = arith.constant 0 : i32
      %dma_start3A_268 = arith.constant 0 : i32
      %dma_start3A_269 = tpu.memref_slice %arg11[%dma_start3A_265, %dma_start3A_267, %dma_start3A_268] : memref<2x256x64xf32, #tpu.memory_space<vmem>> -> memref<1x256x64xf32, #tpu.memory_space<vmem>>
      %dma_start3A_270 = tpu.memref_squeeze %dma_start3A_269 : memref<1x256x64xf32, #tpu.memory_space<vmem>> -> memref<256x64xf32, #tpu.memory_space<vmem>>
      %dma_start3A_271 = arith.constant 0 : i32
      %dma_start3A_272 = tpu.memref_slice %arg8[%rem3A_96, %dma_start3A_266, %dma_start3A_271] : memref<2x2x256xi32, #tpu.memory_space<vmem>> -> memref<1x1x256xi32, #tpu.memory_space<vmem>>
      %dma_start3A_273 = tpu.memref_squeeze %dma_start3A_272 : memref<1x1x256xi32, #tpu.memory_space<vmem>> -> memref<256xi32, #tpu.memory_space<vmem>>
      %dma_start3A_274 = arith.constant 0 : i32
      %dma_start3A_275 = arith.constant 0 : i32
      %dma_start3A_276 = tpu.memref_slice %arg13[%dma_start3A_274, %dma_start3A_275] : memref<10240x64xf32, #tpu.memory_space<vmem_shared>> -> memref<10240x64xf32, #tpu.memory_space<vmem_shared>>
      tpu.enqueue_indirect_dma source(%dma_start3A_270 : memref<256x64xf32, #tpu.memory_space<vmem>>) target(%dma_start3A_276 : memref<10240x64xf32, #tpu.memory_space<vmem_shared>>) offsets(%dma_start3A_273 : memref<256xi32, #tpu.memory_space<vmem>>) semaphore(%arg17 : memref<!tpu.dma_semaphore, #tpu.memory_space<semaphore_mem>>) {add = true}
    }
    %scan3A_61 = arith.constant 40 : i32
    %rem3A = arith.constant 39 : i32
    %rem3A_62 = arith.constant 2 : i32
    %rem3A_63 = arith.remsi %rem3A, %rem3A_62 : i32
    %dma_wait3A = arith.constant 1 : i32
    %dma_wait3A_64 = arith.constant 1 : i32
    %dma_wait3A_65 = arith.constant 0 : i32
    %dma_wait3A_66 = arith.constant 0 : i32
    %dma_wait3A_67 = tpu.memref_slice %arg10[%dma_wait3A, %dma_wait3A_65, %dma_wait3A_66] : memref<2x256x64xf32, #tpu.memory_space<vmem>> -> memref<1x256x64xf32, #tpu.memory_space<vmem>>
    %dma_wait3A_68 = tpu.memref_squeeze %dma_wait3A_67 : memref<1x256x64xf32, #tpu.memory_space<vmem>> -> memref<256x64xf32, #tpu.memory_space<vmem>>
    %dma_wait3A_69 = arith.constant 0 : i32
    %dma_wait3A_70 = tpu.memref_slice %arg9[%rem3A_63, %dma_wait3A_64, %dma_wait3A_69] : memref<2x2x256xi32, #tpu.memory_space<vmem>> -> memref<1x1x256xi32, #tpu.memory_space<vmem>>
    %dma_wait3A_71 = tpu.memref_squeeze %dma_wait3A_70 : memref<1x1x256xi32, #tpu.memory_space<vmem>> -> memref<256xi32, #tpu.memory_space<vmem>>
    %dma_wait3A_72 = arith.constant 0 : i32
    %dma_wait3A_73 = arith.constant 0 : i32
    %dma_wait3A_74 = tpu.memref_slice %arg12[%dma_wait3A_72, %dma_wait3A_73] : memref<5120x64xf32, #tpu.memory_space<vmem_shared>> -> memref<5120x64xf32, #tpu.memory_space<vmem_shared>>
    tpu.wait_indirect_dma semaphore(%arg17 : memref<!tpu.dma_semaphore, #tpu.memory_space<semaphore_mem>>) src(%dma_wait3A_68 : memref<256x64xf32, #tpu.memory_space<vmem>>) dst(%dma_wait3A_74 : memref<5120x64xf32, #tpu.memory_space<vmem_shared>>)
    %dma_wait3A_75 = arith.constant 1 : i32
    %dma_wait3A_76 = arith.constant 1 : i32
    %dma_wait3A_77 = arith.constant 0 : i32
    %dma_wait3A_78 = arith.constant 0 : i32
    %dma_wait3A_79 = tpu.memref_slice %arg11[%dma_wait3A_75, %dma_wait3A_77, %dma_wait3A_78] : memref<2x256x64xf32, #tpu.memory_space<vmem>> -> memref<1x256x64xf32, #tpu.memory_space<vmem>>
    %dma_wait3A_80 = tpu.memref_squeeze %dma_wait3A_79 : memref<1x256x64xf32, #tpu.memory_space<vmem>> -> memref<256x64xf32, #tpu.memory_space<vmem>>
    %dma_wait3A_81 = arith.constant 0 : i32
    %dma_wait3A_82 = tpu.memref_slice %arg8[%rem3A_63, %dma_wait3A_76, %dma_wait3A_81] : memref<2x2x256xi32, #tpu.memory_space<vmem>> -> memref<1x1x256xi32, #tpu.memory_space<vmem>>
    %dma_wait3A_83 = tpu.memref_squeeze %dma_wait3A_82 : memref<1x1x256xi32, #tpu.memory_space<vmem>> -> memref<256xi32, #tpu.memory_space<vmem>>
    %dma_wait3A_84 = arith.constant 0 : i32
    %dma_wait3A_85 = arith.constant 0 : i32
    %dma_wait3A_86 = tpu.memref_slice %arg13[%dma_wait3A_84, %dma_wait3A_85] : memref<10240x64xf32, #tpu.memory_space<vmem_shared>> -> memref<10240x64xf32, #tpu.memory_space<vmem_shared>>
    tpu.wait_indirect_dma semaphore(%arg17 : memref<!tpu.dma_semaphore, #tpu.memory_space<semaphore_mem>>) src(%dma_wait3A_80 : memref<256x64xf32, #tpu.memory_space<vmem>>) dst(%dma_wait3A_86 : memref<10240x64xf32, #tpu.memory_space<vmem_shared>>)
    %barrier3A_87 = arith.constant 0 : index
    tpu.barrier barrier_id(%barrier3A_87)
    %mul3A_88 = arith.constant 320 : i32
    %mul3A_89 = arith.muli %arg1, %mul3A_88 : i32
    %multiple_of3A_90 = tpu.assume_multiple %mul3A_89, 320 : i32
    "tpu.region"() ({
      %run_scoped3A_94 = tpu.sem_alloc : memref<!tpu.dma_semaphore, #tpu.memory_space<semaphore_mem>>
      %dma_start3A_95 = arith.constant 0 : i32
      %dma_start3A_96 = tpu.memref_slice %arg6[%arg0, %multiple_of3A_90, %dma_start3A_95] : memref<2x5120x64xf32, #tpu.memory_space<hbm>> -> memref<1x320x64xf32, #tpu.memory_space<hbm>>
      %dma_start3A_97 = tpu.memref_squeeze %dma_start3A_96 : memref<1x320x64xf32, #tpu.memory_space<hbm>> -> memref<320x64xf32, #tpu.memory_space<hbm>>
      %dma_start3A_98 = arith.constant 0 : i32
      %dma_start3A_99 = tpu.memref_slice %arg12[%multiple_of3A_90, %dma_start3A_98] : memref<5120x64xf32, #tpu.memory_space<vmem_shared>> -> memref<320x64xf32, #tpu.memory_space<vmem_shared>>
      tpu.enqueue_dma source(%dma_start3A_99 : memref<320x64xf32, #tpu.memory_space<vmem_shared>>) target(%dma_start3A_97 : memref<320x64xf32, #tpu.memory_space<hbm>>) target_semaphore(%run_scoped3A_94 : memref<!tpu.dma_semaphore, #tpu.memory_space<semaphore_mem>>)
      %dma_wait3A_100 = arith.constant 0 : i32
      %dma_wait3A_101 = tpu.memref_slice %arg6[%arg0, %multiple_of3A_90, %dma_wait3A_100] : memref<2x5120x64xf32, #tpu.memory_space<hbm>> -> memref<1x320x64xf32, #tpu.memory_space<hbm>>
      %dma_wait3A_102 = tpu.memref_squeeze %dma_wait3A_101 : memref<1x320x64xf32, #tpu.memory_space<hbm>> -> memref<320x64xf32, #tpu.memory_space<hbm>>
      %dma_wait3A_103 = arith.constant 0 : i32
      %dma_wait3A_104 = tpu.memref_slice %arg12[%multiple_of3A_90, %dma_wait3A_103] : memref<5120x64xf32, #tpu.memory_space<vmem_shared>> -> memref<320x64xf32, #tpu.memory_space<vmem_shared>>
      tpu.wait_dma2 semaphore(%run_scoped3A_94 : memref<!tpu.dma_semaphore, #tpu.memory_space<semaphore_mem>>) src(%dma_wait3A_104 : memref<320x64xf32, #tpu.memory_space<vmem_shared>>) dst(%dma_wait3A_102 : memref<320x64xf32, #tpu.memory_space<hbm>>)
      tpu.yield
    }) : () -> ()
    %mul3A_91 = arith.constant 640 : i32
    %mul3A_92 = arith.muli %arg1, %mul3A_91 : i32
    %multiple_of3A_93 = tpu.assume_multiple %mul3A_92, 640 : i32
    "tpu.region"() ({
      %run_scoped3A_94 = tpu.sem_alloc : memref<!tpu.dma_semaphore, #tpu.memory_space<semaphore_mem>>
      %dma_start3A_95 = arith.constant 0 : i32
      %dma_start3A_96 = tpu.memref_slice %arg7[%arg0, %multiple_of3A_93, %dma_start3A_95] : memref<2x10240x64xf32, #tpu.memory_space<hbm>> -> memref<1x640x64xf32, #tpu.memory_space<hbm>>
      %dma_start3A_97 = tpu.memref_squeeze %dma_start3A_96 : memref<1x640x64xf32, #tpu.memory_space<hbm>> -> memref<640x64xf32, #tpu.memory_space<hbm>>
      %dma_start3A_98 = arith.constant 0 : i32
      %dma_start3A_99 = tpu.memref_slice %arg13[%multiple_of3A_93, %dma_start3A_98] : memref<10240x64xf32, #tpu.memory_space<vmem_shared>> -> memref<640x64xf32, #tpu.memory_space<vmem_shared>>
      tpu.enqueue_dma source(%dma_start3A_99 : memref<640x64xf32, #tpu.memory_space<vmem_shared>>) target(%dma_start3A_97 : memref<640x64xf32, #tpu.memory_space<hbm>>) target_semaphore(%run_scoped3A_94 : memref<!tpu.dma_semaphore, #tpu.memory_space<semaphore_mem>>)
      %dma_wait3A_100 = arith.constant 0 : i32
      %dma_wait3A_101 = tpu.memref_slice %arg7[%arg0, %multiple_of3A_93, %dma_wait3A_100] : memref<2x10240x64xf32, #tpu.memory_space<hbm>> -> memref<1x640x64xf32, #tpu.memory_space<hbm>>
      %dma_wait3A_102 = tpu.memref_squeeze %dma_wait3A_101 : memref<1x640x64xf32, #tpu.memory_space<hbm>> -> memref<640x64xf32, #tpu.memory_space<hbm>>
      %dma_wait3A_103 = arith.constant 0 : i32
      %dma_wait3A_104 = tpu.memref_slice %arg13[%multiple_of3A_93, %dma_wait3A_103] : memref<10240x64xf32, #tpu.memory_space<vmem_shared>> -> memref<640x64xf32, #tpu.memory_space<vmem_shared>>
      tpu.wait_dma2 semaphore(%run_scoped3A_94 : memref<!tpu.dma_semaphore, #tpu.memory_space<semaphore_mem>>) src(%dma_wait3A_104 : memref<640x64xf32, #tpu.memory_space<vmem_shared>>) dst(%dma_wait3A_102 : memref<640x64xf32, #tpu.memory_space<hbm>>)
      tpu.yield
    }) : () -> ()
    return
  }
}

#map = affine_map<(d0, d1) -> (0, 0)>
#map1 = affine_map<(d0, d1) -> (0, 0, 0)>
module attributes {stable_mosaic.version = 14 : i64} {
  func.func @_sc_body(%arg0: i32, %arg1: i32, %arg2: memref<1280x256xi32, #tpu.memory_space<hbm>>, %arg3: memref<1280x256xi32, #tpu.memory_space<hbm>>, %arg4: memref<2x10240x64xf32, #tpu.memory_space<hbm>>, %arg5: memref<2x5120x64xf32, #tpu.memory_space<hbm>>, %arg6: memref<2x5120x64xf32, #tpu.memory_space<hbm>>, %arg7: memref<2x10240x64xf32, #tpu.memory_space<hbm>>, %arg8: memref<2x2x256xi32, #tpu.memory_space<vmem>>, %arg9: memref<2x2x256xi32, #tpu.memory_space<vmem>>, %arg10: memref<2x256x64xf32, #tpu.memory_space<vmem>>, %arg11: memref<2x256x64xf32, #tpu.memory_space<vmem>>, %arg12: memref<5120x64xf32, #tpu.memory_space<vmem_shared>>, %arg13: memref<10240x64xf32, #tpu.memory_space<vmem_shared>>, %arg14: memref<!tpu.dma_semaphore, #tpu.memory_space<semaphore_mem>>, %arg15: memref<!tpu.dma_semaphore, #tpu.memory_space<semaphore_mem>>, %arg16: memref<!tpu.dma_semaphore, #tpu.memory_space<semaphore_mem>>, %arg17: memref<!tpu.dma_semaphore, #tpu.memory_space<semaphore_mem>>, %arg18: memref<!tpu.dma_semaphore, #tpu.memory_space<semaphore_mem>>) attributes {dimension_semantics = [#tpu.dimension_semantics<core_parallel>, #tpu.dimension_semantics<subcore_parallel>], iteration_bounds = array<i64: 2, 16>, scalar_prefetch = 0 : i64, scratch_operands = 11 : i64, tpu.core_type = #tpu.core_type<sc_vector_subcore>, window_params = [{transform_indices = #map}, {transform_indices = #map}, {transform_indices = #map1}, {transform_indices = #map1}, {transform_indices = #map1}, {transform_indices = #map1}]} {
    %broadcast_in_dim3A = arith.constant 0.000000e+00 : f32
    %broadcast_in_dim3A_0 = vector.broadcast %broadcast_in_dim3A : f32 to vector<16xf32>
    %scan3A = arith.constant 0 : i32
    %scan3A_1 = arith.constant 0 : i32
    %scan3A_2 = arith.constant 64 : i32
    %scan3A_3 = arith.addi %scan3A_1, %scan3A_2 : i32
    %scan3A_4 = arith.constant 1 : i32
    scf.for %scan3A_94 = %scan3A_1 to %scan3A_3 step %scan3A_4  : i32 {
      %swap3A = arith.constant 0 : i32
      %swap3A_95 = arith.index_cast %swap3A : i32 to index
      %swap3A_96 = arith.index_cast %scan3A_94 : i32 to index
      %swap3A_97 = arith.constant 0 : index
      %swap3A_98 = tpu.vector_load %arg10[%swap3A_95, %swap3A_96, %swap3A_97] {strides = array<i32>} : memref<2x256x64xf32, #tpu.memory_space<vmem>>, vector<1x1x16xf32>,
      %swap3A_99 = vector.shape_cast %swap3A_98 : vector<1x1x16xf32> to vector<16xf32>
      %swap3A_100 = vector.shape_cast %broadcast_in_dim3A_0 : vector<16xf32> to vector<1x1x16xf32>
      tpu.vector_store %arg10[%swap3A_95, %swap3A_96, %swap3A_97], %swap3A_100 {strides = array<i32>} : memref<2x256x64xf32, #tpu.memory_space<vmem>>, vector<1x1x16xf32>,
      %swap3A_101 = arith.constant 0 : i32
      %swap3A_102 = arith.index_cast %swap3A_101 : i32 to index
      %swap3A_103 = arith.index_cast %scan3A_94 : i32 to index
      %swap3A_104 = arith.constant 16 : index
      %swap3A_105 = tpu.vector_load %arg10[%swap3A_102, %swap3A_103, %swap3A_104] {strides = array<i32>} : memref<2x256x64xf32, #tpu.memory_space<vmem>>, vector<1x1x16xf32>,
      %swap3A_106 = vector.shape_cast %swap3A_105 : vector<1x1x16xf32> to vector<16xf32>
      %swap3A_107 = vector.shape_cast %broadcast_in_dim3A_0 : vector<16xf32> to vector<1x1x16xf32>
      tpu.vector_store %arg10[%swap3A_102, %swap3A_103, %swap3A_104], %swap3A_107 {strides = array<i32>} : memref<2x256x64xf32, #tpu.memory_space<vmem>>, vector<1x1x16xf32>,
      %swap3A_108 = arith.constant 0 : i32
      %swap3A_109 = arith.index_cast %swap3A_108 : i32 to index
      %swap3A_110 = arith.index_cast %scan3A_94 : i32 to index
      %swap3A_111 = arith.constant 32 : index
      %swap3A_112 = tpu.vector_load %arg10[%swap3A_109, %swap3A_110, %swap3A_111] {strides = array<i32>} : memref<2x256x64xf32, #tpu.memory_space<vmem>>, vector<1x1x16xf32>,
      %swap3A_113 = vector.shape_cast %swap3A_112 : vector<1x1x16xf32> to vector<16xf32>
      %swap3A_114 = vector.shape_cast %broadcast_in_dim3A_0 : vector<16xf32> to vector<1x1x16xf32>
      tpu.vector_store %arg10[%swap3A_109, %swap3A_110, %swap3A_111], %swap3A_114 {strides = array<i32>} : memref<2x256x64xf32, #tpu.memory_space<vmem>>, vector<1x1x16xf32>,
      %swap3A_115 = arith.constant 0 : i32
      %swap3A_116 = arith.index_cast %swap3A_115 : i32 to index
      %swap3A_117 = arith.index_cast %scan3A_94 : i32 to index
      %swap3A_118 = arith.constant 48 : index
      %swap3A_119 = tpu.vector_load %arg10[%swap3A_116, %swap3A_117, %swap3A_118] {strides = array<i32>} : memref<2x256x64xf32, #tpu.memory_space<vmem>>, vector<1x1x16xf32>,
      %swap3A_120 = vector.shape_cast %swap3A_119 : vector<1x1x16xf32> to vector<16xf32>
      %swap3A_121 = vector.shape_cast %broadcast_in_dim3A_0 : vector<16xf32> to vector<1x1x16xf32>
      tpu.vector_store %arg10[%swap3A_116, %swap3A_117, %swap3A_118], %swap3A_121 {strides = array<i32>} : memref<2x256x64xf32, #tpu.memory_space<vmem>>, vector<1x1x16xf32>,
    }
    %scan3A_5 = arith.constant 64 : i32
    %scan3A_6 = arith.constant 0 : i32
    %scan3A_7 = arith.constant 0 : i32
    %scan3A_8 = arith.constant 0 : i32
    %scan3A_9 = arith.constant 5 : i32
    %scan3A_10 = arith.addi %scan3A_8, %scan3A_9 : i32
    %scan3A_11 = arith.constant 1 : i32
    scf.for %scan3A_94 = %scan3A_8 to %scan3A_10 step %scan3A_11  : i32 {
      %mul3A_95 = arith.constant 320 : i32
      %mul3A_96 = arith.muli %arg1, %mul3A_95 : i32
      %mul3A_97 = arith.constant 64 : i32
      %mul3A_98 = arith.muli %scan3A_94, %mul3A_97 : i32
      %add3A_99 = arith.addi %mul3A_96, %mul3A_98 : i32
      %multiple_of3A_100 = tpu.assume_multiple %add3A_99, 64 : i32
      "tpu.region"() ({
        %run_scoped3A_101 = tpu.sem_alloc : memref<!tpu.dma_semaphore, #tpu.memory_space<semaphore_mem>>
        %dma_start3A_102 = arith.constant 0 : i32
        %dma_start3A_103 = arith.constant 0 : i32
        %dma_start3A_104 = tpu.memref_slice %arg10[%scan3A_7, %dma_start3A_102, %dma_start3A_103] : memref<2x256x64xf32, #tpu.memory_space<vmem>> -> memref<1x64x64xf32, #tpu.memory_space<vmem>>
        %dma_start3A_105 = tpu.memref_squeeze %dma_start3A_104 : memref<1x64x64xf32, #tpu.memory_space<vmem>> -> memref<64x64xf32, #tpu.memory_space<vmem>>
        %dma_start3A_106 = arith.constant 0 : i32
        %dma_start3A_107 = tpu.memref_slice %arg12[%multiple_of3A_100, %dma_start3A_106] : memref<5120x64xf32, #tpu.memory_space<vmem_shared>> -> memref<64x64xf32, #tpu.memory_space<vmem_shared>>
        %dma_start3A_108 = arith.constant 0 : i32
        %dma_start3A_109 = tpu.memref_slice %arg12[%multiple_of3A_100, %dma_start3A_108] : memref<5120x64xf32, #tpu.memory_space<vmem_shared>> -> memref<64x64xf32, #tpu.memory_space<vmem_shared>>
        %dma_start3A_110 = arith.constant 0 : i32
        %dma_start3A_111 = arith.constant 0 : i32
        %dma_start3A_112 = tpu.memref_slice %arg10[%scan3A_7, %dma_start3A_110, %dma_start3A_111] : memref<2x256x64xf32, #tpu.memory_space<vmem>> -> memref<1x64x64xf32, #tpu.memory_space<vmem>>
        %dma_start3A_113 = tpu.memref_squeeze %dma_start3A_112 : memref<1x64x64xf32, #tpu.memory_space<vmem>> -> memref<64x64xf32, #tpu.memory_space<vmem>>
        tpu.enqueue_dma source(%dma_start3A_113 : memref<64x64xf32, #tpu.memory_space<vmem>>) target(%dma_start3A_109 : memref<64x64xf32, #tpu.memory_space<vmem_shared>>) target_semaphore(%run_scoped3A_101 : memref<!tpu.dma_semaphore, #tpu.memory_space<semaphore_mem>>)
        %dma_wait3A_114 = arith.constant 0 : i32
        %dma_wait3A_115 = arith.constant 0 : i32
        %dma_wait3A_116 = tpu.memref_slice %arg10[%scan3A_7, %dma_wait3A_114, %dma_wait3A_115] : memref<2x256x64xf32, #tpu.memory_space<vmem>> -> memref<1x64x64xf32, #tpu.memory_space<vmem>>
        %dma_wait3A_117 = tpu.memref_squeeze %dma_wait3A_116 : memref<1x64x64xf32, #tpu.memory_space<vmem>> -> memref<64x64xf32, #tpu.memory_space<vmem>>
        %dma_wait3A_118 = arith.constant 0 : i32
        %dma_wait3A_119 = tpu.memref_slice %arg12[%multiple_of3A_100, %dma_wait3A_118] : memref<5120x64xf32, #tpu.memory_space<vmem_shared>> -> memref<64x64xf32, #tpu.memory_space<vmem_shared>>
        %dma_wait3A_120 = arith.constant 0 : i32
        %dma_wait3A_121 = tpu.memref_slice %arg12[%multiple_of3A_100, %dma_wait3A_120] : memref<5120x64xf32, #tpu.memory_space<vmem_shared>> -> memref<64x64xf32, #tpu.memory_space<vmem_shared>>
        %dma_wait3A_122 = arith.constant 0 : i32
        %dma_wait3A_123 = arith.constant 0 : i32
        %dma_wait3A_124 = tpu.memref_slice %arg10[%scan3A_7, %dma_wait3A_122, %dma_wait3A_123] : memref<2x256x64xf32, #tpu.memory_space<vmem>> -> memref<1x64x64xf32, #tpu.memory_space<vmem>>
        %dma_wait3A_125 = tpu.memref_squeeze %dma_wait3A_124 : memref<1x64x64xf32, #tpu.memory_space<vmem>> -> memref<64x64xf32, #tpu.memory_space<vmem>>
        tpu.wait_dma2 semaphore(%run_scoped3A_101 : memref<!tpu.dma_semaphore, #tpu.memory_space<semaphore_mem>>) src(%dma_wait3A_125 : memref<64x64xf32, #tpu.memory_space<vmem>>) dst(%dma_wait3A_121 : memref<64x64xf32, #tpu.memory_space<vmem_shared>>)
        tpu.yield
      }) : () -> ()
    }
    %scan3A_12 = arith.constant 5 : i32
    %scan3A_13 = arith.constant 0 : i32
    %scan3A_14 = arith.constant 0 : i32
    %scan3A_15 = arith.constant 0 : i32
    %scan3A_16 = arith.constant 10 : i32
    %scan3A_17 = arith.addi %scan3A_15, %scan3A_16 : i32
    %scan3A_18 = arith.constant 1 : i32
    scf.for %scan3A_94 = %scan3A_15 to %scan3A_17 step %scan3A_18  : i32 {
      %mul3A_95 = arith.constant 640 : i32
      %mul3A_96 = arith.muli %arg1, %mul3A_95 : i32
      %mul3A_97 = arith.constant 64 : i32
      %mul3A_98 = arith.muli %scan3A_94, %mul3A_97 : i32
      %add3A_99 = arith.addi %mul3A_96, %mul3A_98 : i32
      %multiple_of3A_100 = tpu.assume_multiple %add3A_99, 64 : i32
      "tpu.region"() ({
        %run_scoped3A_101 = tpu.sem_alloc : memref<!tpu.dma_semaphore, #tpu.memory_space<semaphore_mem>>
        %dma_start3A_102 = arith.constant 0 : i32
        %dma_start3A_103 = arith.constant 0 : i32
        %dma_start3A_104 = tpu.memref_slice %arg10[%scan3A_14, %dma_start3A_102, %dma_start3A_103] : memref<2x256x64xf32, #tpu.memory_space<vmem>> -> memref<1x64x64xf32, #tpu.memory_space<vmem>>
        %dma_start3A_105 = tpu.memref_squeeze %dma_start3A_104 : memref<1x64x64xf32, #tpu.memory_space<vmem>> -> memref<64x64xf32, #tpu.memory_space<vmem>>
        %dma_start3A_106 = arith.constant 0 : i32
        %dma_start3A_107 = tpu.memref_slice %arg13[%multiple_of3A_100, %dma_start3A_106] : memref<10240x64xf32, #tpu.memory_space<vmem_shared>> -> memref<64x64xf32, #tpu.memory_space<vmem_shared>>
        %dma_start3A_108 = arith.constant 0 : i32
        %dma_start3A_109 = tpu.memref_slice %arg13[%multiple_of3A_100, %dma_start3A_108] : memref<10240x64xf32, #tpu.memory_space<vmem_shared>> -> memref<64x64xf32, #tpu.memory_space<vmem_shared>>
        %dma_start3A_110 = arith.constant 0 : i32
        %dma_start3A_111 = arith.constant 0 : i32
        %dma_start3A_112 = tpu.memref_slice %arg10[%scan3A_14, %dma_start3A_110, %dma_start3A_111] : memref<2x256x64xf32, #tpu.memory_space<vmem>> -> memref<1x64x64xf32, #tpu.memory_space<vmem>>
        %dma_start3A_113 = tpu.memref_squeeze %dma_start3A_112 : memref<1x64x64xf32, #tpu.memory_space<vmem>> -> memref<64x64xf32, #tpu.memory_space<vmem>>
        tpu.enqueue_dma source(%dma_start3A_113 : memref<64x64xf32, #tpu.memory_space<vmem>>) target(%dma_start3A_109 : memref<64x64xf32, #tpu.memory_space<vmem_shared>>) target_semaphore(%run_scoped3A_101 : memref<!tpu.dma_semaphore, #tpu.memory_space<semaphore_mem>>)
        %dma_wait3A_114 = arith.constant 0 : i32
        %dma_wait3A_115 = arith.constant 0 : i32
        %dma_wait3A_116 = tpu.memref_slice %arg10[%scan3A_14, %dma_wait3A_114, %dma_wait3A_115] : memref<2x256x64xf32, #tpu.memory_space<vmem>> -> memref<1x64x64xf32, #tpu.memory_space<vmem>>
        %dma_wait3A_117 = tpu.memref_squeeze %dma_wait3A_116 : memref<1x64x64xf32, #tpu.memory_space<vmem>> -> memref<64x64xf32, #tpu.memory_space<vmem>>
        %dma_wait3A_118 = arith.constant 0 : i32
        %dma_wait3A_119 = tpu.memref_slice %arg13[%multiple_of3A_100, %dma_wait3A_118] : memref<10240x64xf32, #tpu.memory_space<vmem_shared>> -> memref<64x64xf32, #tpu.memory_space<vmem_shared>>
        %dma_wait3A_120 = arith.constant 0 : i32
        %dma_wait3A_121 = tpu.memref_slice %arg13[%multiple_of3A_100, %dma_wait3A_120] : memref<10240x64xf32, #tpu.memory_space<vmem_shared>> -> memref<64x64xf32, #tpu.memory_space<vmem_shared>>
        %dma_wait3A_122 = arith.constant 0 : i32
        %dma_wait3A_123 = arith.constant 0 : i32
        %dma_wait3A_124 = tpu.memref_slice %arg10[%scan3A_14, %dma_wait3A_122, %dma_wait3A_123] : memref<2x256x64xf32, #tpu.memory_space<vmem>> -> memref<1x64x64xf32, #tpu.memory_space<vmem>>
        %dma_wait3A_125 = tpu.memref_squeeze %dma_wait3A_124 : memref<1x64x64xf32, #tpu.memory_space<vmem>> -> memref<64x64xf32, #tpu.memory_space<vmem>>
        tpu.wait_dma2 semaphore(%run_scoped3A_101 : memref<!tpu.dma_semaphore, #tpu.memory_space<semaphore_mem>>) src(%dma_wait3A_125 : memref<64x64xf32, #tpu.memory_space<vmem>>) dst(%dma_wait3A_121 : memref<64x64xf32, #tpu.memory_space<vmem_shared>>)
        tpu.yield
      }) : () -> ()
    }
    %scan3A_19 = arith.constant 10 : i32
    %barrier3A = arith.constant 0 : index
    tpu.barrier barrier_id(%barrier3A)
    %mul3A = arith.constant 80 : i32
    %mul3A_20 = arith.muli %arg1, %mul3A : i32
    %add3A = arith.constant 0 : i32
    %add3A_21 = arith.addi %mul3A_20, %add3A : i32
    %multiple_of3A = tpu.assume_multiple %add3A_21, 8 : i32
    %run_scoped3A = arith.constant 0 : i32
    "tpu.region"() ({
      %run_scoped3A_94 = tpu.sem_alloc : memref<!tpu.dma_semaphore, #tpu.memory_space<semaphore_mem>>
      %dma_start3A_95 = arith.constant 0 : i32
      %dma_start3A_96 = arith.constant 0 : i32
      %dma_start3A_97 = tpu.memref_slice %arg8[%run_scoped3A, %dma_start3A_95, %dma_start3A_96] : memref<2x2x256xi32, #tpu.memory_space<vmem>> -> memref<1x2x256xi32, #tpu.memory_space<vmem>>
      %dma_start3A_98 = tpu.memref_squeeze %dma_start3A_97 : memref<1x2x256xi32, #tpu.memory_space<vmem>> -> memref<2x256xi32, #tpu.memory_space<vmem>>
      %dma_start3A_99 = arith.constant 0 : i32
      %dma_start3A_100 = tpu.memref_slice %arg2[%multiple_of3A, %dma_start3A_99] : memref<1280x256xi32, #tpu.memory_space<hbm>> -> memref<2x256xi32, #tpu.memory_space<hbm>>
      %dma_start3A_101 = arith.constant 0 : i32
      %dma_start3A_102 = arith.constant 0 : i32
      %dma_start3A_103 = tpu.memref_slice %arg8[%run_scoped3A, %dma_start3A_101, %dma_start3A_102] : memref<2x2x256xi32, #tpu.memory_space<vmem>> -> memref<1x2x256xi32, #tpu.memory_space<vmem>>
      %dma_start3A_104 = tpu.memref_squeeze %dma_start3A_103 : memref<1x2x256xi32, #tpu.memory_space<vmem>> -> memref<2x256xi32, #tpu.memory_space<vmem>>
      %dma_start3A_105 = arith.constant 0 : i32
      %dma_start3A_106 = tpu.memref_slice %arg2[%multiple_of3A, %dma_start3A_105] : memref<1280x256xi32, #tpu.memory_space<hbm>> -> memref<2x256xi32, #tpu.memory_space<hbm>>
      tpu.enqueue_dma source(%dma_start3A_106 : memref<2x256xi32, #tpu.memory_space<hbm>>) target(%dma_start3A_104 : memref<2x256xi32, #tpu.memory_space<vmem>>) target_semaphore(%run_scoped3A_94 : memref<!tpu.dma_semaphore, #tpu.memory_space<semaphore_mem>>)
      %dma_wait3A_107 = arith.constant 0 : i32
      %dma_wait3A_108 = arith.constant 0 : i32
      %dma_wait3A_109 = tpu.memref_slice %arg8[%run_scoped3A, %dma_wait3A_107, %dma_wait3A_108] : memref<2x2x256xi32, #tpu.memory_space<vmem>> -> memref<1x2x256xi32, #tpu.memory_space<vmem>>
      %dma_wait3A_110 = tpu.memref_squeeze %dma_wait3A_109 : memref<1x2x256xi32, #tpu.memory_space<vmem>> -> memref<2x256xi32, #tpu.memory_space<vmem>>
      %dma_wait3A_111 = arith.constant 0 : i32
      %dma_wait3A_112 = tpu.memref_slice %arg2[%multiple_of3A, %dma_wait3A_111] : memref<1280x256xi32, #tpu.memory_space<hbm>> -> memref<2x256xi32, #tpu.memory_space<hbm>>
      %dma_wait3A_113 = arith.constant 0 : i32
      %dma_wait3A_114 = arith.constant 0 : i32
      %dma_wait3A_115 = tpu.memref_slice %arg8[%run_scoped3A, %dma_wait3A_113, %dma_wait3A_114] : memref<2x2x256xi32, #tpu.memory_space<vmem>> -> memref<1x2x256xi32, #tpu.memory_space<vmem>>
      %dma_wait3A_116 = tpu.memref_squeeze %dma_wait3A_115 : memref<1x2x256xi32, #tpu.memory_space<vmem>> -> memref<2x256xi32, #tpu.memory_space<vmem>>
      %dma_wait3A_117 = arith.constant 0 : i32
      %dma_wait3A_118 = tpu.memref_slice %arg2[%multiple_of3A, %dma_wait3A_117] : memref<1280x256xi32, #tpu.memory_space<hbm>> -> memref<2x256xi32, #tpu.memory_space<hbm>>
      tpu.wait_dma2 semaphore(%run_scoped3A_94 : memref<!tpu.dma_semaphore, #tpu.memory_space<semaphore_mem>>) src(%dma_wait3A_118 : memref<2x256xi32, #tpu.memory_space<hbm>>) dst(%dma_wait3A_116 : memref<2x256xi32, #tpu.memory_space<vmem>>)
      tpu.yield
    }) : () -> ()
    %run_scoped3A_22 = arith.constant 0 : i32
    "tpu.region"() ({
      %run_scoped3A_94 = tpu.sem_alloc : memref<!tpu.dma_semaphore, #tpu.memory_space<semaphore_mem>>
      %dma_start3A_95 = arith.constant 0 : i32
      %dma_start3A_96 = arith.constant 0 : i32
      %dma_start3A_97 = tpu.memref_slice %arg9[%run_scoped3A_22, %dma_start3A_95, %dma_start3A_96] : memref<2x2x256xi32, #tpu.memory_space<vmem>> -> memref<1x2x256xi32, #tpu.memory_space<vmem>>
      %dma_start3A_98 = tpu.memref_squeeze %dma_start3A_97 : memref<1x2x256xi32, #tpu.memory_space<vmem>> -> memref<2x256xi32, #tpu.memory_space<vmem>>
      %dma_start3A_99 = arith.constant 0 : i32
      %dma_start3A_100 = tpu.memref_slice %arg3[%multiple_of3A, %dma_start3A_99] : memref<1280x256xi32, #tpu.memory_space<hbm>> -> memref<2x256xi32, #tpu.memory_space<hbm>>
      %dma_start3A_101 = arith.constant 0 : i32
      %dma_start3A_102 = arith.constant 0 : i32
      %dma_start3A_103 = tpu.memref_slice %arg9[%run_scoped3A_22, %dma_start3A_101, %dma_start3A_102] : memref<2x2x256xi32, #tpu.memory_space<vmem>> -> memref<1x2x256xi32, #tpu.memory_space<vmem>>
      %dma_start3A_104 = tpu.memref_squeeze %dma_start3A_103 : memref<1x2x256xi32, #tpu.memory_space<vmem>> -> memref<2x256xi32, #tpu.memory_space<vmem>>
      %dma_start3A_105 = arith.constant 0 : i32
      %dma_start3A_106 = tpu.memref_slice %arg3[%multiple_of3A, %dma_start3A_105] : memref<1280x256xi32, #tpu.memory_space<hbm>> -> memref<2x256xi32, #tpu.memory_space<hbm>>
      tpu.enqueue_dma source(%dma_start3A_106 : memref<2x256xi32, #tpu.memory_space<hbm>>) target(%dma_start3A_104 : memref<2x256xi32, #tpu.memory_space<vmem>>) target_semaphore(%run_scoped3A_94 : memref<!tpu.dma_semaphore, #tpu.memory_space<semaphore_mem>>)
      %dma_wait3A_107 = arith.constant 0 : i32
      %dma_wait3A_108 = arith.constant 0 : i32
      %dma_wait3A_109 = tpu.memref_slice %arg9[%run_scoped3A_22, %dma_wait3A_107, %dma_wait3A_108] : memref<2x2x256xi32, #tpu.memory_space<vmem>> -> memref<1x2x256xi32, #tpu.memory_space<vmem>>
      %dma_wait3A_110 = tpu.memref_squeeze %dma_wait3A_109 : memref<1x2x256xi32, #tpu.memory_space<vmem>> -> memref<2x256xi32, #tpu.memory_space<vmem>>
      %dma_wait3A_111 = arith.constant 0 : i32
      %dma_wait3A_112 = tpu.memref_slice %arg3[%multiple_of3A, %dma_wait3A_111] : memref<1280x256xi32, #tpu.memory_space<hbm>> -> memref<2x256xi32, #tpu.memory_space<hbm>>
      %dma_wait3A_113 = arith.constant 0 : i32
      %dma_wait3A_114 = arith.constant 0 : i32
      %dma_wait3A_115 = tpu.memref_slice %arg9[%run_scoped3A_22, %dma_wait3A_113, %dma_wait3A_114] : memref<2x2x256xi32, #tpu.memory_space<vmem>> -> memref<1x2x256xi32, #tpu.memory_space<vmem>>
      %dma_wait3A_116 = tpu.memref_squeeze %dma_wait3A_115 : memref<1x2x256xi32, #tpu.memory_space<vmem>> -> memref<2x256xi32, #tpu.memory_space<vmem>>
      %dma_wait3A_117 = arith.constant 0 : i32
      %dma_wait3A_118 = tpu.memref_slice %arg3[%multiple_of3A, %dma_wait3A_117] : memref<1280x256xi32, #tpu.memory_space<hbm>> -> memref<2x256xi32, #tpu.memory_space<hbm>>
      tpu.wait_dma2 semaphore(%run_scoped3A_94 : memref<!tpu.dma_semaphore, #tpu.memory_space<semaphore_mem>>) src(%dma_wait3A_118 : memref<2x256xi32, #tpu.memory_space<hbm>>) dst(%dma_wait3A_116 : memref<2x256xi32, #tpu.memory_space<vmem>>)
      tpu.yield
    }) : () -> ()
    %dma_start3A = arith.constant 0 : i32
    %dma_start3A_23 = arith.constant 0 : i32
    %dma_start3A_24 = arith.constant 0 : i32
    %dma_start3A_25 = arith.constant 0 : i32
    %dma_start3A_26 = arith.constant 0 : i32
    %dma_start3A_27 = tpu.memref_slice %arg10[%dma_start3A_24, %dma_start3A_25, %dma_start3A_26] : memref<2x256x64xf32, #tpu.memory_space<vmem>> -> memref<1x256x64xf32, #tpu.memory_space<vmem>>
    %dma_start3A_28 = tpu.memref_squeeze %dma_start3A_27 : memref<1x256x64xf32, #tpu.memory_space<vmem>> -> memref<256x64xf32, #tpu.memory_space<vmem>>
    %dma_start3A_29 = arith.constant 0 : i32
    %dma_start3A_30 = tpu.memref_slice %arg8[%dma_start3A, %dma_start3A_23, %dma_start3A_29] : memref<2x2x256xi32, #tpu.memory_space<vmem>> -> memref<1x1x256xi32, #tpu.memory_space<vmem>>
    %dma_start3A_31 = tpu.memref_squeeze %dma_start3A_30 : memref<1x1x256xi32, #tpu.memory_space<vmem>> -> memref<256xi32, #tpu.memory_space<vmem>>
    %dma_start3A_32 = arith.constant 0 : i32
    %dma_start3A_33 = arith.constant 0 : i32
    %dma_start3A_34 = tpu.memref_slice %arg4[%arg0, %dma_start3A_32, %dma_start3A_33] : memref<2x10240x64xf32, #tpu.memory_space<hbm>> -> memref<1x10240x64xf32, #tpu.memory_space<hbm>>
    %dma_start3A_35 = tpu.memref_squeeze %dma_start3A_34 : memref<1x10240x64xf32, #tpu.memory_space<hbm>> -> memref<10240x64xf32, #tpu.memory_space<hbm>>
    %dma_start3A_36 = arith.constant 0 : i32
    %dma_start3A_37 = arith.constant 0 : i32
    %dma_start3A_38 = tpu.memref_slice %dma_start3A_35[%dma_start3A_36, %dma_start3A_37] : memref<10240x64xf32, #tpu.memory_space<hbm>> -> memref<10240x64xf32, #tpu.memory_space<hbm>>
    tpu.enqueue_indirect_dma source(%dma_start3A_38 : memref<10240x64xf32, #tpu.memory_space<hbm>>) target(%dma_start3A_28 : memref<256x64xf32, #tpu.memory_space<vmem>>) offsets(%dma_start3A_31 : memref<256xi32, #tpu.memory_space<vmem>>) semaphore(%arg14 : memref<!tpu.dma_semaphore, #tpu.memory_space<semaphore_mem>>)
    %dma_start3A_39 = arith.constant 0 : i32
    %dma_start3A_40 = arith.constant 0 : i32
    %dma_start3A_41 = arith.constant 0 : i32
    %dma_start3A_42 = arith.constant 0 : i32
    %dma_start3A_43 = arith.constant 0 : i32
    %dma_start3A_44 = tpu.memref_slice %arg11[%dma_start3A_41, %dma_start3A_42, %dma_start3A_43] : memref<2x256x64xf32, #tpu.memory_space<vmem>> -> memref<1x256x64xf32, #tpu.memory_space<vmem>>
    %dma_start3A_45 = tpu.memref_squeeze %dma_start3A_44 : memref<1x256x64xf32, #tpu.memory_space<vmem>> -> memref<256x64xf32, #tpu.memory_space<vmem>>
    %dma_start3A_46 = arith.constant 0 : i32
    %dma_start3A_47 = tpu.memref_slice %arg9[%dma_start3A_39, %dma_start3A_40, %dma_start3A_46] : memref<2x2x256xi32, #tpu.memory_space<vmem>> -> memref<1x1x256xi32, #tpu.memory_space<vmem>>
    %dma_start3A_48 = tpu.memref_squeeze %dma_start3A_47 : memref<1x1x256xi32, #tpu.memory_space<vmem>> -> memref<256xi32, #tpu.memory_space<vmem>>
    %dma_start3A_49 = arith.constant 0 : i32
    %dma_start3A_50 = arith.constant 0 : i32
    %dma_start3A_51 = tpu.memref_slice %arg5[%arg0, %dma_start3A_49, %dma_start3A_50] : memref<2x5120x64xf32, #tpu.memory_space<hbm>> -> memref<1x5120x64xf32, #tpu.memory_space<hbm>>
    %dma_start3A_52 = tpu.memref_squeeze %dma_start3A_51 : memref<1x5120x64xf32, #tpu.memory_space<hbm>> -> memref<5120x64xf32, #tpu.memory_space<hbm>>
    %dma_start3A_53 = arith.constant 0 : i32
    %dma_start3A_54 = arith.constant 0 : i32
    %dma_start3A_55 = tpu.memref_slice %dma_start3A_52[%dma_start3A_53, %dma_start3A_54] : memref<5120x64xf32, #tpu.memory_space<hbm>> -> memref<5120x64xf32, #tpu.memory_space<hbm>>
    tpu.enqueue_indirect_dma source(%dma_start3A_55 : memref<5120x64xf32, #tpu.memory_space<hbm>>) target(%dma_start3A_45 : memref<256x64xf32, #tpu.memory_space<vmem>>) offsets(%dma_start3A_48 : memref<256xi32, #tpu.memory_space<vmem>>) semaphore(%arg14 : memref<!tpu.dma_semaphore, #tpu.memory_space<semaphore_mem>>)
    %scan3A_56 = arith.constant 0 : i32
    %scan3A_57 = arith.constant 0 : i32
    %scan3A_58 = arith.constant 40 : i32
    %scan3A_59 = arith.addi %scan3A_57, %scan3A_58 : i32
    %scan3A_60 = arith.constant 1 : i32
    scf.for %scan3A_94 = %scan3A_57 to %scan3A_59 step %scan3A_60  : i32 {
      %rem3A_95 = arith.constant 2 : i32
      %rem3A_96 = arith.remsi %scan3A_94, %rem3A_95 : i32
      %sub3A = arith.constant 1 : i32
      %sub3A_97 = arith.subi %sub3A, %rem3A_96 : i32
      %gt3A = arith.constant 0 : i32
      %gt3A_98 = arith.cmpi sgt, %scan3A_94, %gt3A : i32
      %convert_element_type3A = arith.extui %gt3A_98 : i1 to i32
      %cond3A = arith.constant 0 : i32
      %cond3A_99 = arith.cmpi ne, %convert_element_type3A, %cond3A : i32
      scf.if %cond3A_99 {
        %dma_wait3A_277 = arith.constant 1 : i32
        %dma_wait3A_278 = arith.constant 1 : i32
        %dma_wait3A_279 = arith.constant 0 : i32
        %dma_wait3A_280 = arith.constant 0 : i32
        %dma_wait3A_281 = tpu.memref_slice %arg10[%dma_wait3A_277, %dma_wait3A_279, %dma_wait3A_280] : memref<2x256x64xf32, #tpu.memory_space<vmem>> -> memref<1x256x64xf32, #tpu.memory_space<vmem>>
        %dma_wait3A_282 = tpu.memref_squeeze %dma_wait3A_281 : memref<1x256x64xf32, #tpu.memory_space<vmem>> -> memref<256x64xf32, #tpu.memory_space<vmem>>
        %dma_wait3A_283 = arith.constant 0 : i32
        %dma_wait3A_284 = tpu.memref_slice %arg9[%sub3A_97, %dma_wait3A_278, %dma_wait3A_283] : memref<2x2x256xi32, #tpu.memory_space<vmem>> -> memref<1x1x256xi32, #tpu.memory_space<vmem>>
        %dma_wait3A_285 = tpu.memref_squeeze %dma_wait3A_284 : memref<1x1x256xi32, #tpu.memory_space<vmem>> -> memref<256xi32, #tpu.memory_space<vmem>>
        %dma_wait3A_286 = arith.constant 0 : i32
        %dma_wait3A_287 = arith.constant 0 : i32
        %dma_wait3A_288 = tpu.memref_slice %arg12[%dma_wait3A_286, %dma_wait3A_287] : memref<5120x64xf32, #tpu.memory_space<vmem_shared>> -> memref<5120x64xf32, #tpu.memory_space<vmem_shared>>
        tpu.wait_indirect_dma semaphore(%arg17 : memref<!tpu.dma_semaphore, #tpu.memory_space<semaphore_mem>>) src(%dma_wait3A_282 : memref<256x64xf32, #tpu.memory_space<vmem>>) dst(%dma_wait3A_288 : memref<5120x64xf32, #tpu.memory_space<vmem_shared>>)
        %dma_wait3A_289 = arith.constant 1 : i32
        %dma_wait3A_290 = arith.constant 1 : i32
        %dma_wait3A_291 = arith.constant 0 : i32
        %dma_wait3A_292 = arith.constant 0 : i32
        %dma_wait3A_293 = tpu.memref_slice %arg11[%dma_wait3A_289, %dma_wait3A_291, %dma_wait3A_292] : memref<2x256x64xf32, #tpu.memory_space<vmem>> -> memref<1x256x64xf32, #tpu.memory_space<vmem>>
        %dma_wait3A_294 = tpu.memref_squeeze %dma_wait3A_293 : memref<1x256x64xf32, #tpu.memory_space<vmem>> -> memref<256x64xf32, #tpu.memory_space<vmem>>
        %dma_wait3A_295 = arith.constant 0 : i32
        %dma_wait3A_296 = tpu.memref_slice %arg8[%sub3A_97, %dma_wait3A_290, %dma_wait3A_295] : memref<2x2x256xi32, #tpu.memory_space<vmem>> -> memref<1x1x256xi32, #tpu.memory_space<vmem>>
        %dma_wait3A_297 = tpu.memref_squeeze %dma_wait3A_296 : memref<1x1x256xi32, #tpu.memory_space<vmem>> -> memref<256xi32, #tpu.memory_space<vmem>>
        %dma_wait3A_298 = arith.constant 0 : i32
        %dma_wait3A_299 = arith.constant 0 : i32
        %dma_wait3A_300 = tpu.memref_slice %arg13[%dma_wait3A_298, %dma_wait3A_299] : memref<10240x64xf32, #tpu.memory_space<vmem_shared>> -> memref<10240x64xf32, #tpu.memory_space<vmem_shared>>
        tpu.wait_indirect_dma semaphore(%arg17 : memref<!tpu.dma_semaphore, #tpu.memory_space<semaphore_mem>>) src(%dma_wait3A_294 : memref<256x64xf32, #tpu.memory_space<vmem>>) dst(%dma_wait3A_300 : memref<10240x64xf32, #tpu.memory_space<vmem_shared>>)
      } else {
      }
      %lt3A = arith.constant 39 : i32
      %lt3A_100 = arith.cmpi slt, %scan3A_94, %lt3A : i32
      %convert_element_type3A_101 = arith.extui %lt3A_100 : i1 to i32
      %cond3A_102 = arith.constant 0 : i32
      %cond3A_103 = arith.cmpi ne, %convert_element_type3A_101, %cond3A_102 : i32
      scf.if %cond3A_103 {
        %add3A_277 = arith.constant 1 : i32
        %add3A_278 = arith.addi %scan3A_94, %add3A_277 : i32
        %mul3A_279 = arith.constant 80 : i32
        %mul3A_280 = arith.muli %arg1, %mul3A_279 : i32
        %mul3A_281 = arith.constant 2 : i32
        %mul3A_282 = arith.muli %add3A_278, %mul3A_281 : i32
        %add3A_283 = arith.addi %mul3A_280, %mul3A_282 : i32
        %multiple_of3A_284 = tpu.assume_multiple %add3A_283, 8 : i32
        %dma_start3A_285 = arith.constant 0 : i32
        %dma_start3A_286 = arith.constant 0 : i32
        %dma_start3A_287 = tpu.memref_slice %arg8[%sub3A_97, %dma_start3A_285, %dma_start3A_286] : memref<2x2x256xi32, #tpu.memory_space<vmem>> -> memref<1x2x256xi32, #tpu.memory_space<vmem>>
        %dma_start3A_288 = tpu.memref_squeeze %dma_start3A_287 : memref<1x2x256xi32, #tpu.memory_space<vmem>> -> memref<2x256xi32, #tpu.memory_space<vmem>>
        %dma_start3A_289 = arith.constant 0 : i32
        %dma_start3A_290 = tpu.memref_slice %arg2[%multiple_of3A_284, %dma_start3A_289] : memref<1280x256xi32, #tpu.memory_space<hbm>> -> memref<2x256xi32, #tpu.memory_space<hbm>>
        %dma_start3A_291 = arith.constant 0 : i32
        %dma_start3A_292 = arith.constant 0 : i32
        %dma_start3A_293 = tpu.memref_slice %arg8[%sub3A_97, %dma_start3A_291, %dma_start3A_292] : memref<2x2x256xi32, #tpu.memory_space<vmem>> -> memref<1x2x256xi32, #tpu.memory_space<vmem>>
        %dma_start3A_294 = tpu.memref_squeeze %dma_start3A_293 : memref<1x2x256xi32, #tpu.memory_space<vmem>> -> memref<2x256xi32, #tpu.memory_space<vmem>>
        %dma_start3A_295 = arith.constant 0 : i32
        %dma_start3A_296 = tpu.memref_slice %arg2[%multiple_of3A_284, %dma_start3A_295] : memref<1280x256xi32, #tpu.memory_space<hbm>> -> memref<2x256xi32, #tpu.memory_space<hbm>>
        tpu.enqueue_dma source(%dma_start3A_296 : memref<2x256xi32, #tpu.memory_space<hbm>>) target(%dma_start3A_294 : memref<2x256xi32, #tpu.memory_space<vmem>>) target_semaphore(%arg18 : memref<!tpu.dma_semaphore, #tpu.memory_space<semaphore_mem>>)
        %dma_start3A_297 = arith.constant 0 : i32
        %dma_start3A_298 = arith.constant 0 : i32
        %dma_start3A_299 = tpu.memref_slice %arg9[%sub3A_97, %dma_start3A_297, %dma_start3A_298] : memref<2x2x256xi32, #tpu.memory_space<vmem>> -> memref<1x2x256xi32, #tpu.memory_space<vmem>>
        %dma_start3A_300 = tpu.memref_squeeze %dma_start3A_299 : memref<1x2x256xi32, #tpu.memory_space<vmem>> -> memref<2x256xi32, #tpu.memory_space<vmem>>
        %dma_start3A_301 = arith.constant 0 : i32
        %dma_start3A_302 = tpu.memref_slice %arg3[%multiple_of3A_284, %dma_start3A_301] : memref<1280x256xi32, #tpu.memory_space<hbm>> -> memref<2x256xi32, #tpu.memory_space<hbm>>
        %dma_start3A_303 = arith.constant 0 : i32
        %dma_start3A_304 = arith.constant 0 : i32
        %dma_start3A_305 = tpu.memref_slice %arg9[%sub3A_97, %dma_start3A_303, %dma_start3A_304] : memref<2x2x256xi32, #tpu.memory_space<vmem>> -> memref<1x2x256xi32, #tpu.memory_space<vmem>>
        %dma_start3A_306 = tpu.memref_squeeze %dma_start3A_305 : memref<1x2x256xi32, #tpu.memory_space<vmem>> -> memref<2x256xi32, #tpu.memory_space<vmem>>
        %dma_start3A_307 = arith.constant 0 : i32
        %dma_start3A_308 = tpu.memref_slice %arg3[%multiple_of3A_284, %dma_start3A_307] : memref<1280x256xi32, #tpu.memory_space<hbm>> -> memref<2x256xi32, #tpu.memory_space<hbm>>
        tpu.enqueue_dma source(%dma_start3A_308 : memref<2x256xi32, #tpu.memory_space<hbm>>) target(%dma_start3A_306 : memref<2x256xi32, #tpu.memory_space<vmem>>) target_semaphore(%arg18 : memref<!tpu.dma_semaphore, #tpu.memory_space<semaphore_mem>>)
      } else {
      }
      %dma_start3A_104 = arith.constant 1 : i32
      %dma_start3A_105 = arith.constant 1 : i32
      %dma_start3A_106 = arith.constant 0 : i32
      %dma_start3A_107 = arith.constant 0 : i32
      %dma_start3A_108 = tpu.memref_slice %arg10[%dma_start3A_105, %dma_start3A_106, %dma_start3A_107] : memref<2x256x64xf32, #tpu.memory_space<vmem>> -> memref<1x256x64xf32, #tpu.memory_space<vmem>>
      %dma_start3A_109 = tpu.memref_squeeze %dma_start3A_108 : memref<1x256x64xf32, #tpu.memory_space<vmem>> -> memref<256x64xf32, #tpu.memory_space<vmem>>
      %dma_start3A_110 = arith.constant 0 : i32
      %dma_start3A_111 = tpu.memref_slice %arg8[%rem3A_96, %dma_start3A_104, %dma_start3A_110] : memref<2x2x256xi32, #tpu.memory_space<vmem>> -> memref<1x1x256xi32, #tpu.memory_space<vmem>>
      %dma_start3A_112 = tpu.memref_squeeze %dma_start3A_111 : memref<1x1x256xi32, #tpu.memory_space<vmem>> -> memref<256xi32, #tpu.memory_space<vmem>>
      %dma_start3A_113 = arith.constant 0 : i32
      %dma_start3A_114 = arith.constant 0 : i32
      %dma_start3A_115 = tpu.memref_slice %arg4[%arg0, %dma_start3A_113, %dma_start3A_114] : memref<2x10240x64xf32, #tpu.memory_space<hbm>> -> memref<1x10240x64xf32, #tpu.memory_space<hbm>>
      %dma_start3A_116 = tpu.memref_squeeze %dma_start3A_115 : memref<1x10240x64xf32, #tpu.memory_space<hbm>> -> memref<10240x64xf32, #tpu.memory_space<hbm>>
      %dma_start3A_117 = arith.constant 0 : i32
      %dma_start3A_118 = arith.constant 0 : i32
      %dma_start3A_119 = tpu.memref_slice %dma_start3A_116[%dma_start3A_117, %dma_start3A_118] : memref<10240x64xf32, #tpu.memory_space<hbm>> -> memref<10240x64xf32, #tpu.memory_space<hbm>>
      tpu.enqueue_indirect_dma source(%dma_start3A_119 : memref<10240x64xf32, #tpu.memory_space<hbm>>) target(%dma_start3A_109 : memref<256x64xf32, #tpu.memory_space<vmem>>) offsets(%dma_start3A_112 : memref<256xi32, #tpu.memory_space<vmem>>) semaphore(%arg15 : memref<!tpu.dma_semaphore, #tpu.memory_space<semaphore_mem>>)
      %dma_start3A_120 = arith.constant 1 : i32
      %dma_start3A_121 = arith.constant 1 : i32
      %dma_start3A_122 = arith.constant 0 : i32
      %dma_start3A_123 = arith.constant 0 : i32
      %dma_start3A_124 = tpu.memref_slice %arg11[%dma_start3A_121, %dma_start3A_122, %dma_start3A_123] : memref<2x256x64xf32, #tpu.memory_space<vmem>> -> memref<1x256x64xf32, #tpu.memory_space<vmem>>
      %dma_start3A_125 = tpu.memref_squeeze %dma_start3A_124 : memref<1x256x64xf32, #tpu.memory_space<vmem>> -> memref<256x64xf32, #tpu.memory_space<vmem>>
      %dma_start3A_126 = arith.constant 0 : i32
      %dma_start3A_127 = tpu.memref_slice %arg9[%rem3A_96, %dma_start3A_120, %dma_start3A_126] : memref<2x2x256xi32, #tpu.memory_space<vmem>> -> memref<1x1x256xi32, #tpu.memory_space<vmem>>
      %dma_start3A_128 = tpu.memref_squeeze %dma_start3A_127 : memref<1x1x256xi32, #tpu.memory_space<vmem>> -> memref<256xi32, #tpu.memory_space<vmem>>
      %dma_start3A_129 = arith.constant 0 : i32
      %dma_start3A_130 = arith.constant 0 : i32
      %dma_start3A_131 = tpu.memref_slice %arg5[%arg0, %dma_start3A_129, %dma_start3A_130] : memref<2x5120x64xf32, #tpu.memory_space<hbm>> -> memref<1x5120x64xf32, #tpu.memory_space<hbm>>
      %dma_start3A_132 = tpu.memref_squeeze %dma_start3A_131 : memref<1x5120x64xf32, #tpu.memory_space<hbm>> -> memref<5120x64xf32, #tpu.memory_space<hbm>>
      %dma_start3A_133 = arith.constant 0 : i32
      %dma_start3A_134 = arith.constant 0 : i32
      %dma_start3A_135 = tpu.memref_slice %dma_start3A_132[%dma_start3A_133, %dma_start3A_134] : memref<5120x64xf32, #tpu.memory_space<hbm>> -> memref<5120x64xf32, #tpu.memory_space<hbm>>
      tpu.enqueue_indirect_dma source(%dma_start3A_135 : memref<5120x64xf32, #tpu.memory_space<hbm>>) target(%dma_start3A_125 : memref<256x64xf32, #tpu.memory_space<vmem>>) offsets(%dma_start3A_128 : memref<256xi32, #tpu.memory_space<vmem>>) semaphore(%arg15 : memref<!tpu.dma_semaphore, #tpu.memory_space<semaphore_mem>>)
      %dma_wait3A_136 = arith.constant 0 : i32
      %dma_wait3A_137 = arith.constant 0 : i32
      %dma_wait3A_138 = arith.constant 0 : i32
      %dma_wait3A_139 = arith.constant 0 : i32
      %dma_wait3A_140 = tpu.memref_slice %arg10[%dma_wait3A_137, %dma_wait3A_138, %dma_wait3A_139] : memref<2x256x64xf32, #tpu.memory_space<vmem>> -> memref<1x256x64xf32, #tpu.memory_space<vmem>>
      %dma_wait3A_141 = tpu.memref_squeeze %dma_wait3A_140 : memref<1x256x64xf32, #tpu.memory_space<vmem>> -> memref<256x64xf32, #tpu.memory_space<vmem>>
      %dma_wait3A_142 = arith.constant 0 : i32
      %dma_wait3A_143 = tpu.memref_slice %arg8[%rem3A_96, %dma_wait3A_136, %dma_wait3A_142] : memref<2x2x256xi32, #tpu.memory_space<vmem>> -> memref<1x1x256xi32, #tpu.memory_space<vmem>>
      %dma_wait3A_144 = tpu.memref_squeeze %dma_wait3A_143 : memref<1x1x256xi32, #tpu.memory_space<vmem>> -> memref<256xi32, #tpu.memory_space<vmem>>
      %dma_wait3A_145 = arith.constant 0 : i32
      %dma_wait3A_146 = arith.constant 0 : i32
      %dma_wait3A_147 = tpu.memref_slice %arg4[%arg0, %dma_wait3A_145, %dma_wait3A_146] : memref<2x10240x64xf32, #tpu.memory_space<hbm>> -> memref<1x10240x64xf32, #tpu.memory_space<hbm>>
      %dma_wait3A_148 = tpu.memref_squeeze %dma_wait3A_147 : memref<1x10240x64xf32, #tpu.memory_space<hbm>> -> memref<10240x64xf32, #tpu.memory_space<hbm>>
      %dma_wait3A_149 = arith.constant 0 : i32
      %dma_wait3A_150 = arith.constant 0 : i32
      %dma_wait3A_151 = tpu.memref_slice %dma_wait3A_148[%dma_wait3A_149, %dma_wait3A_150] : memref<10240x64xf32, #tpu.memory_space<hbm>> -> memref<10240x64xf32, #tpu.memory_space<hbm>>
      tpu.wait_indirect_dma semaphore(%arg14 : memref<!tpu.dma_semaphore, #tpu.memory_space<semaphore_mem>>) src(%dma_wait3A_151 : memref<10240x64xf32, #tpu.memory_space<hbm>>) dst(%dma_wait3A_141 : memref<256x64xf32, #tpu.memory_space<vmem>>)
      %dma_wait3A_152 = arith.constant 0 : i32
      %dma_wait3A_153 = arith.constant 0 : i32
      %dma_wait3A_154 = arith.constant 0 : i32
      %dma_wait3A_155 = arith.constant 0 : i32
      %dma_wait3A_156 = tpu.memref_slice %arg11[%dma_wait3A_153, %dma_wait3A_154, %dma_wait3A_155] : memref<2x256x64xf32, #tpu.memory_space<vmem>> -> memref<1x256x64xf32, #tpu.memory_space<vmem>>
      %dma_wait3A_157 = tpu.memref_squeeze %dma_wait3A_156 : memref<1x256x64xf32, #tpu.memory_space<vmem>> -> memref<256x64xf32, #tpu.memory_space<vmem>>
      %dma_wait3A_158 = arith.constant 0 : i32
      %dma_wait3A_159 = tpu.memref_slice %arg9[%rem3A_96, %dma_wait3A_152, %dma_wait3A_158] : memref<2x2x256xi32, #tpu.memory_space<vmem>> -> memref<1x1x256xi32, #tpu.memory_space<vmem>>
      %dma_wait3A_160 = tpu.memref_squeeze %dma_wait3A_159 : memref<1x1x256xi32, #tpu.memory_space<vmem>> -> memref<256xi32, #tpu.memory_space<vmem>>
      %dma_wait3A_161 = arith.constant 0 : i32
      %dma_wait3A_162 = arith.constant 0 : i32
      %dma_wait3A_163 = tpu.memref_slice %arg5[%arg0, %dma_wait3A_161, %dma_wait3A_162] : memref<2x5120x64xf32, #tpu.memory_space<hbm>> -> memref<1x5120x64xf32, #tpu.memory_space<hbm>>
      %dma_wait3A_164 = tpu.memref_squeeze %dma_wait3A_163 : memref<1x5120x64xf32, #tpu.memory_space<hbm>> -> memref<5120x64xf32, #tpu.memory_space<hbm>>
      %dma_wait3A_165 = arith.constant 0 : i32
      %dma_wait3A_166 = arith.constant 0 : i32
      %dma_wait3A_167 = tpu.memref_slice %dma_wait3A_164[%dma_wait3A_165, %dma_wait3A_166] : memref<5120x64xf32, #tpu.memory_space<hbm>> -> memref<5120x64xf32, #tpu.memory_space<hbm>>
      tpu.wait_indirect_dma semaphore(%arg14 : memref<!tpu.dma_semaphore, #tpu.memory_space<semaphore_mem>>) src(%dma_wait3A_167 : memref<5120x64xf32, #tpu.memory_space<hbm>>) dst(%dma_wait3A_157 : memref<256x64xf32, #tpu.memory_space<vmem>>)
      %dma_start3A_168 = arith.constant 0 : i32
      %dma_start3A_169 = arith.constant 0 : i32
      %dma_start3A_170 = arith.constant 0 : i32
      %dma_start3A_171 = arith.constant 0 : i32
      %dma_start3A_172 = tpu.memref_slice %arg10[%dma_start3A_168, %dma_start3A_170, %dma_start3A_171] : memref<2x256x64xf32, #tpu.memory_space<vmem>> -> memref<1x256x64xf32, #tpu.memory_space<vmem>>
      %dma_start3A_173 = tpu.memref_squeeze %dma_start3A_172 : memref<1x256x64xf32, #tpu.memory_space<vmem>> -> memref<256x64xf32, #tpu.memory_space<vmem>>
      %dma_start3A_174 = arith.constant 0 : i32
      %dma_start3A_175 = tpu.memref_slice %arg9[%rem3A_96, %dma_start3A_169, %dma_start3A_174] : memref<2x2x256xi32, #tpu.memory_space<vmem>> -> memref<1x1x256xi32, #tpu.memory_space<vmem>>
      %dma_start3A_176 = tpu.memref_squeeze %dma_start3A_175 : memref<1x1x256xi32, #tpu.memory_space<vmem>> -> memref<256xi32, #tpu.memory_space<vmem>>
      %dma_start3A_177 = arith.constant 0 : i32
      %dma_start3A_178 = arith.constant 0 : i32
      %dma_start3A_179 = tpu.memref_slice %arg12[%dma_start3A_177, %dma_start3A_178] : memref<5120x64xf32, #tpu.memory_space<vmem_shared>> -> memref<5120x64xf32, #tpu.memory_space<vmem_shared>>
      tpu.enqueue_indirect_dma source(%dma_start3A_173 : memref<256x64xf32, #tpu.memory_space<vmem>>) target(%dma_start3A_179 : memref<5120x64xf32, #tpu.memory_space<vmem_shared>>) offsets(%dma_start3A_176 : memref<256xi32, #tpu.memory_space<vmem>>) semaphore(%arg16 : memref<!tpu.dma_semaphore, #tpu.memory_space<semaphore_mem>>) {add = true}
      %dma_start3A_180 = arith.constant 0 : i32
      %dma_start3A_181 = arith.constant 0 : i32
      %dma_start3A_182 = arith.constant 0 : i32
      %dma_start3A_183 = arith.constant 0 : i32
      %dma_start3A_184 = tpu.memref_slice %arg11[%dma_start3A_180, %dma_start3A_182, %dma_start3A_183] : memref<2x256x64xf32, #tpu.memory_space<vmem>> -> memref<1x256x64xf32, #tpu.memory_space<vmem>>
      %dma_start3A_185 = tpu.memref_squeeze %dma_start3A_184 : memref<1x256x64xf32, #tpu.memory_space<vmem>> -> memref<256x64xf32, #tpu.memory_space<vmem>>
      %dma_start3A_186 = arith.constant 0 : i32
      %dma_start3A_187 = tpu.memref_slice %arg8[%rem3A_96, %dma_start3A_181, %dma_start3A_186] : memref<2x2x256xi32, #tpu.memory_space<vmem>> -> memref<1x1x256xi32, #tpu.memory_space<vmem>>
      %dma_start3A_188 = tpu.memref_squeeze %dma_start3A_187 : memref<1x1x256xi32, #tpu.memory_space<vmem>> -> memref<256xi32, #tpu.memory_space<vmem>>
      %dma_start3A_189 = arith.constant 0 : i32
      %dma_start3A_190 = arith.constant 0 : i32
      %dma_start3A_191 = tpu.memref_slice %arg13[%dma_start3A_189, %dma_start3A_190] : memref<10240x64xf32, #tpu.memory_space<vmem_shared>> -> memref<10240x64xf32, #tpu.memory_space<vmem_shared>>
      tpu.enqueue_indirect_dma source(%dma_start3A_185 : memref<256x64xf32, #tpu.memory_space<vmem>>) target(%dma_start3A_191 : memref<10240x64xf32, #tpu.memory_space<vmem_shared>>) offsets(%dma_start3A_188 : memref<256xi32, #tpu.memory_space<vmem>>) semaphore(%arg16 : memref<!tpu.dma_semaphore, #tpu.memory_space<semaphore_mem>>) {add = true}
      %dma_wait3A_192 = arith.constant 0 : i32
      %dma_wait3A_193 = arith.constant 0 : i32
      %dma_wait3A_194 = arith.constant 0 : i32
      %dma_wait3A_195 = arith.constant 0 : i32
      %dma_wait3A_196 = tpu.memref_slice %arg10[%dma_wait3A_192, %dma_wait3A_194, %dma_wait3A_195] : memref<2x256x64xf32, #tpu.memory_space<vmem>> -> memref<1x256x64xf32, #tpu.memory_space<vmem>>
      %dma_wait3A_197 = tpu.memref_squeeze %dma_wait3A_196 : memref<1x256x64xf32, #tpu.memory_space<vmem>> -> memref<256x64xf32, #tpu.memory_space<vmem>>
      %dma_wait3A_198 = arith.constant 0 : i32
      %dma_wait3A_199 = tpu.memref_slice %arg9[%rem3A_96, %dma_wait3A_193, %dma_wait3A_198] : memref<2x2x256xi32, #tpu.memory_space<vmem>> -> memref<1x1x256xi32, #tpu.memory_space<vmem>>
      %dma_wait3A_200 = tpu.memref_squeeze %dma_wait3A_199 : memref<1x1x256xi32, #tpu.memory_space<vmem>> -> memref<256xi32, #tpu.memory_space<vmem>>
      %dma_wait3A_201 = arith.constant 0 : i32
      %dma_wait3A_202 = arith.constant 0 : i32
      %dma_wait3A_203 = tpu.memref_slice %arg12[%dma_wait3A_201, %dma_wait3A_202] : memref<5120x64xf32, #tpu.memory_space<vmem_shared>> -> memref<5120x64xf32, #tpu.memory_space<vmem_shared>>
      tpu.wait_indirect_dma semaphore(%arg16 : memref<!tpu.dma_semaphore, #tpu.memory_space<semaphore_mem>>) src(%dma_wait3A_197 : memref<256x64xf32, #tpu.memory_space<vmem>>) dst(%dma_wait3A_203 : memref<5120x64xf32, #tpu.memory_space<vmem_shared>>)
      %dma_wait3A_204 = arith.constant 0 : i32
      %dma_wait3A_205 = arith.constant 0 : i32
      %dma_wait3A_206 = arith.constant 0 : i32
      %dma_wait3A_207 = arith.constant 0 : i32
      %dma_wait3A_208 = tpu.memref_slice %arg11[%dma_wait3A_204, %dma_wait3A_206, %dma_wait3A_207] : memref<2x256x64xf32, #tpu.memory_space<vmem>> -> memref<1x256x64xf32, #tpu.memory_space<vmem>>
      %dma_wait3A_209 = tpu.memref_squeeze %dma_wait3A_208 : memref<1x256x64xf32, #tpu.memory_space<vmem>> -> memref<256x64xf32, #tpu.memory_space<vmem>>
      %dma_wait3A_210 = arith.constant 0 : i32
      %dma_wait3A_211 = tpu.memref_slice %arg8[%rem3A_96, %dma_wait3A_205, %dma_wait3A_210] : memref<2x2x256xi32, #tpu.memory_space<vmem>> -> memref<1x1x256xi32, #tpu.memory_space<vmem>>
      %dma_wait3A_212 = tpu.memref_squeeze %dma_wait3A_211 : memref<1x1x256xi32, #tpu.memory_space<vmem>> -> memref<256xi32, #tpu.memory_space<vmem>>
      %dma_wait3A_213 = arith.constant 0 : i32
      %dma_wait3A_214 = arith.constant 0 : i32
      %dma_wait3A_215 = tpu.memref_slice %arg13[%dma_wait3A_213, %dma_wait3A_214] : memref<10240x64xf32, #tpu.memory_space<vmem_shared>> -> memref<10240x64xf32, #tpu.memory_space<vmem_shared>>
      tpu.wait_indirect_dma semaphore(%arg16 : memref<!tpu.dma_semaphore, #tpu.memory_space<semaphore_mem>>) src(%dma_wait3A_209 : memref<256x64xf32, #tpu.memory_space<vmem>>) dst(%dma_wait3A_215 : memref<10240x64xf32, #tpu.memory_space<vmem_shared>>)
      %lt3A_216 = arith.constant 39 : i32
      %lt3A_217 = arith.cmpi slt, %scan3A_94, %lt3A_216 : i32
      %convert_element_type3A_218 = arith.extui %lt3A_217 : i1 to i32
      %cond3A_219 = arith.constant 0 : i32
      %cond3A_220 = arith.cmpi ne, %convert_element_type3A_218, %cond3A_219 : i32
      scf.if %cond3A_220 {
        %add3A_277 = arith.constant 1 : i32
        %add3A_278 = arith.addi %scan3A_94, %add3A_277 : i32
        %mul3A_279 = arith.constant 80 : i32
        %mul3A_280 = arith.muli %arg1, %mul3A_279 : i32
        %mul3A_281 = arith.constant 2 : i32
        %mul3A_282 = arith.muli %add3A_278, %mul3A_281 : i32
        %add3A_283 = arith.addi %mul3A_280, %mul3A_282 : i32
        %multiple_of3A_284 = tpu.assume_multiple %add3A_283, 8 : i32
        %dma_wait3A_285 = arith.constant 0 : i32
        %dma_wait3A_286 = arith.constant 0 : i32
        %dma_wait3A_287 = tpu.memref_slice %arg8[%sub3A_97, %dma_wait3A_285, %dma_wait3A_286] : memref<2x2x256xi32, #tpu.memory_space<vmem>> -> memref<1x2x256xi32, #tpu.memory_space<vmem>>
        %dma_wait3A_288 = tpu.memref_squeeze %dma_wait3A_287 : memref<1x2x256xi32, #tpu.memory_space<vmem>> -> memref<2x256xi32, #tpu.memory_space<vmem>>
        %dma_wait3A_289 = arith.constant 0 : i32
        %dma_wait3A_290 = tpu.memref_slice %arg2[%multiple_of3A_284, %dma_wait3A_289] : memref<1280x256xi32, #tpu.memory_space<hbm>> -> memref<2x256xi32, #tpu.memory_space<hbm>>
        %dma_wait3A_291 = arith.constant 0 : i32
        %dma_wait3A_292 = arith.constant 0 : i32
        %dma_wait3A_293 = tpu.memref_slice %arg8[%sub3A_97, %dma_wait3A_291, %dma_wait3A_292] : memref<2x2x256xi32, #tpu.memory_space<vmem>> -> memref<1x2x256xi32, #tpu.memory_space<vmem>>
        %dma_wait3A_294 = tpu.memref_squeeze %dma_wait3A_293 : memref<1x2x256xi32, #tpu.memory_space<vmem>> -> memref<2x256xi32, #tpu.memory_space<vmem>>
        %dma_wait3A_295 = arith.constant 0 : i32
        %dma_wait3A_296 = tpu.memref_slice %arg2[%multiple_of3A_284, %dma_wait3A_295] : memref<1280x256xi32, #tpu.memory_space<hbm>> -> memref<2x256xi32, #tpu.memory_space<hbm>>
        tpu.wait_dma2 semaphore(%arg18 : memref<!tpu.dma_semaphore, #tpu.memory_space<semaphore_mem>>) src(%dma_wait3A_296 : memref<2x256xi32, #tpu.memory_space<hbm>>) dst(%dma_wait3A_294 : memref<2x256xi32, #tpu.memory_space<vmem>>)
        %dma_wait3A_297 = arith.constant 0 : i32
        %dma_wait3A_298 = arith.constant 0 : i32
        %dma_wait3A_299 = tpu.memref_slice %arg9[%sub3A_97, %dma_wait3A_297, %dma_wait3A_298] : memref<2x2x256xi32, #tpu.memory_space<vmem>> -> memref<1x2x256xi32, #tpu.memory_space<vmem>>
        %dma_wait3A_300 = tpu.memref_squeeze %dma_wait3A_299 : memref<1x2x256xi32, #tpu.memory_space<vmem>> -> memref<2x256xi32, #tpu.memory_space<vmem>>
        %dma_wait3A_301 = arith.constant 0 : i32
        %dma_wait3A_302 = tpu.memref_slice %arg3[%multiple_of3A_284, %dma_wait3A_301] : memref<1280x256xi32, #tpu.memory_space<hbm>> -> memref<2x256xi32, #tpu.memory_space<hbm>>
        %dma_wait3A_303 = arith.constant 0 : i32
        %dma_wait3A_304 = arith.constant 0 : i32
        %dma_wait3A_305 = tpu.memref_slice %arg9[%sub3A_97, %dma_wait3A_303, %dma_wait3A_304] : memref<2x2x256xi32, #tpu.memory_space<vmem>> -> memref<1x2x256xi32, #tpu.memory_space<vmem>>
        %dma_wait3A_306 = tpu.memref_squeeze %dma_wait3A_305 : memref<1x2x256xi32, #tpu.memory_space<vmem>> -> memref<2x256xi32, #tpu.memory_space<vmem>>
        %dma_wait3A_307 = arith.constant 0 : i32
        %dma_wait3A_308 = tpu.memref_slice %arg3[%multiple_of3A_284, %dma_wait3A_307] : memref<1280x256xi32, #tpu.memory_space<hbm>> -> memref<2x256xi32, #tpu.memory_space<hbm>>
        tpu.wait_dma2 semaphore(%arg18 : memref<!tpu.dma_semaphore, #tpu.memory_space<semaphore_mem>>) src(%dma_wait3A_308 : memref<2x256xi32, #tpu.memory_space<hbm>>) dst(%dma_wait3A_306 : memref<2x256xi32, #tpu.memory_space<vmem>>)
        %dma_start3A_309 = arith.constant 0 : i32
        %dma_start3A_310 = arith.constant 0 : i32
        %dma_start3A_311 = arith.constant 0 : i32
        %dma_start3A_312 = arith.constant 0 : i32
        %dma_start3A_313 = tpu.memref_slice %arg10[%dma_start3A_310, %dma_start3A_311, %dma_start3A_312] : memref<2x256x64xf32, #tpu.memory_space<vmem>> -> memref<1x256x64xf32, #tpu.memory_space<vmem>>
        %dma_start3A_314 = tpu.memref_squeeze %dma_start3A_313 : memref<1x256x64xf32, #tpu.memory_space<vmem>> -> memref<256x64xf32, #tpu.memory_space<vmem>>
        %dma_start3A_315 = arith.constant 0 : i32
        %dma_start3A_316 = tpu.memref_slice %arg8[%sub3A_97, %dma_start3A_309, %dma_start3A_315] : memref<2x2x256xi32, #tpu.memory_space<vmem>> -> memref<1x1x256xi32, #tpu.memory_space<vmem>>
        %dma_start3A_317 = tpu.memref_squeeze %dma_start3A_316 : memref<1x1x256xi32, #tpu.memory_space<vmem>> -> memref<256xi32, #tpu.memory_space<vmem>>
        %dma_start3A_318 = arith.constant 0 : i32
        %dma_start3A_319 = arith.constant 0 : i32
        %dma_start3A_320 = tpu.memref_slice %arg4[%arg0, %dma_start3A_318, %dma_start3A_319] : memref<2x10240x64xf32, #tpu.memory_space<hbm>> -> memref<1x10240x64xf32, #tpu.memory_space<hbm>>
        %dma_start3A_321 = tpu.memref_squeeze %dma_start3A_320 : memref<1x10240x64xf32, #tpu.memory_space<hbm>> -> memref<10240x64xf32, #tpu.memory_space<hbm>>
        %dma_start3A_322 = arith.constant 0 : i32
        %dma_start3A_323 = arith.constant 0 : i32
        %dma_start3A_324 = tpu.memref_slice %dma_start3A_321[%dma_start3A_322, %dma_start3A_323] : memref<10240x64xf32, #tpu.memory_space<hbm>> -> memref<10240x64xf32, #tpu.memory_space<hbm>>
        tpu.enqueue_indirect_dma source(%dma_start3A_324 : memref<10240x64xf32, #tpu.memory_space<hbm>>) target(%dma_start3A_314 : memref<256x64xf32, #tpu.memory_space<vmem>>) offsets(%dma_start3A_317 : memref<256xi32, #tpu.memory_space<vmem>>) semaphore(%arg14 : memref<!tpu.dma_semaphore, #tpu.memory_space<semaphore_mem>>)
        %dma_start3A_325 = arith.constant 0 : i32
        %dma_start3A_326 = arith.constant 0 : i32
        %dma_start3A_327 = arith.constant 0 : i32
        %dma_start3A_328 = arith.constant 0 : i32
        %dma_start3A_329 = tpu.memref_slice %arg11[%dma_start3A_326, %dma_start3A_327, %dma_start3A_328] : memref<2x256x64xf32, #tpu.memory_space<vmem>> -> memref<1x256x64xf32, #tpu.memory_space<vmem>>
        %dma_start3A_330 = tpu.memref_squeeze %dma_start3A_329 : memref<1x256x64xf32, #tpu.memory_space<vmem>> -> memref<256x64xf32, #tpu.memory_space<vmem>>
        %dma_start3A_331 = arith.constant 0 : i32
        %dma_start3A_332 = tpu.memref_slice %arg9[%sub3A_97, %dma_start3A_325, %dma_start3A_331] : memref<2x2x256xi32, #tpu.memory_space<vmem>> -> memref<1x1x256xi32, #tpu.memory_space<vmem>>
        %dma_start3A_333 = tpu.memref_squeeze %dma_start3A_332 : memref<1x1x256xi32, #tpu.memory_space<vmem>> -> memref<256xi32, #tpu.memory_space<vmem>>
        %dma_start3A_334 = arith.constant 0 : i32
        %dma_start3A_335 = arith.constant 0 : i32
        %dma_start3A_336 = tpu.memref_slice %arg5[%arg0, %dma_start3A_334, %dma_start3A_335] : memref<2x5120x64xf32, #tpu.memory_space<hbm>> -> memref<1x5120x64xf32, #tpu.memory_space<hbm>>
        %dma_start3A_337 = tpu.memref_squeeze %dma_start3A_336 : memref<1x5120x64xf32, #tpu.memory_space<hbm>> -> memref<5120x64xf32, #tpu.memory_space<hbm>>
        %dma_start3A_338 = arith.constant 0 : i32
        %dma_start3A_339 = arith.constant 0 : i32
        %dma_start3A_340 = tpu.memref_slice %dma_start3A_337[%dma_start3A_338, %dma_start3A_339] : memref<5120x64xf32, #tpu.memory_space<hbm>> -> memref<5120x64xf32, #tpu.memory_space<hbm>>
        tpu.enqueue_indirect_dma source(%dma_start3A_340 : memref<5120x64xf32, #tpu.memory_space<hbm>>) target(%dma_start3A_330 : memref<256x64xf32, #tpu.memory_space<vmem>>) offsets(%dma_start3A_333 : memref<256xi32, #tpu.memory_space<vmem>>) semaphore(%arg14 : memref<!tpu.dma_semaphore, #tpu.memory_space<semaphore_mem>>)
      } else {
      }
      %dma_wait3A_221 = arith.constant 1 : i32
      %dma_wait3A_222 = arith.constant 1 : i32
      %dma_wait3A_223 = arith.constant 0 : i32
      %dma_wait3A_224 = arith.constant 0 : i32
      %dma_wait3A_225 = tpu.memref_slice %arg10[%dma_wait3A_222, %dma_wait3A_223, %dma_wait3A_224] : memref<2x256x64xf32, #tpu.memory_space<vmem>> -> memref<1x256x64xf32, #tpu.memory_space<vmem>>
      %dma_wait3A_226 = tpu.memref_squeeze %dma_wait3A_225 : memref<1x256x64xf32, #tpu.memory_space<vmem>> -> memref<256x64xf32, #tpu.memory_space<vmem>>
      %dma_wait3A_227 = arith.constant 0 : i32
      %dma_wait3A_228 = tpu.memref_slice %arg8[%rem3A_96, %dma_wait3A_221, %dma_wait3A_227] : memref<2x2x256xi32, #tpu.memory_space<vmem>> -> memref<1x1x256xi32, #tpu.memory_space<vmem>>
      %dma_wait3A_229 = tpu.memref_squeeze %dma_wait3A_228 : memref<1x1x256xi32, #tpu.memory_space<vmem>> -> memref<256xi32, #tpu.memory_space<vmem>>
      %dma_wait3A_230 = arith.constant 0 : i32
      %dma_wait3A_231 = arith.constant 0 : i32
      %dma_wait3A_232 = tpu.memref_slice %arg4[%arg0, %dma_wait3A_230, %dma_wait3A_231] : memref<2x10240x64xf32, #tpu.memory_space<hbm>> -> memref<1x10240x64xf32, #tpu.memory_space<hbm>>
      %dma_wait3A_233 = tpu.memref_squeeze %dma_wait3A_232 : memref<1x10240x64xf32, #tpu.memory_space<hbm>> -> memref<10240x64xf32, #tpu.memory_space<hbm>>
      %dma_wait3A_234 = arith.constant 0 : i32
      %dma_wait3A_235 = arith.constant 0 : i32
      %dma_wait3A_236 = tpu.memref_slice %dma_wait3A_233[%dma_wait3A_234, %dma_wait3A_235] : memref<10240x64xf32, #tpu.memory_space<hbm>> -> memref<10240x64xf32, #tpu.memory_space<hbm>>
      tpu.wait_indirect_dma semaphore(%arg15 : memref<!tpu.dma_semaphore, #tpu.memory_space<semaphore_mem>>) src(%dma_wait3A_236 : memref<10240x64xf32, #tpu.memory_space<hbm>>) dst(%dma_wait3A_226 : memref<256x64xf32, #tpu.memory_space<vmem>>)
      %dma_wait3A_237 = arith.constant 1 : i32
      %dma_wait3A_238 = arith.constant 1 : i32
      %dma_wait3A_239 = arith.constant 0 : i32
      %dma_wait3A_240 = arith.constant 0 : i32
      %dma_wait3A_241 = tpu.memref_slice %arg11[%dma_wait3A_238, %dma_wait3A_239, %dma_wait3A_240] : memref<2x256x64xf32, #tpu.memory_space<vmem>> -> memref<1x256x64xf32, #tpu.memory_space<vmem>>
      %dma_wait3A_242 = tpu.memref_squeeze %dma_wait3A_241 : memref<1x256x64xf32, #tpu.memory_space<vmem>> -> memref<256x64xf32, #tpu.memory_space<vmem>>
      %dma_wait3A_243 = arith.constant 0 : i32
      %dma_wait3A_244 = tpu.memref_slice %arg9[%rem3A_96, %dma_wait3A_237, %dma_wait3A_243] : memref<2x2x256xi32, #tpu.memory_space<vmem>> -> memref<1x1x256xi32, #tpu.memory_space<vmem>>
      %dma_wait3A_245 = tpu.memref_squeeze %dma_wait3A_244 : memref<1x1x256xi32, #tpu.memory_space<vmem>> -> memref<256xi32, #tpu.memory_space<vmem>>
      %dma_wait3A_246 = arith.constant 0 : i32
      %dma_wait3A_247 = arith.constant 0 : i32
      %dma_wait3A_248 = tpu.memref_slice %arg5[%arg0, %dma_wait3A_246, %dma_wait3A_247] : memref<2x5120x64xf32, #tpu.memory_space<hbm>> -> memref<1x5120x64xf32, #tpu.memory_space<hbm>>
      %dma_wait3A_249 = tpu.memref_squeeze %dma_wait3A_248 : memref<1x5120x64xf32, #tpu.memory_space<hbm>> -> memref<5120x64xf32, #tpu.memory_space<hbm>>
      %dma_wait3A_250 = arith.constant 0 : i32
      %dma_wait3A_251 = arith.constant 0 : i32
      %dma_wait3A_252 = tpu.memref_slice %dma_wait3A_249[%dma_wait3A_250, %dma_wait3A_251] : memref<5120x64xf32, #tpu.memory_space<hbm>> -> memref<5120x64xf32, #tpu.memory_space<hbm>>
      tpu.wait_indirect_dma semaphore(%arg15 : memref<!tpu.dma_semaphore, #tpu.memory_space<semaphore_mem>>) src(%dma_wait3A_252 : memref<5120x64xf32, #tpu.memory_space<hbm>>) dst(%dma_wait3A_242 : memref<256x64xf32, #tpu.memory_space<vmem>>)
      %dma_start3A_253 = arith.constant 1 : i32
      %dma_start3A_254 = arith.constant 1 : i32
      %dma_start3A_255 = arith.constant 0 : i32
      %dma_start3A_256 = arith.constant 0 : i32
      %dma_start3A_257 = tpu.memref_slice %arg10[%dma_start3A_253, %dma_start3A_255, %dma_start3A_256] : memref<2x256x64xf32, #tpu.memory_space<vmem>> -> memref<1x256x64xf32, #tpu.memory_space<vmem>>
      %dma_start3A_258 = tpu.memref_squeeze %dma_start3A_257 : memref<1x256x64xf32, #tpu.memory_space<vmem>> -> memref<256x64xf32, #tpu.memory_space<vmem>>
      %dma_start3A_259 = arith.constant 0 : i32
      %dma_start3A_260 = tpu.memref_slice %arg9[%rem3A_96, %dma_start3A_254, %dma_start3A_259] : memref<2x2x256xi32, #tpu.memory_space<vmem>> -> memref<1x1x256xi32, #tpu.memory_space<vmem>>
      %dma_start3A_261 = tpu.memref_squeeze %dma_start3A_260 : memref<1x1x256xi32, #tpu.memory_space<vmem>> -> memref<256xi32, #tpu.memory_space<vmem>>
      %dma_start3A_262 = arith.constant 0 : i32
      %dma_start3A_263 = arith.constant 0 : i32
      %dma_start3A_264 = tpu.memref_slice %arg12[%dma_start3A_262, %dma_start3A_263] : memref<5120x64xf32, #tpu.memory_space<vmem_shared>> -> memref<5120x64xf32, #tpu.memory_space<vmem_shared>>
      tpu.enqueue_indirect_dma source(%dma_start3A_258 : memref<256x64xf32, #tpu.memory_space<vmem>>) target(%dma_start3A_264 : memref<5120x64xf32, #tpu.memory_space<vmem_shared>>) offsets(%dma_start3A_261 : memref<256xi32, #tpu.memory_space<vmem>>) semaphore(%arg17 : memref<!tpu.dma_semaphore, #tpu.memory_space<semaphore_mem>>) {add = true}
      %dma_start3A_265 = arith.constant 1 : i32
      %dma_start3A_266 = arith.constant 1 : i32
      %dma_start3A_267 = arith.constant 0 : i32
      %dma_start3A_268 = arith.constant 0 : i32
      %dma_start3A_269 = tpu.memref_slice %arg11[%dma_start3A_265, %dma_start3A_267, %dma_start3A_268] : memref<2x256x64xf32, #tpu.memory_space<vmem>> -> memref<1x256x64xf32, #tpu.memory_space<vmem>>
      %dma_start3A_270 = tpu.memref_squeeze %dma_start3A_269 : memref<1x256x64xf32, #tpu.memory_space<vmem>> -> memref<256x64xf32, #tpu.memory_space<vmem>>
      %dma_start3A_271 = arith.constant 0 : i32
      %dma_start3A_272 = tpu.memref_slice %arg8[%rem3A_96, %dma_start3A_266, %dma_start3A_271] : memref<2x2x256xi32, #tpu.memory_space<vmem>> -> memref<1x1x256xi32, #tpu.memory_space<vmem>>
      %dma_start3A_273 = tpu.memref_squeeze %dma_start3A_272 : memref<1x1x256xi32, #tpu.memory_space<vmem>> -> memref<256xi32, #tpu.memory_space<vmem>>
      %dma_start3A_274 = arith.constant 0 : i32
      %dma_start3A_275 = arith.constant 0 : i32
      %dma_start3A_276 = tpu.memref_slice %arg13[%dma_start3A_274, %dma_start3A_275] : memref<10240x64xf32, #tpu.memory_space<vmem_shared>> -> memref<10240x64xf32, #tpu.memory_space<vmem_shared>>
      tpu.enqueue_indirect_dma source(%dma_start3A_270 : memref<256x64xf32, #tpu.memory_space<vmem>>) target(%dma_start3A_276 : memref<10240x64xf32, #tpu.memory_space<vmem_shared>>) offsets(%dma_start3A_273 : memref<256xi32, #tpu.memory_space<vmem>>) semaphore(%arg17 : memref<!tpu.dma_semaphore, #tpu.memory_space<semaphore_mem>>) {add = true}
    }
    %scan3A_61 = arith.constant 40 : i32
    %rem3A = arith.constant 39 : i32
    %rem3A_62 = arith.constant 2 : i32
    %rem3A_63 = arith.remsi %rem3A, %rem3A_62 : i32
    %dma_wait3A = arith.constant 1 : i32
    %dma_wait3A_64 = arith.constant 1 : i32
    %dma_wait3A_65 = arith.constant 0 : i32
    %dma_wait3A_66 = arith.constant 0 : i32
    %dma_wait3A_67 = tpu.memref_slice %arg10[%dma_wait3A, %dma_wait3A_65, %dma_wait3A_66] : memref<2x256x64xf32, #tpu.memory_space<vmem>> -> memref<1x256x64xf32, #tpu.memory_space<vmem>>
    %dma_wait3A_68 = tpu.memref_squeeze %dma_wait3A_67 : memref<1x256x64xf32, #tpu.memory_space<vmem>> -> memref<256x64xf32, #tpu.memory_space<vmem>>
    %dma_wait3A_69 = arith.constant 0 : i32
    %dma_wait3A_70 = tpu.memref_slice %arg9[%rem3A_63, %dma_wait3A_64, %dma_wait3A_69] : memref<2x2x256xi32, #tpu.memory_space<vmem>> -> memref<1x1x256xi32, #tpu.memory_space<vmem>>
    %dma_wait3A_71 = tpu.memref_squeeze %dma_wait3A_70 : memref<1x1x256xi32, #tpu.memory_space<vmem>> -> memref<256xi32, #tpu.memory_space<vmem>>
    %dma_wait3A_72 = arith.constant 0 : i32
    %dma_wait3A_73 = arith.constant 0 : i32
    %dma_wait3A_74 = tpu.memref_slice %arg12[%dma_wait3A_72, %dma_wait3A_73] : memref<5120x64xf32, #tpu.memory_space<vmem_shared>> -> memref<5120x64xf32, #tpu.memory_space<vmem_shared>>
    tpu.wait_indirect_dma semaphore(%arg17 : memref<!tpu.dma_semaphore, #tpu.memory_space<semaphore_mem>>) src(%dma_wait3A_68 : memref<256x64xf32, #tpu.memory_space<vmem>>) dst(%dma_wait3A_74 : memref<5120x64xf32, #tpu.memory_space<vmem_shared>>)
    %dma_wait3A_75 = arith.constant 1 : i32
    %dma_wait3A_76 = arith.constant 1 : i32
    %dma_wait3A_77 = arith.constant 0 : i32
    %dma_wait3A_78 = arith.constant 0 : i32
    %dma_wait3A_79 = tpu.memref_slice %arg11[%dma_wait3A_75, %dma_wait3A_77, %dma_wait3A_78] : memref<2x256x64xf32, #tpu.memory_space<vmem>> -> memref<1x256x64xf32, #tpu.memory_space<vmem>>
    %dma_wait3A_80 = tpu.memref_squeeze %dma_wait3A_79 : memref<1x256x64xf32, #tpu.memory_space<vmem>> -> memref<256x64xf32, #tpu.memory_space<vmem>>
    %dma_wait3A_81 = arith.constant 0 : i32
    %dma_wait3A_82 = tpu.memref_slice %arg8[%rem3A_63, %dma_wait3A_76, %dma_wait3A_81] : memref<2x2x256xi32, #tpu.memory_space<vmem>> -> memref<1x1x256xi32, #tpu.memory_space<vmem>>
    %dma_wait3A_83 = tpu.memref_squeeze %dma_wait3A_82 : memref<1x1x256xi32, #tpu.memory_space<vmem>> -> memref<256xi32, #tpu.memory_space<vmem>>
    %dma_wait3A_84 = arith.constant 0 : i32
    %dma_wait3A_85 = arith.constant 0 : i32
    %dma_wait3A_86 = tpu.memref_slice %arg13[%dma_wait3A_84, %dma_wait3A_85] : memref<10240x64xf32, #tpu.memory_space<vmem_shared>> -> memref<10240x64xf32, #tpu.memory_space<vmem_shared>>
    tpu.wait_indirect_dma semaphore(%arg17 : memref<!tpu.dma_semaphore, #tpu.memory_space<semaphore_mem>>) src(%dma_wait3A_80 : memref<256x64xf32, #tpu.memory_space<vmem>>) dst(%dma_wait3A_86 : memref<10240x64xf32, #tpu.memory_space<vmem_shared>>)
    %barrier3A_87 = arith.constant 0 : index
    tpu.barrier barrier_id(%barrier3A_87)
    %mul3A_88 = arith.constant 320 : i32
    %mul3A_89 = arith.muli %arg1, %mul3A_88 : i32
    %multiple_of3A_90 = tpu.assume_multiple %mul3A_89, 320 : i32
    "tpu.region"() ({
      %run_scoped3A_94 = tpu.sem_alloc : memref<!tpu.dma_semaphore, #tpu.memory_space<semaphore_mem>>
      %dma_start3A_95 = arith.constant 0 : i32
      %dma_start3A_96 = tpu.memref_slice %arg6[%arg0, %multiple_of3A_90, %dma_start3A_95] : memref<2x5120x64xf32, #tpu.memory_space<hbm>> -> memref<1x320x64xf32, #tpu.memory_space<hbm>>
      %dma_start3A_97 = tpu.memref_squeeze %dma_start3A_96 : memref<1x320x64xf32, #tpu.memory_space<hbm>> -> memref<320x64xf32, #tpu.memory_space<hbm>>
      %dma_start3A_98 = arith.constant 0 : i32
      %dma_start3A_99 = tpu.memref_slice %arg12[%multiple_of3A_90, %dma_start3A_98] : memref<5120x64xf32, #tpu.memory_space<vmem_shared>> -> memref<320x64xf32, #tpu.memory_space<vmem_shared>>
      tpu.enqueue_dma source(%dma_start3A_99 : memref<320x64xf32, #tpu.memory_space<vmem_shared>>) target(%dma_start3A_97 : memref<320x64xf32, #tpu.memory_space<hbm>>) target_semaphore(%run_scoped3A_94 : memref<!tpu.dma_semaphore, #tpu.memory_space<semaphore_mem>>)
      %dma_wait3A_100 = arith.constant 0 : i32
      %dma_wait3A_101 = tpu.memref_slice %arg6[%arg0, %multiple_of3A_90, %dma_wait3A_100] : memref<2x5120x64xf32, #tpu.memory_space<hbm>> -> memref<1x320x64xf32, #tpu.memory_space<hbm>>
      %dma_wait3A_102 = tpu.memref_squeeze %dma_wait3A_101 : memref<1x320x64xf32, #tpu.memory_space<hbm>> -> memref<320x64xf32, #tpu.memory_space<hbm>>
      %dma_wait3A_103 = arith.constant 0 : i32
      %dma_wait3A_104 = tpu.memref_slice %arg12[%multiple_of3A_90, %dma_wait3A_103] : memref<5120x64xf32, #tpu.memory_space<vmem_shared>> -> memref<320x64xf32, #tpu.memory_space<vmem_shared>>
      tpu.wait_dma2 semaphore(%run_scoped3A_94 : memref<!tpu.dma_semaphore, #tpu.memory_space<semaphore_mem>>) src(%dma_wait3A_104 : memref<320x64xf32, #tpu.memory_space<vmem_shared>>) dst(%dma_wait3A_102 : memref<320x64xf32, #tpu.memory_space<hbm>>)
      tpu.yield
    }) : () -> ()
    %mul3A_91 = arith.constant 640 : i32
    %mul3A_92 = arith.muli %arg1, %mul3A_91 : i32
    %multiple_of3A_93 = tpu.assume_multiple %mul3A_92, 640 : i32
    "tpu.region"() ({
      %run_scoped3A_94 = tpu.sem_alloc : memref<!tpu.dma_semaphore, #tpu.memory_space<semaphore_mem>>
      %dma_start3A_95 = arith.constant 0 : i32
      %dma_start3A_96 = tpu.memref_slice %arg7[%arg0, %multiple_of3A_93, %dma_start3A_95] : memref<2x10240x64xf32, #tpu.memory_space<hbm>> -> memref<1x640x64xf32, #tpu.memory_space<hbm>>
      %dma_start3A_97 = tpu.memref_squeeze %dma_start3A_96 : memref<1x640x64xf32, #tpu.memory_space<hbm>> -> memref<640x64xf32, #tpu.memory_space<hbm>>
      %dma_start3A_98 = arith.constant 0 : i32
      %dma_start3A_99 = tpu.memref_slice %arg13[%multiple_of3A_93, %dma_start3A_98] : memref<10240x64xf32, #tpu.memory_space<vmem_shared>> -> memref<640x64xf32, #tpu.memory_space<vmem_shared>>
      tpu.enqueue_dma source(%dma_start3A_99 : memref<640x64xf32, #tpu.memory_space<vmem_shared>>) target(%dma_start3A_97 : memref<640x64xf32, #tpu.memory_space<hbm>>) target_semaphore(%run_scoped3A_94 : memref<!tpu.dma_semaphore, #tpu.memory_space<semaphore_mem>>)
      %dma_wait3A_100 = arith.constant 0 : i32
      %dma_wait3A_101 = tpu.memref_slice %arg7[%arg0, %multiple_of3A_93, %dma_wait3A_100] : memref<2x10240x64xf32, #tpu.memory_space<hbm>> -> memref<1x640x64xf32, #tpu.memory_space<hbm>>
      %dma_wait3A_102 = tpu.memref_squeeze %dma_wait3A_101 : memref<1x640x64xf32, #tpu.memory_space<hbm>> -> memref<640x64xf32, #tpu.memory_space<hbm>>
      %dma_wait3A_103 = arith.constant 0 : i32
      %dma_wait3A_104 = tpu.memref_slice %arg13[%multiple_of3A_93, %dma_wait3A_103] : memref<10240x64xf32, #tpu.memory_space<vmem_shared>> -> memref<640x64xf32, #tpu.memory_space<vmem_shared>>
      tpu.wait_dma2 semaphore(%run_scoped3A_94 : memref<!tpu.dma_semaphore, #tpu.memory_space<semaphore_mem>>) src(%dma_wait3A_104 : memref<640x64xf32, #tpu.memory_space<vmem_shared>>) dst(%dma_wait3A_102 : memref<640x64xf32, #tpu.memory_space<hbm>>)
      tpu.yield
    }) : () -> ()
    return
  }
}

module attributes {stable_mosaic.version = 14 : i64} {
  func.func @_pre_body(%arg0: i32, %arg1: memref<2560x128xf32, #tpu.memory_space<vmem>>, %arg2: memref<128x128xf32, #tpu.memory_space<vmem>>, %arg3: memref<1x128xf32, #tpu.memory_space<vmem>>, %arg4: memref<128x128xf32, #tpu.memory_space<vmem>>, %arg5: memref<1x128xf32, #tpu.memory_space<vmem>>, %arg6: memref<2x2560x64xf32, #tpu.memory_space<vmem>>) attributes {dimension_semantics = [#tpu.dimension_semantics<arbitrary>], iteration_bounds = array<i64: 4>, scalar_prefetch = 0 : i64, scratch_operands = 0 : i64, tpu.core_type = #tpu.core_type<tc>, window_params = [{transform_indices = @transform_0, window_bounds = array<i64: 2560, 128>}, {pipeline_mode = #tpu.pipeline_mode<synchronous>, transform_indices = @transform_1, window_bounds = array<i64: 128, 128>}, {pipeline_mode = #tpu.pipeline_mode<synchronous>, transform_indices = @transform_2, window_bounds = array<i64: 1, 128>}, {pipeline_mode = #tpu.pipeline_mode<synchronous>, transform_indices = @transform_3, window_bounds = array<i64: 128, 128>}, {pipeline_mode = #tpu.pipeline_mode<synchronous>, transform_indices = @transform_4, window_bounds = array<i64: 1, 128>}, {transform_indices = @transform_5, window_bounds = array<i64: 2, 2560, 64>}]} {
    %get3A = arith.constant 0 : index
    %get3A_0 = arith.constant 0 : index
    %get3A_1 = vector.load %arg1[%get3A, %get3A_0] : memref<2560x128xf32, #tpu.memory_space<vmem>>, vector<2560x128xf32>
    %get3A_2 = arith.constant 0 : index
    %get3A_3 = arith.constant 0 : index
    %get3A_4 = vector.load %arg2[%get3A_2, %get3A_3] : memref<128x128xf32, #tpu.memory_space<vmem>>, vector<128x128xf32>
    %dot_general3A = arith.constant dense<0.000000e+00> : vector<2560x128xf32>
    %dot_general3A_5 = tpu.matmul %get3A_1, %get3A_4, %dot_general3A {dimension_numbers = #tpu.dot_dimension_numbers<[1], [1], [0], [0], [0, 0, 1, 0], [], []>, transpose_lhs_hint = false} : vector<2560x128xf32>, vector<128x128xf32>, vector<2560x128xf32> -> vector<2560x128xf32>
    %get3A_6 = arith.constant 0 : index
    %get3A_7 = arith.constant 0 : index
    %get3A_8 = vector.load %arg3[%get3A_6, %get3A_7] : memref<1x128xf32, #tpu.memory_space<vmem>>, vector<1x128xf32>
    %add3A = vector.broadcast %get3A_8 : vector<1x128xf32> to vector<2560x128xf32>
    %add3A_9 = arith.addf %dot_general3A_5, %add3A : vector<2560x128xf32>
    %max3A = arith.constant 0.000000e+00 : f32
    %max3A_10 = vector.broadcast %max3A : f32 to vector<2560x128xf32>
    %max3A_11 = arith.maximumf %add3A_9, %max3A_10 : vector<2560x128xf32>
    %get3A_12 = arith.constant 0 : index
    %get3A_13 = arith.constant 0 : index
    %get3A_14 = vector.load %arg4[%get3A_12, %get3A_13] : memref<128x128xf32, #tpu.memory_space<vmem>>, vector<128x128xf32>
    %dot_general3A_15 = arith.constant dense<0.000000e+00> : vector<2560x128xf32>
    %dot_general3A_16 = tpu.matmul %max3A_11, %get3A_14, %dot_general3A_15 {dimension_numbers = #tpu.dot_dimension_numbers<[1], [1], [0], [0], [0, 0, 1, 0], [], []>, transpose_lhs_hint = false} : vector<2560x128xf32>, vector<128x128xf32>, vector<2560x128xf32> -> vector<2560x128xf32>
    %get3A_17 = arith.constant 0 : index
    %get3A_18 = arith.constant 0 : index
    %get3A_19 = vector.load %arg5[%get3A_17, %get3A_18] : memref<1x128xf32, #tpu.memory_space<vmem>>, vector<1x128xf32>
    %add3A_20 = vector.broadcast %get3A_19 : vector<1x128xf32> to vector<2560x128xf32>
    %add3A_21 = arith.addf %dot_general3A_16, %add3A_20 : vector<2560x128xf32>
    %slice3A = vector.extract_strided_slice %add3A_21 {offsets = [0, 0], sizes = [2560, 64], strides = [1, 1]} : vector<2560x128xf32> to vector<2560x64xf32>
    %swap3A = arith.constant 0 : index
    %swap3A_22 = arith.constant 0 : index
    %swap3A_23 = arith.constant 0 : index
    %swap3A_24 = vector.load %arg6[%swap3A, %swap3A_22, %swap3A_23] : memref<2x2560x64xf32, #tpu.memory_space<vmem>>, vector<1x2560x64xf32>
    %swap3A_25 = vector.shape_cast %swap3A_24 : vector<1x2560x64xf32> to vector<2560x64xf32>
    %swap3A_26 = vector.shape_cast %slice3A : vector<2560x64xf32> to vector<1x2560x64xf32>
    tpu.vector_store %arg6[%swap3A, %swap3A_22, %swap3A_23], %swap3A_26 {strides = array<i32>} : memref<2x2560x64xf32, #tpu.memory_space<vmem>>, vector<1x2560x64xf32>,
    %slice3A_27 = vector.extract_strided_slice %add3A_21 {offsets = [0, 64], sizes = [2560, 64], strides = [1, 1]} : vector<2560x128xf32> to vector<2560x64xf32>
    %swap3A_28 = arith.constant 1 : index
    %swap3A_29 = arith.constant 0 : index
    %swap3A_30 = arith.constant 0 : index
    %swap3A_31 = vector.load %arg6[%swap3A_28, %swap3A_29, %swap3A_30] : memref<2x2560x64xf32, #tpu.memory_space<vmem>>, vector<1x2560x64xf32>
    %swap3A_32 = vector.shape_cast %swap3A_31 : vector<1x2560x64xf32> to vector<2560x64xf32>
    %swap3A_33 = vector.shape_cast %slice3A_27 : vector<2560x64xf32> to vector<1x2560x64xf32>
    tpu.vector_store %arg6[%swap3A_28, %swap3A_29, %swap3A_30], %swap3A_33 {strides = array<i32>} : memref<2x2560x64xf32, #tpu.memory_space<vmem>>, vector<1x2560x64xf32>,
    return
  }
  func.func @transform_0(%arg0: i32) -> (i32, i32) {
    %c0_i32 = arith.constant 0 : i32
    %c0_i32_0 = arith.constant 0 : i32
    return %arg0, %c0_i32 : i32, i32
  }
  func.func @transform_1(%arg0: i32) -> (i32, i32) {
    %c0_i32 = arith.constant 0 : i32
    %c0_i32_0 = arith.constant 0 : i32
    %c0_i32_1 = arith.constant 0 : i32
    return %c0_i32, %c0_i32_0 : i32, i32
  }
  func.func @transform_2(%arg0: i32) -> (i32, i32) {
    %c0_i32 = arith.constant 0 : i32
    %c0_i32_0 = arith.constant 0 : i32
    %c0_i32_1 = arith.constant 0 : i32
    return %c0_i32, %c0_i32_0 : i32, i32
  }
  func.func @transform_3(%arg0: i32) -> (i32, i32) {
    %c0_i32 = arith.constant 0 : i32
    %c0_i32_0 = arith.constant 0 : i32
    %c0_i32_1 = arith.constant 0 : i32
    return %c0_i32, %c0_i32_0 : i32, i32
  }
  func.func @transform_4(%arg0: i32) -> (i32, i32) {
    %c0_i32 = arith.constant 0 : i32
    %c0_i32_0 = arith.constant 0 : i32
    %c0_i32_1 = arith.constant 0 : i32
    return %c0_i32, %c0_i32_0 : i32, i32
  }
  func.func @transform_5(%arg0: i32) -> (i32, i32, i32) {
    %c0_i32 = arith.constant 0 : i32
    %c0_i32_0 = arith.constant 0 : i32
    %c0_i32_1 = arith.constant 0 : i32
    return %c0_i32, %arg0, %c0_i32_0 : i32, i32, i32
  }
}

module attributes {stable_mosaic.version = 14 : i64} {
  func.func @_pre_body(%arg0: i32, %arg1: memref<2560x128xf32, #tpu.memory_space<vmem>>, %arg2: memref<128x128xf32, #tpu.memory_space<vmem>>, %arg3: memref<1x128xf32, #tpu.memory_space<vmem>>, %arg4: memref<128x128xf32, #tpu.memory_space<vmem>>, %arg5: memref<1x128xf32, #tpu.memory_space<vmem>>, %arg6: memref<2x2560x64xf32, #tpu.memory_space<vmem>>) attributes {dimension_semantics = [#tpu.dimension_semantics<arbitrary>], iteration_bounds = array<i64: 2>, scalar_prefetch = 0 : i64, scratch_operands = 0 : i64, tpu.core_type = #tpu.core_type<tc>, window_params = [{transform_indices = @transform_0, window_bounds = array<i64: 2560, 128>}, {pipeline_mode = #tpu.pipeline_mode<synchronous>, transform_indices = @transform_1, window_bounds = array<i64: 128, 128>}, {pipeline_mode = #tpu.pipeline_mode<synchronous>, transform_indices = @transform_2, window_bounds = array<i64: 1, 128>}, {pipeline_mode = #tpu.pipeline_mode<synchronous>, transform_indices = @transform_3, window_bounds = array<i64: 128, 128>}, {pipeline_mode = #tpu.pipeline_mode<synchronous>, transform_indices = @transform_4, window_bounds = array<i64: 1, 128>}, {transform_indices = @transform_5, window_bounds = array<i64: 2, 2560, 64>}]} {
    %get3A = arith.constant 0 : index
    %get3A_0 = arith.constant 0 : index
    %get3A_1 = vector.load %arg1[%get3A, %get3A_0] : memref<2560x128xf32, #tpu.memory_space<vmem>>, vector<2560x128xf32>
    %get3A_2 = arith.constant 0 : index
    %get3A_3 = arith.constant 0 : index
    %get3A_4 = vector.load %arg2[%get3A_2, %get3A_3] : memref<128x128xf32, #tpu.memory_space<vmem>>, vector<128x128xf32>
    %dot_general3A = arith.constant dense<0.000000e+00> : vector<2560x128xf32>
    %dot_general3A_5 = tpu.matmul %get3A_1, %get3A_4, %dot_general3A {dimension_numbers = #tpu.dot_dimension_numbers<[1], [1], [0], [0], [0, 0, 1, 0], [], []>, transpose_lhs_hint = false} : vector<2560x128xf32>, vector<128x128xf32>, vector<2560x128xf32> -> vector<2560x128xf32>
    %get3A_6 = arith.constant 0 : index
    %get3A_7 = arith.constant 0 : index
    %get3A_8 = vector.load %arg3[%get3A_6, %get3A_7] : memref<1x128xf32, #tpu.memory_space<vmem>>, vector<1x128xf32>
    %add3A = vector.broadcast %get3A_8 : vector<1x128xf32> to vector<2560x128xf32>
    %add3A_9 = arith.addf %dot_general3A_5, %add3A : vector<2560x128xf32>
    %max3A = arith.constant 0.000000e+00 : f32
    %max3A_10 = vector.broadcast %max3A : f32 to vector<2560x128xf32>
    %max3A_11 = arith.maximumf %add3A_9, %max3A_10 : vector<2560x128xf32>
    %get3A_12 = arith.constant 0 : index
    %get3A_13 = arith.constant 0 : index
    %get3A_14 = vector.load %arg4[%get3A_12, %get3A_13] : memref<128x128xf32, #tpu.memory_space<vmem>>, vector<128x128xf32>
    %dot_general3A_15 = arith.constant dense<0.000000e+00> : vector<2560x128xf32>
    %dot_general3A_16 = tpu.matmul %max3A_11, %get3A_14, %dot_general3A_15 {dimension_numbers = #tpu.dot_dimension_numbers<[1], [1], [0], [0], [0, 0, 1, 0], [], []>, transpose_lhs_hint = false} : vector<2560x128xf32>, vector<128x128xf32>, vector<2560x128xf32> -> vector<2560x128xf32>
    %get3A_17 = arith.constant 0 : index
    %get3A_18 = arith.constant 0 : index
    %get3A_19 = vector.load %arg5[%get3A_17, %get3A_18] : memref<1x128xf32, #tpu.memory_space<vmem>>, vector<1x128xf32>
    %add3A_20 = vector.broadcast %get3A_19 : vector<1x128xf32> to vector<2560x128xf32>
    %add3A_21 = arith.addf %dot_general3A_16, %add3A_20 : vector<2560x128xf32>
    %slice3A = vector.extract_strided_slice %add3A_21 {offsets = [0, 0], sizes = [2560, 64], strides = [1, 1]} : vector<2560x128xf32> to vector<2560x64xf32>
    %swap3A = arith.constant 0 : index
    %swap3A_22 = arith.constant 0 : index
    %swap3A_23 = arith.constant 0 : index
    %swap3A_24 = vector.load %arg6[%swap3A, %swap3A_22, %swap3A_23] : memref<2x2560x64xf32, #tpu.memory_space<vmem>>, vector<1x2560x64xf32>
    %swap3A_25 = vector.shape_cast %swap3A_24 : vector<1x2560x64xf32> to vector<2560x64xf32>
    %swap3A_26 = vector.shape_cast %slice3A : vector<2560x64xf32> to vector<1x2560x64xf32>
    tpu.vector_store %arg6[%swap3A, %swap3A_22, %swap3A_23], %swap3A_26 {strides = array<i32>} : memref<2x2560x64xf32, #tpu.memory_space<vmem>>, vector<1x2560x64xf32>,
    %slice3A_27 = vector.extract_strided_slice %add3A_21 {offsets = [0, 64], sizes = [2560, 64], strides = [1, 1]} : vector<2560x128xf32> to vector<2560x64xf32>
    %swap3A_28 = arith.constant 1 : index
    %swap3A_29 = arith.constant 0 : index
    %swap3A_30 = arith.constant 0 : index
    %swap3A_31 = vector.load %arg6[%swap3A_28, %swap3A_29, %swap3A_30] : memref<2x2560x64xf32, #tpu.memory_space<vmem>>, vector<1x2560x64xf32>
    %swap3A_32 = vector.shape_cast %swap3A_31 : vector<1x2560x64xf32> to vector<2560x64xf32>
    %swap3A_33 = vector.shape_cast %slice3A_27 : vector<2560x64xf32> to vector<1x2560x64xf32>
    tpu.vector_store %arg6[%swap3A_28, %swap3A_29, %swap3A_30], %swap3A_33 {strides = array<i32>} : memref<2x2560x64xf32, #tpu.memory_space<vmem>>, vector<1x2560x64xf32>,
    return
  }
  func.func @transform_0(%arg0: i32) -> (i32, i32) {
    %c0_i32 = arith.constant 0 : i32
    %c0_i32_0 = arith.constant 0 : i32
    return %arg0, %c0_i32 : i32, i32
  }
  func.func @transform_1(%arg0: i32) -> (i32, i32) {
    %c0_i32 = arith.constant 0 : i32
    %c0_i32_0 = arith.constant 0 : i32
    %c0_i32_1 = arith.constant 0 : i32
    return %c0_i32, %c0_i32_0 : i32, i32
  }
  func.func @transform_2(%arg0: i32) -> (i32, i32) {
    %c0_i32 = arith.constant 0 : i32
    %c0_i32_0 = arith.constant 0 : i32
    %c0_i32_1 = arith.constant 0 : i32
    return %c0_i32, %c0_i32_0 : i32, i32
  }
  func.func @transform_3(%arg0: i32) -> (i32, i32) {
    %c0_i32 = arith.constant 0 : i32
    %c0_i32_0 = arith.constant 0 : i32
    %c0_i32_1 = arith.constant 0 : i32
    return %c0_i32, %c0_i32_0 : i32, i32
  }
  func.func @transform_4(%arg0: i32) -> (i32, i32) {
    %c0_i32 = arith.constant 0 : i32
    %c0_i32_0 = arith.constant 0 : i32
    %c0_i32_1 = arith.constant 0 : i32
    return %c0_i32, %c0_i32_0 : i32, i32
  }
  func.func @transform_5(%arg0: i32) -> (i32, i32, i32) {
    %c0_i32 = arith.constant 0 : i32
    %c0_i32_0 = arith.constant 0 : i32
    %c0_i32_1 = arith.constant 0 : i32
    return %c0_i32, %arg0, %c0_i32_0 : i32, i32, i32
  }
}

module attributes {stable_mosaic.version = 14 : i64} {
  func.func @_gru_l_body(%arg0: i32, %arg1: memref<2x2560x64xf32, #tpu.memory_space<vmem>>, %arg2: memref<2560x128xf32, #tpu.memory_space<vmem>>, %arg3: memref<128x128xf32, #tpu.memory_space<vmem>>, %arg4: memref<1x128xf32, #tpu.memory_space<vmem>>, %arg5: memref<128x128xf32, #tpu.memory_space<vmem>>, %arg6: memref<1x128xf32, #tpu.memory_space<vmem>>, %arg7: memref<384x256xf32, #tpu.memory_space<vmem>>, %arg8: memref<384x128xf32, #tpu.memory_space<vmem>>, %arg9: memref<1x384xf32, #tpu.memory_space<vmem>>, %arg10: memref<1x384xf32, #tpu.memory_space<vmem>>, %arg11: memref<2560x128xf32, #tpu.memory_space<vmem>>) attributes {dimension_semantics = [#tpu.dimension_semantics<arbitrary>], iteration_bounds = array<i64: 4>, scalar_prefetch = 0 : i64, scratch_operands = 0 : i64, tpu.core_type = #tpu.core_type<tc>, window_params = [{transform_indices = @transform_0, window_bounds = array<i64: 2, 2560, 64>}, {transform_indices = @transform_1, window_bounds = array<i64: 2560, 128>}, {pipeline_mode = #tpu.pipeline_mode<synchronous>, transform_indices = @transform_2, window_bounds = array<i64: 128, 128>}, {pipeline_mode = #tpu.pipeline_mode<synchronous>, transform_indices = @transform_3, window_bounds = array<i64: 1, 128>}, {pipeline_mode = #tpu.pipeline_mode<synchronous>, transform_indices = @transform_4, window_bounds = array<i64: 128, 128>}, {pipeline_mode = #tpu.pipeline_mode<synchronous>, transform_indices = @transform_5, window_bounds = array<i64: 1, 128>}, {pipeline_mode = #tpu.pipeline_mode<synchronous>, transform_indices = @transform_6, window_bounds = array<i64: 384, 256>}, {pipeline_mode = #tpu.pipeline_mode<synchronous>, transform_indices = @transform_7, window_bounds = array<i64: 384, 128>}, {pipeline_mode = #tpu.pipeline_mode<synchronous>, transform_indices = @transform_8, window_bounds = array<i64: 1, 384>}, {pipeline_mode = #tpu.pipeline_mode<synchronous>, transform_indices = @transform_9, window_bounds = array<i64: 1, 384>}, {transform_indices = @transform_10, window_bounds = array<i64: 2560, 128>}]} {
    %get3A = arith.constant 0 : index
    %get3A_0 = arith.constant 0 : index
    %get3A_1 = vector.load %arg2[%get3A, %get3A_0] : memref<2560x128xf32, #tpu.memory_space<vmem>>, vector<2560x128xf32>
    %reshape3A = vector.shape_cast %get3A_1 : vector<2560x128xf32> to vector<1280x2x128xf32>
    %slice3A = vector.extract_strided_slice %reshape3A {offsets = [0, 1, 0], sizes = [1280, 1, 128], strides = [1, 1, 1]} : vector<1280x2x128xf32> to vector<1280x1x128xf32>
    %slice3A_2 = vector.extract_strided_slice %reshape3A {offsets = [0, 0, 0], sizes = [1280, 1, 128], strides = [1, 1, 1]} : vector<1280x2x128xf32> to vector<1280x1x128xf32>
    %concatenate3A = tpu.concatenate %slice3A, %slice3A_2 in 1 : vector<1280x1x128xf32>, vector<1280x1x128xf32> -> vector<1280x2x128xf32>
    %reshape3A_3 = vector.shape_cast %concatenate3A : vector<1280x2x128xf32> to vector<2560x128xf32>
    %get3A_4 = arith.constant 0 : index
    %get3A_5 = arith.constant 0 : index
    %get3A_6 = vector.load %arg3[%get3A_4, %get3A_5] : memref<128x128xf32, #tpu.memory_space<vmem>>, vector<128x128xf32>
    %dot_general3A = arith.constant dense<0.000000e+00> : vector<2560x128xf32>
    %dot_general3A_7 = tpu.matmul %reshape3A_3, %get3A_6, %dot_general3A {dimension_numbers = #tpu.dot_dimension_numbers<[1], [1], [0], [0], [0, 0, 1, 0], [], []>, transpose_lhs_hint = false} : vector<2560x128xf32>, vector<128x128xf32>, vector<2560x128xf32> -> vector<2560x128xf32>
    %get3A_8 = arith.constant 0 : index
    %get3A_9 = arith.constant 0 : index
    %get3A_10 = vector.load %arg4[%get3A_8, %get3A_9] : memref<1x128xf32, #tpu.memory_space<vmem>>, vector<1x128xf32>
    %add3A = vector.broadcast %get3A_10 : vector<1x128xf32> to vector<2560x128xf32>
    %add3A_11 = arith.addf %dot_general3A_7, %add3A : vector<2560x128xf32>
    %max3A = arith.constant 0.000000e+00 : f32
    %max3A_12 = vector.broadcast %max3A : f32 to vector<2560x128xf32>
    %max3A_13 = arith.maximumf %add3A_11, %max3A_12 : vector<2560x128xf32>
    %get3A_14 = arith.constant 0 : index
    %get3A_15 = arith.constant 0 : index
    %get3A_16 = vector.load %arg5[%get3A_14, %get3A_15] : memref<128x128xf32, #tpu.memory_space<vmem>>, vector<128x128xf32>
    %dot_general3A_17 = arith.constant dense<0.000000e+00> : vector<2560x128xf32>
    %dot_general3A_18 = tpu.matmul %max3A_13, %get3A_16, %dot_general3A_17 {dimension_numbers = #tpu.dot_dimension_numbers<[1], [1], [0], [0], [0, 0, 1, 0], [], []>, transpose_lhs_hint = false} : vector<2560x128xf32>, vector<128x128xf32>, vector<2560x128xf32> -> vector<2560x128xf32>
    %get3A_19 = arith.constant 0 : index
    %get3A_20 = arith.constant 0 : index
    %get3A_21 = vector.load %arg6[%get3A_19, %get3A_20] : memref<1x128xf32, #tpu.memory_space<vmem>>, vector<1x128xf32>
    %add3A_22 = vector.broadcast %get3A_21 : vector<1x128xf32> to vector<2560x128xf32>
    %add3A_23 = arith.addf %dot_general3A_18, %add3A_22 : vector<2560x128xf32>
    %get3A_24 = arith.constant 0 : index
    %get3A_25 = arith.constant 0 : index
    %get3A_26 = arith.constant 0 : index
    %get3A_27 = vector.load %arg1[%get3A_24, %get3A_25, %get3A_26] : memref<2x2560x64xf32, #tpu.memory_space<vmem>>, vector<1x2560x64xf32>
    %get3A_28 = vector.shape_cast %get3A_27 : vector<1x2560x64xf32> to vector<2560x64xf32>
    %get3A_29 = arith.constant 1 : index
    %get3A_30 = arith.constant 0 : index
    %get3A_31 = arith.constant 0 : index
    %get3A_32 = vector.load %arg1[%get3A_29, %get3A_30, %get3A_31] : memref<2x2560x64xf32, #tpu.memory_space<vmem>>, vector<1x2560x64xf32>
    %get3A_33 = vector.shape_cast %get3A_32 : vector<1x2560x64xf32> to vector<2560x64xf32>
    %concatenate3A_34 = tpu.concatenate %get3A_28, %get3A_33, %add3A_23 in 1 : vector<2560x64xf32>, vector<2560x64xf32>, vector<2560x128xf32> -> vector<2560x256xf32>
    %get3A_35 = arith.constant 0 : index
    %get3A_36 = arith.constant 0 : index
    %get3A_37 = vector.load %arg7[%get3A_35, %get3A_36] : memref<384x256xf32, #tpu.memory_space<vmem>>, vector<384x256xf32>
    %dot_general3A_38 = arith.constant dense<0.000000e+00> : vector<2560x384xf32>
    %dot_general3A_39 = tpu.matmul %concatenate3A_34, %get3A_37, %dot_general3A_38 {dimension_numbers = #tpu.dot_dimension_numbers<[1], [1], [0], [0], [0, 0, 1, 0], [], []>, transpose_lhs_hint = false} : vector<2560x256xf32>, vector<384x256xf32>, vector<2560x384xf32> -> vector<2560x384xf32>
    %get3A_40 = arith.constant 0 : index
    %get3A_41 = arith.constant 0 : index
    %get3A_42 = vector.load %arg9[%get3A_40, %get3A_41] : memref<1x384xf32, #tpu.memory_space<vmem>>, vector<1x384xf32>
    %add3A_43 = vector.broadcast %get3A_42 : vector<1x384xf32> to vector<2560x384xf32>
    %add3A_44 = arith.addf %dot_general3A_39, %add3A_43 : vector<2560x384xf32>
    %get3A_45 = arith.constant 0 : index
    %get3A_46 = arith.constant 0 : index
    %get3A_47 = vector.load %arg8[%get3A_45, %get3A_46] : memref<384x128xf32, #tpu.memory_space<vmem>>, vector<384x128xf32>
    %dot_general3A_48 = arith.constant dense<0.000000e+00> : vector<2560x384xf32>
    %dot_general3A_49 = tpu.matmul %get3A_1, %get3A_47, %dot_general3A_48 {dimension_numbers = #tpu.dot_dimension_numbers<[1], [1], [0], [0], [0, 0, 1, 0], [], []>, transpose_lhs_hint = false} : vector<2560x128xf32>, vector<384x128xf32>, vector<2560x384xf32> -> vector<2560x384xf32>
    %get3A_50 = arith.constant 0 : index
    %get3A_51 = arith.constant 0 : index
    %get3A_52 = vector.load %arg10[%get3A_50, %get3A_51] : memref<1x384xf32, #tpu.memory_space<vmem>>, vector<1x384xf32>
    %add3A_53 = vector.broadcast %get3A_52 : vector<1x384xf32> to vector<2560x384xf32>
    %add3A_54 = arith.addf %dot_general3A_49, %add3A_53 : vector<2560x384xf32>
    %slice3A_55 = vector.extract_strided_slice %add3A_44 {offsets = [0, 0], sizes = [2560, 128], strides = [1, 1]} : vector<2560x384xf32> to vector<2560x128xf32>
    %slice3A_56 = vector.extract_strided_slice %add3A_44 {offsets = [0, 128], sizes = [2560, 128], strides = [1, 1]} : vector<2560x384xf32> to vector<2560x128xf32>
    %slice3A_57 = vector.extract_strided_slice %add3A_44 {offsets = [0, 256], sizes = [2560, 128], strides = [1, 1]} : vector<2560x384xf32> to vector<2560x128xf32>
    %slice3A_58 = vector.extract_strided_slice %add3A_54 {offsets = [0, 0], sizes = [2560, 128], strides = [1, 1]} : vector<2560x384xf32> to vector<2560x128xf32>
    %slice3A_59 = vector.extract_strided_slice %add3A_54 {offsets = [0, 128], sizes = [2560, 128], strides = [1, 1]} : vector<2560x384xf32> to vector<2560x128xf32>
    %slice3A_60 = vector.extract_strided_slice %add3A_54 {offsets = [0, 256], sizes = [2560, 128], strides = [1, 1]} : vector<2560x384xf32> to vector<2560x128xf32>
    %add3A_61 = arith.addf %slice3A_55, %slice3A_58 : vector<2560x128xf32>
    %logistic3A = arith.negf %add3A_61 : vector<2560x128xf32>
    %logistic3A_62 = math.exp %logistic3A : vector<2560x128xf32>
    %logistic3A_63 = arith.constant 1.000000e+00 : f32
    %logistic3A_64 = vector.broadcast %logistic3A_63 : f32 to vector<2560x128xf32>
    %logistic3A_65 = arith.addf %logistic3A_64, %logistic3A_62 : vector<2560x128xf32>
    %logistic3A_66 = arith.divf %logistic3A_64, %logistic3A_65 : vector<2560x128xf32>
    %add3A_67 = arith.addf %slice3A_56, %slice3A_59 : vector<2560x128xf32>
    %logistic3A_68 = arith.negf %add3A_67 : vector<2560x128xf32>
    %logistic3A_69 = math.exp %logistic3A_68 : vector<2560x128xf32>
    %logistic3A_70 = arith.constant 1.000000e+00 : f32
    %logistic3A_71 = vector.broadcast %logistic3A_70 : f32 to vector<2560x128xf32>
    %logistic3A_72 = arith.addf %logistic3A_71, %logistic3A_69 : vector<2560x128xf32>
    %logistic3A_73 = arith.divf %logistic3A_71, %logistic3A_72 : vector<2560x128xf32>
    %mul3A = arith.mulf %logistic3A_66, %slice3A_60 : vector<2560x128xf32>
    %add3A_74 = arith.addf %slice3A_57, %mul3A : vector<2560x128xf32>
    %tanh3A = math.tanh %add3A_74 : vector<2560x128xf32>
    %sub3A = arith.constant 1.000000e+00 : f32
    %sub3A_75 = vector.broadcast %sub3A : f32 to vector<2560x128xf32>
    %sub3A_76 = arith.subf %sub3A_75, %logistic3A_73 : vector<2560x128xf32>
    %mul3A_77 = arith.mulf %sub3A_76, %tanh3A : vector<2560x128xf32>
    %mul3A_78 = arith.mulf %logistic3A_73, %get3A_1 : vector<2560x128xf32>
    %add3A_79 = arith.addf %mul3A_77, %mul3A_78 : vector<2560x128xf32>
    %swap3A = arith.constant 0 : index
    %swap3A_80 = arith.constant 0 : index
    %swap3A_81 = vector.load %arg11[%swap3A, %swap3A_80] : memref<2560x128xf32, #tpu.memory_space<vmem>>, vector<2560x128xf32>
    tpu.vector_store %arg11[%swap3A, %swap3A_80], %add3A_79 {strides = array<i32>} : memref<2560x128xf32, #tpu.memory_space<vmem>>, vector<2560x128xf32>,
    return
  }
  func.func @transform_0(%arg0: i32) -> (i32, i32, i32) {
    %c0_i32 = arith.constant 0 : i32
    %c0_i32_0 = arith.constant 0 : i32
    %c0_i32_1 = arith.constant 0 : i32
    return %c0_i32, %arg0, %c0_i32_0 : i32, i32, i32
  }
  func.func @transform_1(%arg0: i32) -> (i32, i32) {
    %c0_i32 = arith.constant 0 : i32
    %c0_i32_0 = arith.constant 0 : i32
    return %arg0, %c0_i32 : i32, i32
  }
  func.func @transform_2(%arg0: i32) -> (i32, i32) {
    %c0_i32 = arith.constant 0 : i32
    %c0_i32_0 = arith.constant 0 : i32
    %c0_i32_1 = arith.constant 0 : i32
    return %c0_i32, %c0_i32_0 : i32, i32
  }
  func.func @transform_3(%arg0: i32) -> (i32, i32) {
    %c0_i32 = arith.constant 0 : i32
    %c0_i32_0 = arith.constant 0 : i32
    %c0_i32_1 = arith.constant 0 : i32
    return %c0_i32, %c0_i32_0 : i32, i32
  }
  func.func @transform_4(%arg0: i32) -> (i32, i32) {
    %c0_i32 = arith.constant 0 : i32
    %c0_i32_0 = arith.constant 0 : i32
    %c0_i32_1 = arith.constant 0 : i32
    return %c0_i32, %c0_i32_0 : i32, i32
  }
  func.func @transform_5(%arg0: i32) -> (i32, i32) {
    %c0_i32 = arith.constant 0 : i32
    %c0_i32_0 = arith.constant 0 : i32
    %c0_i32_1 = arith.constant 0 : i32
    return %c0_i32, %c0_i32_0 : i32, i32
  }
  func.func @transform_6(%arg0: i32) -> (i32, i32) {
    %c0_i32 = arith.constant 0 : i32
    %c0_i32_0 = arith.constant 0 : i32
    %c0_i32_1 = arith.constant 0 : i32
    return %c0_i32, %c0_i32_0 : i32, i32
  }
  func.func @transform_7(%arg0: i32) -> (i32, i32) {
    %c0_i32 = arith.constant 0 : i32
    %c0_i32_0 = arith.constant 0 : i32
    %c0_i32_1 = arith.constant 0 : i32
    return %c0_i32, %c0_i32_0 : i32, i32
  }
  func.func @transform_8(%arg0: i32) -> (i32, i32) {
    %c0_i32 = arith.constant 0 : i32
    %c0_i32_0 = arith.constant 0 : i32
    %c0_i32_1 = arith.constant 0 : i32
    return %c0_i32, %c0_i32_0 : i32, i32
  }
  func.func @transform_9(%arg0: i32) -> (i32, i32) {
    %c0_i32 = arith.constant 0 : i32
    %c0_i32_0 = arith.constant 0 : i32
    %c0_i32_1 = arith.constant 0 : i32
    return %c0_i32, %c0_i32_0 : i32, i32
  }
  func.func @transform_10(%arg0: i32) -> (i32, i32) {
    %c0_i32 = arith.constant 0 : i32
    %c0_i32_0 = arith.constant 0 : i32
    return %arg0, %c0_i32 : i32, i32
  }
}

module attributes {stable_mosaic.version = 14 : i64} {
  func.func @_gru_c_body(%arg0: i32, %arg1: memref<2x2560x64xf32, #tpu.memory_space<vmem>>, %arg2: memref<2560x128xf32, #tpu.memory_space<vmem>>, %arg3: memref<384x128xf32, #tpu.memory_space<vmem>>, %arg4: memref<384x128xf32, #tpu.memory_space<vmem>>, %arg5: memref<1x384xf32, #tpu.memory_space<vmem>>, %arg6: memref<1x384xf32, #tpu.memory_space<vmem>>, %arg7: memref<2560x128xf32, #tpu.memory_space<vmem>>) attributes {dimension_semantics = [#tpu.dimension_semantics<arbitrary>], iteration_bounds = array<i64: 2>, scalar_prefetch = 0 : i64, scratch_operands = 0 : i64, tpu.core_type = #tpu.core_type<tc>, window_params = [{transform_indices = @transform_0, window_bounds = array<i64: 2, 2560, 64>}, {transform_indices = @transform_1, window_bounds = array<i64: 2560, 128>}, {pipeline_mode = #tpu.pipeline_mode<synchronous>, transform_indices = @transform_2, window_bounds = array<i64: 384, 128>}, {pipeline_mode = #tpu.pipeline_mode<synchronous>, transform_indices = @transform_3, window_bounds = array<i64: 384, 128>}, {pipeline_mode = #tpu.pipeline_mode<synchronous>, transform_indices = @transform_4, window_bounds = array<i64: 1, 384>}, {pipeline_mode = #tpu.pipeline_mode<synchronous>, transform_indices = @transform_5, window_bounds = array<i64: 1, 384>}, {transform_indices = @transform_6, window_bounds = array<i64: 2560, 128>}]} {
    %get3A = arith.constant 0 : index
    %get3A_0 = arith.constant 0 : index
    %get3A_1 = arith.constant 0 : index
    %get3A_2 = vector.load %arg1[%get3A, %get3A_0, %get3A_1] : memref<2x2560x64xf32, #tpu.memory_space<vmem>>, vector<1x2560x64xf32>
    %get3A_3 = vector.shape_cast %get3A_2 : vector<1x2560x64xf32> to vector<2560x64xf32>
    %get3A_4 = arith.constant 1 : index
    %get3A_5 = arith.constant 0 : index
    %get3A_6 = arith.constant 0 : index
    %get3A_7 = vector.load %arg1[%get3A_4, %get3A_5, %get3A_6] : memref<2x2560x64xf32, #tpu.memory_space<vmem>>, vector<1x2560x64xf32>
    %get3A_8 = vector.shape_cast %get3A_7 : vector<1x2560x64xf32> to vector<2560x64xf32>
    %concatenate3A = tpu.concatenate %get3A_3, %get3A_8 in 1 : vector<2560x64xf32>, vector<2560x64xf32> -> vector<2560x128xf32>
    %get3A_9 = arith.constant 0 : index
    %get3A_10 = arith.constant 0 : index
    %get3A_11 = vector.load %arg2[%get3A_9, %get3A_10] : memref<2560x128xf32, #tpu.memory_space<vmem>>, vector<2560x128xf32>
    %get3A_12 = arith.constant 0 : index
    %get3A_13 = arith.constant 0 : index
    %get3A_14 = vector.load %arg3[%get3A_12, %get3A_13] : memref<384x128xf32, #tpu.memory_space<vmem>>, vector<384x128xf32>
    %dot_general3A = arith.constant dense<0.000000e+00> : vector<2560x384xf32>
    %dot_general3A_15 = tpu.matmul %concatenate3A, %get3A_14, %dot_general3A {dimension_numbers = #tpu.dot_dimension_numbers<[1], [1], [0], [0], [0, 0, 1, 0], [], []>, transpose_lhs_hint = false} : vector<2560x128xf32>, vector<384x128xf32>, vector<2560x384xf32> -> vector<2560x384xf32>
    %get3A_16 = arith.constant 0 : index
    %get3A_17 = arith.constant 0 : index
    %get3A_18 = vector.load %arg5[%get3A_16, %get3A_17] : memref<1x384xf32, #tpu.memory_space<vmem>>, vector<1x384xf32>
    %add3A = vector.broadcast %get3A_18 : vector<1x384xf32> to vector<2560x384xf32>
    %add3A_19 = arith.addf %dot_general3A_15, %add3A : vector<2560x384xf32>
    %get3A_20 = arith.constant 0 : index
    %get3A_21 = arith.constant 0 : index
    %get3A_22 = vector.load %arg4[%get3A_20, %get3A_21] : memref<384x128xf32, #tpu.memory_space<vmem>>, vector<384x128xf32>
    %dot_general3A_23 = arith.constant dense<0.000000e+00> : vector<2560x384xf32>
    %dot_general3A_24 = tpu.matmul %get3A_11, %get3A_22, %dot_general3A_23 {dimension_numbers = #tpu.dot_dimension_numbers<[1], [1], [0], [0], [0, 0, 1, 0], [], []>, transpose_lhs_hint = false} : vector<2560x128xf32>, vector<384x128xf32>, vector<2560x384xf32> -> vector<2560x384xf32>
    %get3A_25 = arith.constant 0 : index
    %get3A_26 = arith.constant 0 : index
    %get3A_27 = vector.load %arg6[%get3A_25, %get3A_26] : memref<1x384xf32, #tpu.memory_space<vmem>>, vector<1x384xf32>
    %add3A_28 = vector.broadcast %get3A_27 : vector<1x384xf32> to vector<2560x384xf32>
    %add3A_29 = arith.addf %dot_general3A_24, %add3A_28 : vector<2560x384xf32>
    %slice3A = vector.extract_strided_slice %add3A_19 {offsets = [0, 0], sizes = [2560, 128], strides = [1, 1]} : vector<2560x384xf32> to vector<2560x128xf32>
    %slice3A_30 = vector.extract_strided_slice %add3A_19 {offsets = [0, 128], sizes = [2560, 128], strides = [1, 1]} : vector<2560x384xf32> to vector<2560x128xf32>
    %slice3A_31 = vector.extract_strided_slice %add3A_19 {offsets = [0, 256], sizes = [2560, 128], strides = [1, 1]} : vector<2560x384xf32> to vector<2560x128xf32>
    %slice3A_32 = vector.extract_strided_slice %add3A_29 {offsets = [0, 0], sizes = [2560, 128], strides = [1, 1]} : vector<2560x384xf32> to vector<2560x128xf32>
    %slice3A_33 = vector.extract_strided_slice %add3A_29 {offsets = [0, 128], sizes = [2560, 128], strides = [1, 1]} : vector<2560x384xf32> to vector<2560x128xf32>
    %slice3A_34 = vector.extract_strided_slice %add3A_29 {offsets = [0, 256], sizes = [2560, 128], strides = [1, 1]} : vector<2560x384xf32> to vector<2560x128xf32>
    %add3A_35 = arith.addf %slice3A, %slice3A_32 : vector<2560x128xf32>
    %logistic3A = arith.negf %add3A_35 : vector<2560x128xf32>
    %logistic3A_36 = math.exp %logistic3A : vector<2560x128xf32>
    %logistic3A_37 = arith.constant 1.000000e+00 : f32
    %logistic3A_38 = vector.broadcast %logistic3A_37 : f32 to vector<2560x128xf32>
    %logistic3A_39 = arith.addf %logistic3A_38, %logistic3A_36 : vector<2560x128xf32>
    %logistic3A_40 = arith.divf %logistic3A_38, %logistic3A_39 : vector<2560x128xf32>
    %add3A_41 = arith.addf %slice3A_30, %slice3A_33 : vector<2560x128xf32>
    %logistic3A_42 = arith.negf %add3A_41 : vector<2560x128xf32>
    %logistic3A_43 = math.exp %logistic3A_42 : vector<2560x128xf32>
    %logistic3A_44 = arith.constant 1.000000e+00 : f32
    %logistic3A_45 = vector.broadcast %logistic3A_44 : f32 to vector<2560x128xf32>
    %logistic3A_46 = arith.addf %logistic3A_45, %logistic3A_43 : vector<2560x128xf32>
    %logistic3A_47 = arith.divf %logistic3A_45, %logistic3A_46 : vector<2560x128xf32>
    %mul3A = arith.mulf %logistic3A_40, %slice3A_34 : vector<2560x128xf32>
    %add3A_48 = arith.addf %slice3A_31, %mul3A : vector<2560x128xf32>
    %tanh3A = math.tanh %add3A_48 : vector<2560x128xf32>
    %sub3A = arith.constant 1.000000e+00 : f32
    %sub3A_49 = vector.broadcast %sub3A : f32 to vector<2560x128xf32>
    %sub3A_50 = arith.subf %sub3A_49, %logistic3A_47 : vector<2560x128xf32>
    %mul3A_51 = arith.mulf %sub3A_50, %tanh3A : vector<2560x128xf32>
    %mul3A_52 = arith.mulf %logistic3A_47, %get3A_11 : vector<2560x128xf32>
    %add3A_53 = arith.addf %mul3A_51, %mul3A_52 : vector<2560x128xf32>
    %swap3A = arith.constant 0 : index
    %swap3A_54 = arith.constant 0 : index
    %swap3A_55 = vector.load %arg7[%swap3A, %swap3A_54] : memref<2560x128xf32, #tpu.memory_space<vmem>>, vector<2560x128xf32>
    tpu.vector_store %arg7[%swap3A, %swap3A_54], %add3A_53 {strides = array<i32>} : memref<2560x128xf32, #tpu.memory_space<vmem>>, vector<2560x128xf32>,
    return
  }
  func.func @transform_0(%arg0: i32) -> (i32, i32, i32) {
    %c0_i32 = arith.constant 0 : i32
    %c0_i32_0 = arith.constant 0 : i32
    %c0_i32_1 = arith.constant 0 : i32
    return %c0_i32, %arg0, %c0_i32_0 : i32, i32, i32
  }
  func.func @transform_1(%arg0: i32) -> (i32, i32) {
    %c0_i32 = arith.constant 0 : i32
    %c0_i32_0 = arith.constant 0 : i32
    return %arg0, %c0_i32 : i32, i32
  }
  func.func @transform_2(%arg0: i32) -> (i32, i32) {
    %c0_i32 = arith.constant 0 : i32
    %c0_i32_0 = arith.constant 0 : i32
    %c0_i32_1 = arith.constant 0 : i32
    return %c0_i32, %c0_i32_0 : i32, i32
  }
  func.func @transform_3(%arg0: i32) -> (i32, i32) {
    %c0_i32 = arith.constant 0 : i32
    %c0_i32_0 = arith.constant 0 : i32
    %c0_i32_1 = arith.constant 0 : i32
    return %c0_i32, %c0_i32_0 : i32, i32
  }
  func.func @transform_4(%arg0: i32) -> (i32, i32) {
    %c0_i32 = arith.constant 0 : i32
    %c0_i32_0 = arith.constant 0 : i32
    %c0_i32_1 = arith.constant 0 : i32
    return %c0_i32, %c0_i32_0 : i32, i32
  }
  func.func @transform_5(%arg0: i32) -> (i32, i32) {
    %c0_i32 = arith.constant 0 : i32
    %c0_i32_0 = arith.constant 0 : i32
    %c0_i32_1 = arith.constant 0 : i32
    return %c0_i32, %c0_i32_0 : i32, i32
  }
  func.func @transform_6(%arg0: i32) -> (i32, i32) {
    %c0_i32 = arith.constant 0 : i32
    %c0_i32_0 = arith.constant 0 : i32
    return %arg0, %c0_i32 : i32, i32
  }
}

</mosaic_0001>

<sc_bundles>
// kernel: kernel.22.cloned.1.call-start
scs
__scs_entry_jumppad:
0x0: {  	(pc) =	sbr.rel $0x88, $3  }
0x1: {  	(tag) =	ssettag $0x0;
	lr =	simm.s32 $0x1  }
0x2: {  	[smem:$0x3F89] =	sst lr;
	_ =	strace $0xD0000000  }
0x3: {  	_ = 	snop  }
0x4: {  	_ = 	snop  }
0x5: {  	_ = 	snop  }
0x6: {  	_ = 	snop  }
0x7: {  	_ = 	snop  }
__scs_overlays_trampoline_lowered:
0x8: {  	[smem:$0x3F98] =	sst s0  }
0x9: {  	[smem:$0x3F99] =	sst s1  }
0xa: {  	[smem:$0x3F9A] =	sst s2  }
0xb: {  	[smem:$0x3F9B] =	sst s3  }
0xc: {  	[smem:$0x3F9C] =	sst s4  }
0xd: {  	[smem:$0x3F9D] =	sst s5  }
0xe: {  	[smem:$0x3F9E] =	sst s6  }
0xf: {  	[smem:$0x3F9F] =	sst s7  }
0x10: {  	[smem:$0x3FA0] =	sst s8  }
0x11: {  	[smem:$0x3FA1] =	sst s9;
	s0 =	simm.s32 @!p0 $0x0  }
0x12: {  	s1 =	sld [smem:$0x3F87];
	s0 =	simm.s32 @p0 $0x1  }
0x13: {  	[smem:$0x3FA2] =	sst s0;
	s0 =	simm.s32 @!p1 $0x0  }
0x14: {  	s2 =	sld [smem:$0x3F86];
	s0 =	simm.s32 @p1 $0x1  }
0x15: {  	[smem:$0x3FA3] =	sst s0;
	s0 =	simm.s32 @!p2 $0x0  }
0x16: {  	s3 =	sld [smem:$0x3FDB];
	s0 =	simm.s32 @p2 $0x1  }
0x17: {  	s4 =	simm.s32 $0x1BF5;
	[smem:$0x3FA5] =	sst s0  }
0x18: {  	s0 =	sld [smem:$0x3F88];
	_ =	swait.ge [sflag:s4], $0x0  }
0x19: {  	s7 =	sld [smem:$0x3F89]  }
0x1a: {  	s8 =	sadd.s32 $0xFFFFE003, lr  }
0x1b: {  	s9 =	sadd.s32 $0xFFFFFEF7, lr;
	s5 =	simm.s32 $0xFFFFFFFF;
	p2 =	slt.u32 s8, $0xFFFFF086  }
0x1c: {  	p1 =	slt.u32 s9, $0xF7A;
	s5 =	simm.s32 @!p2 $0x0  }
0x1d: {  	s5 =	simm.s32 @p1 $0x1;
	p0 =	seq.s32 s7, s2  }
0x1e: {  	s7 =	smul.u32 @!p0 $0xF7A, s2;
	p2 =	seq.s32 @!p0 s5, $0x0  }
0x1f: {  	s9 =	smul.u32 $0xF7A, s1;
	s8 =	simm.s32 @!p0 $0x1BF5;
	p2 =	por !p2, p0  }
0x20: {  	[sflag:s8] =	ssyncset.s32 @!p0 $0xFFFFF086;
	s6 =	sadd.s32 @!p0 s3, s7;
	s7 =	simm.s32 @!p0 $0x108  }
0x21: {  	s3 =	sadd.s32 s3, s9;
	s6 =	sadd.s32 @!p0 $0x88, s6;
	s7 =	simm.s32 @p2 $0x1082  }
0x22: {  	[simem:s7], [sflag:s8] =	dma.local @!p0 [hbm:s6], $0xF7A  }
0x23: {  	s9 =	sor.u32 $0xD0000000, s2;
	s6 =	simm.s32 $0x108;
	_ =	swait.ge @!p0 [sflag:s8], $0x0  }
0x24: {  	s3 =	sadd.s32 $0x88, s3;
	s6 =	simm.s32 @!p1 $0x1082;
	[sflag:s4] =	ssyncset.s32 $0xFFFFF086  }
0x25: {  	[simem:s6], [sflag:s4] =	dma.local [hbm:s3], $0xF7A  }
0x26: {  	[smem:$0x3F89] =	sst s1;
	(tag) =	ssettag s2;
	_ =	strace s9  }
0x27: {  	s1 =	sld [smem:$0x3F99]  }
0x28: {  	s2 =	sld [smem:$0x3F9A]  }
0x29: {  	s4 =	sld [smem:$0x3F9C]  }
0x2a: {  	p0 =	seq.s32 s5, $0x0;
	s5 =	sld [smem:$0x3F9D]  }
0x2b: {  	s6 =	sld [smem:$0x3F9E]  }
0x2c: {  	s7 =	sld [smem:$0x3F9F]  }
0x2d: {  	s3 =	simm.s32 $0x108;
	s8 =	sld [smem:$0x3FA0]  }
0x2e: {  	s3 =	simm.s32 @!p0 $0x1082;
	s9 =	sld [smem:$0x3FA1]  }
0x2f: {  	lr =	sadd.s32 s0, s3;
	s0 =	sld [smem:$0x3F98]  }
0x30: {  	s3 =	sld [smem:$0x3F9B]  }
0x31: {  	[smem:$0x3FA4] =	sst s10  }
0x32: {  	s10 =	sld [smem:$0x3FA2];
	_ =	sdelay $0x3  }
0x33: {  	p0 =	seq.s32 s10, $0x1;
	s10 =	sld [smem:$0x3FA4];
	_ =	sdelay $0x3  }
0x34: {  	[smem:$0x3FA4] =	sst s10  }
0x35: {  	s10 =	sld [smem:$0x3FA3];
	_ =	sdelay $0x3  }
0x36: {  	p1 =	seq.s32 s10, $0x1;
	s10 =	sld [smem:$0x3FA4];
	_ =	sdelay $0x3  }
0x37: {  	[smem:$0x3FA4] =	sst s10  }
0x38: {  	s10 =	sld [smem:$0x3FA5]  }
0x39: {  	_ = 	snop;
	(pc) =	sbr.ind lr, $3  }
0x3a: {  	_ = 	snop  }
0x3b: {  	_ = 	snop  }
0x3c: {  	p2 =	seq.s32 s10, $0x1;
	s10 =	sld [smem:$0x3FA4]  }
0x3d: {  	_ =	shalt  }
0x3e: {  	_ =	shalt  }
0x3f: {  	_ =	shalt  }
0x40: {  	_ =	shalt  }
0x41: {  	_ =	shalt  }
0x42: {  	_ =	shalt  }
0x43: {  	_ =	shalt  }
0x44: {  	_ =	shalt  }
0x45: {  	_ =	shalt  }
0x46: {  	_ =	shalt  }
0x47: {  	_ =	shalt  }
0x48: {  	_ =	shalt  }
0x49: {  	_ =	shalt  }
0x4a: {  	_ =	shalt  }
0x4b: {  	_ =	shalt  }
0x4c: {  	_ =	shalt  }
0x4d: {  	_ =	shalt  }
0x4e: {  	_ =	shalt  }
0x4f: {  	_ =	shalt  }
0x50: {  	_ =	shalt  }
0x51: {  	_ =	shalt  }
0x52: {  	_ =	shalt  }
0x53: {  	_ =	shalt  }
0x54: {  	_ =	shalt  }
0x55: {  	_ =	shalt  }
0x56: {  	_ =	shalt  }
0x57: {  	_ =	shalt  }
0x58: {  	_ =	shalt  }
0x59: {  	_ =	shalt  }
0x5a: {  	_ =	shalt  }
0x5b: {  	_ =	shalt  }
0x5c: {  	_ =	shalt  }
0x5d: {  	_ =	shalt  }
0x5e: {  	_ =	shalt  }
0x5f: {  	_ =	shalt  }
0x60: {  	_ =	shalt  }
0x61: {  	_ =	shalt  }
0x62: {  	_ =	shalt  }
0x63: {  	_ =	shalt  }
0x64: {  	_ =	shalt  }
0x65: {  	_ =	shalt  }
0x66: {  	_ =	shalt  }
0x67: {  	_ =	shalt  }
0x68: {  	_ =	shalt  }
0x69: {  	_ =	shalt  }
0x6a: {  	_ =	shalt  }
0x6b: {  	_ =	shalt  }
0x6c: {  	_ =	shalt  }
0x6d: {  	_ =	shalt  }
0x6e: {  	_ =	shalt  }
0x6f: {  	_ =	shalt  }
0x70: {  	_ =	shalt  }
0x71: {  	_ =	shalt  }
0x72: {  	_ =	shalt  }
0x73: {  	_ =	shalt  }
0x74: {  	_ =	shalt  }
0x75: {  	_ =	shalt  }
0x76: {  	_ =	shalt  }
0x77: {  	_ =	shalt  }
0x78: {  	_ =	shalt  }
0x79: {  	_ =	shalt  }
0x7a: {  	_ =	shalt  }
0x7b: {  	_ =	shalt  }
0x7c: {  	_ =	shalt  }
0x7d: {  	_ =	shalt  }
0x7e: {  	_ =	shalt  }
0x7f: {  	_ =	shalt  }
0x80: {  	_ =	shalt  }
0x81: {  	_ =	shalt  }
0x82: {  	_ =	shalt  }
0x83: {  	_ =	shalt  }
0x84: {  	_ =	shalt  }
0x85: {  	_ =	shalt  }
0x86: {  	_ =	shalt  }
0x87: {  	_ =	shalt  }
.Lfunc_end0:
.L_simem_size_0:
called_computation_lowered:
.L_overlay_start_0:
0x88: {  	s2 =	sld [smem:$0x3FD9]  }
0x89: {  	s3 =	sld [smem:$0x3FFE];
	_ =	sdelay $0x1  }
0x8a: {  	s1 =	srdreg.scid  }
0x8b: {  	s0 =	sand.u32 $0x1, s1  }
0x8c: {  	s14 =	sshll.u32 s0, $0xA;
	s2 =	sadd.s32 s3, s2  }
0x8d: {  	s2 =	sadd.s32 s2, s14  }
0x8e: {  	[smem:$0x3FB0] =	sst s2  }
0x8f: {  	_ = 	snop  }
0x90: {  	s2 =	sld [smem:$0x3FD0];
	_ =	sdelay $0x2  }
0x91: {  	s15 =	simm.s32 $0xA;
	s4 =	simm.s32 $0x10  }
0x92: {  	[smem:s4], [sflag:s15] =	dma.local [hbm:s2], $0x1  }
0x93: {  	_ =	swait.eq [sflag:s15], $0x1  }
0x94: {  	[sflag:s15] =	ssyncset.done $0x0  }
0x95: {  	s16 =	sld [smem:$0x10];
	[sflag:s15] =	ssyncadd.s32 $0xFFFFFFFF  }
0x96: {  	s17 =	sld [smem:$0x11];
	(tm) =	ssettm $0x1  }
0x97: {  	s18 =	sld [smem:$0x3FFB];
	_ =	sdelay $0x3  }
0x98: {  	_ =	strace s18  }
0x99: {  	s4 =	sld [smem:$0x3FFC];
	_ =	sdelay $0x3  }
0x9a: {  	_ =	strace s4  }
0x9b: {  	s4 =	sld [smem:$0x3FFD];
	_ =	sdelay $0x3  }
0x9c: {  	_ =	strace s4  }
0x9d: {  	_ =	strace $0x8FFFFFFF  }
0x9e: {  	s19 =	sld [smem:$0x3FDB];
	_ =	sdelay $0x1  }
0x9f: {  	s5 =	simm.s32 $_scs_section_size  }
0xa0: {  	s6 =	simm.s32 $_size__tile_overlayer_lowered;
	s7 =	simm.s32 $_tile_overlayer_lowered  }
0xa1: {  	s22 =	simm.s32 $0x1BFF;
	s21 =	sshll.u32 s7, $0x1;
	s4 =	sadd.s32 s5, s19  }
0xa2: {  	s8 =	simm.s32 $0x0;
	s20 =	sshll.u32 s6, $0x1;
	s6 =	sadd.s32 s21, s4  }
0xa3: {  	[timem:s8], [sflag:s22] =	dma.local [hbm:s6], s20  }
0xa4: {  	_ =	swait.ge [sflag:s22], s20  }
0xa5: {  	s5 =	ssub.s32 $0x0, s20;
	[sflag:s22] =	ssyncset.done $0x0  }
0xa6: {  	[sflag:s22] =	ssyncadd.s32 s5;
	_ =	sdelay $0x1  }
0xa7: {  	s23 =	simm.s32 $0x1B8B  }
0xa8: {  	_ =	swait.ge [sflag:s23], $0x1  }
0xa9: {  	[sflag:s23] =	ssyncset.done $0x0  }
0xaa: {  	s25 =	simm.s32 $0x1B8E;
	s24 =	sld [smem:$0x3FFE];
	[sflag:s23] =	ssyncadd.s32 $0xFFFFFFFF  }
0xab: {  	s26 =	simm.s32 $execute0_lowered;
	[smem:$0x3FD2] =	sst s25  }
0xac: {  	s6 =	sshll.u32 s26, $0x1;
	_ =	strace $0x80000046;
	[dreg:$0x1] =	wrdreg $0xFFFFFFFF  }
0xad: {  	s28 =	simm.s32 $_size_execute0_lowered;
	s4 =	sadd.s32 s4, s6;
	[dreg:$0x0] =	wrdreg $0x0  }
0xae: {  	s6 =	sshll.u32 s28, $0x1;
	[dreg:$0x2] =	wrdreg s4  }
0xaf: {  	[dreg:$0x3] =	wrdreg s6  }
0xb0: {  	[dreg:$0x4] =	wrdreg $0xC0  }
0xb1: {  	_ =	task [dreg:s8], $0x5FFFF  }
0xb2: {  	[dreg:$0x1] =	wrdreg $0xFFFFFFFF  }
0xb3: {  	[dreg:$0x0] =	wrdreg $0x60  }
0xb4: {  	[dreg:$0x2] =	wrdreg s24  }
0xb5: {  	[dreg:$0x3] =	wrdreg s17  }
0xb6: {  	[dreg:$0x4] =	wrdreg s16  }
0xb7: {  	[dreg:$0x5] =	wrdreg $0x108000  }
0xb8: {  	[dreg:$0x6] =	wrdreg $0x158000  }
0xb9: {  	[dreg:$0x7] =	wrdreg $0x9  }
0xba: {  	_ =	task.clear_ibuf [dreg:s8], $0x8FFFF;
	_ =	strace $0x90000046  }
0xbb: {  	s29 =	simm.s32 $0x9;
	_ =	strace $0x80000048  }
0xbc: {  	_ =	swait.ge [sflag:s29], $0x1  }
0xbd: {  	[sflag:s29] =	ssyncadd.s32 $0xFFFFFFFF  }
0xbe: {  	_ =	strace $0x90000048  }
0xbf: {  	_ =	sfence  }
0xc0: {  	s30 =	sld [smem:$0x0];
	_ =	sdelay $0x2  }
0xc1: {  	s31 =	sshll.u32 s1, $0xD;
	s1 =	sshrl.u32 s1, $0x2  }
0xc2: {  	s3 =	sand.u32 $0x4000, s31;
	s1 =	sadd.s32 s1, s30  }
0xc3: {  	s0 =	sor.u32 s3, s0;
	s1 =	sshll.u32 s1, $0x11  }
0xc4: {  	s0 =	sor.u32 s1, s0  }
0xc5: {  	s0 =	sadd.s32 $0x8F2B, s0  }
0xc6: {  	[sflag:s0] =	ssyncadd.remote.s32 $0x1  }
0xc7: {  	_ =	sfence.sel $0xFFFF  }
0xc8: {  	[dreg:$0x0] =	wrdreg $0xFFFFFFFF;
	(pc) =	sbr.abs _section_cstart, $3  }
0xc9: {  	[dreg:$0x1] =	wrdreg $0xFFFFFFFF  }
0xca: {  	_ =	task.clear_ibuf [dreg:s8], $0x2FFFF;
	_ =	strace $0x9FFFFFFF  }
0xcb: {  	(tm) =	ssettm $0x7FFFFFFF  }
tec
execute0_lowered:
.L_overlay_start_1:
0x0: {  	(tag) =	ssettag $0x1  }
0x1: {  	s0 =	rddreg [dreg:$0x0]  }
0x2: {  	s1 =	rddreg [dreg:$0x1];
	s15 =	stileid.u32  }
0x3: {  	s7 =	rddreg [dreg:$0x2];
	s5 =	smul.u32 $0xA00, s15  }
0x4: {  	s2 =	rddreg [dreg:$0x3];
	s11 =	smul.u32 $0x5000, s15  }
0x5: {  	s4 =	srdreg.scid;
	s19 =	smul.u32 $0x14000, s15  }
0x6: {  	s3 =	rddreg [dreg:$0x4];
	s13 =	smul.u32 $0x28000, s15  }
0x7: {  	s6 =	sand.u32 $0x1, s4;
	s4 =	simm.s32 $0x0;
	s23 =	smul.u32 $0xA000, s15  }
0x8: {  	s8 =	smul.u32 $0x50000, s6;
	[smem:$0x7FF] =	sst s4;
	s18 =	ssub.s32 $0x2, s6  }
0x9: {  	s14 =	smul.u32 $0xA0000, s6;
	_ =	strace $0x80000047;
	s12 =	sadd.s32 s5, s0  }
0xa: {  	s20 =	sshrl.u32 s18, $0x1;
	s21 =	sshrl.u32 s19, $0x2;
	s22 =	sshrl.u32 s13, $0x2  }
0xb: {  	s16 =	sadd.s32 s11, s2;
	s13 =	simm.s32 $0xC800;
	s9 =	sshrl.u32 s8, $0x3  }
0xc: {  	s17 =	sadd.s32 s11, s8;
	s8 =	ssub.s32 s18, s20;
	s6 =	sadd.s32 s22, s3  }
0xd: {  	s24 =	sadd.s32 $0x1A800, s12;
	s25 =	sshrl.u32 s14, $0x3;
	s26 =	sadd.s32 $0x24800, s12  }
0xe: {  	s14 =	sadd.s32 s23, s14;
	s11 =	simm.s32 $0x8800;
	[dreg:$0x7] =	wrdreg s24  }
0xf: {  	s10 =	sadd.s32 s9, s0;
	s5 =	sshrl.u32 s17, $0x3;
	[dreg:$0x8] =	wrdreg s26  }
0x10: {  	s9 =	sadd.s32 s1, s25;
	s15 =	sshrl.u32 s14, $0x3;
	s17 =	sadd.s32 s23, s3  }
0x11: {  	s18 =	smax.u32 s8, $0x1;
	s22 =	sadd.s32 $0x1000, s6;
	s23 =	sadd.s32 $0x2000, s6  }
0x12: {  	s24 =	sadd.s32 $0x3000, s6;
	s25 =	sadd.s32 $0x4000, s6;
	[dreg:$0xb] =	wrdreg s18  }
0x13: {  	s1 =	sshrl.u32 s16, $0x3;
	s26 =	sadd.s32 $0x5000, s6;
	[dreg:$0x10] =	wrdreg s22  }
0x14: {  	s28 =	sadd.s32 $0x6000, s6;
	s29 =	sadd.s32 $0x7000, s6;
	[dreg:$0x11] =	wrdreg s23  }
0x15: {  	s30 =	sadd.s32 $0x8000, s6;
	s31 =	sadd.s32 $0x9000, s6;
	[dreg:$0x12] =	wrdreg s24  }
0x16: {  	s8 =	simm.s32 $0x100;
	s14 =	simm.s32 $0x1;
	[dreg:$0x13] =	wrdreg s25  }
0x17: {  	s16 =	simm.s32 $0x2;
	s0 =	sadd.s32 s5, s0;
	[dreg:$0x14] =	wrdreg s1  }
0x18: {  	s5 =	sadd.s32 s21, s2;
	s10 =	sadd.s32 $0x6800, s10;
	[dreg:$0x16] =	wrdreg s26  }
0x19: {  	s22 =	sadd.s32 $0x24840, s12;
	s0 =	sadd.s32 $0x2E800, s0;
	[dreg:$0x6] =	wrdreg s5  }
0x1a: {  	s23 =	sadd.s32 $0x1A840, s12;
	s19 =	sadd.s32 $0x1000, s5;
	[dreg:$0x9] =	wrdreg s0  }
0x1b: {  	s1 =	simm.s32 $0x800;
	s20 =	sadd.s32 $0x2000, s5;
	[dreg:$0xc] =	wrdreg s19  }
0x1c: {  	s12 =	simm.s32 $0x4800;
	s21 =	sadd.s32 $0x3000, s5;
	[dreg:$0xd] =	wrdreg s20  }
0x1d: {  	s18 =	simm.s32 $0x0;
	s5 =	sadd.s32 $0x4000, s5;
	[dreg:$0xe] =	wrdreg s21  }
0x1e: {  	s0 =	sadd.s32 s7, s15;
	[dreg:$0xf] =	wrdreg s5;
	s7 =	simm.s32 $0x400  }
0x1f: {  	s15 =	simm.s32 $0x3;
	[dreg:$0xa] =	wrdreg s0;
	s0 =	sshrl.u32 s17, $0x3  }
0x20: {  	v0 =	vimm.f32 $0.0e+00;
	s17 =	simm.s32 $0x4;
	[dreg:$0x15] =	wrdreg s0;
	s0 =	simm.s32 $0x6  }
.LBB2_1:
0x21: {  	s20 =	simm.s32 $0x100;
	s19 =	simm.s32 $0x0  }
.LBB2_2:
0x22: {  	p0 =	sne.s32 s20, $0x3F00;
	[tilespmem:s19+$0x830] =	vst v0;
	s21 =	smov.u32 s20;
	s20 =	sadd.s32 $0x100, s20  }
.Ltmp0:
0x23: {  	[tilespmem:s19+$0x820] =	vst v0;
	(pc) =	sbr.rel @p0 .LBB2_2-.Ltmp0, $3  }
0x24: {  	[tilespmem:s19+$0x800] =	vst v0  }
0x25: {  	[tilespmem:s19+$0x810] =	vst v0;
	_ =	sdelay $0x1  }
0x26: {  	s19 =	sshra.s32 s21, $0x2  }
0x27: {  	[tilespmem:s19+$0x830] =	vst v0  }
0x28: {  	[tilespmem:s19+$0x820] =	vst v0  }
0x29: {  	[tilespmem:s19+$0x800] =	vst v0  }
0x2a: {  	[tilespmem:s19+$0x810] =	vst v0;
	s5 =	rddreg [dreg:$0x6]  }
0x2b: {  	[spmem:s5] =	stream.linear.scatter [tilespmem:s1], [sflag:$0x6], $0x1000, $0x38;
	[tilespmem:$0x1F800] =	vst v63  }
0x2c: {  	_ =	swait.ge [sflag:s0], $0x1000  }
0x2d: {  	[sflag:s0] =	ssyncset.done $0x0  }
0x2e: {  	s20 =	rddreg [dreg:$0xc];
	[sflag:s0] =	ssyncadd.s32 $0xFFFFF000  }
0x2f: {  	[spmem:s20] =	stream.linear.scatter [tilespmem:s1], [sflag:$0x6], $0x1000, $0x38;
	[tilespmem:$0x1F800] =	vst v63  }
0x30: {  	_ =	swait.ge [sflag:s0], $0x1000  }
0x31: {  	[sflag:s0] =	ssyncset.done $0x0  }
0x32: {  	s21 =	rddreg [dreg:$0xd];
	[sflag:s0] =	ssyncadd.s32 $0xFFFFF000  }
0x33: {  	[spmem:s21] =	stream.linear.scatter [tilespmem:s1], [sflag:$0x6], $0x1000, $0x38;
	[tilespmem:$0x1F800] =	vst v63  }
0x34: {  	_ =	swait.ge [sflag:s0], $0x1000  }
0x35: {  	[sflag:s0] =	ssyncset.done $0x0  }
0x36: {  	s24 =	rddreg [dreg:$0xe];
	[sflag:s0] =	ssyncadd.s32 $0xFFFFF000  }
0x37: {  	[spmem:s24] =	stream.linear.scatter [tilespmem:s1], [sflag:$0x6], $0x1000, $0x38;
	[tilespmem:$0x1F800] =	vst v63  }
0x38: {  	_ =	swait.ge [sflag:s0], $0x1000  }
0x39: {  	[sflag:s0] =	ssyncset.done $0x0  }
0x3a: {  	s25 =	rddreg [dreg:$0xf];
	[sflag:s0] =	ssyncadd.s32 $0xFFFFF000  }
0x3b: {  	[spmem:s25] =	stream.linear.scatter [tilespmem:s1], [sflag:$0x6], $0x1000, $0x38;
	[tilespmem:$0x1F800] =	vst v63  }
0x3c: {  	_ =	swait.ge [sflag:s0], $0x1000  }
0x3d: {  	[sflag:s0] =	ssyncset.done $0x0  }
0x3e: {  	[sflag:s0] =	ssyncadd.s32 $0xFFFFF000  }
0x3f: {  	[spmem:s6] =	stream.linear.scatter [tilespmem:s1], [sflag:$0x6], $0x1000, $0x38;
	[tilespmem:$0x1F800] =	vst v63  }
0x40: {  	_ =	swait.ge [sflag:s0], $0x1000  }
0x41: {  	[sflag:s0] =	ssyncset.done $0x0  }
0x42: {  	s26 =	rddreg [dreg:$0x10];
	[sflag:s0] =	ssyncadd.s32 $0xFFFFF000  }
0x43: {  	[spmem:s26] =	stream.linear.scatter [tilespmem:s1], [sflag:$0x6], $0x1000, $0x38;
	[tilespmem:$0x1F800] =	vst v63  }
0x44: {  	_ =	swait.ge [sflag:s0], $0x1000  }
0x45: {  	[sflag:s0] =	ssyncset.done $0x0  }
0x46: {  	s19 =	rddreg [dreg:$0x11];
	[sflag:s0] =	ssyncadd.s32 $0xFFFFF000  }
0x47: {  	[spmem:s19] =	stream.linear.scatter [tilespmem:s1], [sflag:$0x6], $0x1000, $0x38;
	[tilespmem:$0x1F800] =	vst v63  }
0x48: {  	_ =	swait.ge [sflag:s0], $0x1000  }
0x49: {  	[sflag:s0] =	ssyncset.done $0x0  }
0x4a: {  	s20 =	rddreg [dreg:$0x12];
	[sflag:s0] =	ssyncadd.s32 $0xFFFFF000  }
0x4b: {  	[spmem:s20] =	stream.linear.scatter [tilespmem:s1], [sflag:$0x6], $0x1000, $0x38;
	[tilespmem:$0x1F800] =	vst v63  }
0x4c: {  	_ =	swait.ge [sflag:s0], $0x1000  }
0x4d: {  	[sflag:s0] =	ssyncset.done $0x0  }
0x4e: {  	s21 =	rddreg [dreg:$0x13];
	[sflag:s0] =	ssyncadd.s32 $0xFFFFF000  }
0x4f: {  	[spmem:s21] =	stream.linear.scatter [tilespmem:s1], [sflag:$0x6], $0x1000, $0x38;
	[tilespmem:$0x1F800] =	vst v63  }
0x50: {  	_ =	swait.ge [sflag:s0], $0x1000  }
0x51: {  	[sflag:s0] =	ssyncset.done $0x0  }
0x52: {  	s24 =	rddreg [dreg:$0x16];
	[sflag:s0] =	ssyncadd.s32 $0xFFFFF000  }
0x53: {  	[spmem:s24] =	stream.linear.scatter [tilespmem:s1], [sflag:$0x6], $0x1000, $0x38;
	[tilespmem:$0x1F800] =	vst v63  }
0x54: {  	_ =	swait.ge [sflag:s0], $0x1000  }
0x55: {  	[sflag:s0] =	ssyncset.done $0x0  }
0x56: {  	[sflag:s0] =	ssyncadd.s32 $0xFFFFF000  }
0x57: {  	[spmem:s28] =	stream.linear.scatter [tilespmem:s1], [sflag:$0x6], $0x1000, $0x38;
	[tilespmem:$0x1F800] =	vst v63  }
0x58: {  	_ =	swait.ge [sflag:s0], $0x1000  }
0x59: {  	[sflag:s0] =	ssyncset.done $0x0  }
0x5a: {  	[sflag:s0] =	ssyncadd.s32 $0xFFFFF000  }
0x5b: {  	[spmem:s29] =	stream.linear.scatter [tilespmem:s1], [sflag:$0x6], $0x1000, $0x38;
	[tilespmem:$0x1F800] =	vst v63  }
0x5c: {  	_ =	swait.ge [sflag:s0], $0x1000  }
0x5d: {  	[sflag:s0] =	ssyncset.done $0x0  }
0x5e: {  	[sflag:s0] =	ssyncadd.s32 $0xFFFFF000  }
0x5f: {  	[spmem:s30] =	stream.linear.scatter [tilespmem:s1], [sflag:$0x6], $0x1000, $0x38;
	[tilespmem:$0x1F800] =	vst v63  }
0x60: {  	_ =	swait.ge [sflag:s0], $0x1000  }
0x61: {  	[sflag:s0] =	ssyncset.done $0x0  }
0x62: {  	[sflag:s0] =	ssyncadd.s32 $0xFFFFF000  }
0x63: {  	[spmem:s31] =	stream.linear.scatter [tilespmem:s1], [sflag:$0x6], $0x1000, $0x38;
	[tilespmem:$0x1F800] =	vst v63  }
0x64: {  	_ =	swait.ge [sflag:s0], $0x1000  }
0x65: {  	[sflag:s0] =	ssyncset.done $0x0  }
0x66: {  	[sflag:s0] =	ssyncadd.s32 $0xFFFFF000  }
0x67: {  	[bflag:$0x0] =	sbarrier.arrive $0xFFFF  }
0x68: {  	s19 =	simm.s32 $0x0;
	s25 =	rddreg [dreg:$0x7]  }
0x69: {  	[tilespmem:s19], [sflag:$0x6] =	stream.linear.gather [hbm4b:s25+s19], $0x200, $0x38;
	[tilespmem:$0x1F800] =	vst v63  }
0x6a: {  	_ =	swait.ge [sflag:s0], $0x200  }
0x6b: {  	[sflag:s0] =	ssyncset.done $0x0  }
0x6c: {  	s26 =	rddreg [dreg:$0x8];
	[sflag:s0] =	ssyncadd.s32 $0xFFFFFE00  }
0x6d: {  	[tilespmem:s7], [sflag:$0x6] =	stream.linear.gather [hbm4b:s26+s19], $0x200, $0x38;
	[tilespmem:$0x1F800] =	vst v63  }
0x6e: {  	_ =	swait.ge [sflag:s0], $0x200  }
0x6f: {  	[sflag:s0] =	ssyncset.done $0x0  }
0x70: {  	[sflag:s0] =	ssyncadd.s32 $0xFFFFFE00  }
0x71: {  	[tilespmem:s1], [sflag:$0x1] =	stream.indirect.gather [hbm4b:s9+s8], $0x40, s19, s8, $0xb8;
	[tilespmem:$0x1F800] =	vst v63  }
0x72: {  	s20 =	simm.s32 $0x0  }
0x73: {  	[tilespmem:s11], [sflag:$0x1] =	stream.indirect.gather [hbm4b:s10+s8], $0x40, s7, s8, $0xb8;
	[tilespmem:$0x1F800] =	vst v63  }
.LBB2_4:
0x74: {  	p0 =	seq.s32 s19, $0x0  }
0x75: {  	s25 =	simm.s32 @!p0 $0x4  }
0x76: {  	_ =	swait.ge @!p0 [sflag:s25], $0x4000  }
0x77: {  	[sflag:s25] =	ssyncset.done @!p0 $0x0  }
0x78: {  	[sflag:s25] =	ssyncadd.s32 @!p0 $0xFFFFC000  }
0x79: {  	s24 =	sand.u32 $0x1, s20;
	p1 =	seq.s32 @!p0 s19, $0x9C0;
	_ =	swait.ge @!p0 [sflag:s25], $0x4000  }
0x7a: {  	s21 =	sxor.u32 $0x1, s24;
	p1 =	por p0, !p1;
	[sflag:s25] =	ssyncset.done @!p0 $0x0  }
0x7b: {  	s26 =	sadd.s32 @p1 s19, s23;
	[sflag:s25] =	ssyncadd.s32 @!p0 $0xFFFFC000;
	s25 =	sshll.u32 @p1 s21, $0x9  }
0x7c: {  	[tilespmem:s25], [sflag:$0x5] =	stream.linear.gather @p1 [hbm4b:s26+s4], $0x200, $0x38;
	[tilespmem:$0x1F800] =	vst v63  }
0x7d: {  	s24 =	sshll.u32 s24, $0x9;
	s25 =	sor.u32 @p1 $0x400, s25;
	s26 =	sadd.s32 @p1 s19, s22  }
0x7e: {  	[tilespmem:s25], [sflag:$0x5] =	stream.linear.gather @p1 [hbm4b:s26+s4], $0x200, $0x38;
	[tilespmem:$0x1F800] =	vst v63  }
0x7f: {  	s25 =	sor.u32 $0x100, s24  }
0x80: {  	[tilespmem:s12], [sflag:$0x2] =	stream.indirect.gather [hbm4b:s9+s8], $0x40, s25, s8, $0xb8;
	[tilespmem:$0x1F800] =	vst v63  }
0x81: {  	s26 =	sor.u32 $0x500, s24  }
0x82: {  	[tilespmem:s13], [sflag:$0x2] =	stream.indirect.gather [hbm4b:s10+s8], $0x40, s26, s8, $0xb8;
	[tilespmem:$0x1F800] =	vst v63  }
0x83: {  	_ =	swait.ge [sflag:s14], $0x4000  }
0x84: {  	[sflag:s14] =	ssyncset.done $0x0  }
0x85: {  	[sflag:s14] =	ssyncadd.s32 $0xFFFFC000  }
0x86: {  	_ =	swait.ge [sflag:s14], $0x4000  }
0x87: {  	[sflag:s14] =	ssyncset.done $0x0  }
0x88: {  	s5 =	sor.u32 $0x400, s24;
	[sflag:s14] =	ssyncadd.s32 $0xFFFFC000  }
0x89: {  	[spmem:s2] =	stream.indirect.scatter.add.f32 [tilespmem:s1], [sflag:$0x3], $0x40, s5, s8, $0xb8;
	[tilespmem:$0x1F800] =	vst v63  }
0x8a: {  	_ = 	snop  }
0x8b: {  	[spmem:s3] =	stream.indirect.scatter.add.f32 [tilespmem:s11], [sflag:$0x3], $0x40, s24, s8, $0xb8;
	[tilespmem:$0x1F800] =	vst v63  }
0x8c: {  	_ =	swait.ge [sflag:s15], $0x4000  }
0x8d: {  	[sflag:s15] =	ssyncset.done $0x0  }
0x8e: {  	[sflag:s15] =	ssyncadd.s32 $0xFFFFC000  }
0x8f: {  	p0 =	por @!p0 $0x1, $0x1;
	_ =	swait.ge [sflag:s15], $0x4000  }
0x90: {  	p0 =	por @p1 $0x0, $0x0;
	[sflag:s15] =	ssyncset.done $0x0  }
0x91: {  	s5 =	simm.s32 @!p0 $0x5;
	[sflag:s15] =	ssyncadd.s32 $0xFFFFC000  }
0x92: {  	_ =	swait.ge @!p0 [sflag:s5], $0x200  }
0x93: {  	[sflag:s5] =	ssyncset.done @!p0 $0x0  }
0x94: {  	[sflag:s5] =	ssyncadd.s32 @!p0 $0xFFFFFE00  }
0x95: {  	_ =	swait.ge @!p0 [sflag:s5], $0x200  }
0x96: {  	s24 =	simm.s32 @!p0 $0x800;
	[sflag:s5] =	ssyncset.done @!p0 $0x0  }
0x97: {  	[sflag:s5] =	ssyncadd.s32 @!p0 $0xFFFFFE00;
	s5 =	sshll.u32 @!p0 s21, $0x9;
	s21 =	simm.s32 @!p0 $0x100  }
0x98: {  	[tilespmem:s24], [sflag:$0x1] =	stream.indirect.gather @!p0 [hbm4b:s9+s21], $0x40, s5, s21, $0xb8;
	[tilespmem:$0x1F800] =	vst v63  }
0x99: {  	s5 =	sor.u32 @!p0 $0x400, s5;
	s24 =	simm.s32 @!p0 $0x8800  }
0x9a: {  	[tilespmem:s24], [sflag:$0x1] =	stream.indirect.gather @!p0 [hbm4b:s10+s21], $0x40, s5, s21, $0xb8;
	[tilespmem:$0x1F800] =	vst v63  }
0x9b: {  	_ =	swait.ge [sflag:s16], $0x4000  }
0x9c: {  	[sflag:s16] =	ssyncset.done $0x0  }
0x9d: {  	s19 =	sadd.s32 $0x40, s19;
	[sflag:s16] =	ssyncadd.s32 $0xFFFFC000  }
0x9e: {  	p0 =	sne.s32 s19, $0xA00;
	_ =	swait.ge [sflag:s16], $0x4000  }
.Ltmp1:
0x9f: {  	[sflag:s16] =	ssyncset.done $0x0;
	(pc) =	sbr.rel @p0 .LBB2_4-.Ltmp1, $4  }
0xa0: {  	[sflag:s16] =	ssyncadd.s32 $0xFFFFC000  }
0xa1: {  	[spmem:s2] =	stream.indirect.scatter.add.f32 [tilespmem:s12], [sflag:$0x4], $0x40, s26, s8, $0xb8;
	[tilespmem:$0x1F800] =	vst v63  }
0xa2: {  	s20 =	sadd.s32 $0x1, s20  }
0xa3: {  	[spmem:s3] =	stream.indirect.scatter.add.f32 [tilespmem:s13], [sflag:$0x4], $0x40, s25, s8, $0xb8;
	[tilespmem:$0x1F800] =	vst v63  }
0xa4: {  	_ =	swait.ge [sflag:s17], $0x4000  }
0xa5: {  	[sflag:s17] =	ssyncset.done $0x0  }
0xa6: {  	[sflag:s17] =	ssyncadd.s32 $0xFFFFC000  }
0xa7: {  	_ =	swait.ge [sflag:s17], $0x4000  }
0xa8: {  	[sflag:s17] =	ssyncset.done $0x0  }
0xa9: {  	[sflag:s17] =	ssyncadd.s32 $0xFFFFC000  }
0xaa: {  	s5 =	stileid.u32;
	[bflag:$0x0] =	sbarrier.arrive $0xFFFF  }
0xab: {  	s5 =	sshll.u32 s5, $0x6;
	s19 =	rddreg [dreg:$0x9]  }
0xac: {  	s5 =	sor.u32 $0x1C06, s5;
	s20 =	rddreg [dreg:$0x14]  }
0xad: {  	[hbm:s19], [sflag:s5] =	dma.local [spmem:s20], $0xA00  }
0xae: {  	_ =	swait.ge [sflag:s0], $0xA00  }
0xaf: {  	[sflag:s0] =	ssyncset.done $0x0;
	s24 =	rddreg [dreg:$0xa]  }
0xb0: {  	s25 =	rddreg [dreg:$0x15];
	[sflag:s0] =	ssyncadd.s32 $0xFFFFF600  }
0xb1: {  	[hbm:s24], [sflag:s5] =	dma.local [spmem:s25], $0x1400  }
0xb2: {  	_ =	swait.ge [sflag:s0], $0x1400  }
0xb3: {  	s18 =	sadd.s32 $0x1, s18;
	s26 =	rddreg [dreg:$0xb]  }
0xb4: {  	p0 =	sne.s32 s18, s26  }
.Ltmp2:
0xb5: {  	_ = 	snop;
	(pc) =	sbr.rel @p0 .LBB2_1-.Ltmp2, $3  }
0xb6: {  	_ =	sdelay $0x1  }
0xb7: {  	[sflag:s0] =	ssyncset.done $0x0  }
0xb8: {  	[sflag:s0] =	ssyncadd.s32 $0xFFFFEC00  }
0xb9: {  	_ =	sfence.sel $0x180000  }
0xba: {  	[bflag:$0x0] =	sbarrier.arrive $0xFFFF  }
0xbb: {  	_ =	strace $0x90000047  }
0xbc: {  	s0 =	stileid.u32;
	[bflag:$0x2] =	sbarrier.arrive $0xFFFF  }
0xbd: {  	p0 =	sne.s32 s0, $0x0;
	s0 =	rddreg [dreg:$0x5]  }
0xbe: {  	s0 =	sadd.s32 @!p0 $0x100000, s0  }
0xbf: {  	[sflag:s0] =	ssyncadd.tile.s32 @!p0 $0x1;
	_ =	shalt  }
.Lfunc_end2:
_tile_overlayer_lowered:
.L_overlay_start_2:
0xc0: {  	(tag) =	ssettag $0x2  }
0xc1: {  	s0 =	rddreg [dreg:$0x0];
	s2 =	stileid.u32  }
0xc2: {  	s1 =	rddreg [dreg:$0x1];
	p0 =	sne.s32 s2, $0x0  }
0xc3: {  	s3 =	rddreg [dreg:$0x2];
	[bflag:$0x3] =	sbarrier.arrive $0xFFFF;
	s2 =	simm.s32 @!p0 $0x1C06  }
0xc4: {  	[timem:s3], [sflag:s2] =	dma.local @!p0 [hbm:s0], s1  }
0xc5: {  	s0 =	simm.s32 @!p0 $0x6  }
0xc6: {  	_ =	swait.ge @!p0 [sflag:s0], s1  }
0xc7: {  	s1 =	ssub.s32 @!p0 $0x0, s1;
	[sflag:s0] =	ssyncset.done @!p0 $0x0  }
0xc8: {  	[sflag:s0] =	ssyncadd.s32 @!p0 s1  }
0xc9: {  	[bflag:$0x3] =	sbarrier.arrive $0xFFFF  }
0xca: {  	_ =	shalt  }

// kernel: kernel.25.cloned.1.call-start
scs
__scs_entry_jumppad:
0x0: {  	(pc) =	sbr.rel $0x88, $3  }
0x1: {  	(tag) =	ssettag $0x0;
	lr =	simm.s32 $0x1  }
0x2: {  	[smem:$0x3F89] =	sst lr;
	_ =	strace $0xD0000000  }
0x3: {  	_ = 	snop  }
0x4: {  	_ = 	snop  }
0x5: {  	_ = 	snop  }
0x6: {  	_ = 	snop  }
0x7: {  	_ = 	snop  }
__scs_overlays_trampoline_lowered:
0x8: {  	[smem:$0x3F98] =	sst s0  }
0x9: {  	[smem:$0x3F99] =	sst s1  }
0xa: {  	[smem:$0x3F9A] =	sst s2  }
0xb: {  	[smem:$0x3F9B] =	sst s3  }
0xc: {  	[smem:$0x3F9C] =	sst s4  }
0xd: {  	[smem:$0x3F9D] =	sst s5  }
0xe: {  	[smem:$0x3F9E] =	sst s6  }
0xf: {  	[smem:$0x3F9F] =	sst s7  }
0x10: {  	[smem:$0x3FA0] =	sst s8  }
0x11: {  	[smem:$0x3FA1] =	sst s9;
	s0 =	simm.s32 @!p0 $0x0  }
0x12: {  	s1 =	sld [smem:$0x3F87];
	s0 =	simm.s32 @p0 $0x1  }
0x13: {  	[smem:$0x3FA2] =	sst s0;
	s0 =	simm.s32 @!p1 $0x0  }
0x14: {  	s2 =	sld [smem:$0x3F86];
	s0 =	simm.s32 @p1 $0x1  }
0x15: {  	[smem:$0x3FA3] =	sst s0;
	s0 =	simm.s32 @!p2 $0x0  }
0x16: {  	s3 =	sld [smem:$0x3FDB];
	s0 =	simm.s32 @p2 $0x1  }
0x17: {  	s4 =	simm.s32 $0x1BF5;
	[smem:$0x3FA5] =	sst s0  }
0x18: {  	s0 =	sld [smem:$0x3F88];
	_ =	swait.ge [sflag:s4], $0x0  }
0x19: {  	s7 =	sld [smem:$0x3F89]  }
0x1a: {  	s8 =	sadd.s32 $0xFFFFE003, lr  }
0x1b: {  	s9 =	sadd.s32 $0xFFFFFEF7, lr;
	s5 =	simm.s32 $0xFFFFFFFF;
	p2 =	slt.u32 s8, $0xFFFFF086  }
0x1c: {  	p1 =	slt.u32 s9, $0xF7A;
	s5 =	simm.s32 @!p2 $0x0  }
0x1d: {  	s5 =	simm.s32 @p1 $0x1;
	p0 =	seq.s32 s7, s2  }
0x1e: {  	s7 =	smul.u32 @!p0 $0xF7A, s2;
	p2 =	seq.s32 @!p0 s5, $0x0  }
0x1f: {  	s9 =	smul.u32 $0xF7A, s1;
	s8 =	simm.s32 @!p0 $0x1BF5;
	p2 =	por !p2, p0  }
0x20: {  	[sflag:s8] =	ssyncset.s32 @!p0 $0xFFFFF086;
	s6 =	sadd.s32 @!p0 s3, s7;
	s7 =	simm.s32 @!p0 $0x108  }
0x21: {  	s3 =	sadd.s32 s3, s9;
	s6 =	sadd.s32 @!p0 $0x88, s6;
	s7 =	simm.s32 @p2 $0x1082  }
0x22: {  	[simem:s7], [sflag:s8] =	dma.local @!p0 [hbm:s6], $0xF7A  }
0x23: {  	s9 =	sor.u32 $0xD0000000, s2;
	s6 =	simm.s32 $0x108;
	_ =	swait.ge @!p0 [sflag:s8], $0x0  }
0x24: {  	s3 =	sadd.s32 $0x88, s3;
	s6 =	simm.s32 @!p1 $0x1082;
	[sflag:s4] =	ssyncset.s32 $0xFFFFF086  }
0x25: {  	[simem:s6], [sflag:s4] =	dma.local [hbm:s3], $0xF7A  }
0x26: {  	[smem:$0x3F89] =	sst s1;
	(tag) =	ssettag s2;
	_ =	strace s9  }
0x27: {  	s1 =	sld [smem:$0x3F99]  }
0x28: {  	s2 =	sld [smem:$0x3F9A]  }
0x29: {  	s4 =	sld [smem:$0x3F9C]  }
0x2a: {  	p0 =	seq.s32 s5, $0x0;
	s5 =	sld [smem:$0x3F9D]  }
0x2b: {  	s6 =	sld [smem:$0x3F9E]  }
0x2c: {  	s7 =	sld [smem:$0x3F9F]  }
0x2d: {  	s3 =	simm.s32 $0x108;
	s8 =	sld [smem:$0x3FA0]  }
0x2e: {  	s3 =	simm.s32 @!p0 $0x1082;
	s9 =	sld [smem:$0x3FA1]  }
0x2f: {  	lr =	sadd.s32 s0, s3;
	s0 =	sld [smem:$0x3F98]  }
0x30: {  	s3 =	sld [smem:$0x3F9B]  }
0x31: {  	[smem:$0x3FA4] =	sst s10  }
0x32: {  	s10 =	sld [smem:$0x3FA2];
	_ =	sdelay $0x3  }
0x33: {  	p0 =	seq.s32 s10, $0x1;
	s10 =	sld [smem:$0x3FA4];
	_ =	sdelay $0x3  }
0x34: {  	[smem:$0x3FA4] =	sst s10  }
0x35: {  	s10 =	sld [smem:$0x3FA3];
	_ =	sdelay $0x3  }
0x36: {  	p1 =	seq.s32 s10, $0x1;
	s10 =	sld [smem:$0x3FA4];
	_ =	sdelay $0x3  }
0x37: {  	[smem:$0x3FA4] =	sst s10  }
0x38: {  	s10 =	sld [smem:$0x3FA5]  }
0x39: {  	_ = 	snop;
	(pc) =	sbr.ind lr, $3  }
0x3a: {  	_ = 	snop  }
0x3b: {  	_ = 	snop  }
0x3c: {  	p2 =	seq.s32 s10, $0x1;
	s10 =	sld [smem:$0x3FA4]  }
0x3d: {  	_ =	shalt  }
0x3e: {  	_ =	shalt  }
0x3f: {  	_ =	shalt  }
0x40: {  	_ =	shalt  }
0x41: {  	_ =	shalt  }
0x42: {  	_ =	shalt  }
0x43: {  	_ =	shalt  }
0x44: {  	_ =	shalt  }
0x45: {  	_ =	shalt  }
0x46: {  	_ =	shalt  }
0x47: {  	_ =	shalt  }
0x48: {  	_ =	shalt  }
0x49: {  	_ =	shalt  }
0x4a: {  	_ =	shalt  }
0x4b: {  	_ =	shalt  }
0x4c: {  	_ =	shalt  }
0x4d: {  	_ =	shalt  }
0x4e: {  	_ =	shalt  }
0x4f: {  	_ =	shalt  }
0x50: {  	_ =	shalt  }
0x51: {  	_ =	shalt  }
0x52: {  	_ =	shalt  }
0x53: {  	_ =	shalt  }
0x54: {  	_ =	shalt  }
0x55: {  	_ =	shalt  }
0x56: {  	_ =	shalt  }
0x57: {  	_ =	shalt  }
0x58: {  	_ =	shalt  }
0x59: {  	_ =	shalt  }
0x5a: {  	_ =	shalt  }
0x5b: {  	_ =	shalt  }
0x5c: {  	_ =	shalt  }
0x5d: {  	_ =	shalt  }
0x5e: {  	_ =	shalt  }
0x5f: {  	_ =	shalt  }
0x60: {  	_ =	shalt  }
0x61: {  	_ =	shalt  }
0x62: {  	_ =	shalt  }
0x63: {  	_ =	shalt  }
0x64: {  	_ =	shalt  }
0x65: {  	_ =	shalt  }
0x66: {  	_ =	shalt  }
0x67: {  	_ =	shalt  }
0x68: {  	_ =	shalt  }
0x69: {  	_ =	shalt  }
0x6a: {  	_ =	shalt  }
0x6b: {  	_ =	shalt  }
0x6c: {  	_ =	shalt  }
0x6d: {  	_ =	shalt  }
0x6e: {  	_ =	shalt  }
0x6f: {  	_ =	shalt  }
0x70: {  	_ =	shalt  }
0x71: {  	_ =	shalt  }
0x72: {  	_ =	shalt  }
0x73: {  	_ =	shalt  }
0x74: {  	_ =	shalt  }
0x75: {  	_ =	shalt  }
0x76: {  	_ =	shalt  }
0x77: {  	_ =	shalt  }
0x78: {  	_ =	shalt  }
0x79: {  	_ =	shalt  }
0x7a: {  	_ =	shalt  }
0x7b: {  	_ =	shalt  }
0x7c: {  	_ =	shalt  }
0x7d: {  	_ =	shalt  }
0x7e: {  	_ =	shalt  }
0x7f: {  	_ =	shalt  }
0x80: {  	_ =	shalt  }
0x81: {  	_ =	shalt  }
0x82: {  	_ =	shalt  }
0x83: {  	_ =	shalt  }
0x84: {  	_ =	shalt  }
0x85: {  	_ =	shalt  }
0x86: {  	_ =	shalt  }
0x87: {  	_ =	shalt  }
.Lfunc_end0:
.L_simem_size_0:
called_computation.1_lowered:
.L_overlay_start_0:
0x88: {  	s2 =	sld [smem:$0x3FD9]  }
0x89: {  	s3 =	sld [smem:$0x3FFE];
	_ =	sdelay $0x1  }
0x8a: {  	s1 =	srdreg.scid  }
0x8b: {  	s0 =	sand.u32 $0x1, s1  }
0x8c: {  	s14 =	sshll.u32 s0, $0xA;
	s2 =	sadd.s32 s3, s2  }
0x8d: {  	s2 =	sadd.s32 s2, s14  }
0x8e: {  	[smem:$0x3FB0] =	sst s2  }
0x8f: {  	_ = 	snop  }
0x90: {  	s2 =	sld [smem:$0x3FD0];
	_ =	sdelay $0x2  }
0x91: {  	s15 =	simm.s32 $0xA;
	s4 =	simm.s32 $0x10  }
0x92: {  	[smem:s4], [sflag:s15] =	dma.local [hbm:s2], $0x1  }
0x93: {  	_ =	swait.eq [sflag:s15], $0x1  }
0x94: {  	[sflag:s15] =	ssyncset.done $0x0  }
0x95: {  	s16 =	sld [smem:$0x10];
	[sflag:s15] =	ssyncadd.s32 $0xFFFFFFFF  }
0x96: {  	s17 =	sld [smem:$0x11];
	(tm) =	ssettm $0x1  }
0x97: {  	s18 =	sld [smem:$0x3FFB];
	_ =	sdelay $0x3  }
0x98: {  	_ =	strace s18  }
0x99: {  	s4 =	sld [smem:$0x3FFC];
	_ =	sdelay $0x3  }
0x9a: {  	_ =	strace s4  }
0x9b: {  	s4 =	sld [smem:$0x3FFD];
	_ =	sdelay $0x3  }
0x9c: {  	_ =	strace s4  }
0x9d: {  	_ =	strace $0x8FFFFFFF  }
0x9e: {  	s19 =	sld [smem:$0x3FDB];
	_ =	sdelay $0x1  }
0x9f: {  	s5 =	simm.s32 $_scs_section_size  }
0xa0: {  	s6 =	simm.s32 $_size__tile_overlayer_lowered;
	s7 =	simm.s32 $_tile_overlayer_lowered  }
0xa1: {  	s22 =	simm.s32 $0x1BFF;
	s21 =	sshll.u32 s7, $0x1;
	s4 =	sadd.s32 s5, s19  }
0xa2: {  	s8 =	simm.s32 $0x0;
	s20 =	sshll.u32 s6, $0x1;
	s6 =	sadd.s32 s21, s4  }
0xa3: {  	[timem:s8], [sflag:s22] =	dma.local [hbm:s6], s20  }
0xa4: {  	_ =	swait.ge [sflag:s22], s20  }
0xa5: {  	s5 =	ssub.s32 $0x0, s20;
	[sflag:s22] =	ssyncset.done $0x0  }
0xa6: {  	[sflag:s22] =	ssyncadd.s32 s5;
	_ =	sdelay $0x1  }
0xa7: {  	s23 =	simm.s32 $0x1B8B  }
0xa8: {  	_ =	swait.ge [sflag:s23], $0x1  }
0xa9: {  	[sflag:s23] =	ssyncset.done $0x0  }
0xaa: {  	s25 =	simm.s32 $0x1B8E;
	s24 =	sld [smem:$0x3FFE];
	[sflag:s23] =	ssyncadd.s32 $0xFFFFFFFF  }
0xab: {  	s26 =	simm.s32 $execute0_lowered;
	[smem:$0x3FD2] =	sst s25  }
0xac: {  	s6 =	sshll.u32 s26, $0x1;
	_ =	strace $0x80000049;
	[dreg:$0x1] =	wrdreg $0xFFFFFFFF  }
0xad: {  	s28 =	simm.s32 $_size_execute0_lowered;
	s4 =	sadd.s32 s4, s6;
	[dreg:$0x0] =	wrdreg $0x0  }
0xae: {  	s6 =	sshll.u32 s28, $0x1;
	[dreg:$0x2] =	wrdreg s4  }
0xaf: {  	[dreg:$0x3] =	wrdreg s6  }
0xb0: {  	[dreg:$0x4] =	wrdreg $0xC0  }
0xb1: {  	_ =	task [dreg:s8], $0x5FFFF  }
0xb2: {  	[dreg:$0x1] =	wrdreg $0xFFFFFFFF  }
0xb3: {  	[dreg:$0x0] =	wrdreg $0x60  }
0xb4: {  	[dreg:$0x2] =	wrdreg s24  }
0xb5: {  	[dreg:$0x3] =	wrdreg s17  }
0xb6: {  	[dreg:$0x4] =	wrdreg s16  }
0xb7: {  	[dreg:$0x5] =	wrdreg $0x108000  }
0xb8: {  	[dreg:$0x6] =	wrdreg $0x158000  }
0xb9: {  	[dreg:$0x7] =	wrdreg $0x9  }
0xba: {  	_ =	task.clear_ibuf [dreg:s8], $0x8FFFF;
	_ =	strace $0x90000049  }
0xbb: {  	s29 =	simm.s32 $0x9;
	_ =	strace $0x8000004B  }
0xbc: {  	_ =	swait.ge [sflag:s29], $0x1  }
0xbd: {  	[sflag:s29] =	ssyncadd.s32 $0xFFFFFFFF  }
0xbe: {  	_ =	strace $0x9000004B  }
0xbf: {  	_ =	sfence  }
0xc0: {  	s30 =	sld [smem:$0x0];
	_ =	sdelay $0x2  }
0xc1: {  	s31 =	sshll.u32 s1, $0xD;
	s1 =	sshrl.u32 s1, $0x2  }
0xc2: {  	s3 =	sand.u32 $0x4000, s31;
	s1 =	sadd.s32 s1, s30  }
0xc3: {  	s0 =	sor.u32 s3, s0;
	s1 =	sshll.u32 s1, $0x11  }
0xc4: {  	s0 =	sor.u32 s1, s0  }
0xc5: {  	s0 =	sadd.s32 $0x8F2B, s0  }
0xc6: {  	[sflag:s0] =	ssyncadd.remote.s32 $0x1  }
0xc7: {  	_ =	sfence.sel $0xFFFF  }
0xc8: {  	[dreg:$0x0] =	wrdreg $0xFFFFFFFF;
	(pc) =	sbr.abs _section_cstart, $3  }
0xc9: {  	[dreg:$0x1] =	wrdreg $0xFFFFFFFF  }
0xca: {  	_ =	task.clear_ibuf [dreg:s8], $0x2FFFF;
	_ =	strace $0x9FFFFFFF  }
0xcb: {  	(tm) =	ssettm $0x7FFFFFFF  }
tec
execute0_lowered:
.L_overlay_start_1:
0x0: {  	(tag) =	ssettag $0x1  }
0x1: {  	s0 =	rddreg [dreg:$0x0]  }
0x2: {  	s1 =	rddreg [dreg:$0x1];
	s15 =	stileid.u32  }
0x3: {  	s7 =	rddreg [dreg:$0x2];
	s5 =	smul.u32 $0xA00, s15  }
0x4: {  	s2 =	rddreg [dreg:$0x3];
	s11 =	smul.u32 $0x5000, s15  }
0x5: {  	s4 =	srdreg.scid;
	s19 =	smul.u32 $0x14000, s15  }
0x6: {  	s3 =	rddreg [dreg:$0x4];
	s13 =	smul.u32 $0x28000, s15  }
0x7: {  	s6 =	sand.u32 $0x1, s4;
	s4 =	simm.s32 $0x0;
	s23 =	smul.u32 $0xA000, s15  }
0x8: {  	s8 =	smul.u32 $0x50000, s6;
	[smem:$0x7FF] =	sst s4;
	s18 =	ssub.s32 $0x2, s6  }
0x9: {  	s14 =	smul.u32 $0xA0000, s6;
	_ =	strace $0x8000004A;
	s12 =	sadd.s32 s5, s0  }
0xa: {  	s20 =	sshrl.u32 s18, $0x1;
	s21 =	sshrl.u32 s19, $0x2;
	s22 =	sshrl.u32 s13, $0x2  }
0xb: {  	s16 =	sadd.s32 s11, s2;
	s13 =	simm.s32 $0xC800;
	s9 =	sshrl.u32 s8, $0x3  }
0xc: {  	s17 =	sadd.s32 s11, s8;
	s8 =	ssub.s32 s18, s20;
	s6 =	sadd.s32 s22, s3  }
0xd: {  	s24 =	sadd.s32 $0x1A800, s12;
	s25 =	sshrl.u32 s14, $0x3;
	s26 =	sadd.s32 $0x24800, s12  }
0xe: {  	s14 =	sadd.s32 s23, s14;
	s11 =	simm.s32 $0x8800;
	[dreg:$0x7] =	wrdreg s24  }
0xf: {  	s10 =	sadd.s32 s9, s0;
	s5 =	sshrl.u32 s17, $0x3;
	[dreg:$0x8] =	wrdreg s26  }
0x10: {  	s9 =	sadd.s32 s1, s25;
	s15 =	sshrl.u32 s14, $0x3;
	s17 =	sadd.s32 s23, s3  }
0x11: {  	s18 =	smax.u32 s8, $0x1;
	s22 =	sadd.s32 $0x1000, s6;
	s23 =	sadd.s32 $0x2000, s6  }
0x12: {  	s24 =	sadd.s32 $0x3000, s6;
	s25 =	sadd.s32 $0x4000, s6;
	[dreg:$0xb] =	wrdreg s18  }
0x13: {  	s1 =	sshrl.u32 s16, $0x3;
	s26 =	sadd.s32 $0x5000, s6;
	[dreg:$0x10] =	wrdreg s22  }
0x14: {  	s28 =	sadd.s32 $0x6000, s6;
	s29 =	sadd.s32 $0x7000, s6;
	[dreg:$0x11] =	wrdreg s23  }
0x15: {  	s30 =	sadd.s32 $0x8000, s6;
	s31 =	sadd.s32 $0x9000, s6;
	[dreg:$0x12] =	wrdreg s24  }
0x16: {  	s8 =	simm.s32 $0x100;
	s14 =	simm.s32 $0x1;
	[dreg:$0x13] =	wrdreg s25  }
0x17: {  	s16 =	simm.s32 $0x2;
	s0 =	sadd.s32 s5, s0;
	[dreg:$0x14] =	wrdreg s1  }
0x18: {  	s5 =	sadd.s32 s21, s2;
	s10 =	sadd.s32 $0x6800, s10;
	[dreg:$0x16] =	wrdreg s26  }
0x19: {  	s22 =	sadd.s32 $0x24840, s12;
	s0 =	sadd.s32 $0x2E800, s0;
	[dreg:$0x6] =	wrdreg s5  }
0x1a: {  	s23 =	sadd.s32 $0x1A840, s12;
	s19 =	sadd.s32 $0x1000, s5;
	[dreg:$0x9] =	wrdreg s0  }
0x1b: {  	s1 =	simm.s32 $0x800;
	s20 =	sadd.s32 $0x2000, s5;
	[dreg:$0xc] =	wrdreg s19  }
0x1c: {  	s12 =	simm.s32 $0x4800;
	s21 =	sadd.s32 $0x3000, s5;
	[dreg:$0xd] =	wrdreg s20  }
0x1d: {  	s18 =	simm.s32 $0x0;
	s5 =	sadd.s32 $0x4000, s5;
	[dreg:$0xe] =	wrdreg s21  }
0x1e: {  	s0 =	sadd.s32 s7, s15;
	[dreg:$0xf] =	wrdreg s5;
	s7 =	simm.s32 $0x400  }
0x1f: {  	s15 =	simm.s32 $0x3;
	[dreg:$0xa] =	wrdreg s0;
	s0 =	sshrl.u32 s17, $0x3  }
0x20: {  	v0 =	vimm.f32 $0.0e+00;
	s17 =	simm.s32 $0x4;
	[dreg:$0x15] =	wrdreg s0;
	s0 =	simm.s32 $0x6  }
.LBB2_1:
0x21: {  	s20 =	simm.s32 $0x100;
	s19 =	simm.s32 $0x0  }
.LBB2_2:
0x22: {  	p0 =	sne.s32 s20, $0x3F00;
	[tilespmem:s19+$0x830] =	vst v0;
	s21 =	smov.u32 s20;
	s20 =	sadd.s32 $0x100, s20  }
.Ltmp0:
0x23: {  	[tilespmem:s19+$0x820] =	vst v0;
	(pc) =	sbr.rel @p0 .LBB2_2-.Ltmp0, $3  }
0x24: {  	[tilespmem:s19+$0x800] =	vst v0  }
0x25: {  	[tilespmem:s19+$0x810] =	vst v0;
	_ =	sdelay $0x1  }
0x26: {  	s19 =	sshra.s32 s21, $0x2  }
0x27: {  	[tilespmem:s19+$0x830] =	vst v0  }
0x28: {  	[tilespmem:s19+$0x820] =	vst v0  }
0x29: {  	[tilespmem:s19+$0x800] =	vst v0  }
0x2a: {  	[tilespmem:s19+$0x810] =	vst v0;
	s5 =	rddreg [dreg:$0x6]  }
0x2b: {  	[spmem:s5] =	stream.linear.scatter [tilespmem:s1], [sflag:$0x6], $0x1000, $0x38;
	[tilespmem:$0x1F800] =	vst v63  }
0x2c: {  	_ =	swait.ge [sflag:s0], $0x1000  }
0x2d: {  	[sflag:s0] =	ssyncset.done $0x0  }
0x2e: {  	s20 =	rddreg [dreg:$0xc];
	[sflag:s0] =	ssyncadd.s32 $0xFFFFF000  }
0x2f: {  	[spmem:s20] =	stream.linear.scatter [tilespmem:s1], [sflag:$0x6], $0x1000, $0x38;
	[tilespmem:$0x1F800] =	vst v63  }
0x30: {  	_ =	swait.ge [sflag:s0], $0x1000  }
0x31: {  	[sflag:s0] =	ssyncset.done $0x0  }
0x32: {  	s21 =	rddreg [dreg:$0xd];
	[sflag:s0] =	ssyncadd.s32 $0xFFFFF000  }
0x33: {  	[spmem:s21] =	stream.linear.scatter [tilespmem:s1], [sflag:$0x6], $0x1000, $0x38;
	[tilespmem:$0x1F800] =	vst v63  }
0x34: {  	_ =	swait.ge [sflag:s0], $0x1000  }
0x35: {  	[sflag:s0] =	ssyncset.done $0x0  }
0x36: {  	s24 =	rddreg [dreg:$0xe];
	[sflag:s0] =	ssyncadd.s32 $0xFFFFF000  }
0x37: {  	[spmem:s24] =	stream.linear.scatter [tilespmem:s1], [sflag:$0x6], $0x1000, $0x38;
	[tilespmem:$0x1F800] =	vst v63  }
0x38: {  	_ =	swait.ge [sflag:s0], $0x1000  }
0x39: {  	[sflag:s0] =	ssyncset.done $0x0  }
0x3a: {  	s25 =	rddreg [dreg:$0xf];
	[sflag:s0] =	ssyncadd.s32 $0xFFFFF000  }
0x3b: {  	[spmem:s25] =	stream.linear.scatter [tilespmem:s1], [sflag:$0x6], $0x1000, $0x38;
	[tilespmem:$0x1F800] =	vst v63  }
0x3c: {  	_ =	swait.ge [sflag:s0], $0x1000  }
0x3d: {  	[sflag:s0] =	ssyncset.done $0x0  }
0x3e: {  	[sflag:s0] =	ssyncadd.s32 $0xFFFFF000  }
0x3f: {  	[spmem:s6] =	stream.linear.scatter [tilespmem:s1], [sflag:$0x6], $0x1000, $0x38;
	[tilespmem:$0x1F800] =	vst v63  }
0x40: {  	_ =	swait.ge [sflag:s0], $0x1000  }
0x41: {  	[sflag:s0] =	ssyncset.done $0x0  }
0x42: {  	s26 =	rddreg [dreg:$0x10];
	[sflag:s0] =	ssyncadd.s32 $0xFFFFF000  }
0x43: {  	[spmem:s26] =	stream.linear.scatter [tilespmem:s1], [sflag:$0x6], $0x1000, $0x38;
	[tilespmem:$0x1F800] =	vst v63  }
0x44: {  	_ =	swait.ge [sflag:s0], $0x1000  }
0x45: {  	[sflag:s0] =	ssyncset.done $0x0  }
0x46: {  	s19 =	rddreg [dreg:$0x11];
	[sflag:s0] =	ssyncadd.s32 $0xFFFFF000  }
0x47: {  	[spmem:s19] =	stream.linear.scatter [tilespmem:s1], [sflag:$0x6], $0x1000, $0x38;
	[tilespmem:$0x1F800] =	vst v63  }
0x48: {  	_ =	swait.ge [sflag:s0], $0x1000  }
0x49: {  	[sflag:s0] =	ssyncset.done $0x0  }
0x4a: {  	s20 =	rddreg [dreg:$0x12];
	[sflag:s0] =	ssyncadd.s32 $0xFFFFF000  }
0x4b: {  	[spmem:s20] =	stream.linear.scatter [tilespmem:s1], [sflag:$0x6], $0x1000, $0x38;
	[tilespmem:$0x1F800] =	vst v63  }
0x4c: {  	_ =	swait.ge [sflag:s0], $0x1000  }
0x4d: {  	[sflag:s0] =	ssyncset.done $0x0  }
0x4e: {  	s21 =	rddreg [dreg:$0x13];
	[sflag:s0] =	ssyncadd.s32 $0xFFFFF000  }
0x4f: {  	[spmem:s21] =	stream.linear.scatter [tilespmem:s1], [sflag:$0x6], $0x1000, $0x38;
	[tilespmem:$0x1F800] =	vst v63  }
0x50: {  	_ =	swait.ge [sflag:s0], $0x1000  }
0x51: {  	[sflag:s0] =	ssyncset.done $0x0  }
0x52: {  	s24 =	rddreg [dreg:$0x16];
	[sflag:s0] =	ssyncadd.s32 $0xFFFFF000  }
0x53: {  	[spmem:s24] =	stream.linear.scatter [tilespmem:s1], [sflag:$0x6], $0x1000, $0x38;
	[tilespmem:$0x1F800] =	vst v63  }
0x54: {  	_ =	swait.ge [sflag:s0], $0x1000  }
0x55: {  	[sflag:s0] =	ssyncset.done $0x0  }
0x56: {  	[sflag:s0] =	ssyncadd.s32 $0xFFFFF000  }
0x57: {  	[spmem:s28] =	stream.linear.scatter [tilespmem:s1], [sflag:$0x6], $0x1000, $0x38;
	[tilespmem:$0x1F800] =	vst v63  }
0x58: {  	_ =	swait.ge [sflag:s0], $0x1000  }
0x59: {  	[sflag:s0] =	ssyncset.done $0x0  }
0x5a: {  	[sflag:s0] =	ssyncadd.s32 $0xFFFFF000  }
0x5b: {  	[spmem:s29] =	stream.linear.scatter [tilespmem:s1], [sflag:$0x6], $0x1000, $0x38;
	[tilespmem:$0x1F800] =	vst v63  }
0x5c: {  	_ =	swait.ge [sflag:s0], $0x1000  }
0x5d: {  	[sflag:s0] =	ssyncset.done $0x0  }
0x5e: {  	[sflag:s0] =	ssyncadd.s32 $0xFFFFF000  }
0x5f: {  	[spmem:s30] =	stream.linear.scatter [tilespmem:s1], [sflag:$0x6], $0x1000, $0x38;
	[tilespmem:$0x1F800] =	vst v63  }
0x60: {  	_ =	swait.ge [sflag:s0], $0x1000  }
0x61: {  	[sflag:s0] =	ssyncset.done $0x0  }
0x62: {  	[sflag:s0] =	ssyncadd.s32 $0xFFFFF000  }
0x63: {  	[spmem:s31] =	stream.linear.scatter [tilespmem:s1], [sflag:$0x6], $0x1000, $0x38;
	[tilespmem:$0x1F800] =	vst v63  }
0x64: {  	_ =	swait.ge [sflag:s0], $0x1000  }
0x65: {  	[sflag:s0] =	ssyncset.done $0x0  }
0x66: {  	[sflag:s0] =	ssyncadd.s32 $0xFFFFF000  }
0x67: {  	[bflag:$0x0] =	sbarrier.arrive $0xFFFF  }
0x68: {  	s19 =	simm.s32 $0x0;
	s25 =	rddreg [dreg:$0x7]  }
0x69: {  	[tilespmem:s19], [sflag:$0x6] =	stream.linear.gather [hbm4b:s25+s19], $0x200, $0x38;
	[tilespmem:$0x1F800] =	vst v63  }
0x6a: {  	_ =	swait.ge [sflag:s0], $0x200  }
0x6b: {  	[sflag:s0] =	ssyncset.done $0x0  }
0x6c: {  	s26 =	rddreg [dreg:$0x8];
	[sflag:s0] =	ssyncadd.s32 $0xFFFFFE00  }
0x6d: {  	[tilespmem:s7], [sflag:$0x6] =	stream.linear.gather [hbm4b:s26+s19], $0x200, $0x38;
	[tilespmem:$0x1F800] =	vst v63  }
0x6e: {  	_ =	swait.ge [sflag:s0], $0x200  }
0x6f: {  	[sflag:s0] =	ssyncset.done $0x0  }
0x70: {  	[sflag:s0] =	ssyncadd.s32 $0xFFFFFE00  }
0x71: {  	[tilespmem:s1], [sflag:$0x1] =	stream.indirect.gather [hbm4b:s9+s8], $0x40, s19, s8, $0xb8;
	[tilespmem:$0x1F800] =	vst v63  }
0x72: {  	s20 =	simm.s32 $0x0  }
0x73: {  	[tilespmem:s11], [sflag:$0x1] =	stream.indirect.gather [hbm4b:s10+s8], $0x40, s7, s8, $0xb8;
	[tilespmem:$0x1F800] =	vst v63  }
.LBB2_4:
0x74: {  	p0 =	seq.s32 s19, $0x0  }
0x75: {  	s25 =	simm.s32 @!p0 $0x4  }
0x76: {  	_ =	swait.ge @!p0 [sflag:s25], $0x4000  }
0x77: {  	[sflag:s25] =	ssyncset.done @!p0 $0x0  }
0x78: {  	[sflag:s25] =	ssyncadd.s32 @!p0 $0xFFFFC000  }
0x79: {  	s24 =	sand.u32 $0x1, s20;
	p1 =	seq.s32 @!p0 s19, $0x9C0;
	_ =	swait.ge @!p0 [sflag:s25], $0x4000  }
0x7a: {  	s21 =	sxor.u32 $0x1, s24;
	p1 =	por p0, !p1;
	[sflag:s25] =	ssyncset.done @!p0 $0x0  }
0x7b: {  	s26 =	sadd.s32 @p1 s19, s23;
	[sflag:s25] =	ssyncadd.s32 @!p0 $0xFFFFC000;
	s25 =	sshll.u32 @p1 s21, $0x9  }
0x7c: {  	[tilespmem:s25], [sflag:$0x5] =	stream.linear.gather @p1 [hbm4b:s26+s4], $0x200, $0x38;
	[tilespmem:$0x1F800] =	vst v63  }
0x7d: {  	s24 =	sshll.u32 s24, $0x9;
	s25 =	sor.u32 @p1 $0x400, s25;
	s26 =	sadd.s32 @p1 s19, s22  }
0x7e: {  	[tilespmem:s25], [sflag:$0x5] =	stream.linear.gather @p1 [hbm4b:s26+s4], $0x200, $0x38;
	[tilespmem:$0x1F800] =	vst v63  }
0x7f: {  	s25 =	sor.u32 $0x100, s24  }
0x80: {  	[tilespmem:s12], [sflag:$0x2] =	stream.indirect.gather [hbm4b:s9+s8], $0x40, s25, s8, $0xb8;
	[tilespmem:$0x1F800] =	vst v63  }
0x81: {  	s26 =	sor.u32 $0x500, s24  }
0x82: {  	[tilespmem:s13], [sflag:$0x2] =	stream.indirect.gather [hbm4b:s10+s8], $0x40, s26, s8, $0xb8;
	[tilespmem:$0x1F800] =	vst v63  }
0x83: {  	_ =	swait.ge [sflag:s14], $0x4000  }
0x84: {  	[sflag:s14] =	ssyncset.done $0x0  }
0x85: {  	[sflag:s14] =	ssyncadd.s32 $0xFFFFC000  }
0x86: {  	_ =	swait.ge [sflag:s14], $0x4000  }
0x87: {  	[sflag:s14] =	ssyncset.done $0x0  }
0x88: {  	s5 =	sor.u32 $0x400, s24;
	[sflag:s14] =	ssyncadd.s32 $0xFFFFC000  }
0x89: {  	[spmem:s2] =	stream.indirect.scatter.add.f32 [tilespmem:s1], [sflag:$0x3], $0x40, s5, s8, $0xb8;
	[tilespmem:$0x1F800] =	vst v63  }
0x8a: {  	_ = 	snop  }
0x8b: {  	[spmem:s3] =	stream.indirect.scatter.add.f32 [tilespmem:s11], [sflag:$0x3], $0x40, s24, s8, $0xb8;
	[tilespmem:$0x1F800] =	vst v63  }
0x8c: {  	_ =	swait.ge [sflag:s15], $0x4000  }
0x8d: {  	[sflag:s15] =	ssyncset.done $0x0  }
0x8e: {  	[sflag:s15] =	ssyncadd.s32 $0xFFFFC000  }
0x8f: {  	p0 =	por @!p0 $0x1, $0x1;
	_ =	swait.ge [sflag:s15], $0x4000  }
0x90: {  	p0 =	por @p1 $0x0, $0x0;
	[sflag:s15] =	ssyncset.done $0x0  }
0x91: {  	s5 =	simm.s32 @!p0 $0x5;
	[sflag:s15] =	ssyncadd.s32 $0xFFFFC000  }
0x92: {  	_ =	swait.ge @!p0 [sflag:s5], $0x200  }
0x93: {  	[sflag:s5] =	ssyncset.done @!p0 $0x0  }
0x94: {  	[sflag:s5] =	ssyncadd.s32 @!p0 $0xFFFFFE00  }
0x95: {  	_ =	swait.ge @!p0 [sflag:s5], $0x200  }
0x96: {  	s24 =	simm.s32 @!p0 $0x800;
	[sflag:s5] =	ssyncset.done @!p0 $0x0  }
0x97: {  	[sflag:s5] =	ssyncadd.s32 @!p0 $0xFFFFFE00;
	s5 =	sshll.u32 @!p0 s21, $0x9;
	s21 =	simm.s32 @!p0 $0x100  }
0x98: {  	[tilespmem:s24], [sflag:$0x1] =	stream.indirect.gather @!p0 [hbm4b:s9+s21], $0x40, s5, s21, $0xb8;
	[tilespmem:$0x1F800] =	vst v63  }
0x99: {  	s5 =	sor.u32 @!p0 $0x400, s5;
	s24 =	simm.s32 @!p0 $0x8800  }
0x9a: {  	[tilespmem:s24], [sflag:$0x1] =	stream.indirect.gather @!p0 [hbm4b:s10+s21], $0x40, s5, s21, $0xb8;
	[tilespmem:$0x1F800] =	vst v63  }
0x9b: {  	_ =	swait.ge [sflag:s16], $0x4000  }
0x9c: {  	[sflag:s16] =	ssyncset.done $0x0  }
0x9d: {  	s19 =	sadd.s32 $0x40, s19;
	[sflag:s16] =	ssyncadd.s32 $0xFFFFC000  }
0x9e: {  	p0 =	sne.s32 s19, $0xA00;
	_ =	swait.ge [sflag:s16], $0x4000  }
.Ltmp1:
0x9f: {  	[sflag:s16] =	ssyncset.done $0x0;
	(pc) =	sbr.rel @p0 .LBB2_4-.Ltmp1, $4  }
0xa0: {  	[sflag:s16] =	ssyncadd.s32 $0xFFFFC000  }
0xa1: {  	[spmem:s2] =	stream.indirect.scatter.add.f32 [tilespmem:s12], [sflag:$0x4], $0x40, s26, s8, $0xb8;
	[tilespmem:$0x1F800] =	vst v63  }
0xa2: {  	s20 =	sadd.s32 $0x1, s20  }
0xa3: {  	[spmem:s3] =	stream.indirect.scatter.add.f32 [tilespmem:s13], [sflag:$0x4], $0x40, s25, s8, $0xb8;
	[tilespmem:$0x1F800] =	vst v63  }
0xa4: {  	_ =	swait.ge [sflag:s17], $0x4000  }
0xa5: {  	[sflag:s17] =	ssyncset.done $0x0  }
0xa6: {  	[sflag:s17] =	ssyncadd.s32 $0xFFFFC000  }
0xa7: {  	_ =	swait.ge [sflag:s17], $0x4000  }
0xa8: {  	[sflag:s17] =	ssyncset.done $0x0  }
0xa9: {  	[sflag:s17] =	ssyncadd.s32 $0xFFFFC000  }
0xaa: {  	s5 =	stileid.u32;
	[bflag:$0x0] =	sbarrier.arrive $0xFFFF  }
0xab: {  	s5 =	sshll.u32 s5, $0x6;
	s19 =	rddreg [dreg:$0x9]  }
0xac: {  	s5 =	sor.u32 $0x1C06, s5;
	s20 =	rddreg [dreg:$0x14]  }
0xad: {  	[hbm:s19], [sflag:s5] =	dma.local [spmem:s20], $0xA00  }
0xae: {  	_ =	swait.ge [sflag:s0], $0xA00  }
0xaf: {  	[sflag:s0] =	ssyncset.done $0x0;
	s24 =	rddreg [dreg:$0xa]  }
0xb0: {  	s25 =	rddreg [dreg:$0x15];
	[sflag:s0] =	ssyncadd.s32 $0xFFFFF600  }
0xb1: {  	[hbm:s24], [sflag:s5] =	dma.local [spmem:s25], $0x1400  }
0xb2: {  	_ =	swait.ge [sflag:s0], $0x1400  }
0xb3: {  	s18 =	sadd.s32 $0x1, s18;
	s26 =	rddreg [dreg:$0xb]  }
0xb4: {  	p0 =	sne.s32 s18, s26  }
.Ltmp2:
0xb5: {  	_ = 	snop;
	(pc) =	sbr.rel @p0 .LBB2_1-.Ltmp2, $3  }
0xb6: {  	_ =	sdelay $0x1  }
0xb7: {  	[sflag:s0] =	ssyncset.done $0x0  }
0xb8: {  	[sflag:s0] =	ssyncadd.s32 $0xFFFFEC00  }
0xb9: {  	_ =	sfence.sel $0x180000  }
0xba: {  	[bflag:$0x0] =	sbarrier.arrive $0xFFFF  }
0xbb: {  	_ =	strace $0x9000004A  }
0xbc: {  	s0 =	stileid.u32;
	[bflag:$0x2] =	sbarrier.arrive $0xFFFF  }
0xbd: {  	p0 =	sne.s32 s0, $0x0;
	s0 =	rddreg [dreg:$0x5]  }
0xbe: {  	s0 =	sadd.s32 @!p0 $0x100000, s0  }
0xbf: {  	[sflag:s0] =	ssyncadd.tile.s32 @!p0 $0x1;
	_ =	shalt  }
.Lfunc_end2:
_tile_overlayer_lowered:
.L_overlay_start_2:
0xc0: {  	(tag) =	ssettag $0x2  }
0xc1: {  	s0 =	rddreg [dreg:$0x0];
	s2 =	stileid.u32  }
0xc2: {  	s1 =	rddreg [dreg:$0x1];
	p0 =	sne.s32 s2, $0x0  }
0xc3: {  	s3 =	rddreg [dreg:$0x2];
	[bflag:$0x3] =	sbarrier.arrive $0xFFFF;
	s2 =	simm.s32 @!p0 $0x1C06  }
0xc4: {  	[timem:s3], [sflag:s2] =	dma.local @!p0 [hbm:s0], s1  }
0xc5: {  	s0 =	simm.s32 @!p0 $0x6  }
0xc6: {  	_ =	swait.ge @!p0 [sflag:s0], s1  }
0xc7: {  	s1 =	ssub.s32 @!p0 $0x0, s1;
	[sflag:s0] =	ssyncset.done @!p0 $0x0  }
0xc8: {  	[sflag:s0] =	ssyncadd.s32 @!p0 s1  }
0xc9: {  	[bflag:$0x3] =	sbarrier.arrive $0xFFFF  }
0xca: {  	_ =	shalt  }

// kernel: kernel.28.cloned.1.call-start
scs
__scs_entry_jumppad:
0x0: {  	(pc) =	sbr.rel $0x88, $3  }
0x1: {  	(tag) =	ssettag $0x0;
	lr =	simm.s32 $0x1  }
0x2: {  	[smem:$0x3F89] =	sst lr;
	_ =	strace $0xD0000000  }
0x3: {  	_ = 	snop  }
0x4: {  	_ = 	snop  }
0x5: {  	_ = 	snop  }
0x6: {  	_ = 	snop  }
0x7: {  	_ = 	snop  }
__scs_overlays_trampoline_lowered:
0x8: {  	[smem:$0x3F98] =	sst s0  }
0x9: {  	[smem:$0x3F99] =	sst s1  }
0xa: {  	[smem:$0x3F9A] =	sst s2  }
0xb: {  	[smem:$0x3F9B] =	sst s3  }
0xc: {  	[smem:$0x3F9C] =	sst s4  }
0xd: {  	[smem:$0x3F9D] =	sst s5  }
0xe: {  	[smem:$0x3F9E] =	sst s6  }
0xf: {  	[smem:$0x3F9F] =	sst s7  }
0x10: {  	[smem:$0x3FA0] =	sst s8  }
0x11: {  	[smem:$0x3FA1] =	sst s9;
	s0 =	simm.s32 @!p0 $0x0  }
0x12: {  	s1 =	sld [smem:$0x3F87];
	s0 =	simm.s32 @p0 $0x1  }
0x13: {  	[smem:$0x3FA2] =	sst s0;
	s0 =	simm.s32 @!p1 $0x0  }
0x14: {  	s2 =	sld [smem:$0x3F86];
	s0 =	simm.s32 @p1 $0x1  }
0x15: {  	[smem:$0x3FA3] =	sst s0;
	s0 =	simm.s32 @!p2 $0x0  }
0x16: {  	s3 =	sld [smem:$0x3FDB];
	s0 =	simm.s32 @p2 $0x1  }
0x17: {  	s4 =	simm.s32 $0x1BF5;
	[smem:$0x3FA5] =	sst s0  }
0x18: {  	s0 =	sld [smem:$0x3F88];
	_ =	swait.ge [sflag:s4], $0x0  }
0x19: {  	s7 =	sld [smem:$0x3F89]  }
0x1a: {  	s8 =	sadd.s32 $0xFFFFE003, lr  }
0x1b: {  	s9 =	sadd.s32 $0xFFFFFEF7, lr;
	s5 =	simm.s32 $0xFFFFFFFF;
	p2 =	slt.u32 s8, $0xFFFFF086  }
0x1c: {  	p1 =	slt.u32 s9, $0xF7A;
	s5 =	simm.s32 @!p2 $0x0  }
0x1d: {  	s5 =	simm.s32 @p1 $0x1;
	p0 =	seq.s32 s7, s2  }
0x1e: {  	s7 =	smul.u32 @!p0 $0xF7A, s2;
	p2 =	seq.s32 @!p0 s5, $0x0  }
0x1f: {  	s9 =	smul.u32 $0xF7A, s1;
	s8 =	simm.s32 @!p0 $0x1BF5;
	p2 =	por !p2, p0  }
0x20: {  	[sflag:s8] =	ssyncset.s32 @!p0 $0xFFFFF086;
	s6 =	sadd.s32 @!p0 s3, s7;
	s7 =	simm.s32 @!p0 $0x108  }
0x21: {  	s3 =	sadd.s32 s3, s9;
	s6 =	sadd.s32 @!p0 $0x88, s6;
	s7 =	simm.s32 @p2 $0x1082  }
0x22: {  	[simem:s7], [sflag:s8] =	dma.local @!p0 [hbm:s6], $0xF7A  }
0x23: {  	s9 =	sor.u32 $0xD0000000, s2;
	s6 =	simm.s32 $0x108;
	_ =	swait.ge @!p0 [sflag:s8], $0x0  }
0x24: {  	s3 =	sadd.s32 $0x88, s3;
	s6 =	simm.s32 @!p1 $0x1082;
	[sflag:s4] =	ssyncset.s32 $0xFFFFF086  }
0x25: {  	[simem:s6], [sflag:s4] =	dma.local [hbm:s3], $0xF7A  }
0x26: {  	[smem:$0x3F89] =	sst s1;
	(tag) =	ssettag s2;
	_ =	strace s9  }
0x27: {  	s1 =	sld [smem:$0x3F99]  }
0x28: {  	s2 =	sld [smem:$0x3F9A]  }
0x29: {  	s4 =	sld [smem:$0x3F9C]  }
0x2a: {  	p0 =	seq.s32 s5, $0x0;
	s5 =	sld [smem:$0x3F9D]  }
0x2b: {  	s6 =	sld [smem:$0x3F9E]  }
0x2c: {  	s7 =	sld [smem:$0x3F9F]  }
0x2d: {  	s3 =	simm.s32 $0x108;
	s8 =	sld [smem:$0x3FA0]  }
0x2e: {  	s3 =	simm.s32 @!p0 $0x1082;
	s9 =	sld [smem:$0x3FA1]  }
0x2f: {  	lr =	sadd.s32 s0, s3;
	s0 =	sld [smem:$0x3F98]  }
0x30: {  	s3 =	sld [smem:$0x3F9B]  }
0x31: {  	[smem:$0x3FA4] =	sst s10  }
0x32: {  	s10 =	sld [smem:$0x3FA2];
	_ =	sdelay $0x3  }
0x33: {  	p0 =	seq.s32 s10, $0x1;
	s10 =	sld [smem:$0x3FA4];
	_ =	sdelay $0x3  }
0x34: {  	[smem:$0x3FA4] =	sst s10  }
0x35: {  	s10 =	sld [smem:$0x3FA3];
	_ =	sdelay $0x3  }
0x36: {  	p1 =	seq.s32 s10, $0x1;
	s10 =	sld [smem:$0x3FA4];
	_ =	sdelay $0x3  }
0x37: {  	[smem:$0x3FA4] =	sst s10  }
0x38: {  	s10 =	sld [smem:$0x3FA5]  }
0x39: {  	_ = 	snop;
	(pc) =	sbr.ind lr, $3  }
0x3a: {  	_ = 	snop  }
0x3b: {  	_ = 	snop  }
0x3c: {  	p2 =	seq.s32 s10, $0x1;
	s10 =	sld [smem:$0x3FA4]  }
0x3d: {  	_ =	shalt  }
0x3e: {  	_ =	shalt  }
0x3f: {  	_ =	shalt  }
0x40: {  	_ =	shalt  }
0x41: {  	_ =	shalt  }
0x42: {  	_ =	shalt  }
0x43: {  	_ =	shalt  }
0x44: {  	_ =	shalt  }
0x45: {  	_ =	shalt  }
0x46: {  	_ =	shalt  }
0x47: {  	_ =	shalt  }
0x48: {  	_ =	shalt  }
0x49: {  	_ =	shalt  }
0x4a: {  	_ =	shalt  }
0x4b: {  	_ =	shalt  }
0x4c: {  	_ =	shalt  }
0x4d: {  	_ =	shalt  }
0x4e: {  	_ =	shalt  }
0x4f: {  	_ =	shalt  }
0x50: {  	_ =	shalt  }
0x51: {  	_ =	shalt  }
0x52: {  	_ =	shalt  }
0x53: {  	_ =	shalt  }
0x54: {  	_ =	shalt  }
0x55: {  	_ =	shalt  }
0x56: {  	_ =	shalt  }
0x57: {  	_ =	shalt  }
0x58: {  	_ =	shalt  }
0x59: {  	_ =	shalt  }
0x5a: {  	_ =	shalt  }
0x5b: {  	_ =	shalt  }
0x5c: {  	_ =	shalt  }
0x5d: {  	_ =	shalt  }
0x5e: {  	_ =	shalt  }
0x5f: {  	_ =	shalt  }
0x60: {  	_ =	shalt  }
0x61: {  	_ =	shalt  }
0x62: {  	_ =	shalt  }
0x63: {  	_ =	shalt  }
0x64: {  	_ =	shalt  }
0x65: {  	_ =	shalt  }
0x66: {  	_ =	shalt  }
0x67: {  	_ =	shalt  }
0x68: {  	_ =	shalt  }
0x69: {  	_ =	shalt  }
0x6a: {  	_ =	shalt  }
0x6b: {  	_ =	shalt  }
0x6c: {  	_ =	shalt  }
0x6d: {  	_ =	shalt  }
0x6e: {  	_ =	shalt  }
0x6f: {  	_ =	shalt  }
0x70: {  	_ =	shalt  }
0x71: {  	_ =	shalt  }
0x72: {  	_ =	shalt  }
0x73: {  	_ =	shalt  }
0x74: {  	_ =	shalt  }
0x75: {  	_ =	shalt  }
0x76: {  	_ =	shalt  }
0x77: {  	_ =	shalt  }
0x78: {  	_ =	shalt  }
0x79: {  	_ =	shalt  }
0x7a: {  	_ =	shalt  }
0x7b: {  	_ =	shalt  }
0x7c: {  	_ =	shalt  }
0x7d: {  	_ =	shalt  }
0x7e: {  	_ =	shalt  }
0x7f: {  	_ =	shalt  }
0x80: {  	_ =	shalt  }
0x81: {  	_ =	shalt  }
0x82: {  	_ =	shalt  }
0x83: {  	_ =	shalt  }
0x84: {  	_ =	shalt  }
0x85: {  	_ =	shalt  }
0x86: {  	_ =	shalt  }
0x87: {  	_ =	shalt  }
.Lfunc_end0:
.L_simem_size_0:
called_computation.2_lowered:
.L_overlay_start_0:
0x88: {  	s2 =	sld [smem:$0x3FD9]  }
0x89: {  	s3 =	sld [smem:$0x3FFE];
	_ =	sdelay $0x1  }
0x8a: {  	s1 =	srdreg.scid  }
0x8b: {  	s0 =	sand.u32 $0x1, s1  }
0x8c: {  	s14 =	sshll.u32 s0, $0xA;
	s2 =	sadd.s32 s3, s2  }
0x8d: {  	s2 =	sadd.s32 s2, s14  }
0x8e: {  	[smem:$0x3FB0] =	sst s2  }
0x8f: {  	_ = 	snop  }
0x90: {  	s2 =	sld [smem:$0x3FD0];
	_ =	sdelay $0x2  }
0x91: {  	s15 =	simm.s32 $0xA;
	s4 =	simm.s32 $0x10  }
0x92: {  	[smem:s4], [sflag:s15] =	dma.local [hbm:s2], $0x1  }
0x93: {  	_ =	swait.eq [sflag:s15], $0x1  }
0x94: {  	[sflag:s15] =	ssyncset.done $0x0  }
0x95: {  	s16 =	sld [smem:$0x10];
	[sflag:s15] =	ssyncadd.s32 $0xFFFFFFFF  }
0x96: {  	s17 =	sld [smem:$0x11];
	(tm) =	ssettm $0x1  }
0x97: {  	s18 =	sld [smem:$0x3FFB];
	_ =	sdelay $0x3  }
0x98: {  	_ =	strace s18  }
0x99: {  	s4 =	sld [smem:$0x3FFC];
	_ =	sdelay $0x3  }
0x9a: {  	_ =	strace s4  }
0x9b: {  	s4 =	sld [smem:$0x3FFD];
	_ =	sdelay $0x3  }
0x9c: {  	_ =	strace s4  }
0x9d: {  	_ =	strace $0x8FFFFFFF  }
0x9e: {  	s19 =	sld [smem:$0x3FDB];
	_ =	sdelay $0x1  }
0x9f: {  	s5 =	simm.s32 $_scs_section_size  }
0xa0: {  	s6 =	simm.s32 $_size__tile_overlayer_lowered;
	s7 =	simm.s32 $_tile_overlayer_lowered  }
0xa1: {  	s22 =	simm.s32 $0x1BFF;
	s21 =	sshll.u32 s7, $0x1;
	s4 =	sadd.s32 s5, s19  }
0xa2: {  	s8 =	simm.s32 $0x0;
	s20 =	sshll.u32 s6, $0x1;
	s6 =	sadd.s32 s21, s4  }
0xa3: {  	[timem:s8], [sflag:s22] =	dma.local [hbm:s6], s20  }
0xa4: {  	_ =	swait.ge [sflag:s22], s20  }
0xa5: {  	s5 =	ssub.s32 $0x0, s20;
	[sflag:s22] =	ssyncset.done $0x0  }
0xa6: {  	[sflag:s22] =	ssyncadd.s32 s5;
	_ =	sdelay $0x1  }
0xa7: {  	s23 =	simm.s32 $0x1B8B  }
0xa8: {  	_ =	swait.ge [sflag:s23], $0x1  }
0xa9: {  	[sflag:s23] =	ssyncset.done $0x0  }
0xaa: {  	s25 =	simm.s32 $0x1B8E;
	s24 =	sld [smem:$0x3FFE];
	[sflag:s23] =	ssyncadd.s32 $0xFFFFFFFF  }
0xab: {  	s26 =	simm.s32 $execute0_lowered;
	[smem:$0x3FD2] =	sst s25  }
0xac: {  	s6 =	sshll.u32 s26, $0x1;
	_ =	strace $0x8000004C;
	[dreg:$0x1] =	wrdreg $0xFFFFFFFF  }
0xad: {  	s28 =	simm.s32 $_size_execute0_lowered;
	s4 =	sadd.s32 s4, s6;
	[dreg:$0x0] =	wrdreg $0x0  }
0xae: {  	s6 =	sshll.u32 s28, $0x1;
	[dreg:$0x2] =	wrdreg s4  }
0xaf: {  	[dreg:$0x3] =	wrdreg s6  }
0xb0: {  	[dreg:$0x4] =	wrdreg $0xC0  }
0xb1: {  	_ =	task [dreg:s8], $0x5FFFF  }
0xb2: {  	[dreg:$0x1] =	wrdreg $0xFFFFFFFF  }
0xb3: {  	[dreg:$0x0] =	wrdreg $0x60  }
0xb4: {  	[dreg:$0x2] =	wrdreg s24  }
0xb5: {  	[dreg:$0x3] =	wrdreg s17  }
0xb6: {  	[dreg:$0x4] =	wrdreg s16  }
0xb7: {  	[dreg:$0x5] =	wrdreg $0x108000  }
0xb8: {  	[dreg:$0x6] =	wrdreg $0x158000  }
0xb9: {  	[dreg:$0x7] =	wrdreg $0x9  }
0xba: {  	_ =	task.clear_ibuf [dreg:s8], $0x8FFFF;
	_ =	strace $0x9000004C  }
0xbb: {  	s29 =	simm.s32 $0x9;
	_ =	strace $0x8000004E  }
0xbc: {  	_ =	swait.ge [sflag:s29], $0x1  }
0xbd: {  	[sflag:s29] =	ssyncadd.s32 $0xFFFFFFFF  }
0xbe: {  	_ =	strace $0x9000004E  }
0xbf: {  	_ =	sfence  }
0xc0: {  	s30 =	sld [smem:$0x0];
	_ =	sdelay $0x2  }
0xc1: {  	s31 =	sshll.u32 s1, $0xD;
	s1 =	sshrl.u32 s1, $0x2  }
0xc2: {  	s3 =	sand.u32 $0x4000, s31;
	s1 =	sadd.s32 s1, s30  }
0xc3: {  	s0 =	sor.u32 s3, s0;
	s1 =	sshll.u32 s1, $0x11  }
0xc4: {  	s0 =	sor.u32 s1, s0  }
0xc5: {  	s0 =	sadd.s32 $0x8F2B, s0  }
0xc6: {  	[sflag:s0] =	ssyncadd.remote.s32 $0x1  }
0xc7: {  	_ =	sfence.sel $0xFFFF  }
0xc8: {  	[dreg:$0x0] =	wrdreg $0xFFFFFFFF;
	(pc) =	sbr.abs _section_cstart, $3  }
0xc9: {  	[dreg:$0x1] =	wrdreg $0xFFFFFFFF  }
0xca: {  	_ =	task.clear_ibuf [dreg:s8], $0x2FFFF;
	_ =	strace $0x9FFFFFFF  }
0xcb: {  	(tm) =	ssettm $0x7FFFFFFF  }
tec
execute0_lowered:
.L_overlay_start_1:
0x0: {  	(tag) =	ssettag $0x1  }
0x1: {  	s0 =	rddreg [dreg:$0x0]  }
0x2: {  	s1 =	rddreg [dreg:$0x1];
	s15 =	stileid.u32  }
0x3: {  	s7 =	rddreg [dreg:$0x2];
	s5 =	smul.u32 $0xA00, s15  }
0x4: {  	s2 =	rddreg [dreg:$0x3];
	s11 =	smul.u32 $0x5000, s15  }
0x5: {  	s4 =	srdreg.scid;
	s19 =	smul.u32 $0x14000, s15  }
0x6: {  	s3 =	rddreg [dreg:$0x4];
	s13 =	smul.u32 $0x28000, s15  }
0x7: {  	s6 =	sand.u32 $0x1, s4;
	s4 =	simm.s32 $0x0;
	s23 =	smul.u32 $0xA000, s15  }
0x8: {  	s8 =	smul.u32 $0x50000, s6;
	[smem:$0x7FF] =	sst s4;
	s18 =	ssub.s32 $0x2, s6  }
0x9: {  	s14 =	smul.u32 $0xA0000, s6;
	_ =	strace $0x8000004D;
	s12 =	sadd.s32 s5, s0  }
0xa: {  	s20 =	sshrl.u32 s18, $0x1;
	s21 =	sshrl.u32 s19, $0x2;
	s22 =	sshrl.u32 s13, $0x2  }
0xb: {  	s16 =	sadd.s32 s11, s2;
	s13 =	simm.s32 $0xC800;
	s9 =	sshrl.u32 s8, $0x3  }
0xc: {  	s17 =	sadd.s32 s11, s8;
	s8 =	ssub.s32 s18, s20;
	s6 =	sadd.s32 s22, s3  }
0xd: {  	s24 =	sadd.s32 $0x1A800, s12;
	s25 =	sshrl.u32 s14, $0x3;
	s26 =	sadd.s32 $0x24800, s12  }
0xe: {  	s14 =	sadd.s32 s23, s14;
	s11 =	simm.s32 $0x8800;
	[dreg:$0x7] =	wrdreg s24  }
0xf: {  	s10 =	sadd.s32 s9, s0;
	s5 =	sshrl.u32 s17, $0x3;
	[dreg:$0x8] =	wrdreg s26  }
0x10: {  	s9 =	sadd.s32 s1, s25;
	s15 =	sshrl.u32 s14, $0x3;
	s17 =	sadd.s32 s23, s3  }
0x11: {  	s18 =	smax.u32 s8, $0x1;
	s22 =	sadd.s32 $0x1000, s6;
	s23 =	sadd.s32 $0x2000, s6  }
0x12: {  	s24 =	sadd.s32 $0x3000, s6;
	s25 =	sadd.s32 $0x4000, s6;
	[dreg:$0xb] =	wrdreg s18  }
0x13: {  	s1 =	sshrl.u32 s16, $0x3;
	s26 =	sadd.s32 $0x5000, s6;
	[dreg:$0x10] =	wrdreg s22  }
0x14: {  	s28 =	sadd.s32 $0x6000, s6;
	s29 =	sadd.s32 $0x7000, s6;
	[dreg:$0x11] =	wrdreg s23  }
0x15: {  	s30 =	sadd.s32 $0x8000, s6;
	s31 =	sadd.s32 $0x9000, s6;
	[dreg:$0x12] =	wrdreg s24  }
0x16: {  	s8 =	simm.s32 $0x100;
	s14 =	simm.s32 $0x1;
	[dreg:$0x13] =	wrdreg s25  }
0x17: {  	s16 =	simm.s32 $0x2;
	s0 =	sadd.s32 s5, s0;
	[dreg:$0x14] =	wrdreg s1  }
0x18: {  	s5 =	sadd.s32 s21, s2;
	s10 =	sadd.s32 $0x6800, s10;
	[dreg:$0x16] =	wrdreg s26  }
0x19: {  	s22 =	sadd.s32 $0x24840, s12;
	s0 =	sadd.s32 $0x2E800, s0;
	[dreg:$0x6] =	wrdreg s5  }
0x1a: {  	s23 =	sadd.s32 $0x1A840, s12;
	s19 =	sadd.s32 $0x1000, s5;
	[dreg:$0x9] =	wrdreg s0  }
0x1b: {  	s1 =	simm.s32 $0x800;
	s20 =	sadd.s32 $0x2000, s5;
	[dreg:$0xc] =	wrdreg s19  }
0x1c: {  	s12 =	simm.s32 $0x4800;
	s21 =	sadd.s32 $0x3000, s5;
	[dreg:$0xd] =	wrdreg s20  }
0x1d: {  	s18 =	simm.s32 $0x0;
	s5 =	sadd.s32 $0x4000, s5;
	[dreg:$0xe] =	wrdreg s21  }
0x1e: {  	s0 =	sadd.s32 s7, s15;
	[dreg:$0xf] =	wrdreg s5;
	s7 =	simm.s32 $0x400  }
0x1f: {  	s15 =	simm.s32 $0x3;
	[dreg:$0xa] =	wrdreg s0;
	s0 =	sshrl.u32 s17, $0x3  }
0x20: {  	v0 =	vimm.f32 $0.0e+00;
	s17 =	simm.s32 $0x4;
	[dreg:$0x15] =	wrdreg s0;
	s0 =	simm.s32 $0x6  }
.LBB2_1:
0x21: {  	s20 =	simm.s32 $0x100;
	s19 =	simm.s32 $0x0  }
.LBB2_2:
0x22: {  	p0 =	sne.s32 s20, $0x3F00;
	[tilespmem:s19+$0x830] =	vst v0;
	s21 =	smov.u32 s20;
	s20 =	sadd.s32 $0x100, s20  }
.Ltmp0:
0x23: {  	[tilespmem:s19+$0x820] =	vst v0;
	(pc) =	sbr.rel @p0 .LBB2_2-.Ltmp0, $3  }
0x24: {  	[tilespmem:s19+$0x800] =	vst v0  }
0x25: {  	[tilespmem:s19+$0x810] =	vst v0;
	_ =	sdelay $0x1  }
0x26: {  	s19 =	sshra.s32 s21, $0x2  }
0x27: {  	[tilespmem:s19+$0x830] =	vst v0  }
0x28: {  	[tilespmem:s19+$0x820] =	vst v0  }
0x29: {  	[tilespmem:s19+$0x800] =	vst v0  }
0x2a: {  	[tilespmem:s19+$0x810] =	vst v0;
	s5 =	rddreg [dreg:$0x6]  }
0x2b: {  	[spmem:s5] =	stream.linear.scatter [tilespmem:s1], [sflag:$0x6], $0x1000, $0x38;
	[tilespmem:$0x1F800] =	vst v63  }
0x2c: {  	_ =	swait.ge [sflag:s0], $0x1000  }
0x2d: {  	[sflag:s0] =	ssyncset.done $0x0  }
0x2e: {  	s20 =	rddreg [dreg:$0xc];
	[sflag:s0] =	ssyncadd.s32 $0xFFFFF000  }
0x2f: {  	[spmem:s20] =	stream.linear.scatter [tilespmem:s1], [sflag:$0x6], $0x1000, $0x38;
	[tilespmem:$0x1F800] =	vst v63  }
0x30: {  	_ =	swait.ge [sflag:s0], $0x1000  }
0x31: {  	[sflag:s0] =	ssyncset.done $0x0  }
0x32: {  	s21 =	rddreg [dreg:$0xd];
	[sflag:s0] =	ssyncadd.s32 $0xFFFFF000  }
0x33: {  	[spmem:s21] =	stream.linear.scatter [tilespmem:s1], [sflag:$0x6], $0x1000, $0x38;
	[tilespmem:$0x1F800] =	vst v63  }
0x34: {  	_ =	swait.ge [sflag:s0], $0x1000  }
0x35: {  	[sflag:s0] =	ssyncset.done $0x0  }
0x36: {  	s24 =	rddreg [dreg:$0xe];
	[sflag:s0] =	ssyncadd.s32 $0xFFFFF000  }
0x37: {  	[spmem:s24] =	stream.linear.scatter [tilespmem:s1], [sflag:$0x6], $0x1000, $0x38;
	[tilespmem:$0x1F800] =	vst v63  }
0x38: {  	_ =	swait.ge [sflag:s0], $0x1000  }
0x39: {  	[sflag:s0] =	ssyncset.done $0x0  }
0x3a: {  	s25 =	rddreg [dreg:$0xf];
	[sflag:s0] =	ssyncadd.s32 $0xFFFFF000  }
0x3b: {  	[spmem:s25] =	stream.linear.scatter [tilespmem:s1], [sflag:$0x6], $0x1000, $0x38;
	[tilespmem:$0x1F800] =	vst v63  }
0x3c: {  	_ =	swait.ge [sflag:s0], $0x1000  }
0x3d: {  	[sflag:s0] =	ssyncset.done $0x0  }
0x3e: {  	[sflag:s0] =	ssyncadd.s32 $0xFFFFF000  }
0x3f: {  	[spmem:s6] =	stream.linear.scatter [tilespmem:s1], [sflag:$0x6], $0x1000, $0x38;
	[tilespmem:$0x1F800] =	vst v63  }
0x40: {  	_ =	swait.ge [sflag:s0], $0x1000  }
0x41: {  	[sflag:s0] =	ssyncset.done $0x0  }
0x42: {  	s26 =	rddreg [dreg:$0x10];
	[sflag:s0] =	ssyncadd.s32 $0xFFFFF000  }
0x43: {  	[spmem:s26] =	stream.linear.scatter [tilespmem:s1], [sflag:$0x6], $0x1000, $0x38;
	[tilespmem:$0x1F800] =	vst v63  }
0x44: {  	_ =	swait.ge [sflag:s0], $0x1000  }
0x45: {  	[sflag:s0] =	ssyncset.done $0x0  }
0x46: {  	s19 =	rddreg [dreg:$0x11];
	[sflag:s0] =	ssyncadd.s32 $0xFFFFF000  }
0x47: {  	[spmem:s19] =	stream.linear.scatter [tilespmem:s1], [sflag:$0x6], $0x1000, $0x38;
	[tilespmem:$0x1F800] =	vst v63  }
0x48: {  	_ =	swait.ge [sflag:s0], $0x1000  }
0x49: {  	[sflag:s0] =	ssyncset.done $0x0  }
0x4a: {  	s20 =	rddreg [dreg:$0x12];
	[sflag:s0] =	ssyncadd.s32 $0xFFFFF000  }
0x4b: {  	[spmem:s20] =	stream.linear.scatter [tilespmem:s1], [sflag:$0x6], $0x1000, $0x38;
	[tilespmem:$0x1F800] =	vst v63  }
0x4c: {  	_ =	swait.ge [sflag:s0], $0x1000  }
0x4d: {  	[sflag:s0] =	ssyncset.done $0x0  }
0x4e: {  	s21 =	rddreg [dreg:$0x13];
	[sflag:s0] =	ssyncadd.s32 $0xFFFFF000  }
0x4f: {  	[spmem:s21] =	stream.linear.scatter [tilespmem:s1], [sflag:$0x6], $0x1000, $0x38;
	[tilespmem:$0x1F800] =	vst v63  }
0x50: {  	_ =	swait.ge [sflag:s0], $0x1000  }
0x51: {  	[sflag:s0] =	ssyncset.done $0x0  }
0x52: {  	s24 =	rddreg [dreg:$0x16];
	[sflag:s0] =	ssyncadd.s32 $0xFFFFF000  }
0x53: {  	[spmem:s24] =	stream.linear.scatter [tilespmem:s1], [sflag:$0x6], $0x1000, $0x38;
	[tilespmem:$0x1F800] =	vst v63  }
0x54: {  	_ =	swait.ge [sflag:s0], $0x1000  }
0x55: {  	[sflag:s0] =	ssyncset.done $0x0  }
0x56: {  	[sflag:s0] =	ssyncadd.s32 $0xFFFFF000  }
0x57: {  	[spmem:s28] =	stream.linear.scatter [tilespmem:s1], [sflag:$0x6], $0x1000, $0x38;
	[tilespmem:$0x1F800] =	vst v63  }
0x58: {  	_ =	swait.ge [sflag:s0], $0x1000  }
0x59: {  	[sflag:s0] =	ssyncset.done $0x0  }
0x5a: {  	[sflag:s0] =	ssyncadd.s32 $0xFFFFF000  }
0x5b: {  	[spmem:s29] =	stream.linear.scatter [tilespmem:s1], [sflag:$0x6], $0x1000, $0x38;
	[tilespmem:$0x1F800] =	vst v63  }
0x5c: {  	_ =	swait.ge [sflag:s0], $0x1000  }
0x5d: {  	[sflag:s0] =	ssyncset.done $0x0  }
0x5e: {  	[sflag:s0] =	ssyncadd.s32 $0xFFFFF000  }
0x5f: {  	[spmem:s30] =	stream.linear.scatter [tilespmem:s1], [sflag:$0x6], $0x1000, $0x38;
	[tilespmem:$0x1F800] =	vst v63  }
0x60: {  	_ =	swait.ge [sflag:s0], $0x1000  }
0x61: {  	[sflag:s0] =	ssyncset.done $0x0  }
0x62: {  	[sflag:s0] =	ssyncadd.s32 $0xFFFFF000  }
0x63: {  	[spmem:s31] =	stream.linear.scatter [tilespmem:s1], [sflag:$0x6], $0x1000, $0x38;
	[tilespmem:$0x1F800] =	vst v63  }
0x64: {  	_ =	swait.ge [sflag:s0], $0x1000  }
0x65: {  	[sflag:s0] =	ssyncset.done $0x0  }
0x66: {  	[sflag:s0] =	ssyncadd.s32 $0xFFFFF000  }
0x67: {  	[bflag:$0x0] =	sbarrier.arrive $0xFFFF  }
0x68: {  	s19 =	simm.s32 $0x0;
	s25 =	rddreg [dreg:$0x7]  }
0x69: {  	[tilespmem:s19], [sflag:$0x6] =	stream.linear.gather [hbm4b:s25+s19], $0x200, $0x38;
	[tilespmem:$0x1F800] =	vst v63  }
0x6a: {  	_ =	swait.ge [sflag:s0], $0x200  }
0x6b: {  	[sflag:s0] =	ssyncset.done $0x0  }
0x6c: {  	s26 =	rddreg [dreg:$0x8];
	[sflag:s0] =	ssyncadd.s32 $0xFFFFFE00  }
0x6d: {  	[tilespmem:s7], [sflag:$0x6] =	stream.linear.gather [hbm4b:s26+s19], $0x200, $0x38;
	[tilespmem:$0x1F800] =	vst v63  }
0x6e: {  	_ =	swait.ge [sflag:s0], $0x200  }
0x6f: {  	[sflag:s0] =	ssyncset.done $0x0  }
0x70: {  	[sflag:s0] =	ssyncadd.s32 $0xFFFFFE00  }
0x71: {  	[tilespmem:s1], [sflag:$0x1] =	stream.indirect.gather [hbm4b:s9+s8], $0x40, s19, s8, $0xb8;
	[tilespmem:$0x1F800] =	vst v63  }
0x72: {  	s20 =	simm.s32 $0x0  }
0x73: {  	[tilespmem:s11], [sflag:$0x1] =	stream.indirect.gather [hbm4b:s10+s8], $0x40, s7, s8, $0xb8;
	[tilespmem:$0x1F800] =	vst v63  }
.LBB2_4:
0x74: {  	p0 =	seq.s32 s19, $0x0  }
0x75: {  	s25 =	simm.s32 @!p0 $0x4  }
0x76: {  	_ =	swait.ge @!p0 [sflag:s25], $0x4000  }
0x77: {  	[sflag:s25] =	ssyncset.done @!p0 $0x0  }
0x78: {  	[sflag:s25] =	ssyncadd.s32 @!p0 $0xFFFFC000  }
0x79: {  	s24 =	sand.u32 $0x1, s20;
	p1 =	seq.s32 @!p0 s19, $0x9C0;
	_ =	swait.ge @!p0 [sflag:s25], $0x4000  }
0x7a: {  	s21 =	sxor.u32 $0x1, s24;
	p1 =	por p0, !p1;
	[sflag:s25] =	ssyncset.done @!p0 $0x0  }
0x7b: {  	s26 =	sadd.s32 @p1 s19, s23;
	[sflag:s25] =	ssyncadd.s32 @!p0 $0xFFFFC000;
	s25 =	sshll.u32 @p1 s21, $0x9  }
0x7c: {  	[tilespmem:s25], [sflag:$0x5] =	stream.linear.gather @p1 [hbm4b:s26+s4], $0x200, $0x38;
	[tilespmem:$0x1F800] =	vst v63  }
0x7d: {  	s24 =	sshll.u32 s24, $0x9;
	s25 =	sor.u32 @p1 $0x400, s25;
	s26 =	sadd.s32 @p1 s19, s22  }
0x7e: {  	[tilespmem:s25], [sflag:$0x5] =	stream.linear.gather @p1 [hbm4b:s26+s4], $0x200, $0x38;
	[tilespmem:$0x1F800] =	vst v63  }
0x7f: {  	s25 =	sor.u32 $0x100, s24  }
0x80: {  	[tilespmem:s12], [sflag:$0x2] =	stream.indirect.gather [hbm4b:s9+s8], $0x40, s25, s8, $0xb8;
	[tilespmem:$0x1F800] =	vst v63  }
0x81: {  	s26 =	sor.u32 $0x500, s24  }
0x82: {  	[tilespmem:s13], [sflag:$0x2] =	stream.indirect.gather [hbm4b:s10+s8], $0x40, s26, s8, $0xb8;
	[tilespmem:$0x1F800] =	vst v63  }
0x83: {  	_ =	swait.ge [sflag:s14], $0x4000  }
0x84: {  	[sflag:s14] =	ssyncset.done $0x0  }
0x85: {  	[sflag:s14] =	ssyncadd.s32 $0xFFFFC000  }
0x86: {  	_ =	swait.ge [sflag:s14], $0x4000  }
0x87: {  	[sflag:s14] =	ssyncset.done $0x0  }
0x88: {  	s5 =	sor.u32 $0x400, s24;
	[sflag:s14] =	ssyncadd.s32 $0xFFFFC000  }
0x89: {  	[spmem:s2] =	stream.indirect.scatter.add.f32 [tilespmem:s1], [sflag:$0x3], $0x40, s5, s8, $0xb8;
	[tilespmem:$0x1F800] =	vst v63  }
0x8a: {  	_ = 	snop  }
0x8b: {  	[spmem:s3] =	stream.indirect.scatter.add.f32 [tilespmem:s11], [sflag:$0x3], $0x40, s24, s8, $0xb8;
	[tilespmem:$0x1F800] =	vst v63  }
0x8c: {  	_ =	swait.ge [sflag:s15], $0x4000  }
0x8d: {  	[sflag:s15] =	ssyncset.done $0x0  }
0x8e: {  	[sflag:s15] =	ssyncadd.s32 $0xFFFFC000  }
0x8f: {  	p0 =	por @!p0 $0x1, $0x1;
	_ =	swait.ge [sflag:s15], $0x4000  }
0x90: {  	p0 =	por @p1 $0x0, $0x0;
	[sflag:s15] =	ssyncset.done $0x0  }
0x91: {  	s5 =	simm.s32 @!p0 $0x5;
	[sflag:s15] =	ssyncadd.s32 $0xFFFFC000  }
0x92: {  	_ =	swait.ge @!p0 [sflag:s5], $0x200  }
0x93: {  	[sflag:s5] =	ssyncset.done @!p0 $0x0  }
0x94: {  	[sflag:s5] =	ssyncadd.s32 @!p0 $0xFFFFFE00  }
0x95: {  	_ =	swait.ge @!p0 [sflag:s5], $0x200  }
0x96: {  	s24 =	simm.s32 @!p0 $0x800;
	[sflag:s5] =	ssyncset.done @!p0 $0x0  }
0x97: {  	[sflag:s5] =	ssyncadd.s32 @!p0 $0xFFFFFE00;
	s5 =	sshll.u32 @!p0 s21, $0x9;
	s21 =	simm.s32 @!p0 $0x100  }
0x98: {  	[tilespmem:s24], [sflag:$0x1] =	stream.indirect.gather @!p0 [hbm4b:s9+s21], $0x40, s5, s21, $0xb8;
	[tilespmem:$0x1F800] =	vst v63  }
0x99: {  	s5 =	sor.u32 @!p0 $0x400, s5;
	s24 =	simm.s32 @!p0 $0x8800  }
0x9a: {  	[tilespmem:s24], [sflag:$0x1] =	stream.indirect.gather @!p0 [hbm4b:s10+s21], $0x40, s5, s21, $0xb8;
	[tilespmem:$0x1F800] =	vst v63  }
0x9b: {  	_ =	swait.ge [sflag:s16], $0x4000  }
0x9c: {  	[sflag:s16] =	ssyncset.done $0x0  }
0x9d: {  	s19 =	sadd.s32 $0x40, s19;
	[sflag:s16] =	ssyncadd.s32 $0xFFFFC000  }
0x9e: {  	p0 =	sne.s32 s19, $0xA00;
	_ =	swait.ge [sflag:s16], $0x4000  }
.Ltmp1:
0x9f: {  	[sflag:s16] =	ssyncset.done $0x0;
	(pc) =	sbr.rel @p0 .LBB2_4-.Ltmp1, $4  }
0xa0: {  	[sflag:s16] =	ssyncadd.s32 $0xFFFFC000  }
0xa1: {  	[spmem:s2] =	stream.indirect.scatter.add.f32 [tilespmem:s12], [sflag:$0x4], $0x40, s26, s8, $0xb8;
	[tilespmem:$0x1F800] =	vst v63  }
0xa2: {  	s20 =	sadd.s32 $0x1, s20  }
0xa3: {  	[spmem:s3] =	stream.indirect.scatter.add.f32 [tilespmem:s13], [sflag:$0x4], $0x40, s25, s8, $0xb8;
	[tilespmem:$0x1F800] =	vst v63  }
0xa4: {  	_ =	swait.ge [sflag:s17], $0x4000  }
0xa5: {  	[sflag:s17] =	ssyncset.done $0x0  }
0xa6: {  	[sflag:s17] =	ssyncadd.s32 $0xFFFFC000  }
0xa7: {  	_ =	swait.ge [sflag:s17], $0x4000  }
0xa8: {  	[sflag:s17] =	ssyncset.done $0x0  }
0xa9: {  	[sflag:s17] =	ssyncadd.s32 $0xFFFFC000  }
0xaa: {  	s5 =	stileid.u32;
	[bflag:$0x0] =	sbarrier.arrive $0xFFFF  }
0xab: {  	s5 =	sshll.u32 s5, $0x6;
	s19 =	rddreg [dreg:$0x9]  }
0xac: {  	s5 =	sor.u32 $0x1C06, s5;
	s20 =	rddreg [dreg:$0x14]  }
0xad: {  	[hbm:s19], [sflag:s5] =	dma.local [spmem:s20], $0xA00  }
0xae: {  	_ =	swait.ge [sflag:s0], $0xA00  }
0xaf: {  	[sflag:s0] =	ssyncset.done $0x0;
	s24 =	rddreg [dreg:$0xa]  }
0xb0: {  	s25 =	rddreg [dreg:$0x15];
	[sflag:s0] =	ssyncadd.s32 $0xFFFFF600  }
0xb1: {  	[hbm:s24], [sflag:s5] =	dma.local [spmem:s25], $0x1400  }
0xb2: {  	_ =	swait.ge [sflag:s0], $0x1400  }
0xb3: {  	s18 =	sadd.s32 $0x1, s18;
	s26 =	rddreg [dreg:$0xb]  }
0xb4: {  	p0 =	sne.s32 s18, s26  }
.Ltmp2:
0xb5: {  	_ = 	snop;
	(pc) =	sbr.rel @p0 .LBB2_1-.Ltmp2, $3  }
0xb6: {  	_ =	sdelay $0x1  }
0xb7: {  	[sflag:s0] =	ssyncset.done $0x0  }
0xb8: {  	[sflag:s0] =	ssyncadd.s32 $0xFFFFEC00  }
0xb9: {  	_ =	sfence.sel $0x180000  }
0xba: {  	[bflag:$0x0] =	sbarrier.arrive $0xFFFF  }
0xbb: {  	_ =	strace $0x9000004D  }
0xbc: {  	s0 =	stileid.u32;
	[bflag:$0x2] =	sbarrier.arrive $0xFFFF  }
0xbd: {  	p0 =	sne.s32 s0, $0x0;
	s0 =	rddreg [dreg:$0x5]  }
0xbe: {  	s0 =	sadd.s32 @!p0 $0x100000, s0  }
0xbf: {  	[sflag:s0] =	ssyncadd.tile.s32 @!p0 $0x1;
	_ =	shalt  }
.Lfunc_end2:
_tile_overlayer_lowered:
.L_overlay_start_2:
0xc0: {  	(tag) =	ssettag $0x2  }
0xc1: {  	s0 =	rddreg [dreg:$0x0];
	s2 =	stileid.u32  }
0xc2: {  	s1 =	rddreg [dreg:$0x1];
	p0 =	sne.s32 s2, $0x0  }
0xc3: {  	s3 =	rddreg [dreg:$0x2];
	[bflag:$0x3] =	sbarrier.arrive $0xFFFF;
	s2 =	simm.s32 @!p0 $0x1C06  }
0xc4: {  	[timem:s3], [sflag:s2] =	dma.local @!p0 [hbm:s0], s1  }
0xc5: {  	s0 =	simm.s32 @!p0 $0x6  }
0xc6: {  	_ =	swait.ge @!p0 [sflag:s0], s1  }
0xc7: {  	s1 =	ssub.s32 @!p0 $0x0, s1;
	[sflag:s0] =	ssyncset.done @!p0 $0x0  }
0xc8: {  	[sflag:s0] =	ssyncadd.s32 @!p0 s1  }
0xc9: {  	[bflag:$0x3] =	sbarrier.arrive $0xFFFF  }
0xca: {  	_ =	shalt  }

// kernel: kernel.31.cloned.1.call-start
scs
__scs_entry_jumppad:
0x0: {  	(pc) =	sbr.rel $0x88, $3  }
0x1: {  	(tag) =	ssettag $0x0;
	lr =	simm.s32 $0x1  }
0x2: {  	[smem:$0x3F89] =	sst lr;
	_ =	strace $0xD0000000  }
0x3: {  	_ = 	snop  }
0x4: {  	_ = 	snop  }
0x5: {  	_ = 	snop  }
0x6: {  	_ = 	snop  }
0x7: {  	_ = 	snop  }
__scs_overlays_trampoline_lowered:
0x8: {  	[smem:$0x3F98] =	sst s0  }
0x9: {  	[smem:$0x3F99] =	sst s1  }
0xa: {  	[smem:$0x3F9A] =	sst s2  }
0xb: {  	[smem:$0x3F9B] =	sst s3  }
0xc: {  	[smem:$0x3F9C] =	sst s4  }
0xd: {  	[smem:$0x3F9D] =	sst s5  }
0xe: {  	[smem:$0x3F9E] =	sst s6  }
0xf: {  	[smem:$0x3F9F] =	sst s7  }
0x10: {  	[smem:$0x3FA0] =	sst s8  }
0x11: {  	[smem:$0x3FA1] =	sst s9;
	s0 =	simm.s32 @!p0 $0x0  }
0x12: {  	s1 =	sld [smem:$0x3F87];
	s0 =	simm.s32 @p0 $0x1  }
0x13: {  	[smem:$0x3FA2] =	sst s0;
	s0 =	simm.s32 @!p1 $0x0  }
0x14: {  	s2 =	sld [smem:$0x3F86];
	s0 =	simm.s32 @p1 $0x1  }
0x15: {  	[smem:$0x3FA3] =	sst s0;
	s0 =	simm.s32 @!p2 $0x0  }
0x16: {  	s3 =	sld [smem:$0x3FDB];
	s0 =	simm.s32 @p2 $0x1  }
0x17: {  	s4 =	simm.s32 $0x1BF5;
	[smem:$0x3FA5] =	sst s0  }
0x18: {  	s0 =	sld [smem:$0x3F88];
	_ =	swait.ge [sflag:s4], $0x0  }
0x19: {  	s7 =	sld [smem:$0x3F89]  }
0x1a: {  	s8 =	sadd.s32 $0xFFFFE003, lr  }
0x1b: {  	s9 =	sadd.s32 $0xFFFFFEF7, lr;
	s5 =	simm.s32 $0xFFFFFFFF;
	p2 =	slt.u32 s8, $0xFFFFF086  }
0x1c: {  	p1 =	slt.u32 s9, $0xF7A;
	s5 =	simm.s32 @!p2 $0x0  }
0x1d: {  	s5 =	simm.s32 @p1 $0x1;
	p0 =	seq.s32 s7, s2  }
0x1e: {  	s7 =	smul.u32 @!p0 $0xF7A, s2;
	p2 =	seq.s32 @!p0 s5, $0x0  }
0x1f: {  	s9 =	smul.u32 $0xF7A, s1;
	s8 =	simm.s32 @!p0 $0x1BF5;
	p2 =	por !p2, p0  }
0x20: {  	[sflag:s8] =	ssyncset.s32 @!p0 $0xFFFFF086;
	s6 =	sadd.s32 @!p0 s3, s7;
	s7 =	simm.s32 @!p0 $0x108  }
0x21: {  	s3 =	sadd.s32 s3, s9;
	s6 =	sadd.s32 @!p0 $0x88, s6;
	s7 =	simm.s32 @p2 $0x1082  }
0x22: {  	[simem:s7], [sflag:s8] =	dma.local @!p0 [hbm:s6], $0xF7A  }
0x23: {  	s9 =	sor.u32 $0xD0000000, s2;
	s6 =	simm.s32 $0x108;
	_ =	swait.ge @!p0 [sflag:s8], $0x0  }
0x24: {  	s3 =	sadd.s32 $0x88, s3;
	s6 =	simm.s32 @!p1 $0x1082;
	[sflag:s4] =	ssyncset.s32 $0xFFFFF086  }
0x25: {  	[simem:s6], [sflag:s4] =	dma.local [hbm:s3], $0xF7A  }
0x26: {  	[smem:$0x3F89] =	sst s1;
	(tag) =	ssettag s2;
	_ =	strace s9  }
0x27: {  	s1 =	sld [smem:$0x3F99]  }
0x28: {  	s2 =	sld [smem:$0x3F9A]  }
0x29: {  	s4 =	sld [smem:$0x3F9C]  }
0x2a: {  	p0 =	seq.s32 s5, $0x0;
	s5 =	sld [smem:$0x3F9D]  }
0x2b: {  	s6 =	sld [smem:$0x3F9E]  }
0x2c: {  	s7 =	sld [smem:$0x3F9F]  }
0x2d: {  	s3 =	simm.s32 $0x108;
	s8 =	sld [smem:$0x3FA0]  }
0x2e: {  	s3 =	simm.s32 @!p0 $0x1082;
	s9 =	sld [smem:$0x3FA1]  }
0x2f: {  	lr =	sadd.s32 s0, s3;
	s0 =	sld [smem:$0x3F98]  }
0x30: {  	s3 =	sld [smem:$0x3F9B]  }
0x31: {  	[smem:$0x3FA4] =	sst s10  }
0x32: {  	s10 =	sld [smem:$0x3FA2];
	_ =	sdelay $0x3  }
0x33: {  	p0 =	seq.s32 s10, $0x1;
	s10 =	sld [smem:$0x3FA4];
	_ =	sdelay $0x3  }
0x34: {  	[smem:$0x3FA4] =	sst s10  }
0x35: {  	s10 =	sld [smem:$0x3FA3];
	_ =	sdelay $0x3  }
0x36: {  	p1 =	seq.s32 s10, $0x1;
	s10 =	sld [smem:$0x3FA4];
	_ =	sdelay $0x3  }
0x37: {  	[smem:$0x3FA4] =	sst s10  }
0x38: {  	s10 =	sld [smem:$0x3FA5]  }
0x39: {  	_ = 	snop;
	(pc) =	sbr.ind lr, $3  }
0x3a: {  	_ = 	snop  }
0x3b: {  	_ = 	snop  }
0x3c: {  	p2 =	seq.s32 s10, $0x1;
	s10 =	sld [smem:$0x3FA4]  }
0x3d: {  	_ =	shalt  }
0x3e: {  	_ =	shalt  }
0x3f: {  	_ =	shalt  }
0x40: {  	_ =	shalt  }
0x41: {  	_ =	shalt  }
0x42: {  	_ =	shalt  }
0x43: {  	_ =	shalt  }
0x44: {  	_ =	shalt  }
0x45: {  	_ =	shalt  }
0x46: {  	_ =	shalt  }
0x47: {  	_ =	shalt  }
0x48: {  	_ =	shalt  }
0x49: {  	_ =	shalt  }
0x4a: {  	_ =	shalt  }
0x4b: {  	_ =	shalt  }
0x4c: {  	_ =	shalt  }
0x4d: {  	_ =	shalt  }
0x4e: {  	_ =	shalt  }
0x4f: {  	_ =	shalt  }
0x50: {  	_ =	shalt  }
0x51: {  	_ =	shalt  }
0x52: {  	_ =	shalt  }
0x53: {  	_ =	shalt  }
0x54: {  	_ =	shalt  }
0x55: {  	_ =	shalt  }
0x56: {  	_ =	shalt  }
0x57: {  	_ =	shalt  }
0x58: {  	_ =	shalt  }
0x59: {  	_ =	shalt  }
0x5a: {  	_ =	shalt  }
0x5b: {  	_ =	shalt  }
0x5c: {  	_ =	shalt  }
0x5d: {  	_ =	shalt  }
0x5e: {  	_ =	shalt  }
0x5f: {  	_ =	shalt  }
0x60: {  	_ =	shalt  }
0x61: {  	_ =	shalt  }
0x62: {  	_ =	shalt  }
0x63: {  	_ =	shalt  }
0x64: {  	_ =	shalt  }
0x65: {  	_ =	shalt  }
0x66: {  	_ =	shalt  }
0x67: {  	_ =	shalt  }
0x68: {  	_ =	shalt  }
0x69: {  	_ =	shalt  }
0x6a: {  	_ =	shalt  }
0x6b: {  	_ =	shalt  }
0x6c: {  	_ =	shalt  }
0x6d: {  	_ =	shalt  }
0x6e: {  	_ =	shalt  }
0x6f: {  	_ =	shalt  }
0x70: {  	_ =	shalt  }
0x71: {  	_ =	shalt  }
0x72: {  	_ =	shalt  }
0x73: {  	_ =	shalt  }
0x74: {  	_ =	shalt  }
0x75: {  	_ =	shalt  }
0x76: {  	_ =	shalt  }
0x77: {  	_ =	shalt  }
0x78: {  	_ =	shalt  }
0x79: {  	_ =	shalt  }
0x7a: {  	_ =	shalt  }
0x7b: {  	_ =	shalt  }
0x7c: {  	_ =	shalt  }
0x7d: {  	_ =	shalt  }
0x7e: {  	_ =	shalt  }
0x7f: {  	_ =	shalt  }
0x80: {  	_ =	shalt  }
0x81: {  	_ =	shalt  }
0x82: {  	_ =	shalt  }
0x83: {  	_ =	shalt  }
0x84: {  	_ =	shalt  }
0x85: {  	_ =	shalt  }
0x86: {  	_ =	shalt  }
0x87: {  	_ =	shalt  }
.Lfunc_end0:
.L_simem_size_0:
called_computation.3_lowered:
.L_overlay_start_0:
0x88: {  	s2 =	sld [smem:$0x3FD9]  }
0x89: {  	s3 =	sld [smem:$0x3FFE];
	_ =	sdelay $0x1  }
0x8a: {  	s1 =	srdreg.scid  }
0x8b: {  	s0 =	sand.u32 $0x1, s1  }
0x8c: {  	s16 =	sshll.u32 s0, $0xA;
	s2 =	sadd.s32 s3, s2  }
0x8d: {  	s2 =	sadd.s32 s2, s16  }
0x8e: {  	[smem:$0x3FB0] =	sst s2  }
0x8f: {  	_ = 	snop  }
0x90: {  	(tm) =	ssettm $0x1  }
0x91: {  	s17 =	sld [smem:$0x3FFB];
	_ =	sdelay $0x3  }
0x92: {  	_ =	strace s17  }
0x93: {  	s2 =	sld [smem:$0x3FFC];
	_ =	sdelay $0x3  }
0x94: {  	_ =	strace s2  }
0x95: {  	s2 =	sld [smem:$0x3FFD];
	_ =	sdelay $0x3  }
0x96: {  	_ =	strace s2  }
0x97: {  	_ =	strace $0x8FFFFFFF  }
0x98: {  	s18 =	sld [smem:$0x3FDB];
	_ =	sdelay $0x1  }
0x99: {  	s19 =	simm.s32 $_scs_section_size  }
0x9a: {  	s4 =	simm.s32 $_size__tile_overlayer_lowered;
	s5 =	simm.s32 $_tile_overlayer_lowered  }
0x9b: {  	s22 =	simm.s32 $0x1BFF;
	s21 =	sshll.u32 s5, $0x1;
	s2 =	sadd.s32 s19, s18  }
0x9c: {  	s6 =	simm.s32 $0x0;
	s20 =	sshll.u32 s4, $0x1;
	s4 =	sadd.s32 s21, s2  }
0x9d: {  	[timem:s6], [sflag:s22] =	dma.local [hbm:s4], s20  }
0x9e: {  	_ =	swait.ge [sflag:s22], s20  }
0x9f: {  	s3 =	ssub.s32 $0x0, s20;
	[sflag:s22] =	ssyncset.done $0x0  }
0xa0: {  	[sflag:s22] =	ssyncadd.s32 s3;
	_ =	sdelay $0x1  }
0xa1: {  	s23 =	simm.s32 $0x1B8B  }
0xa2: {  	_ =	swait.ge [sflag:s23], $0x1  }
0xa3: {  	[sflag:s23] =	ssyncset.done $0x0  }
0xa4: {  	s25 =	simm.s32 $0x1B8E;
	s24 =	sld [smem:$0x3FFE];
	[sflag:s23] =	ssyncadd.s32 $0xFFFFFFFF  }
0xa5: {  	s26 =	simm.s32 $execute0_lowered;
	[smem:$0x3FD2] =	sst s25  }
0xa6: {  	s4 =	sshll.u32 s26, $0x1;
	_ =	strace $0x8000004F;
	[dreg:$0x1] =	wrdreg $0xFFFFFFFF  }
0xa7: {  	s28 =	simm.s32 $_size_execute0_lowered;
	s2 =	sadd.s32 s2, s4;
	[dreg:$0x0] =	wrdreg $0x0  }
0xa8: {  	s4 =	sshll.u32 s28, $0x1;
	[dreg:$0x2] =	wrdreg s2  }
0xa9: {  	[dreg:$0x3] =	wrdreg s4  }
0xaa: {  	[dreg:$0x4] =	wrdreg $0xC0  }
0xab: {  	_ =	task [dreg:s6], $0x5FFFF  }
0xac: {  	[dreg:$0x1] =	wrdreg $0xFFFFFFFF  }
0xad: {  	[dreg:$0x0] =	wrdreg $0x60  }
0xae: {  	[dreg:$0x2] =	wrdreg s24  }
0xaf: {  	[dreg:$0x3] =	wrdreg $0x108000  }
0xb0: {  	[dreg:$0x4] =	wrdreg $0x158000  }
0xb1: {  	[dreg:$0x5] =	wrdreg $0x9  }
0xb2: {  	_ =	task.clear_ibuf [dreg:s6], $0x6FFFF;
	_ =	strace $0x9000004F  }
0xb3: {  	s29 =	simm.s32 $0x9;
	_ =	strace $0x80000051  }
0xb4: {  	_ =	swait.ge [sflag:s29], $0x1  }
0xb5: {  	[sflag:s29] =	ssyncadd.s32 $0xFFFFFFFF  }
0xb6: {  	_ =	strace $0x90000051  }
0xb7: {  	_ =	sfence  }
0xb8: {  	s30 =	sld [smem:$0x0];
	_ =	sdelay $0x2  }
0xb9: {  	s31 =	sshll.u32 s1, $0xD;
	s1 =	sshrl.u32 s1, $0x2  }
0xba: {  	s3 =	sand.u32 $0x4000, s31;
	s1 =	sadd.s32 s1, s30  }
0xbb: {  	s0 =	sor.u32 s3, s0;
	s1 =	sshll.u32 s1, $0x11  }
0xbc: {  	s0 =	sor.u32 s1, s0  }
0xbd: {  	s0 =	sadd.s32 $0x8F2B, s0  }
0xbe: {  	[sflag:s0] =	ssyncadd.remote.s32 $0x1  }
0xbf: {  	_ =	sfence.sel $0xFFFF  }
0xc0: {  	[dreg:$0x0] =	wrdreg $0xFFFFFFFF;
	(pc) =	sbr.abs _section_cstart, $3  }
0xc1: {  	[dreg:$0x1] =	wrdreg $0xFFFFFFFF  }
0xc2: {  	_ =	task.clear_ibuf [dreg:s6], $0x2FFFF;
	_ =	strace $0x9FFFFFFF  }
0xc3: {  	(tm) =	ssettm $0x7FFFFFFF  }
tec
execute0_lowered:
.L_overlay_start_1:
0x0: {  	(tag) =	ssettag $0x1  }
0x1: {  	s14 =	stileid.u32  }
0x2: {  	s0 =	rddreg [dreg:$0x0];
	s5 =	smul.u32 $0xA00, s14  }
0x3: {  	s1 =	srdreg.scid;
	s8 =	smul.u32 $0x5000, s14  }
0x4: {  	s2 =	rddreg [dreg:$0x1];
	s12 =	smul.u32 $0xA000, s14  }
0x5: {  	s3 =	rddreg [dreg:$0x2];
	s23 =	smul.u32 $0x14000, s14  }
0x6: {  	s4 =	simm.s32 $0x0;
	s1 =	sand.u32 $0x1, s1;
	s24 =	smul.u32 $0x28000, s14  }
0x7: {  	[smem:$0x7FF] =	sst s4;
	s6 =	smul.u32 $0xA0000, s1  }
0x8: {  	s7 =	smul.u32 $0x50000, s1;
	_ =	strace $0x80000050;
	s1 =	ssub.s32 $0x2, s1  }
0x9: {  	s11 =	sadd.s32 s5, s0;
	s25 =	sshrl.u32 s1, $0x1;
	s26 =	sshrl.u32 s24, $0x2  }
0xa: {  	s15 =	sadd.s32 s8, s2;
	s16 =	sadd.s32 s12, s3;
	s20 =	sshrl.u32 s6, $0x3  }
0xb: {  	s9 =	sshrl.u32 s7, $0x3;
	s7 =	sadd.s32 s8, s7;
	s22 =	sadd.s32 s12, s6  }
0xc: {  	s6 =	sshrl.u32 s23, $0x2;
	s1 =	ssub.s32 s1, s25;
	s28 =	sadd.s32 $0x1A800, s11  }
0xd: {  	s14 =	sadd.s32 $0x24800, s11;
	s25 =	sshrl.u32 s15, $0x3;
	s8 =	simm.s32 $0x100  }
0xe: {  	s12 =	simm.s32 $0x4800;
	s15 =	simm.s32 $0x3;
	s10 =	sadd.s32 s20, s0  }
0xf: {  	s13 =	sadd.s32 s9, s0;
	s21 =	sshrl.u32 s7, $0x3;
	[dreg:$0x4] =	wrdreg s28  }
0x10: {  	s5 =	sshrl.u32 s22, $0x3;
	[dreg:$0x5] =	wrdreg s14;
	s1 =	smax.u32 s1, $0x1  }
0x11: {  	[dreg:$0x11] =	wrdreg s25;
	s14 =	simm.s32 $0x1;
	s7 =	sadd.s32 s21, s0  }
0x12: {  	s0 =	sadd.s32 s5, s0;
	[dreg:$0x8] =	wrdreg s1;
	s7 =	sadd.s32 $0xBA800, s7  }
0x13: {  	s5 =	sadd.s32 s6, s2;
	s0 =	sadd.s32 $0x92800, s0;
	[dreg:$0x6] =	wrdreg s7  }
0x14: {  	s6 =	sadd.s32 s26, s3;
	s17 =	sadd.s32 $0x1000, s5;
	[dreg:$0x7] =	wrdreg s0  }
0x15: {  	s9 =	sadd.s32 $0x6A800, s10;
	s18 =	sadd.s32 $0x2000, s5;
	[dreg:$0x9] =	wrdreg s17  }
0x16: {  	s10 =	sadd.s32 $0x2E800, s13;
	s19 =	sadd.s32 $0x3000, s5;
	[dreg:$0xa] =	wrdreg s18  }
0x17: {  	s1 =	simm.s32 $0x800;
	s20 =	sadd.s32 $0x4000, s5;
	[dreg:$0xb] =	wrdreg s19  }
0x18: {  	s13 =	simm.s32 $0xC800;
	s21 =	sadd.s32 $0x1000, s6;
	[dreg:$0xc] =	wrdreg s20  }
0x19: {  	s22 =	sadd.s32 $0x2000, s6;
	s23 =	sadd.s32 $0x3000, s6;
	[dreg:$0xd] =	wrdreg s21  }
0x1a: {  	s24 =	sadd.s32 $0x4000, s6;
	s26 =	sadd.s32 $0x5000, s6;
	[dreg:$0xe] =	wrdreg s22  }
0x1b: {  	s28 =	sadd.s32 $0x6000, s6;
	s29 =	sadd.s32 $0x7000, s6;
	[dreg:$0xf] =	wrdreg s23  }
0x1c: {  	s30 =	sadd.s32 $0x8000, s6;
	s31 =	sadd.s32 $0x9000, s6;
	[dreg:$0x10] =	wrdreg s24  }
0x1d: {  	s22 =	sadd.s32 $0x24840, s11;
	s23 =	sadd.s32 $0x1A840, s11;
	[dreg:$0x13] =	wrdreg s26  }
0x1e: {  	s0 =	sshrl.u32 s16, $0x3;
	[dreg:$0x14] =	wrdreg s28;
	s7 =	simm.s32 $0x400  }
0x1f: {  	s11 =	simm.s32 $0x8800;
	s16 =	simm.s32 $0x2;
	s17 =	simm.s32 $0x4  }
0x20: {  	v0 =	vimm.f32 $0.0e+00;
	s18 =	simm.s32 $0x0;
	[dreg:$0x12] =	wrdreg s0;
	s0 =	simm.s32 $0x6  }
.LBB2_1:
0x21: {  	s20 =	simm.s32 $0x100;
	s19 =	simm.s32 $0x0  }
.LBB2_2:
0x22: {  	p0 =	sne.s32 s20, $0x3F00;
	[tilespmem:s19+$0x830] =	vst v0;
	s21 =	smov.u32 s20;
	s20 =	sadd.s32 $0x100, s20  }
.Ltmp0:
0x23: {  	[tilespmem:s19+$0x820] =	vst v0;
	(pc) =	sbr.rel @p0 .LBB2_2-.Ltmp0, $3  }
0x24: {  	[tilespmem:s19+$0x800] =	vst v0  }
0x25: {  	[tilespmem:s19+$0x810] =	vst v0;
	_ =	sdelay $0x1  }
0x26: {  	s19 =	sshra.s32 s21, $0x2  }
0x27: {  	[tilespmem:s19+$0x830] =	vst v0  }
0x28: {  	[tilespmem:s19+$0x820] =	vst v0  }
0x29: {  	[tilespmem:s19+$0x800] =	vst v0  }
0x2a: {  	[tilespmem:s19+$0x810] =	vst v0  }
0x2b: {  	[spmem:s5] =	stream.linear.scatter [tilespmem:s1], [sflag:$0x6], $0x1000, $0x38;
	[tilespmem:$0x1F800] =	vst v63  }
0x2c: {  	_ =	swait.ge [sflag:s0], $0x1000  }
0x2d: {  	[sflag:s0] =	ssyncset.done $0x0  }
0x2e: {  	s21 =	rddreg [dreg:$0x9];
	[sflag:s0] =	ssyncadd.s32 $0xFFFFF000  }
0x2f: {  	[spmem:s21] =	stream.linear.scatter [tilespmem:s1], [sflag:$0x6], $0x1000, $0x38;
	[tilespmem:$0x1F800] =	vst v63  }
0x30: {  	_ =	swait.ge [sflag:s0], $0x1000  }
0x31: {  	[sflag:s0] =	ssyncset.done $0x0  }
0x32: {  	s24 =	rddreg [dreg:$0xa];
	[sflag:s0] =	ssyncadd.s32 $0xFFFFF000  }
0x33: {  	[spmem:s24] =	stream.linear.scatter [tilespmem:s1], [sflag:$0x6], $0x1000, $0x38;
	[tilespmem:$0x1F800] =	vst v63  }
0x34: {  	_ =	swait.ge [sflag:s0], $0x1000  }
0x35: {  	[sflag:s0] =	ssyncset.done $0x0  }
0x36: {  	s25 =	rddreg [dreg:$0xb];
	[sflag:s0] =	ssyncadd.s32 $0xFFFFF000  }
0x37: {  	[spmem:s25] =	stream.linear.scatter [tilespmem:s1], [sflag:$0x6], $0x1000, $0x38;
	[tilespmem:$0x1F800] =	vst v63  }
0x38: {  	_ =	swait.ge [sflag:s0], $0x1000  }
0x39: {  	[sflag:s0] =	ssyncset.done $0x0  }
0x3a: {  	s26 =	rddreg [dreg:$0xc];
	[sflag:s0] =	ssyncadd.s32 $0xFFFFF000  }
0x3b: {  	[spmem:s26] =	stream.linear.scatter [tilespmem:s1], [sflag:$0x6], $0x1000, $0x38;
	[tilespmem:$0x1F800] =	vst v63  }
0x3c: {  	_ =	swait.ge [sflag:s0], $0x1000  }
0x3d: {  	[sflag:s0] =	ssyncset.done $0x0  }
0x3e: {  	[sflag:s0] =	ssyncadd.s32 $0xFFFFF000  }
0x3f: {  	[spmem:s6] =	stream.linear.scatter [tilespmem:s1], [sflag:$0x6], $0x1000, $0x38;
	[tilespmem:$0x1F800] =	vst v63  }
0x40: {  	_ =	swait.ge [sflag:s0], $0x1000  }
0x41: {  	[sflag:s0] =	ssyncset.done $0x0  }
0x42: {  	s28 =	rddreg [dreg:$0xd];
	[sflag:s0] =	ssyncadd.s32 $0xFFFFF000  }
0x43: {  	[spmem:s28] =	stream.linear.scatter [tilespmem:s1], [sflag:$0x6], $0x1000, $0x38;
	[tilespmem:$0x1F800] =	vst v63  }
0x44: {  	_ =	swait.ge [sflag:s0], $0x1000  }
0x45: {  	[sflag:s0] =	ssyncset.done $0x0  }
0x46: {  	s20 =	rddreg [dreg:$0xe];
	[sflag:s0] =	ssyncadd.s32 $0xFFFFF000  }
0x47: {  	[spmem:s20] =	stream.linear.scatter [tilespmem:s1], [sflag:$0x6], $0x1000, $0x38;
	[tilespmem:$0x1F800] =	vst v63  }
0x48: {  	_ =	swait.ge [sflag:s0], $0x1000  }
0x49: {  	[sflag:s0] =	ssyncset.done $0x0  }
0x4a: {  	s21 =	rddreg [dreg:$0xf];
	[sflag:s0] =	ssyncadd.s32 $0xFFFFF000  }
0x4b: {  	[spmem:s21] =	stream.linear.scatter [tilespmem:s1], [sflag:$0x6], $0x1000, $0x38;
	[tilespmem:$0x1F800] =	vst v63  }
0x4c: {  	_ =	swait.ge [sflag:s0], $0x1000  }
0x4d: {  	[sflag:s0] =	ssyncset.done $0x0  }
0x4e: {  	s24 =	rddreg [dreg:$0x10];
	[sflag:s0] =	ssyncadd.s32 $0xFFFFF000  }
0x4f: {  	[spmem:s24] =	stream.linear.scatter [tilespmem:s1], [sflag:$0x6], $0x1000, $0x38;
	[tilespmem:$0x1F800] =	vst v63  }
0x50: {  	_ =	swait.ge [sflag:s0], $0x1000  }
0x51: {  	[sflag:s0] =	ssyncset.done $0x0  }
0x52: {  	s25 =	rddreg [dreg:$0x13];
	[sflag:s0] =	ssyncadd.s32 $0xFFFFF000  }
0x53: {  	[spmem:s25] =	stream.linear.scatter [tilespmem:s1], [sflag:$0x6], $0x1000, $0x38;
	[tilespmem:$0x1F800] =	vst v63  }
0x54: {  	_ =	swait.ge [sflag:s0], $0x1000  }
0x55: {  	[sflag:s0] =	ssyncset.done $0x0  }
0x56: {  	s26 =	rddreg [dreg:$0x14];
	[sflag:s0] =	ssyncadd.s32 $0xFFFFF000  }
0x57: {  	[spmem:s26] =	stream.linear.scatter [tilespmem:s1], [sflag:$0x6], $0x1000, $0x38;
	[tilespmem:$0x1F800] =	vst v63  }
0x58: {  	_ =	swait.ge [sflag:s0], $0x1000  }
0x59: {  	[sflag:s0] =	ssyncset.done $0x0  }
0x5a: {  	[sflag:s0] =	ssyncadd.s32 $0xFFFFF000  }
0x5b: {  	[spmem:s29] =	stream.linear.scatter [tilespmem:s1], [sflag:$0x6], $0x1000, $0x38;
	[tilespmem:$0x1F800] =	vst v63  }
0x5c: {  	_ =	swait.ge [sflag:s0], $0x1000  }
0x5d: {  	[sflag:s0] =	ssyncset.done $0x0  }
0x5e: {  	[sflag:s0] =	ssyncadd.s32 $0xFFFFF000  }
0x5f: {  	[spmem:s30] =	stream.linear.scatter [tilespmem:s1], [sflag:$0x6], $0x1000, $0x38;
	[tilespmem:$0x1F800] =	vst v63  }
0x60: {  	_ =	swait.ge [sflag:s0], $0x1000  }
0x61: {  	[sflag:s0] =	ssyncset.done $0x0  }
0x62: {  	[sflag:s0] =	ssyncadd.s32 $0xFFFFF000  }
0x63: {  	[spmem:s31] =	stream.linear.scatter [tilespmem:s1], [sflag:$0x6], $0x1000, $0x38;
	[tilespmem:$0x1F800] =	vst v63  }
0x64: {  	_ =	swait.ge [sflag:s0], $0x1000  }
0x65: {  	[sflag:s0] =	ssyncset.done $0x0  }
0x66: {  	[sflag:s0] =	ssyncadd.s32 $0xFFFFF000  }
0x67: {  	[bflag:$0x0] =	sbarrier.arrive $0xFFFF  }
0x68: {  	s19 =	simm.s32 $0x0;
	s20 =	rddreg [dreg:$0x4]  }
0x69: {  	[tilespmem:s19], [sflag:$0x6] =	stream.linear.gather [hbm4b:s20+s19], $0x200, $0x38;
	[tilespmem:$0x1F800] =	vst v63  }
0x6a: {  	_ =	swait.ge [sflag:s0], $0x200  }
0x6b: {  	[sflag:s0] =	ssyncset.done $0x0  }
0x6c: {  	s28 =	rddreg [dreg:$0x5];
	[sflag:s0] =	ssyncadd.s32 $0xFFFFFE00  }
0x6d: {  	[tilespmem:s7], [sflag:$0x6] =	stream.linear.gather [hbm4b:s28+s19], $0x200, $0x38;
	[tilespmem:$0x1F800] =	vst v63  }
0x6e: {  	_ =	swait.ge [sflag:s0], $0x200  }
0x6f: {  	[sflag:s0] =	ssyncset.done $0x0  }
0x70: {  	[sflag:s0] =	ssyncadd.s32 $0xFFFFFE00  }
0x71: {  	[tilespmem:s1], [sflag:$0x1] =	stream.indirect.gather [hbm4b:s9+s8], $0x40, s19, s8, $0xb8;
	[tilespmem:$0x1F800] =	vst v63  }
0x72: {  	s20 =	simm.s32 $0x0  }
0x73: {  	[tilespmem:s11], [sflag:$0x1] =	stream.indirect.gather [hbm4b:s10+s8], $0x40, s7, s8, $0xb8;
	[tilespmem:$0x1F800] =	vst v63  }
.LBB2_4:
0x74: {  	p0 =	seq.s32 s19, $0x0  }
0x75: {  	s25 =	simm.s32 @!p0 $0x4  }
0x76: {  	_ =	swait.ge @!p0 [sflag:s25], $0x4000  }
0x77: {  	[sflag:s25] =	ssyncset.done @!p0 $0x0  }
0x78: {  	[sflag:s25] =	ssyncadd.s32 @!p0 $0xFFFFC000  }
0x79: {  	s24 =	sand.u32 $0x1, s20;
	p1 =	seq.s32 @!p0 s19, $0x9C0;
	_ =	swait.ge @!p0 [sflag:s25], $0x4000  }
0x7a: {  	s21 =	sxor.u32 $0x1, s24;
	p1 =	por p0, !p1;
	[sflag:s25] =	ssyncset.done @!p0 $0x0  }
0x7b: {  	s26 =	sadd.s32 @p1 s19, s23;
	[sflag:s25] =	ssyncadd.s32 @!p0 $0xFFFFC000;
	s25 =	sshll.u32 @p1 s21, $0x9  }
0x7c: {  	[tilespmem:s25], [sflag:$0x5] =	stream.linear.gather @p1 [hbm4b:s26+s4], $0x200, $0x38;
	[tilespmem:$0x1F800] =	vst v63  }
0x7d: {  	s24 =	sshll.u32 s24, $0x9;
	s25 =	sor.u32 @p1 $0x400, s25;
	s26 =	sadd.s32 @p1 s19, s22  }
0x7e: {  	[tilespmem:s25], [sflag:$0x5] =	stream.linear.gather @p1 [hbm4b:s26+s4], $0x200, $0x38;
	[tilespmem:$0x1F800] =	vst v63  }
0x7f: {  	s25 =	sor.u32 $0x100, s24  }
0x80: {  	[tilespmem:s12], [sflag:$0x2] =	stream.indirect.gather [hbm4b:s9+s8], $0x40, s25, s8, $0xb8;
	[tilespmem:$0x1F800] =	vst v63  }
0x81: {  	s26 =	sor.u32 $0x500, s24  }
0x82: {  	[tilespmem:s13], [sflag:$0x2] =	stream.indirect.gather [hbm4b:s10+s8], $0x40, s26, s8, $0xb8;
	[tilespmem:$0x1F800] =	vst v63  }
0x83: {  	_ =	swait.ge [sflag:s14], $0x4000  }
0x84: {  	[sflag:s14] =	ssyncset.done $0x0  }
0x85: {  	[sflag:s14] =	ssyncadd.s32 $0xFFFFC000  }
0x86: {  	_ =	swait.ge [sflag:s14], $0x4000  }
0x87: {  	[sflag:s14] =	ssyncset.done $0x0  }
0x88: {  	s28 =	sor.u32 $0x400, s24;
	[sflag:s14] =	ssyncadd.s32 $0xFFFFC000  }
0x89: {  	[spmem:s2] =	stream.indirect.scatter.add.f32 [tilespmem:s1], [sflag:$0x3], $0x40, s28, s8, $0xb8;
	[tilespmem:$0x1F800] =	vst v63  }
0x8a: {  	_ = 	snop  }
0x8b: {  	[spmem:s3] =	stream.indirect.scatter.add.f32 [tilespmem:s11], [sflag:$0x3], $0x40, s24, s8, $0xb8;
	[tilespmem:$0x1F800] =	vst v63  }
0x8c: {  	_ =	swait.ge [sflag:s15], $0x4000  }
0x8d: {  	[sflag:s15] =	ssyncset.done $0x0  }
0x8e: {  	[sflag:s15] =	ssyncadd.s32 $0xFFFFC000  }
0x8f: {  	p0 =	por @!p0 $0x1, $0x1;
	_ =	swait.ge [sflag:s15], $0x4000  }
0x90: {  	p0 =	por @p1 $0x0, $0x0;
	[sflag:s15] =	ssyncset.done $0x0  }
0x91: {  	s24 =	simm.s32 @!p0 $0x5;
	[sflag:s15] =	ssyncadd.s32 $0xFFFFC000  }
0x92: {  	_ =	swait.ge @!p0 [sflag:s24], $0x200  }
0x93: {  	[sflag:s24] =	ssyncset.done @!p0 $0x0  }
0x94: {  	[sflag:s24] =	ssyncadd.s32 @!p0 $0xFFFFFE00  }
0x95: {  	_ =	swait.ge @!p0 [sflag:s24], $0x200  }
0x96: {  	s21 =	sshll.u32 @!p0 s21, $0x9;
	[sflag:s24] =	ssyncset.done @!p0 $0x0  }
0x97: {  	s28 =	simm.s32 @!p0 $0x800;
	[sflag:s24] =	ssyncadd.s32 @!p0 $0xFFFFFE00;
	s24 =	simm.s32 @!p0 $0x100  }
0x98: {  	[tilespmem:s28], [sflag:$0x1] =	stream.indirect.gather @!p0 [hbm4b:s9+s24], $0x40, s21, s24, $0xb8;
	[tilespmem:$0x1F800] =	vst v63  }
0x99: {  	s21 =	sor.u32 @!p0 $0x400, s21;
	s28 =	simm.s32 @!p0 $0x8800  }
0x9a: {  	[tilespmem:s28], [sflag:$0x1] =	stream.indirect.gather @!p0 [hbm4b:s10+s24], $0x40, s21, s24, $0xb8;
	[tilespmem:$0x1F800] =	vst v63  }
0x9b: {  	_ =	swait.ge [sflag:s16], $0x4000  }
0x9c: {  	[sflag:s16] =	ssyncset.done $0x0  }
0x9d: {  	s19 =	sadd.s32 $0x40, s19;
	[sflag:s16] =	ssyncadd.s32 $0xFFFFC000  }
0x9e: {  	p0 =	sne.s32 s19, $0xA00;
	_ =	swait.ge [sflag:s16], $0x4000  }
.Ltmp1:
0x9f: {  	[sflag:s16] =	ssyncset.done $0x0;
	(pc) =	sbr.rel @p0 .LBB2_4-.Ltmp1, $4  }
0xa0: {  	[sflag:s16] =	ssyncadd.s32 $0xFFFFC000  }
0xa1: {  	[spmem:s2] =	stream.indirect.scatter.add.f32 [tilespmem:s12], [sflag:$0x4], $0x40, s26, s8, $0xb8;
	[tilespmem:$0x1F800] =	vst v63  }
0xa2: {  	s20 =	sadd.s32 $0x1, s20  }
0xa3: {  	[spmem:s3] =	stream.indirect.scatter.add.f32 [tilespmem:s13], [sflag:$0x4], $0x40, s25, s8, $0xb8;
	[tilespmem:$0x1F800] =	vst v63  }
0xa4: {  	_ =	swait.ge [sflag:s17], $0x4000  }
0xa5: {  	[sflag:s17] =	ssyncset.done $0x0  }
0xa6: {  	[sflag:s17] =	ssyncadd.s32 $0xFFFFC000  }
0xa7: {  	_ =	swait.ge [sflag:s17], $0x4000  }
0xa8: {  	[sflag:s17] =	ssyncset.done $0x0  }
0xa9: {  	[sflag:s17] =	ssyncadd.s32 $0xFFFFC000  }
0xaa: {  	s19 =	stileid.u32;
	[bflag:$0x0] =	sbarrier.arrive $0xFFFF  }
0xab: {  	s19 =	sshll.u32 s19, $0x6;
	s20 =	rddreg [dreg:$0x6]  }
0xac: {  	s19 =	sor.u32 $0x1C06, s19;
	s21 =	rddreg [dreg:$0x11]  }
0xad: {  	[hbm:s20], [sflag:s19] =	dma.local [spmem:s21], $0xA00  }
0xae: {  	_ =	swait.ge [sflag:s0], $0xA00  }
0xaf: {  	[sflag:s0] =	ssyncset.done $0x0;
	s25 =	rddreg [dreg:$0x7]  }
0xb0: {  	s26 =	rddreg [dreg:$0x12];
	[sflag:s0] =	ssyncadd.s32 $0xFFFFF600  }
0xb1: {  	[hbm:s25], [sflag:s19] =	dma.local [spmem:s26], $0x1400  }
0xb2: {  	_ =	swait.ge [sflag:s0], $0x1400  }
0xb3: {  	s18 =	sadd.s32 $0x1, s18;
	s28 =	rddreg [dreg:$0x8]  }
0xb4: {  	p0 =	sne.s32 s18, s28  }
.Ltmp2:
0xb5: {  	_ = 	snop;
	(pc) =	sbr.rel @p0 .LBB2_1-.Ltmp2, $3  }
0xb6: {  	_ =	sdelay $0x1  }
0xb7: {  	[sflag:s0] =	ssyncset.done $0x0  }
0xb8: {  	[sflag:s0] =	ssyncadd.s32 $0xFFFFEC00  }
0xb9: {  	_ =	sfence.sel $0x180000  }
0xba: {  	[bflag:$0x0] =	sbarrier.arrive $0xFFFF  }
0xbb: {  	_ =	strace $0x90000050  }
0xbc: {  	s0 =	stileid.u32;
	[bflag:$0x2] =	sbarrier.arrive $0xFFFF  }
0xbd: {  	p0 =	sne.s32 s0, $0x0;
	s0 =	rddreg [dreg:$0x3]  }
0xbe: {  	s0 =	sadd.s32 @!p0 $0x100000, s0  }
0xbf: {  	[sflag:s0] =	ssyncadd.tile.s32 @!p0 $0x1;
	_ =	shalt  }
.Lfunc_end2:
_tile_overlayer_lowered:
.L_overlay_start_2:
0xc0: {  	(tag) =	ssettag $0x2  }
0xc1: {  	s0 =	rddreg [dreg:$0x0];
	s2 =	stileid.u32  }
0xc2: {  	s1 =	rddreg [dreg:$0x1];
	p0 =	sne.s32 s2, $0x0  }
0xc3: {  	s3 =	rddreg [dreg:$0x2];
	[bflag:$0x3] =	sbarrier.arrive $0xFFFF;
	s2 =	simm.s32 @!p0 $0x1C06  }
0xc4: {  	[timem:s3], [sflag:s2] =	dma.local @!p0 [hbm:s0], s1  }
0xc5: {  	s0 =	simm.s32 @!p0 $0x6  }
0xc6: {  	_ =	swait.ge @!p0 [sflag:s0], s1  }
0xc7: {  	s1 =	ssub.s32 @!p0 $0x0, s1;
	[sflag:s0] =	ssyncset.done @!p0 $0x0  }
0xc8: {  	[sflag:s0] =	ssyncadd.s32 @!p0 s1  }
0xc9: {  	[bflag:$0x3] =	sbarrier.arrive $0xFFFF  }
0xca: {  	_ =	shalt  }

</sc_bundles>
